<compile_context>
chip_gen: v7x
topology: tpu7x:2x2x1
jax: 0.10.2.dev20260603
libtpu: 0.0.44.dev20260713+nightly
codegen_flags: <defaults>
</compile_context>

<pallas_src>
import dataclasses
import functools

import jax
import jax.numpy as jnp
from jax import lax
from jax.experimental import pallas as pl
from jax.experimental.pallas import tpu as pltpu
from jax.experimental.pallas import tpu_sc as plsc

N = 10000
CIN = 128
COUT = 128
KDIM = 27

_NPAD = 10240
_B = KDIM * _NPAD
_NW = 32
_PER_W = _B // _NW
_WIN = 128
_NFULL = 67
_TAIL = _PER_W - _NFULL * _WIN
_RING = 4

_MBLK = 2048


def _sc_gather_pack(data, idx):
    mesh = plsc.VectorSubcoreMesh(core_axis_name="c", subcore_axis_name="s")
    cp = pltpu.CompilerParams()
    if "needs_layout_passes" in pltpu.CompilerParams.__dataclass_fields__:
        cp = dataclasses.replace(cp, needs_layout_passes=False)

    @functools.partial(
        pl.kernel,
        out_type=jax.ShapeDtypeStruct((_B // 2, CIN), jnp.int32),
        mesh=mesh,
        compiler_params=cp,
        scratch_types=[
            pltpu.VMEM((_PER_W,), jnp.int32),
            pltpu.VMEM((_RING, _WIN, CIN), jnp.float32),
            pltpu.VMEM((2, _WIN, CIN), jnp.int32),
            pltpu.SemaphoreType.DMA((_RING,)),
            pltpu.SemaphoreType.DMA((2,)),
            pltpu.SemaphoreType.DMA,
        ],
    )
    def gather_kernel(data_hbm, idx_hbm, out_hbm, idx_v, rows_v, pk_v,
                      gsem, wsem, isem):
        wid = lax.axis_index("c") * 16 + lax.axis_index("s")
        base = wid * _PER_W
        pbase = wid * (_PER_W // 2)
        pltpu.async_copy(idx_hbm.at[pl.ds(base, _PER_W)], idx_v, isem).wait()

        def g_start(w, b, n):
            pltpu.make_async_copy(
                data_hbm.at[idx_v.at[pl.ds(w * _WIN, n)]],
                rows_v.at[b, pl.ds(0, n)], gsem.at[b]).start()

        def g_wait(b, n):
            pltpu.make_async_copy(
                data_hbm.at[idx_v.at[pl.ds(0, n)]],
                rows_v.at[b, pl.ds(0, n)], gsem.at[b]).wait()

        def w_start(w, p, n):
            pltpu.make_async_copy(
                pk_v.at[p, pl.ds(0, n)],
                out_hbm.at[pl.ds(pbase + w * (_WIN // 2), n)],
                wsem.at[p]).start()

        def w_wait(p, n):
            pltpu.make_async_copy(
                pk_v.at[p, pl.ds(0, n)],
                out_hbm.at[pl.ds(pbase, n)],
                wsem.at[p]).wait()

        def pack(b, p, half, npairs):
            @pl.loop(0, npairs)
            def _(r2):
                for j in range(0, CIN, 16):
                    pair = plsc.pack(rows_v[b, 2 * r2, pl.ds(j, 16)],
                                     rows_v[b, 2 * r2 + 1, pl.ds(j, 16)],
                                     format=plsc.PackFormat.INTERLEAVED)
                    pk_v[p, half * (_WIN // 2) + r2, pl.ds(j, 16)] = (
                        plsc.bitcast(pair, jnp.int32))

        for b in range(_RING):
            g_start(b, b, _WIN)

        for b in range(_RING):
            g_wait(b, _WIN)
            pack(b, b // 2, b % 2, _WIN // 2)
            if b % 2 == 1:
                w_start(b - 1, b // 2, _WIN)
            g_start(_RING + b, b, _WIN)

        @pl.loop(_RING, _NFULL - 2 * _RING + 1, step=_RING)
        def _(w):
            for b in range(_RING):
                g_wait(b, _WIN)
                if b % 2 == 0:
                    w_wait(b // 2, _WIN)
                pack(b, b // 2, b % 2, _WIN // 2)
                if b % 2 == 1:
                    w_start(w + b - 1, b // 2, _WIN)
                g_start(w + _RING + b, b, _WIN)

        for b, w in enumerate(range(60, 64)):
            g_wait(b, _WIN)
            if b % 2 == 0:
                w_wait(b // 2, _WIN)
            pack(b, b // 2, b % 2, _WIN // 2)
            if b % 2 == 1:
                w_start(w - 1, b // 2, _WIN)
            g_start(w + _RING, b, _WIN if w + _RING < _NFULL else _TAIL)

        for b, w in enumerate(range(64, 68)):
            n = _WIN if w < _NFULL else _TAIL
            g_wait(b, n)
            if b % 2 == 0:
                w_wait(b // 2, _WIN)
            pack(b, b // 2, b % 2, n // 2)
            if b % 2 == 1:
                w_start(w - 1, b // 2, (_WIN + n) // 2)

        w_wait(0, _WIN)
        w_wait(1, (_WIN + _TAIL) // 2)

    return gather_kernel(data, idx)


def _gemm_body(buf_ref, w_ref, out_ref):
    acc = jnp.zeros_like(out_ref)
    for k in range(KDIM):
        a = pltpu.bitcast(buf_ref[k], jnp.bfloat16)
        w = w_ref[k].astype(jnp.bfloat16)
        acc += jnp.dot(a, w, preferred_element_type=jnp.float32)
    out_ref[...] = acc


def _tc_gemm(packed, weights):
    n_m = _NPAD // _MBLK
    buffer3 = packed.reshape(KDIM, _NPAD // 2, CIN)
    return pl.pallas_call(
        _gemm_body,
        grid=(n_m,),
        in_specs=[
            pl.BlockSpec((KDIM, _MBLK // 2, CIN), lambda m: (0, m, 0)),
            pl.BlockSpec((KDIM, CIN, COUT), lambda m: (0, 0, 0)),
        ],
        out_specs=pl.BlockSpec((_MBLK, COUT), lambda m: (m, 0)),
        out_shape=jax.ShapeDtypeStruct((_NPAD, COUT), jnp.float32),
    )(buffer3, weights)


def kernel(data, weights, neigh):
    idx = jnp.pad(neigh.T, ((0, 0), (0, _NPAD - N)))
    idx = idx.reshape(_B)
    packed = _sc_gather_pack(data, idx)
    return _tc_gemm(packed, weights)[:N]

# --- scband reference (transcript-rebuilt; emitter-appended) ---
"""Pipeline reference for scband-octree-conv-90117003804709 (READ-ONLY COPY).

The authoritative reference and input builder live on the scoring server;
editing this copy changes nothing except your own understanding.
"""

import jax, jax.numpy as jnp
import numpy as np

N = 10000
CIN = 128
COUT = 128
KDIM = 27  # 3*3*3 kernel


def setup_inputs(seed: int = 0) -> dict:
    key = jax.random.key(seed)
    k1, k2, k3 = jax.random.split(key, 3)
    data = jax.random.normal(k1, (N, CIN), dtype=jnp.float32)
    # Octree neighbor table: for each output node, indices of its 27 kernel
    # neighbors at the same depth; -1 would mark empty neighbors (here all valid
    # indices in [0, N), and the reference still handles the -1 masking path).
    neigh = jax.random.randint(k2, (N, KDIM), 0, N, dtype=jnp.int32)
    # Learned convolution weights, shape (kdim, in_conv, out_conv) per OctreeConvBase.
    weights = jax.random.normal(k3, (KDIM, CIN, COUT), dtype=jnp.float32) * 0.02
    return {"data": data, "weights": weights, "neigh": neigh}


def reference(data, weights, neigh):
    # Faithful translation of OctreeConvBase.forward_gemm (single buffer chunk):
    #   buffer[valid] = data[neigh[valid]]; buffer[~valid] = 0
    #   out = buffer.flatten(1,2) @ weights.flatten(0,1)
    valid = neigh >= 0
    safe_idx = jnp.where(valid, neigh, 0)
    buffer = jnp.take(data, safe_idx, axis=0)           # [N, KDIM, CIN] gather
    buffer = jnp.where(valid[..., None], buffer, 0.0)    # zero out invalid neighbors
    out = buffer.reshape(buffer.shape[0], KDIM * CIN) @ weights.reshape(KDIM * CIN, COUT)
    return out

if __name__ == "__main__":
    import jax
    _d = setup_inputs()
    print(jax.jit(kernel)(*tuple(_d.values())))

</pallas_src>

<mosaic_0001>
#map = affine_map<(d0, d1) -> (0, 0)>
#map1 = affine_map<(d0, d1) -> (0)>
module attributes {stable_mosaic.version = 14 : i64} {
  func.func @gather_kernel(%arg0: i32, %arg1: i32, %arg2: memref<10000x128xf32, #tpu.memory_space<hbm>>, %arg3: memref<276480xi32, #tpu.memory_space<hbm>>, %arg4: memref<138240x128xi32, #tpu.memory_space<hbm>>, %arg5: memref<8640xi32, #tpu.memory_space<vmem>>, %arg6: memref<4x128x128xf32, #tpu.memory_space<vmem>>, %arg7: memref<2x128x128xi32, #tpu.memory_space<vmem>>, %arg8: memref<4x!tpu.dma_semaphore, #tpu.memory_space<semaphore_mem>>, %arg9: memref<2x!tpu.dma_semaphore, #tpu.memory_space<semaphore_mem>>, %arg10: memref<!tpu.dma_semaphore, #tpu.memory_space<semaphore_mem>>) attributes {dimension_semantics = [#tpu.dimension_semantics<core_parallel>, #tpu.dimension_semantics<subcore_parallel>], iteration_bounds = array<i64: 2, 16>, scalar_prefetch = 0 : i64, scratch_operands = 6 : i64, tpu.core_type = #tpu.core_type<sc_vector_subcore>, window_params = [{transform_indices = #map}, {transform_indices = #map1}, {transform_indices = #map}]} {
    %mul3A = arith.constant 16 : i32
    %mul3A_0 = arith.muli %arg0, %mul3A : i32
    %add3A = arith.addi %mul3A_0, %arg1 : i32
    %mul3A_1 = arith.constant 8640 : i32
    %mul3A_2 = arith.muli %add3A, %mul3A_1 : i32
    %mul3A_3 = arith.constant 4320 : i32
    %mul3A_4 = arith.muli %add3A, %mul3A_3 : i32
    %dma_start3A = tpu.memref_slice %arg3[%mul3A_2] : memref<276480xi32, #tpu.memory_space<hbm>> -> memref<8640xi32, #tpu.memory_space<hbm>>
    %dma_start3A_5 = tpu.memref_slice %arg3[%mul3A_2] : memref<276480xi32, #tpu.memory_space<hbm>> -> memref<8640xi32, #tpu.memory_space<hbm>>
    tpu.enqueue_dma source(%dma_start3A_5 : memref<8640xi32, #tpu.memory_space<hbm>>) target(%arg5 : memref<8640xi32, #tpu.memory_space<vmem>>) target_semaphore(%arg10 : memref<!tpu.dma_semaphore, #tpu.memory_space<semaphore_mem>>)
    %dma_wait3A = tpu.memref_slice %arg3[%mul3A_2] : memref<276480xi32, #tpu.memory_space<hbm>> -> memref<8640xi32, #tpu.memory_space<hbm>>
    %dma_wait3A_6 = tpu.memref_slice %arg3[%mul3A_2] : memref<276480xi32, #tpu.memory_space<hbm>> -> memref<8640xi32, #tpu.memory_space<hbm>>
    tpu.wait_dma2 semaphore(%arg10 : memref<!tpu.dma_semaphore, #tpu.memory_space<semaphore_mem>>) src(%dma_wait3A_6 : memref<8640xi32, #tpu.memory_space<hbm>>) dst(%arg5 : memref<8640xi32, #tpu.memory_space<vmem>>)
    %dma_start3A_7 = arith.constant 0 : i32
    %dma_start3A_8 = arith.constant 0 : i32
    %dma_start3A_9 = arith.constant 0 : i32
    %dma_start3A_10 = arith.constant 0 : i32
    %dma_start3A_11 = tpu.memref_slice %arg6[%dma_start3A_7, %dma_start3A_9, %dma_start3A_10] : memref<4x128x128xf32, #tpu.memory_space<vmem>> -> memref<1x128x128xf32, #tpu.memory_space<vmem>>
    %dma_start3A_12 = tpu.memref_squeeze %dma_start3A_11 : memref<1x128x128xf32, #tpu.memory_space<vmem>> -> memref<128x128xf32, #tpu.memory_space<vmem>>
    %dma_start3A_13 = arith.constant 0 : i32
    %dma_start3A_14 = tpu.memref_slice %arg5[%dma_start3A_13] : memref<8640xi32, #tpu.memory_space<vmem>> -> memref<128xi32, #tpu.memory_space<vmem>>
    %dma_start3A_15 = arith.constant 0 : i32
    %dma_start3A_16 = arith.constant 0 : i32
    %dma_start3A_17 = tpu.memref_slice %arg2[%dma_start3A_15, %dma_start3A_16] : memref<10000x128xf32, #tpu.memory_space<hbm>> -> memref<10000x128xf32, #tpu.memory_space<hbm>>
    %dma_start3A_18 = tpu.memref_slice %arg8[%dma_start3A_8] : memref<4x!tpu.dma_semaphore, #tpu.memory_space<semaphore_mem>> -> memref<1x!tpu.dma_semaphore, #tpu.memory_space<semaphore_mem>>
    %dma_start3A_19 = tpu.memref_squeeze %dma_start3A_18 : memref<1x!tpu.dma_semaphore, #tpu.memory_space<semaphore_mem>> -> memref<!tpu.dma_semaphore, #tpu.memory_space<semaphore_mem>>
    tpu.enqueue_indirect_dma source(%dma_start3A_17 : memref<10000x128xf32, #tpu.memory_space<hbm>>) target(%dma_start3A_12 : memref<128x128xf32, #tpu.memory_space<vmem>>) offsets(%dma_start3A_14 : memref<128xi32, #tpu.memory_space<vmem>>) semaphore(%dma_start3A_19 : memref<!tpu.dma_semaphore, #tpu.memory_space<semaphore_mem>>)
    %dma_start3A_20 = arith.constant 1 : i32
    %dma_start3A_21 = arith.constant 1 : i32
    %dma_start3A_22 = arith.constant 0 : i32
    %dma_start3A_23 = arith.constant 0 : i32
    %dma_start3A_24 = tpu.memref_slice %arg6[%dma_start3A_20, %dma_start3A_22, %dma_start3A_23] : memref<4x128x128xf32, #tpu.memory_space<vmem>> -> memref<1x128x128xf32, #tpu.memory_space<vmem>>
    %dma_start3A_25 = tpu.memref_squeeze %dma_start3A_24 : memref<1x128x128xf32, #tpu.memory_space<vmem>> -> memref<128x128xf32, #tpu.memory_space<vmem>>
    %dma_start3A_26 = arith.constant 128 : i32
    %dma_start3A_27 = tpu.memref_slice %arg5[%dma_start3A_26] : memref<8640xi32, #tpu.memory_space<vmem>> -> memref<128xi32, #tpu.memory_space<vmem>>
    %dma_start3A_28 = arith.constant 0 : i32
    %dma_start3A_29 = arith.constant 0 : i32
    %dma_start3A_30 = tpu.memref_slice %arg2[%dma_start3A_28, %dma_start3A_29] : memref<10000x128xf32, #tpu.memory_space<hbm>> -> memref<10000x128xf32, #tpu.memory_space<hbm>>
    %dma_start3A_31 = tpu.memref_slice %arg8[%dma_start3A_21] : memref<4x!tpu.dma_semaphore, #tpu.memory_space<semaphore_mem>> -> memref<1x!tpu.dma_semaphore, #tpu.memory_space<semaphore_mem>>
    %dma_start3A_32 = tpu.memref_squeeze %dma_start3A_31 : memref<1x!tpu.dma_semaphore, #tpu.memory_space<semaphore_mem>> -> memref<!tpu.dma_semaphore, #tpu.memory_space<semaphore_mem>>
    tpu.enqueue_indirect_dma source(%dma_start3A_30 : memref<10000x128xf32, #tpu.memory_space<hbm>>) target(%dma_start3A_25 : memref<128x128xf32, #tpu.memory_space<vmem>>) offsets(%dma_start3A_27 : memref<128xi32, #tpu.memory_space<vmem>>) semaphore(%dma_start3A_32 : memref<!tpu.dma_semaphore, #tpu.memory_space<semaphore_mem>>)
    %dma_start3A_33 = arith.constant 2 : i32
    %dma_start3A_34 = arith.constant 2 : i32
    %dma_start3A_35 = arith.constant 0 : i32
    %dma_start3A_36 = arith.constant 0 : i32
    %dma_start3A_37 = tpu.memref_slice %arg6[%dma_start3A_33, %dma_start3A_35, %dma_start3A_36] : memref<4x128x128xf32, #tpu.memory_space<vmem>> -> memref<1x128x128xf32, #tpu.memory_space<vmem>>
    %dma_start3A_38 = tpu.memref_squeeze %dma_start3A_37 : memref<1x128x128xf32, #tpu.memory_space<vmem>> -> memref<128x128xf32, #tpu.memory_space<vmem>>
    %dma_start3A_39 = arith.constant 256 : i32
    %dma_start3A_40 = tpu.memref_slice %arg5[%dma_start3A_39] : memref<8640xi32, #tpu.memory_space<vmem>> -> memref<128xi32, #tpu.memory_space<vmem>>
    %dma_start3A_41 = arith.constant 0 : i32
    %dma_start3A_42 = arith.constant 0 : i32
    %dma_start3A_43 = tpu.memref_slice %arg2[%dma_start3A_41, %dma_start3A_42] : memref<10000x128xf32, #tpu.memory_space<hbm>> -> memref<10000x128xf32, #tpu.memory_space<hbm>>
    %dma_start3A_44 = tpu.memref_slice %arg8[%dma_start3A_34] : memref<4x!tpu.dma_semaphore, #tpu.memory_space<semaphore_mem>> -> memref<1x!tpu.dma_semaphore, #tpu.memory_space<semaphore_mem>>
    %dma_start3A_45 = tpu.memref_squeeze %dma_start3A_44 : memref<1x!tpu.dma_semaphore, #tpu.memory_space<semaphore_mem>> -> memref<!tpu.dma_semaphore, #tpu.memory_space<semaphore_mem>>
    tpu.enqueue_indirect_dma source(%dma_start3A_43 : memref<10000x128xf32, #tpu.memory_space<hbm>>) target(%dma_start3A_38 : memref<128x128xf32, #tpu.memory_space<vmem>>) offsets(%dma_start3A_40 : memref<128xi32, #tpu.memory_space<vmem>>) semaphore(%dma_start3A_45 : memref<!tpu.dma_semaphore, #tpu.memory_space<semaphore_mem>>)
    %dma_start3A_46 = arith.constant 3 : i32
    %dma_start3A_47 = arith.constant 3 : i32
    %dma_start3A_48 = arith.constant 0 : i32
    %dma_start3A_49 = arith.constant 0 : i32
    %dma_start3A_50 = tpu.memref_slice %arg6[%dma_start3A_46, %dma_start3A_48, %dma_start3A_49] : memref<4x128x128xf32, #tpu.memory_space<vmem>> -> memref<1x128x128xf32, #tpu.memory_space<vmem>>
    %dma_start3A_51 = tpu.memref_squeeze %dma_start3A_50 : memref<1x128x128xf32, #tpu.memory_space<vmem>> -> memref<128x128xf32, #tpu.memory_space<vmem>>
    %dma_start3A_52 = arith.constant 384 : i32
    %dma_start3A_53 = tpu.memref_slice %arg5[%dma_start3A_52] : memref<8640xi32, #tpu.memory_space<vmem>> -> memref<128xi32, #tpu.memory_space<vmem>>
    %dma_start3A_54 = arith.constant 0 : i32
    %dma_start3A_55 = arith.constant 0 : i32
    %dma_start3A_56 = tpu.memref_slice %arg2[%dma_start3A_54, %dma_start3A_55] : memref<10000x128xf32, #tpu.memory_space<hbm>> -> memref<10000x128xf32, #tpu.memory_space<hbm>>
    %dma_start3A_57 = tpu.memref_slice %arg8[%dma_start3A_47] : memref<4x!tpu.dma_semaphore, #tpu.memory_space<semaphore_mem>> -> memref<1x!tpu.dma_semaphore, #tpu.memory_space<semaphore_mem>>
    %dma_start3A_58 = tpu.memref_squeeze %dma_start3A_57 : memref<1x!tpu.dma_semaphore, #tpu.memory_space<semaphore_mem>> -> memref<!tpu.dma_semaphore, #tpu.memory_space<semaphore_mem>>
    tpu.enqueue_indirect_dma source(%dma_start3A_56 : memref<10000x128xf32, #tpu.memory_space<hbm>>) target(%dma_start3A_51 : memref<128x128xf32, #tpu.memory_space<vmem>>) offsets(%dma_start3A_53 : memref<128xi32, #tpu.memory_space<vmem>>) semaphore(%dma_start3A_58 : memref<!tpu.dma_semaphore, #tpu.memory_space<semaphore_mem>>)
    %dma_wait3A_59 = arith.constant 0 : i32
    %dma_wait3A_60 = arith.constant 0 : i32
    %dma_wait3A_61 = arith.constant 0 : i32
    %dma_wait3A_62 = arith.constant 0 : i32
    %dma_wait3A_63 = tpu.memref_slice %arg6[%dma_wait3A_59, %dma_wait3A_61, %dma_wait3A_62] : memref<4x128x128xf32, #tpu.memory_space<vmem>> -> memref<1x128x128xf32, #tpu.memory_space<vmem>>
    %dma_wait3A_64 = tpu.memref_squeeze %dma_wait3A_63 : memref<1x128x128xf32, #tpu.memory_space<vmem>> -> memref<128x128xf32, #tpu.memory_space<vmem>>
    %dma_wait3A_65 = arith.constant 0 : i32
    %dma_wait3A_66 = tpu.memref_slice %arg5[%dma_wait3A_65] : memref<8640xi32, #tpu.memory_space<vmem>> -> memref<128xi32, #tpu.memory_space<vmem>>
    %dma_wait3A_67 = arith.constant 0 : i32
    %dma_wait3A_68 = arith.constant 0 : i32
    %dma_wait3A_69 = tpu.memref_slice %arg2[%dma_wait3A_67, %dma_wait3A_68] : memref<10000x128xf32, #tpu.memory_space<hbm>> -> memref<10000x128xf32, #tpu.memory_space<hbm>>
    %dma_wait3A_70 = tpu.memref_slice %arg8[%dma_wait3A_60] : memref<4x!tpu.dma_semaphore, #tpu.memory_space<semaphore_mem>> -> memref<1x!tpu.dma_semaphore, #tpu.memory_space<semaphore_mem>>
    %dma_wait3A_71 = tpu.memref_squeeze %dma_wait3A_70 : memref<1x!tpu.dma_semaphore, #tpu.memory_space<semaphore_mem>> -> memref<!tpu.dma_semaphore, #tpu.memory_space<semaphore_mem>>
    tpu.wait_indirect_dma semaphore(%dma_wait3A_71 : memref<!tpu.dma_semaphore, #tpu.memory_space<semaphore_mem>>) src(%dma_wait3A_69 : memref<10000x128xf32, #tpu.memory_space<hbm>>) dst(%dma_wait3A_64 : memref<128x128xf32, #tpu.memory_space<vmem>>)
    %scan3A = arith.constant 0 : i32
    %scan3A_72 = arith.constant 64 : i32
    %scan3A_73 = arith.addi %scan3A, %scan3A_72 : i32
    %scan3A_74 = arith.constant 1 : i32
    scf.for %scan3A_587 = %scan3A to %scan3A_73 step %scan3A_74  : i32 {
      %mul3A_588 = arith.constant 1 : i32
      %mul3A_589 = arith.muli %scan3A_587, %mul3A_588 : i32
      %add3A_590 = arith.constant 0 : i32
      %add3A_591 = arith.addi %add3A_590, %mul3A_589 : i32
      %mul3A_592 = arith.constant 2 : i32
      %mul3A_593 = arith.muli %mul3A_592, %add3A_591 : i32
      %get3A = arith.constant 0 : i32
      %get3A_594 = arith.index_cast %get3A : i32 to index
      %get3A_595 = arith.index_cast %mul3A_593 : i32 to index
      %get3A_596 = arith.constant 0 : index
      %get3A_597 = tpu.vector_load %arg6[%get3A_594, %get3A_595, %get3A_596] {strides = array<i32>} : memref<4x128x128xf32, #tpu.memory_space<vmem>>, vector<16xf32>,
      %mul3A_598 = arith.constant 2 : i32
      %mul3A_599 = arith.muli %mul3A_598, %add3A_591 : i32
      %add3A_600 = arith.constant 1 : i32
      %add3A_601 = arith.addi %mul3A_599, %add3A_600 : i32
      %get3A_602 = arith.constant 0 : i32
      %get3A_603 = arith.index_cast %get3A_602 : i32 to index
      %get3A_604 = arith.index_cast %add3A_601 : i32 to index
      %get3A_605 = arith.constant 0 : index
      %get3A_606 = tpu.vector_load %arg6[%get3A_603, %get3A_604, %get3A_605] {strides = array<i32>} : memref<4x128x128xf32, #tpu.memory_space<vmem>>, vector<16xf32>,
      %pack3A = tpu.pack_subelements %get3A_597, %get3A_606 {pack_format = #tpu.pack_format<interleaved>, positions = array<i32: 0, 1>} : vector<16xf32>, vector<16xf32> -> vector<32xbf16>
      %bitcast3A = vector.bitcast %pack3A : vector<32xbf16> to vector<16xi32>
      %add3A_607 = arith.constant 0 : i32
      %add3A_608 = arith.addi %add3A_607, %add3A_591 : i32
      %swap3A = arith.constant 0 : i32
      %swap3A_609 = arith.index_cast %swap3A : i32 to index
      %swap3A_610 = arith.index_cast %add3A_608 : i32 to index
      %swap3A_611 = arith.constant 0 : index
      %swap3A_612 = tpu.vector_load %arg7[%swap3A_609, %swap3A_610, %swap3A_611] {strides = array<i32>} : memref<2x128x128xi32, #tpu.memory_space<vmem>>, vector<16xi32>,
      tpu.vector_store %arg7[%swap3A_609, %swap3A_610, %swap3A_611], %bitcast3A {strides = array<i32>} : memref<2x128x128xi32, #tpu.memory_space<vmem>>, vector<16xi32>,
      %mul3A_613 = arith.constant 2 : i32
      %mul3A_614 = arith.muli %mul3A_613, %add3A_591 : i32
      %get3A_615 = arith.constant 0 : i32
      %get3A_616 = arith.index_cast %get3A_615 : i32 to index
      %get3A_617 = arith.index_cast %mul3A_614 : i32 to index
      %get3A_618 = arith.constant 16 : index
      %get3A_619 = tpu.vector_load %arg6[%get3A_616, %get3A_617, %get3A_618] {strides = array<i32>} : memref<4x128x128xf32, #tpu.memory_space<vmem>>, vector<16xf32>,
      %mul3A_620 = arith.constant 2 : i32
      %mul3A_621 = arith.muli %mul3A_620, %add3A_591 : i32
      %add3A_622 = arith.constant 1 : i32
      %add3A_623 = arith.addi %mul3A_621, %add3A_622 : i32
      %get3A_624 = arith.constant 0 : i32
      %get3A_625 = arith.index_cast %get3A_624 : i32 to index
      %get3A_626 = arith.index_cast %add3A_623 : i32 to index
      %get3A_627 = arith.constant 16 : index
      %get3A_628 = tpu.vector_load %arg6[%get3A_625, %get3A_626, %get3A_627] {strides = array<i32>} : memref<4x128x128xf32, #tpu.memory_space<vmem>>, vector<16xf32>,
      %pack3A_629 = tpu.pack_subelements %get3A_619, %get3A_628 {pack_format = #tpu.pack_format<interleaved>, positions = array<i32: 0, 1>} : vector<16xf32>, vector<16xf32> -> vector<32xbf16>
      %bitcast3A_630 = vector.bitcast %pack3A_629 : vector<32xbf16> to vector<16xi32>
      %add3A_631 = arith.constant 0 : i32
      %add3A_632 = arith.addi %add3A_631, %add3A_591 : i32
      %swap3A_633 = arith.constant 0 : i32
      %swap3A_634 = arith.index_cast %swap3A_633 : i32 to index
      %swap3A_635 = arith.index_cast %add3A_632 : i32 to index
      %swap3A_636 = arith.constant 16 : index
      %swap3A_637 = tpu.vector_load %arg7[%swap3A_634, %swap3A_635, %swap3A_636] {strides = array<i32>} : memref<2x128x128xi32, #tpu.memory_space<vmem>>, vector<16xi32>,
      tpu.vector_store %arg7[%swap3A_634, %swap3A_635, %swap3A_636], %bitcast3A_630 {strides = array<i32>} : memref<2x128x128xi32, #tpu.memory_space<vmem>>, vector<16xi32>,
      %mul3A_638 = arith.constant 2 : i32
      %mul3A_639 = arith.muli %mul3A_638, %add3A_591 : i32
      %get3A_640 = arith.constant 0 : i32
      %get3A_641 = arith.index_cast %get3A_640 : i32 to index
      %get3A_642 = arith.index_cast %mul3A_639 : i32 to index
      %get3A_643 = arith.constant 32 : index
      %get3A_644 = tpu.vector_load %arg6[%get3A_641, %get3A_642, %get3A_643] {strides = array<i32>} : memref<4x128x128xf32, #tpu.memory_space<vmem>>, vector<16xf32>,
      %mul3A_645 = arith.constant 2 : i32
      %mul3A_646 = arith.muli %mul3A_645, %add3A_591 : i32
      %add3A_647 = arith.constant 1 : i32
      %add3A_648 = arith.addi %mul3A_646, %add3A_647 : i32
      %get3A_649 = arith.constant 0 : i32
      %get3A_650 = arith.index_cast %get3A_649 : i32 to index
      %get3A_651 = arith.index_cast %add3A_648 : i32 to index
      %get3A_652 = arith.constant 32 : index
      %get3A_653 = tpu.vector_load %arg6[%get3A_650, %get3A_651, %get3A_652] {strides = array<i32>} : memref<4x128x128xf32, #tpu.memory_space<vmem>>, vector<16xf32>,
      %pack3A_654 = tpu.pack_subelements %get3A_644, %get3A_653 {pack_format = #tpu.pack_format<interleaved>, positions = array<i32: 0, 1>} : vector<16xf32>, vector<16xf32> -> vector<32xbf16>
      %bitcast3A_655 = vector.bitcast %pack3A_654 : vector<32xbf16> to vector<16xi32>
      %add3A_656 = arith.constant 0 : i32
      %add3A_657 = arith.addi %add3A_656, %add3A_591 : i32
      %swap3A_658 = arith.constant 0 : i32
      %swap3A_659 = arith.index_cast %swap3A_658 : i32 to index
      %swap3A_660 = arith.index_cast %add3A_657 : i32 to index
      %swap3A_661 = arith.constant 32 : index
      %swap3A_662 = tpu.vector_load %arg7[%swap3A_659, %swap3A_660, %swap3A_661] {strides = array<i32>} : memref<2x128x128xi32, #tpu.memory_space<vmem>>, vector<16xi32>,
      tpu.vector_store %arg7[%swap3A_659, %swap3A_660, %swap3A_661], %bitcast3A_655 {strides = array<i32>} : memref<2x128x128xi32, #tpu.memory_space<vmem>>, vector<16xi32>,
      %mul3A_663 = arith.constant 2 : i32
      %mul3A_664 = arith.muli %mul3A_663, %add3A_591 : i32
      %get3A_665 = arith.constant 0 : i32
      %get3A_666 = arith.index_cast %get3A_665 : i32 to index
      %get3A_667 = arith.index_cast %mul3A_664 : i32 to index
      %get3A_668 = arith.constant 48 : index
      %get3A_669 = tpu.vector_load %arg6[%get3A_666, %get3A_667, %get3A_668] {strides = array<i32>} : memref<4x128x128xf32, #tpu.memory_space<vmem>>, vector<16xf32>,
      %mul3A_670 = arith.constant 2 : i32
      %mul3A_671 = arith.muli %mul3A_670, %add3A_591 : i32
      %add3A_672 = arith.constant 1 : i32
      %add3A_673 = arith.addi %mul3A_671, %add3A_672 : i32
      %get3A_674 = arith.constant 0 : i32
      %get3A_675 = arith.index_cast %get3A_674 : i32 to index
      %get3A_676 = arith.index_cast %add3A_673 : i32 to index
      %get3A_677 = arith.constant 48 : index
      %get3A_678 = tpu.vector_load %arg6[%get3A_675, %get3A_676, %get3A_677] {strides = array<i32>} : memref<4x128x128xf32, #tpu.memory_space<vmem>>, vector<16xf32>,
      %pack3A_679 = tpu.pack_subelements %get3A_669, %get3A_678 {pack_format = #tpu.pack_format<interleaved>, positions = array<i32: 0, 1>} : vector<16xf32>, vector<16xf32> -> vector<32xbf16>
      %bitcast3A_680 = vector.bitcast %pack3A_679 : vector<32xbf16> to vector<16xi32>
      %add3A_681 = arith.constant 0 : i32
      %add3A_682 = arith.addi %add3A_681, %add3A_591 : i32
      %swap3A_683 = arith.constant 0 : i32
      %swap3A_684 = arith.index_cast %swap3A_683 : i32 to index
      %swap3A_685 = arith.index_cast %add3A_682 : i32 to index
      %swap3A_686 = arith.constant 48 : index
      %swap3A_687 = tpu.vector_load %arg7[%swap3A_684, %swap3A_685, %swap3A_686] {strides = array<i32>} : memref<2x128x128xi32, #tpu.memory_space<vmem>>, vector<16xi32>,
      tpu.vector_store %arg7[%swap3A_684, %swap3A_685, %swap3A_686], %bitcast3A_680 {strides = array<i32>} : memref<2x128x128xi32, #tpu.memory_space<vmem>>, vector<16xi32>,
      %mul3A_688 = arith.constant 2 : i32
      %mul3A_689 = arith.muli %mul3A_688, %add3A_591 : i32
      %get3A_690 = arith.constant 0 : i32
      %get3A_691 = arith.index_cast %get3A_690 : i32 to index
      %get3A_692 = arith.index_cast %mul3A_689 : i32 to index
      %get3A_693 = arith.constant 64 : index
      %get3A_694 = tpu.vector_load %arg6[%get3A_691, %get3A_692, %get3A_693] {strides = array<i32>} : memref<4x128x128xf32, #tpu.memory_space<vmem>>, vector<16xf32>,
      %mul3A_695 = arith.constant 2 : i32
      %mul3A_696 = arith.muli %mul3A_695, %add3A_591 : i32
      %add3A_697 = arith.constant 1 : i32
      %add3A_698 = arith.addi %mul3A_696, %add3A_697 : i32
      %get3A_699 = arith.constant 0 : i32
      %get3A_700 = arith.index_cast %get3A_699 : i32 to index
      %get3A_701 = arith.index_cast %add3A_698 : i32 to index
      %get3A_702 = arith.constant 64 : index
      %get3A_703 = tpu.vector_load %arg6[%get3A_700, %get3A_701, %get3A_702] {strides = array<i32>} : memref<4x128x128xf32, #tpu.memory_space<vmem>>, vector<16xf32>,
      %pack3A_704 = tpu.pack_subelements %get3A_694, %get3A_703 {pack_format = #tpu.pack_format<interleaved>, positions = array<i32: 0, 1>} : vector<16xf32>, vector<16xf32> -> vector<32xbf16>
      %bitcast3A_705 = vector.bitcast %pack3A_704 : vector<32xbf16> to vector<16xi32>
      %add3A_706 = arith.constant 0 : i32
      %add3A_707 = arith.addi %add3A_706, %add3A_591 : i32
      %swap3A_708 = arith.constant 0 : i32
      %swap3A_709 = arith.index_cast %swap3A_708 : i32 to index
      %swap3A_710 = arith.index_cast %add3A_707 : i32 to index
      %swap3A_711 = arith.constant 64 : index
      %swap3A_712 = tpu.vector_load %arg7[%swap3A_709, %swap3A_710, %swap3A_711] {strides = array<i32>} : memref<2x128x128xi32, #tpu.memory_space<vmem>>, vector<16xi32>,
      tpu.vector_store %arg7[%swap3A_709, %swap3A_710, %swap3A_711], %bitcast3A_705 {strides = array<i32>} : memref<2x128x128xi32, #tpu.memory_space<vmem>>, vector<16xi32>,
      %mul3A_713 = arith.constant 2 : i32
      %mul3A_714 = arith.muli %mul3A_713, %add3A_591 : i32
      %get3A_715 = arith.constant 0 : i32
      %get3A_716 = arith.index_cast %get3A_715 : i32 to index
      %get3A_717 = arith.index_cast %mul3A_714 : i32 to index
      %get3A_718 = arith.constant 80 : index
      %get3A_719 = tpu.vector_load %arg6[%get3A_716, %get3A_717, %get3A_718] {strides = array<i32>} : memref<4x128x128xf32, #tpu.memory_space<vmem>>, vector<16xf32>,
      %mul3A_720 = arith.constant 2 : i32
      %mul3A_721 = arith.muli %mul3A_720, %add3A_591 : i32
      %add3A_722 = arith.constant 1 : i32
      %add3A_723 = arith.addi %mul3A_721, %add3A_722 : i32
      %get3A_724 = arith.constant 0 : i32
      %get3A_725 = arith.index_cast %get3A_724 : i32 to index
      %get3A_726 = arith.index_cast %add3A_723 : i32 to index
      %get3A_727 = arith.constant 80 : index
      %get3A_728 = tpu.vector_load %arg6[%get3A_725, %get3A_726, %get3A_727] {strides = array<i32>} : memref<4x128x128xf32, #tpu.memory_space<vmem>>, vector<16xf32>,
      %pack3A_729 = tpu.pack_subelements %get3A_719, %get3A_728 {pack_format = #tpu.pack_format<interleaved>, positions = array<i32: 0, 1>} : vector<16xf32>, vector<16xf32> -> vector<32xbf16>
      %bitcast3A_730 = vector.bitcast %pack3A_729 : vector<32xbf16> to vector<16xi32>
      %add3A_731 = arith.constant 0 : i32
      %add3A_732 = arith.addi %add3A_731, %add3A_591 : i32
      %swap3A_733 = arith.constant 0 : i32
      %swap3A_734 = arith.index_cast %swap3A_733 : i32 to index
      %swap3A_735 = arith.index_cast %add3A_732 : i32 to index
      %swap3A_736 = arith.constant 80 : index
      %swap3A_737 = tpu.vector_load %arg7[%swap3A_734, %swap3A_735, %swap3A_736] {strides = array<i32>} : memref<2x128x128xi32, #tpu.memory_space<vmem>>, vector<16xi32>,
      tpu.vector_store %arg7[%swap3A_734, %swap3A_735, %swap3A_736], %bitcast3A_730 {strides = array<i32>} : memref<2x128x128xi32, #tpu.memory_space<vmem>>, vector<16xi32>,
      %mul3A_738 = arith.constant 2 : i32
      %mul3A_739 = arith.muli %mul3A_738, %add3A_591 : i32
      %get3A_740 = arith.constant 0 : i32
      %get3A_741 = arith.index_cast %get3A_740 : i32 to index
      %get3A_742 = arith.index_cast %mul3A_739 : i32 to index
      %get3A_743 = arith.constant 96 : index
      %get3A_744 = tpu.vector_load %arg6[%get3A_741, %get3A_742, %get3A_743] {strides = array<i32>} : memref<4x128x128xf32, #tpu.memory_space<vmem>>, vector<16xf32>,
      %mul3A_745 = arith.constant 2 : i32
      %mul3A_746 = arith.muli %mul3A_745, %add3A_591 : i32
      %add3A_747 = arith.constant 1 : i32
      %add3A_748 = arith.addi %mul3A_746, %add3A_747 : i32
      %get3A_749 = arith.constant 0 : i32
      %get3A_750 = arith.index_cast %get3A_749 : i32 to index
      %get3A_751 = arith.index_cast %add3A_748 : i32 to index
      %get3A_752 = arith.constant 96 : index
      %get3A_753 = tpu.vector_load %arg6[%get3A_750, %get3A_751, %get3A_752] {strides = array<i32>} : memref<4x128x128xf32, #tpu.memory_space<vmem>>, vector<16xf32>,
      %pack3A_754 = tpu.pack_subelements %get3A_744, %get3A_753 {pack_format = #tpu.pack_format<interleaved>, positions = array<i32: 0, 1>} : vector<16xf32>, vector<16xf32> -> vector<32xbf16>
      %bitcast3A_755 = vector.bitcast %pack3A_754 : vector<32xbf16> to vector<16xi32>
      %add3A_756 = arith.constant 0 : i32
      %add3A_757 = arith.addi %add3A_756, %add3A_591 : i32
      %swap3A_758 = arith.constant 0 : i32
      %swap3A_759 = arith.index_cast %swap3A_758 : i32 to index
      %swap3A_760 = arith.index_cast %add3A_757 : i32 to index
      %swap3A_761 = arith.constant 96 : index
      %swap3A_762 = tpu.vector_load %arg7[%swap3A_759, %swap3A_760, %swap3A_761] {strides = array<i32>} : memref<2x128x128xi32, #tpu.memory_space<vmem>>, vector<16xi32>,
      tpu.vector_store %arg7[%swap3A_759, %swap3A_760, %swap3A_761], %bitcast3A_755 {strides = array<i32>} : memref<2x128x128xi32, #tpu.memory_space<vmem>>, vector<16xi32>,
      %mul3A_763 = arith.constant 2 : i32
      %mul3A_764 = arith.muli %mul3A_763, %add3A_591 : i32
      %get3A_765 = arith.constant 0 : i32
      %get3A_766 = arith.index_cast %get3A_765 : i32 to index
      %get3A_767 = arith.index_cast %mul3A_764 : i32 to index
      %get3A_768 = arith.constant 112 : index
      %get3A_769 = tpu.vector_load %arg6[%get3A_766, %get3A_767, %get3A_768] {strides = array<i32>} : memref<4x128x128xf32, #tpu.memory_space<vmem>>, vector<16xf32>,
      %mul3A_770 = arith.constant 2 : i32
      %mul3A_771 = arith.muli %mul3A_770, %add3A_591 : i32
      %add3A_772 = arith.constant 1 : i32
      %add3A_773 = arith.addi %mul3A_771, %add3A_772 : i32
      %get3A_774 = arith.constant 0 : i32
      %get3A_775 = arith.index_cast %get3A_774 : i32 to index
      %get3A_776 = arith.index_cast %add3A_773 : i32 to index
      %get3A_777 = arith.constant 112 : index
      %get3A_778 = tpu.vector_load %arg6[%get3A_775, %get3A_776, %get3A_777] {strides = array<i32>} : memref<4x128x128xf32, #tpu.memory_space<vmem>>, vector<16xf32>,
      %pack3A_779 = tpu.pack_subelements %get3A_769, %get3A_778 {pack_format = #tpu.pack_format<interleaved>, positions = array<i32: 0, 1>} : vector<16xf32>, vector<16xf32> -> vector<32xbf16>
      %bitcast3A_780 = vector.bitcast %pack3A_779 : vector<32xbf16> to vector<16xi32>
      %add3A_781 = arith.constant 0 : i32
      %add3A_782 = arith.addi %add3A_781, %add3A_591 : i32
      %swap3A_783 = arith.constant 0 : i32
      %swap3A_784 = arith.index_cast %swap3A_783 : i32 to index
      %swap3A_785 = arith.index_cast %add3A_782 : i32 to index
      %swap3A_786 = arith.constant 112 : index
      %swap3A_787 = tpu.vector_load %arg7[%swap3A_784, %swap3A_785, %swap3A_786] {strides = array<i32>} : memref<2x128x128xi32, #tpu.memory_space<vmem>>, vector<16xi32>,
      tpu.vector_store %arg7[%swap3A_784, %swap3A_785, %swap3A_786], %bitcast3A_780 {strides = array<i32>} : memref<2x128x128xi32, #tpu.memory_space<vmem>>, vector<16xi32>,
    }
    %scan3A_75 = arith.constant 64 : i32
    %dma_start3A_76 = arith.constant 0 : i32
    %dma_start3A_77 = arith.constant 0 : i32
    %dma_start3A_78 = arith.constant 0 : i32
    %dma_start3A_79 = arith.constant 0 : i32
    %dma_start3A_80 = tpu.memref_slice %arg6[%dma_start3A_76, %dma_start3A_78, %dma_start3A_79] : memref<4x128x128xf32, #tpu.memory_space<vmem>> -> memref<1x128x128xf32, #tpu.memory_space<vmem>>
    %dma_start3A_81 = tpu.memref_squeeze %dma_start3A_80 : memref<1x128x128xf32, #tpu.memory_space<vmem>> -> memref<128x128xf32, #tpu.memory_space<vmem>>
    %dma_start3A_82 = arith.constant 512 : i32
    %dma_start3A_83 = tpu.memref_slice %arg5[%dma_start3A_82] : memref<8640xi32, #tpu.memory_space<vmem>> -> memref<128xi32, #tpu.memory_space<vmem>>
    %dma_start3A_84 = arith.constant 0 : i32
    %dma_start3A_85 = arith.constant 0 : i32
    %dma_start3A_86 = tpu.memref_slice %arg2[%dma_start3A_84, %dma_start3A_85] : memref<10000x128xf32, #tpu.memory_space<hbm>> -> memref<10000x128xf32, #tpu.memory_space<hbm>>
    %dma_start3A_87 = tpu.memref_slice %arg8[%dma_start3A_77] : memref<4x!tpu.dma_semaphore, #tpu.memory_space<semaphore_mem>> -> memref<1x!tpu.dma_semaphore, #tpu.memory_space<semaphore_mem>>
    %dma_start3A_88 = tpu.memref_squeeze %dma_start3A_87 : memref<1x!tpu.dma_semaphore, #tpu.memory_space<semaphore_mem>> -> memref<!tpu.dma_semaphore, #tpu.memory_space<semaphore_mem>>
    tpu.enqueue_indirect_dma source(%dma_start3A_86 : memref<10000x128xf32, #tpu.memory_space<hbm>>) target(%dma_start3A_81 : memref<128x128xf32, #tpu.memory_space<vmem>>) offsets(%dma_start3A_83 : memref<128xi32, #tpu.memory_space<vmem>>) semaphore(%dma_start3A_88 : memref<!tpu.dma_semaphore, #tpu.memory_space<semaphore_mem>>)
    %dma_wait3A_89 = arith.constant 1 : i32
    %dma_wait3A_90 = arith.constant 1 : i32
    %dma_wait3A_91 = arith.constant 0 : i32
    %dma_wait3A_92 = arith.constant 0 : i32
    %dma_wait3A_93 = tpu.memref_slice %arg6[%dma_wait3A_89, %dma_wait3A_91, %dma_wait3A_92] : memref<4x128x128xf32, #tpu.memory_space<vmem>> -> memref<1x128x128xf32, #tpu.memory_space<vmem>>
    %dma_wait3A_94 = tpu.memref_squeeze %dma_wait3A_93 : memref<1x128x128xf32, #tpu.memory_space<vmem>> -> memref<128x128xf32, #tpu.memory_space<vmem>>
    %dma_wait3A_95 = arith.constant 0 : i32
    %dma_wait3A_96 = tpu.memref_slice %arg5[%dma_wait3A_95] : memref<8640xi32, #tpu.memory_space<vmem>> -> memref<128xi32, #tpu.memory_space<vmem>>
    %dma_wait3A_97 = arith.constant 0 : i32
    %dma_wait3A_98 = arith.constant 0 : i32
    %dma_wait3A_99 = tpu.memref_slice %arg2[%dma_wait3A_97, %dma_wait3A_98] : memref<10000x128xf32, #tpu.memory_space<hbm>> -> memref<10000x128xf32, #tpu.memory_space<hbm>>
    %dma_wait3A_100 = tpu.memref_slice %arg8[%dma_wait3A_90] : memref<4x!tpu.dma_semaphore, #tpu.memory_space<semaphore_mem>> -> memref<1x!tpu.dma_semaphore, #tpu.memory_space<semaphore_mem>>
    %dma_wait3A_101 = tpu.memref_squeeze %dma_wait3A_100 : memref<1x!tpu.dma_semaphore, #tpu.memory_space<semaphore_mem>> -> memref<!tpu.dma_semaphore, #tpu.memory_space<semaphore_mem>>
    tpu.wait_indirect_dma semaphore(%dma_wait3A_101 : memref<!tpu.dma_semaphore, #tpu.memory_space<semaphore_mem>>) src(%dma_wait3A_99 : memref<10000x128xf32, #tpu.memory_space<hbm>>) dst(%dma_wait3A_94 : memref<128x128xf32, #tpu.memory_space<vmem>>)
    %scan3A_102 = arith.constant 0 : i32
    %scan3A_103 = arith.constant 64 : i32
    %scan3A_104 = arith.addi %scan3A_102, %scan3A_103 : i32
    %scan3A_105 = arith.constant 1 : i32
    scf.for %scan3A_587 = %scan3A_102 to %scan3A_104 step %scan3A_105  : i32 {
      %mul3A_588 = arith.constant 1 : i32
      %mul3A_589 = arith.muli %scan3A_587, %mul3A_588 : i32
      %add3A_590 = arith.constant 0 : i32
      %add3A_591 = arith.addi %add3A_590, %mul3A_589 : i32
      %mul3A_592 = arith.constant 2 : i32
      %mul3A_593 = arith.muli %mul3A_592, %add3A_591 : i32
      %get3A = arith.constant 1 : i32
      %get3A_594 = arith.index_cast %get3A : i32 to index
      %get3A_595 = arith.index_cast %mul3A_593 : i32 to index
      %get3A_596 = arith.constant 0 : index
      %get3A_597 = tpu.vector_load %arg6[%get3A_594, %get3A_595, %get3A_596] {strides = array<i32>} : memref<4x128x128xf32, #tpu.memory_space<vmem>>, vector<16xf32>,
      %mul3A_598 = arith.constant 2 : i32
      %mul3A_599 = arith.muli %mul3A_598, %add3A_591 : i32
      %add3A_600 = arith.constant 1 : i32
      %add3A_601 = arith.addi %mul3A_599, %add3A_600 : i32
      %get3A_602 = arith.constant 1 : i32
      %get3A_603 = arith.index_cast %get3A_602 : i32 to index
      %get3A_604 = arith.index_cast %add3A_601 : i32 to index
      %get3A_605 = arith.constant 0 : index
      %get3A_606 = tpu.vector_load %arg6[%get3A_603, %get3A_604, %get3A_605] {strides = array<i32>} : memref<4x128x128xf32, #tpu.memory_space<vmem>>, vector<16xf32>,
      %pack3A = tpu.pack_subelements %get3A_597, %get3A_606 {pack_format = #tpu.pack_format<interleaved>, positions = array<i32: 0, 1>} : vector<16xf32>, vector<16xf32> -> vector<32xbf16>
      %bitcast3A = vector.bitcast %pack3A : vector<32xbf16> to vector<16xi32>
      %add3A_607 = arith.constant 64 : i32
      %add3A_608 = arith.addi %add3A_607, %add3A_591 : i32
      %swap3A = arith.constant 0 : i32
      %swap3A_609 = arith.index_cast %swap3A : i32 to index
      %swap3A_610 = arith.index_cast %add3A_608 : i32 to index
      %swap3A_611 = arith.constant 0 : index
      %swap3A_612 = tpu.vector_load %arg7[%swap3A_609, %swap3A_610, %swap3A_611] {strides = array<i32>} : memref<2x128x128xi32, #tpu.memory_space<vmem>>, vector<16xi32>,
      tpu.vector_store %arg7[%swap3A_609, %swap3A_610, %swap3A_611], %bitcast3A {strides = array<i32>} : memref<2x128x128xi32, #tpu.memory_space<vmem>>, vector<16xi32>,
      %mul3A_613 = arith.constant 2 : i32
      %mul3A_614 = arith.muli %mul3A_613, %add3A_591 : i32
      %get3A_615 = arith.constant 1 : i32
      %get3A_616 = arith.index_cast %get3A_615 : i32 to index
      %get3A_617 = arith.index_cast %mul3A_614 : i32 to index
      %get3A_618 = arith.constant 16 : index
      %get3A_619 = tpu.vector_load %arg6[%get3A_616, %get3A_617, %get3A_618] {strides = array<i32>} : memref<4x128x128xf32, #tpu.memory_space<vmem>>, vector<16xf32>,
      %mul3A_620 = arith.constant 2 : i32
      %mul3A_621 = arith.muli %mul3A_620, %add3A_591 : i32
      %add3A_622 = arith.constant 1 : i32
      %add3A_623 = arith.addi %mul3A_621, %add3A_622 : i32
      %get3A_624 = arith.constant 1 : i32
      %get3A_625 = arith.index_cast %get3A_624 : i32 to index
      %get3A_626 = arith.index_cast %add3A_623 : i32 to index
      %get3A_627 = arith.constant 16 : index
      %get3A_628 = tpu.vector_load %arg6[%get3A_625, %get3A_626, %get3A_627] {strides = array<i32>} : memref<4x128x128xf32, #tpu.memory_space<vmem>>, vector<16xf32>,
      %pack3A_629 = tpu.pack_subelements %get3A_619, %get3A_628 {pack_format = #tpu.pack_format<interleaved>, positions = array<i32: 0, 1>} : vector<16xf32>, vector<16xf32> -> vector<32xbf16>
      %bitcast3A_630 = vector.bitcast %pack3A_629 : vector<32xbf16> to vector<16xi32>
      %add3A_631 = arith.constant 64 : i32
      %add3A_632 = arith.addi %add3A_631, %add3A_591 : i32
      %swap3A_633 = arith.constant 0 : i32
      %swap3A_634 = arith.index_cast %swap3A_633 : i32 to index
      %swap3A_635 = arith.index_cast %add3A_632 : i32 to index
      %swap3A_636 = arith.constant 16 : index
      %swap3A_637 = tpu.vector_load %arg7[%swap3A_634, %swap3A_635, %swap3A_636] {strides = array<i32>} : memref<2x128x128xi32, #tpu.memory_space<vmem>>, vector<16xi32>,
      tpu.vector_store %arg7[%swap3A_634, %swap3A_635, %swap3A_636], %bitcast3A_630 {strides = array<i32>} : memref<2x128x128xi32, #tpu.memory_space<vmem>>, vector<16xi32>,
      %mul3A_638 = arith.constant 2 : i32
      %mul3A_639 = arith.muli %mul3A_638, %add3A_591 : i32
      %get3A_640 = arith.constant 1 : i32
      %get3A_641 = arith.index_cast %get3A_640 : i32 to index
      %get3A_642 = arith.index_cast %mul3A_639 : i32 to index
      %get3A_643 = arith.constant 32 : index
      %get3A_644 = tpu.vector_load %arg6[%get3A_641, %get3A_642, %get3A_643] {strides = array<i32>} : memref<4x128x128xf32, #tpu.memory_space<vmem>>, vector<16xf32>,
      %mul3A_645 = arith.constant 2 : i32
      %mul3A_646 = arith.muli %mul3A_645, %add3A_591 : i32
      %add3A_647 = arith.constant 1 : i32
      %add3A_648 = arith.addi %mul3A_646, %add3A_647 : i32
      %get3A_649 = arith.constant 1 : i32
      %get3A_650 = arith.index_cast %get3A_649 : i32 to index
      %get3A_651 = arith.index_cast %add3A_648 : i32 to index
      %get3A_652 = arith.constant 32 : index
      %get3A_653 = tpu.vector_load %arg6[%get3A_650, %get3A_651, %get3A_652] {strides = array<i32>} : memref<4x128x128xf32, #tpu.memory_space<vmem>>, vector<16xf32>,
      %pack3A_654 = tpu.pack_subelements %get3A_644, %get3A_653 {pack_format = #tpu.pack_format<interleaved>, positions = array<i32: 0, 1>} : vector<16xf32>, vector<16xf32> -> vector<32xbf16>
      %bitcast3A_655 = vector.bitcast %pack3A_654 : vector<32xbf16> to vector<16xi32>
      %add3A_656 = arith.constant 64 : i32
      %add3A_657 = arith.addi %add3A_656, %add3A_591 : i32
      %swap3A_658 = arith.constant 0 : i32
      %swap3A_659 = arith.index_cast %swap3A_658 : i32 to index
      %swap3A_660 = arith.index_cast %add3A_657 : i32 to index
      %swap3A_661 = arith.constant 32 : index
      %swap3A_662 = tpu.vector_load %arg7[%swap3A_659, %swap3A_660, %swap3A_661] {strides = array<i32>} : memref<2x128x128xi32, #tpu.memory_space<vmem>>, vector<16xi32>,
      tpu.vector_store %arg7[%swap3A_659, %swap3A_660, %swap3A_661], %bitcast3A_655 {strides = array<i32>} : memref<2x128x128xi32, #tpu.memory_space<vmem>>, vector<16xi32>,
      %mul3A_663 = arith.constant 2 : i32
      %mul3A_664 = arith.muli %mul3A_663, %add3A_591 : i32
      %get3A_665 = arith.constant 1 : i32
      %get3A_666 = arith.index_cast %get3A_665 : i32 to index
      %get3A_667 = arith.index_cast %mul3A_664 : i32 to index
      %get3A_668 = arith.constant 48 : index
      %get3A_669 = tpu.vector_load %arg6[%get3A_666, %get3A_667, %get3A_668] {strides = array<i32>} : memref<4x128x128xf32, #tpu.memory_space<vmem>>, vector<16xf32>,
      %mul3A_670 = arith.constant 2 : i32
      %mul3A_671 = arith.muli %mul3A_670, %add3A_591 : i32
      %add3A_672 = arith.constant 1 : i32
      %add3A_673 = arith.addi %mul3A_671, %add3A_672 : i32
      %get3A_674 = arith.constant 1 : i32
      %get3A_675 = arith.index_cast %get3A_674 : i32 to index
      %get3A_676 = arith.index_cast %add3A_673 : i32 to index
      %get3A_677 = arith.constant 48 : index
      %get3A_678 = tpu.vector_load %arg6[%get3A_675, %get3A_676, %get3A_677] {strides = array<i32>} : memref<4x128x128xf32, #tpu.memory_space<vmem>>, vector<16xf32>,
      %pack3A_679 = tpu.pack_subelements %get3A_669, %get3A_678 {pack_format = #tpu.pack_format<interleaved>, positions = array<i32: 0, 1>} : vector<16xf32>, vector<16xf32> -> vector<32xbf16>
      %bitcast3A_680 = vector.bitcast %pack3A_679 : vector<32xbf16> to vector<16xi32>
      %add3A_681 = arith.constant 64 : i32
      %add3A_682 = arith.addi %add3A_681, %add3A_591 : i32
      %swap3A_683 = arith.constant 0 : i32
      %swap3A_684 = arith.index_cast %swap3A_683 : i32 to index
      %swap3A_685 = arith.index_cast %add3A_682 : i32 to index
      %swap3A_686 = arith.constant 48 : index
      %swap3A_687 = tpu.vector_load %arg7[%swap3A_684, %swap3A_685, %swap3A_686] {strides = array<i32>} : memref<2x128x128xi32, #tpu.memory_space<vmem>>, vector<16xi32>,
      tpu.vector_store %arg7[%swap3A_684, %swap3A_685, %swap3A_686], %bitcast3A_680 {strides = array<i32>} : memref<2x128x128xi32, #tpu.memory_space<vmem>>, vector<16xi32>,
      %mul3A_688 = arith.constant 2 : i32
      %mul3A_689 = arith.muli %mul3A_688, %add3A_591 : i32
      %get3A_690 = arith.constant 1 : i32
      %get3A_691 = arith.index_cast %get3A_690 : i32 to index
      %get3A_692 = arith.index_cast %mul3A_689 : i32 to index
      %get3A_693 = arith.constant 64 : index
      %get3A_694 = tpu.vector_load %arg6[%get3A_691, %get3A_692, %get3A_693] {strides = array<i32>} : memref<4x128x128xf32, #tpu.memory_space<vmem>>, vector<16xf32>,
      %mul3A_695 = arith.constant 2 : i32
      %mul3A_696 = arith.muli %mul3A_695, %add3A_591 : i32
      %add3A_697 = arith.constant 1 : i32
      %add3A_698 = arith.addi %mul3A_696, %add3A_697 : i32
      %get3A_699 = arith.constant 1 : i32
      %get3A_700 = arith.index_cast %get3A_699 : i32 to index
      %get3A_701 = arith.index_cast %add3A_698 : i32 to index
      %get3A_702 = arith.constant 64 : index
      %get3A_703 = tpu.vector_load %arg6[%get3A_700, %get3A_701, %get3A_702] {strides = array<i32>} : memref<4x128x128xf32, #tpu.memory_space<vmem>>, vector<16xf32>,
      %pack3A_704 = tpu.pack_subelements %get3A_694, %get3A_703 {pack_format = #tpu.pack_format<interleaved>, positions = array<i32: 0, 1>} : vector<16xf32>, vector<16xf32> -> vector<32xbf16>
      %bitcast3A_705 = vector.bitcast %pack3A_704 : vector<32xbf16> to vector<16xi32>
      %add3A_706 = arith.constant 64 : i32
      %add3A_707 = arith.addi %add3A_706, %add3A_591 : i32
      %swap3A_708 = arith.constant 0 : i32
      %swap3A_709 = arith.index_cast %swap3A_708 : i32 to index
      %swap3A_710 = arith.index_cast %add3A_707 : i32 to index
      %swap3A_711 = arith.constant 64 : index
      %swap3A_712 = tpu.vector_load %arg7[%swap3A_709, %swap3A_710, %swap3A_711] {strides = array<i32>} : memref<2x128x128xi32, #tpu.memory_space<vmem>>, vector<16xi32>,
      tpu.vector_store %arg7[%swap3A_709, %swap3A_710, %swap3A_711], %bitcast3A_705 {strides = array<i32>} : memref<2x128x128xi32, #tpu.memory_space<vmem>>, vector<16xi32>,
      %mul3A_713 = arith.constant 2 : i32
      %mul3A_714 = arith.muli %mul3A_713, %add3A_591 : i32
      %get3A_715 = arith.constant 1 : i32
      %get3A_716 = arith.index_cast %get3A_715 : i32 to index
      %get3A_717 = arith.index_cast %mul3A_714 : i32 to index
      %get3A_718 = arith.constant 80 : index
      %get3A_719 = tpu.vector_load %arg6[%get3A_716, %get3A_717, %get3A_718] {strides = array<i32>} : memref<4x128x128xf32, #tpu.memory_space<vmem>>, vector<16xf32>,
      %mul3A_720 = arith.constant 2 : i32
      %mul3A_721 = arith.muli %mul3A_720, %add3A_591 : i32
      %add3A_722 = arith.constant 1 : i32
      %add3A_723 = arith.addi %mul3A_721, %add3A_722 : i32
      %get3A_724 = arith.constant 1 : i32
      %get3A_725 = arith.index_cast %get3A_724 : i32 to index
      %get3A_726 = arith.index_cast %add3A_723 : i32 to index
      %get3A_727 = arith.constant 80 : index
      %get3A_728 = tpu.vector_load %arg6[%get3A_725, %get3A_726, %get3A_727] {strides = array<i32>} : memref<4x128x128xf32, #tpu.memory_space<vmem>>, vector<16xf32>,
      %pack3A_729 = tpu.pack_subelements %get3A_719, %get3A_728 {pack_format = #tpu.pack_format<interleaved>, positions = array<i32: 0, 1>} : vector<16xf32>, vector<16xf32> -> vector<32xbf16>
      %bitcast3A_730 = vector.bitcast %pack3A_729 : vector<32xbf16> to vector<16xi32>
      %add3A_731 = arith.constant 64 : i32
      %add3A_732 = arith.addi %add3A_731, %add3A_591 : i32
      %swap3A_733 = arith.constant 0 : i32
      %swap3A_734 = arith.index_cast %swap3A_733 : i32 to index
      %swap3A_735 = arith.index_cast %add3A_732 : i32 to index
      %swap3A_736 = arith.constant 80 : index
      %swap3A_737 = tpu.vector_load %arg7[%swap3A_734, %swap3A_735, %swap3A_736] {strides = array<i32>} : memref<2x128x128xi32, #tpu.memory_space<vmem>>, vector<16xi32>,
      tpu.vector_store %arg7[%swap3A_734, %swap3A_735, %swap3A_736], %bitcast3A_730 {strides = array<i32>} : memref<2x128x128xi32, #tpu.memory_space<vmem>>, vector<16xi32>,
      %mul3A_738 = arith.constant 2 : i32
      %mul3A_739 = arith.muli %mul3A_738, %add3A_591 : i32
      %get3A_740 = arith.constant 1 : i32
      %get3A_741 = arith.index_cast %get3A_740 : i32 to index
      %get3A_742 = arith.index_cast %mul3A_739 : i32 to index
      %get3A_743 = arith.constant 96 : index
      %get3A_744 = tpu.vector_load %arg6[%get3A_741, %get3A_742, %get3A_743] {strides = array<i32>} : memref<4x128x128xf32, #tpu.memory_space<vmem>>, vector<16xf32>,
      %mul3A_745 = arith.constant 2 : i32
      %mul3A_746 = arith.muli %mul3A_745, %add3A_591 : i32
      %add3A_747 = arith.constant 1 : i32
      %add3A_748 = arith.addi %mul3A_746, %add3A_747 : i32
      %get3A_749 = arith.constant 1 : i32
      %get3A_750 = arith.index_cast %get3A_749 : i32 to index
      %get3A_751 = arith.index_cast %add3A_748 : i32 to index
      %get3A_752 = arith.constant 96 : index
      %get3A_753 = tpu.vector_load %arg6[%get3A_750, %get3A_751, %get3A_752] {strides = array<i32>} : memref<4x128x128xf32, #tpu.memory_space<vmem>>, vector<16xf32>,
      %pack3A_754 = tpu.pack_subelements %get3A_744, %get3A_753 {pack_format = #tpu.pack_format<interleaved>, positions = array<i32: 0, 1>} : vector<16xf32>, vector<16xf32> -> vector<32xbf16>
      %bitcast3A_755 = vector.bitcast %pack3A_754 : vector<32xbf16> to vector<16xi32>
      %add3A_756 = arith.constant 64 : i32
      %add3A_757 = arith.addi %add3A_756, %add3A_591 : i32
      %swap3A_758 = arith.constant 0 : i32
      %swap3A_759 = arith.index_cast %swap3A_758 : i32 to index
      %swap3A_760 = arith.index_cast %add3A_757 : i32 to index
      %swap3A_761 = arith.constant 96 : index
      %swap3A_762 = tpu.vector_load %arg7[%swap3A_759, %swap3A_760, %swap3A_761] {strides = array<i32>} : memref<2x128x128xi32, #tpu.memory_space<vmem>>, vector<16xi32>,
      tpu.vector_store %arg7[%swap3A_759, %swap3A_760, %swap3A_761], %bitcast3A_755 {strides = array<i32>} : memref<2x128x128xi32, #tpu.memory_space<vmem>>, vector<16xi32>,
      %mul3A_763 = arith.constant 2 : i32
      %mul3A_764 = arith.muli %mul3A_763, %add3A_591 : i32
      %get3A_765 = arith.constant 1 : i32
      %get3A_766 = arith.index_cast %get3A_765 : i32 to index
      %get3A_767 = arith.index_cast %mul3A_764 : i32 to index
      %get3A_768 = arith.constant 112 : index
      %get3A_769 = tpu.vector_load %arg6[%get3A_766, %get3A_767, %get3A_768] {strides = array<i32>} : memref<4x128x128xf32, #tpu.memory_space<vmem>>, vector<16xf32>,
      %mul3A_770 = arith.constant 2 : i32
      %mul3A_771 = arith.muli %mul3A_770, %add3A_591 : i32
      %add3A_772 = arith.constant 1 : i32
      %add3A_773 = arith.addi %mul3A_771, %add3A_772 : i32
      %get3A_774 = arith.constant 1 : i32
      %get3A_775 = arith.index_cast %get3A_774 : i32 to index
      %get3A_776 = arith.index_cast %add3A_773 : i32 to index
      %get3A_777 = arith.constant 112 : index
      %get3A_778 = tpu.vector_load %arg6[%get3A_775, %get3A_776, %get3A_777] {strides = array<i32>} : memref<4x128x128xf32, #tpu.memory_space<vmem>>, vector<16xf32>,
      %pack3A_779 = tpu.pack_subelements %get3A_769, %get3A_778 {pack_format = #tpu.pack_format<interleaved>, positions = array<i32: 0, 1>} : vector<16xf32>, vector<16xf32> -> vector<32xbf16>
      %bitcast3A_780 = vector.bitcast %pack3A_779 : vector<32xbf16> to vector<16xi32>
      %add3A_781 = arith.constant 64 : i32
      %add3A_782 = arith.addi %add3A_781, %add3A_591 : i32
      %swap3A_783 = arith.constant 0 : i32
      %swap3A_784 = arith.index_cast %swap3A_783 : i32 to index
      %swap3A_785 = arith.index_cast %add3A_782 : i32 to index
      %swap3A_786 = arith.constant 112 : index
      %swap3A_787 = tpu.vector_load %arg7[%swap3A_784, %swap3A_785, %swap3A_786] {strides = array<i32>} : memref<2x128x128xi32, #tpu.memory_space<vmem>>, vector<16xi32>,
      tpu.vector_store %arg7[%swap3A_784, %swap3A_785, %swap3A_786], %bitcast3A_780 {strides = array<i32>} : memref<2x128x128xi32, #tpu.memory_space<vmem>>, vector<16xi32>,
    }
    %scan3A_106 = arith.constant 64 : i32
    %add3A_107 = arith.constant 0 : i32
    %add3A_108 = arith.addi %mul3A_4, %add3A_107 : i32
    %dma_start3A_109 = arith.constant 0 : i32
    %dma_start3A_110 = arith.constant 0 : i32
    %dma_start3A_111 = arith.constant 0 : i32
    %dma_start3A_112 = arith.constant 0 : i32
    %dma_start3A_113 = tpu.memref_slice %arg7[%dma_start3A_109, %dma_start3A_111, %dma_start3A_112] : memref<2x128x128xi32, #tpu.memory_space<vmem>> -> memref<1x128x128xi32, #tpu.memory_space<vmem>>
    %dma_start3A_114 = tpu.memref_squeeze %dma_start3A_113 : memref<1x128x128xi32, #tpu.memory_space<vmem>> -> memref<128x128xi32, #tpu.memory_space<vmem>>
    %dma_start3A_115 = arith.constant 0 : i32
    %dma_start3A_116 = tpu.memref_slice %arg4[%add3A_108, %dma_start3A_115] : memref<138240x128xi32, #tpu.memory_space<hbm>> -> memref<128x128xi32, #tpu.memory_space<hbm>>
    %dma_start3A_117 = tpu.memref_slice %arg9[%dma_start3A_110] : memref<2x!tpu.dma_semaphore, #tpu.memory_space<semaphore_mem>> -> memref<1x!tpu.dma_semaphore, #tpu.memory_space<semaphore_mem>>
    %dma_start3A_118 = tpu.memref_squeeze %dma_start3A_117 : memref<1x!tpu.dma_semaphore, #tpu.memory_space<semaphore_mem>> -> memref<!tpu.dma_semaphore, #tpu.memory_space<semaphore_mem>>
    %dma_start3A_119 = arith.constant 0 : i32
    %dma_start3A_120 = tpu.memref_slice %arg4[%add3A_108, %dma_start3A_119] : memref<138240x128xi32, #tpu.memory_space<hbm>> -> memref<128x128xi32, #tpu.memory_space<hbm>>
    %dma_start3A_121 = arith.constant 0 : i32
    %dma_start3A_122 = arith.constant 0 : i32
    %dma_start3A_123 = tpu.memref_slice %arg7[%dma_start3A_109, %dma_start3A_121, %dma_start3A_122] : memref<2x128x128xi32, #tpu.memory_space<vmem>> -> memref<1x128x128xi32, #tpu.memory_space<vmem>>
    %dma_start3A_124 = tpu.memref_squeeze %dma_start3A_123 : memref<1x128x128xi32, #tpu.memory_space<vmem>> -> memref<128x128xi32, #tpu.memory_space<vmem>>
    tpu.enqueue_dma source(%dma_start3A_124 : memref<128x128xi32, #tpu.memory_space<vmem>>) target(%dma_start3A_120 : memref<128x128xi32, #tpu.memory_space<hbm>>) target_semaphore(%dma_start3A_118 : memref<!tpu.dma_semaphore, #tpu.memory_space<semaphore_mem>>)
    %dma_start3A_125 = arith.constant 1 : i32
    %dma_start3A_126 = arith.constant 1 : i32
    %dma_start3A_127 = arith.constant 0 : i32
    %dma_start3A_128 = arith.constant 0 : i32
    %dma_start3A_129 = tpu.memref_slice %arg6[%dma_start3A_125, %dma_start3A_127, %dma_start3A_128] : memref<4x128x128xf32, #tpu.memory_space<vmem>> -> memref<1x128x128xf32, #tpu.memory_space<vmem>>
    %dma_start3A_130 = tpu.memref_squeeze %dma_start3A_129 : memref<1x128x128xf32, #tpu.memory_space<vmem>> -> memref<128x128xf32, #tpu.memory_space<vmem>>
    %dma_start3A_131 = arith.constant 640 : i32
    %dma_start3A_132 = tpu.memref_slice %arg5[%dma_start3A_131] : memref<8640xi32, #tpu.memory_space<vmem>> -> memref<128xi32, #tpu.memory_space<vmem>>
    %dma_start3A_133 = arith.constant 0 : i32
    %dma_start3A_134 = arith.constant 0 : i32
    %dma_start3A_135 = tpu.memref_slice %arg2[%dma_start3A_133, %dma_start3A_134] : memref<10000x128xf32, #tpu.memory_space<hbm>> -> memref<10000x128xf32, #tpu.memory_space<hbm>>
    %dma_start3A_136 = tpu.memref_slice %arg8[%dma_start3A_126] : memref<4x!tpu.dma_semaphore, #tpu.memory_space<semaphore_mem>> -> memref<1x!tpu.dma_semaphore, #tpu.memory_space<semaphore_mem>>
    %dma_start3A_137 = tpu.memref_squeeze %dma_start3A_136 : memref<1x!tpu.dma_semaphore, #tpu.memory_space<semaphore_mem>> -> memref<!tpu.dma_semaphore, #tpu.memory_space<semaphore_mem>>
    tpu.enqueue_indirect_dma source(%dma_start3A_135 : memref<10000x128xf32, #tpu.memory_space<hbm>>) target(%dma_start3A_130 : memref<128x128xf32, #tpu.memory_space<vmem>>) offsets(%dma_start3A_132 : memref<128xi32, #tpu.memory_space<vmem>>) semaphore(%dma_start3A_137 : memref<!tpu.dma_semaphore, #tpu.memory_space<semaphore_mem>>)
    %dma_wait3A_138 = arith.constant 2 : i32
    %dma_wait3A_139 = arith.constant 2 : i32
    %dma_wait3A_140 = arith.constant 0 : i32
    %dma_wait3A_141 = arith.constant 0 : i32
    %dma_wait3A_142 = tpu.memref_slice %arg6[%dma_wait3A_138, %dma_wait3A_140, %dma_wait3A_141] : memref<4x128x128xf32, #tpu.memory_space<vmem>> -> memref<1x128x128xf32, #tpu.memory_space<vmem>>
    %dma_wait3A_143 = tpu.memref_squeeze %dma_wait3A_142 : memref<1x128x128xf32, #tpu.memory_space<vmem>> -> memref<128x128xf32, #tpu.memory_space<vmem>>
    %dma_wait3A_144 = arith.constant 0 : i32
    %dma_wait3A_145 = tpu.memref_slice %arg5[%dma_wait3A_144] : memref<8640xi32, #tpu.memory_space<vmem>> -> memref<128xi32, #tpu.memory_space<vmem>>
    %dma_wait3A_146 = arith.constant 0 : i32
    %dma_wait3A_147 = arith.constant 0 : i32
    %dma_wait3A_148 = tpu.memref_slice %arg2[%dma_wait3A_146, %dma_wait3A_147] : memref<10000x128xf32, #tpu.memory_space<hbm>> -> memref<10000x128xf32, #tpu.memory_space<hbm>>
    %dma_wait3A_149 = tpu.memref_slice %arg8[%dma_wait3A_139] : memref<4x!tpu.dma_semaphore, #tpu.memory_space<semaphore_mem>> -> memref<1x!tpu.dma_semaphore, #tpu.memory_space<semaphore_mem>>
    %dma_wait3A_150 = tpu.memref_squeeze %dma_wait3A_149 : memref<1x!tpu.dma_semaphore, #tpu.memory_space<semaphore_mem>> -> memref<!tpu.dma_semaphore, #tpu.memory_space<semaphore_mem>>
    tpu.wait_indirect_dma semaphore(%dma_wait3A_150 : memref<!tpu.dma_semaphore, #tpu.memory_space<semaphore_mem>>) src(%dma_wait3A_148 : memref<10000x128xf32, #tpu.memory_space<hbm>>) dst(%dma_wait3A_143 : memref<128x128xf32, #tpu.memory_space<vmem>>)
    %scan3A_151 = arith.constant 0 : i32
    %scan3A_152 = arith.constant 64 : i32
    %scan3A_153 = arith.addi %scan3A_151, %scan3A_152 : i32
    %scan3A_154 = arith.constant 1 : i32
    scf.for %scan3A_587 = %scan3A_151 to %scan3A_153 step %scan3A_154  : i32 {
      %mul3A_588 = arith.constant 1 : i32
      %mul3A_589 = arith.muli %scan3A_587, %mul3A_588 : i32
      %add3A_590 = arith.constant 0 : i32
      %add3A_591 = arith.addi %add3A_590, %mul3A_589 : i32
      %mul3A_592 = arith.constant 2 : i32
      %mul3A_593 = arith.muli %mul3A_592, %add3A_591 : i32
      %get3A = arith.constant 2 : i32
      %get3A_594 = arith.index_cast %get3A : i32 to index
      %get3A_595 = arith.index_cast %mul3A_593 : i32 to index
      %get3A_596 = arith.constant 0 : index
      %get3A_597 = tpu.vector_load %arg6[%get3A_594, %get3A_595, %get3A_596] {strides = array<i32>} : memref<4x128x128xf32, #tpu.memory_space<vmem>>, vector<16xf32>,
      %mul3A_598 = arith.constant 2 : i32
      %mul3A_599 = arith.muli %mul3A_598, %add3A_591 : i32
      %add3A_600 = arith.constant 1 : i32
      %add3A_601 = arith.addi %mul3A_599, %add3A_600 : i32
      %get3A_602 = arith.constant 2 : i32
      %get3A_603 = arith.index_cast %get3A_602 : i32 to index
      %get3A_604 = arith.index_cast %add3A_601 : i32 to index
      %get3A_605 = arith.constant 0 : index
      %get3A_606 = tpu.vector_load %arg6[%get3A_603, %get3A_604, %get3A_605] {strides = array<i32>} : memref<4x128x128xf32, #tpu.memory_space<vmem>>, vector<16xf32>,
      %pack3A = tpu.pack_subelements %get3A_597, %get3A_606 {pack_format = #tpu.pack_format<interleaved>, positions = array<i32: 0, 1>} : vector<16xf32>, vector<16xf32> -> vector<32xbf16>
      %bitcast3A = vector.bitcast %pack3A : vector<32xbf16> to vector<16xi32>
      %add3A_607 = arith.constant 0 : i32
      %add3A_608 = arith.addi %add3A_607, %add3A_591 : i32
      %swap3A = arith.constant 1 : i32
      %swap3A_609 = arith.index_cast %swap3A : i32 to index
      %swap3A_610 = arith.index_cast %add3A_608 : i32 to index
      %swap3A_611 = arith.constant 0 : index
      %swap3A_612 = tpu.vector_load %arg7[%swap3A_609, %swap3A_610, %swap3A_611] {strides = array<i32>} : memref<2x128x128xi32, #tpu.memory_space<vmem>>, vector<16xi32>,
      tpu.vector_store %arg7[%swap3A_609, %swap3A_610, %swap3A_611], %bitcast3A {strides = array<i32>} : memref<2x128x128xi32, #tpu.memory_space<vmem>>, vector<16xi32>,
      %mul3A_613 = arith.constant 2 : i32
      %mul3A_614 = arith.muli %mul3A_613, %add3A_591 : i32
      %get3A_615 = arith.constant 2 : i32
      %get3A_616 = arith.index_cast %get3A_615 : i32 to index
      %get3A_617 = arith.index_cast %mul3A_614 : i32 to index
      %get3A_618 = arith.constant 16 : index
      %get3A_619 = tpu.vector_load %arg6[%get3A_616, %get3A_617, %get3A_618] {strides = array<i32>} : memref<4x128x128xf32, #tpu.memory_space<vmem>>, vector<16xf32>,
      %mul3A_620 = arith.constant 2 : i32
      %mul3A_621 = arith.muli %mul3A_620, %add3A_591 : i32
      %add3A_622 = arith.constant 1 : i32
      %add3A_623 = arith.addi %mul3A_621, %add3A_622 : i32
      %get3A_624 = arith.constant 2 : i32
      %get3A_625 = arith.index_cast %get3A_624 : i32 to index
      %get3A_626 = arith.index_cast %add3A_623 : i32 to index
      %get3A_627 = arith.constant 16 : index
      %get3A_628 = tpu.vector_load %arg6[%get3A_625, %get3A_626, %get3A_627] {strides = array<i32>} : memref<4x128x128xf32, #tpu.memory_space<vmem>>, vector<16xf32>,
      %pack3A_629 = tpu.pack_subelements %get3A_619, %get3A_628 {pack_format = #tpu.pack_format<interleaved>, positions = array<i32: 0, 1>} : vector<16xf32>, vector<16xf32> -> vector<32xbf16>
      %bitcast3A_630 = vector.bitcast %pack3A_629 : vector<32xbf16> to vector<16xi32>
      %add3A_631 = arith.constant 0 : i32
      %add3A_632 = arith.addi %add3A_631, %add3A_591 : i32
      %swap3A_633 = arith.constant 1 : i32
      %swap3A_634 = arith.index_cast %swap3A_633 : i32 to index
      %swap3A_635 = arith.index_cast %add3A_632 : i32 to index
      %swap3A_636 = arith.constant 16 : index
      %swap3A_637 = tpu.vector_load %arg7[%swap3A_634, %swap3A_635, %swap3A_636] {strides = array<i32>} : memref<2x128x128xi32, #tpu.memory_space<vmem>>, vector<16xi32>,
      tpu.vector_store %arg7[%swap3A_634, %swap3A_635, %swap3A_636], %bitcast3A_630 {strides = array<i32>} : memref<2x128x128xi32, #tpu.memory_space<vmem>>, vector<16xi32>,
      %mul3A_638 = arith.constant 2 : i32
      %mul3A_639 = arith.muli %mul3A_638, %add3A_591 : i32
      %get3A_640 = arith.constant 2 : i32
      %get3A_641 = arith.index_cast %get3A_640 : i32 to index
      %get3A_642 = arith.index_cast %mul3A_639 : i32 to index
      %get3A_643 = arith.constant 32 : index
      %get3A_644 = tpu.vector_load %arg6[%get3A_641, %get3A_642, %get3A_643] {strides = array<i32>} : memref<4x128x128xf32, #tpu.memory_space<vmem>>, vector<16xf32>,
      %mul3A_645 = arith.constant 2 : i32
      %mul3A_646 = arith.muli %mul3A_645, %add3A_591 : i32
      %add3A_647 = arith.constant 1 : i32
      %add3A_648 = arith.addi %mul3A_646, %add3A_647 : i32
      %get3A_649 = arith.constant 2 : i32
      %get3A_650 = arith.index_cast %get3A_649 : i32 to index
      %get3A_651 = arith.index_cast %add3A_648 : i32 to index
      %get3A_652 = arith.constant 32 : index
      %get3A_653 = tpu.vector_load %arg6[%get3A_650, %get3A_651, %get3A_652] {strides = array<i32>} : memref<4x128x128xf32, #tpu.memory_space<vmem>>, vector<16xf32>,
      %pack3A_654 = tpu.pack_subelements %get3A_644, %get3A_653 {pack_format = #tpu.pack_format<interleaved>, positions = array<i32: 0, 1>} : vector<16xf32>, vector<16xf32> -> vector<32xbf16>
      %bitcast3A_655 = vector.bitcast %pack3A_654 : vector<32xbf16> to vector<16xi32>
      %add3A_656 = arith.constant 0 : i32
      %add3A_657 = arith.addi %add3A_656, %add3A_591 : i32
      %swap3A_658 = arith.constant 1 : i32
      %swap3A_659 = arith.index_cast %swap3A_658 : i32 to index
      %swap3A_660 = arith.index_cast %add3A_657 : i32 to index
      %swap3A_661 = arith.constant 32 : index
      %swap3A_662 = tpu.vector_load %arg7[%swap3A_659, %swap3A_660, %swap3A_661] {strides = array<i32>} : memref<2x128x128xi32, #tpu.memory_space<vmem>>, vector<16xi32>,
      tpu.vector_store %arg7[%swap3A_659, %swap3A_660, %swap3A_661], %bitcast3A_655 {strides = array<i32>} : memref<2x128x128xi32, #tpu.memory_space<vmem>>, vector<16xi32>,
      %mul3A_663 = arith.constant 2 : i32
      %mul3A_664 = arith.muli %mul3A_663, %add3A_591 : i32
      %get3A_665 = arith.constant 2 : i32
      %get3A_666 = arith.index_cast %get3A_665 : i32 to index
      %get3A_667 = arith.index_cast %mul3A_664 : i32 to index
      %get3A_668 = arith.constant 48 : index
      %get3A_669 = tpu.vector_load %arg6[%get3A_666, %get3A_667, %get3A_668] {strides = array<i32>} : memref<4x128x128xf32, #tpu.memory_space<vmem>>, vector<16xf32>,
      %mul3A_670 = arith.constant 2 : i32
      %mul3A_671 = arith.muli %mul3A_670, %add3A_591 : i32
      %add3A_672 = arith.constant 1 : i32
      %add3A_673 = arith.addi %mul3A_671, %add3A_672 : i32
      %get3A_674 = arith.constant 2 : i32
      %get3A_675 = arith.index_cast %get3A_674 : i32 to index
      %get3A_676 = arith.index_cast %add3A_673 : i32 to index
      %get3A_677 = arith.constant 48 : index
      %get3A_678 = tpu.vector_load %arg6[%get3A_675, %get3A_676, %get3A_677] {strides = array<i32>} : memref<4x128x128xf32, #tpu.memory_space<vmem>>, vector<16xf32>,
      %pack3A_679 = tpu.pack_subelements %get3A_669, %get3A_678 {pack_format = #tpu.pack_format<interleaved>, positions = array<i32: 0, 1>} : vector<16xf32>, vector<16xf32> -> vector<32xbf16>
      %bitcast3A_680 = vector.bitcast %pack3A_679 : vector<32xbf16> to vector<16xi32>
      %add3A_681 = arith.constant 0 : i32
      %add3A_682 = arith.addi %add3A_681, %add3A_591 : i32
      %swap3A_683 = arith.constant 1 : i32
      %swap3A_684 = arith.index_cast %swap3A_683 : i32 to index
      %swap3A_685 = arith.index_cast %add3A_682 : i32 to index
      %swap3A_686 = arith.constant 48 : index
      %swap3A_687 = tpu.vector_load %arg7[%swap3A_684, %swap3A_685, %swap3A_686] {strides = array<i32>} : memref<2x128x128xi32, #tpu.memory_space<vmem>>, vector<16xi32>,
      tpu.vector_store %arg7[%swap3A_684, %swap3A_685, %swap3A_686], %bitcast3A_680 {strides = array<i32>} : memref<2x128x128xi32, #tpu.memory_space<vmem>>, vector<16xi32>,
      %mul3A_688 = arith.constant 2 : i32
      %mul3A_689 = arith.muli %mul3A_688, %add3A_591 : i32
      %get3A_690 = arith.constant 2 : i32
      %get3A_691 = arith.index_cast %get3A_690 : i32 to index
      %get3A_692 = arith.index_cast %mul3A_689 : i32 to index
      %get3A_693 = arith.constant 64 : index
      %get3A_694 = tpu.vector_load %arg6[%get3A_691, %get3A_692, %get3A_693] {strides = array<i32>} : memref<4x128x128xf32, #tpu.memory_space<vmem>>, vector<16xf32>,
      %mul3A_695 = arith.constant 2 : i32
      %mul3A_696 = arith.muli %mul3A_695, %add3A_591 : i32
      %add3A_697 = arith.constant 1 : i32
      %add3A_698 = arith.addi %mul3A_696, %add3A_697 : i32
      %get3A_699 = arith.constant 2 : i32
      %get3A_700 = arith.index_cast %get3A_699 : i32 to index
      %get3A_701 = arith.index_cast %add3A_698 : i32 to index
      %get3A_702 = arith.constant 64 : index
      %get3A_703 = tpu.vector_load %arg6[%get3A_700, %get3A_701, %get3A_702] {strides = array<i32>} : memref<4x128x128xf32, #tpu.memory_space<vmem>>, vector<16xf32>,
      %pack3A_704 = tpu.pack_subelements %get3A_694, %get3A_703 {pack_format = #tpu.pack_format<interleaved>, positions = array<i32: 0, 1>} : vector<16xf32>, vector<16xf32> -> vector<32xbf16>
      %bitcast3A_705 = vector.bitcast %pack3A_704 : vector<32xbf16> to vector<16xi32>
      %add3A_706 = arith.constant 0 : i32
      %add3A_707 = arith.addi %add3A_706, %add3A_591 : i32
      %swap3A_708 = arith.constant 1 : i32
      %swap3A_709 = arith.index_cast %swap3A_708 : i32 to index
      %swap3A_710 = arith.index_cast %add3A_707 : i32 to index
      %swap3A_711 = arith.constant 64 : index
      %swap3A_712 = tpu.vector_load %arg7[%swap3A_709, %swap3A_710, %swap3A_711] {strides = array<i32>} : memref<2x128x128xi32, #tpu.memory_space<vmem>>, vector<16xi32>,
      tpu.vector_store %arg7[%swap3A_709, %swap3A_710, %swap3A_711], %bitcast3A_705 {strides = array<i32>} : memref<2x128x128xi32, #tpu.memory_space<vmem>>, vector<16xi32>,
      %mul3A_713 = arith.constant 2 : i32
      %mul3A_714 = arith.muli %mul3A_713, %add3A_591 : i32
      %get3A_715 = arith.constant 2 : i32
      %get3A_716 = arith.index_cast %get3A_715 : i32 to index
      %get3A_717 = arith.index_cast %mul3A_714 : i32 to index
      %get3A_718 = arith.constant 80 : index
      %get3A_719 = tpu.vector_load %arg6[%get3A_716, %get3A_717, %get3A_718] {strides = array<i32>} : memref<4x128x128xf32, #tpu.memory_space<vmem>>, vector<16xf32>,
      %mul3A_720 = arith.constant 2 : i32
      %mul3A_721 = arith.muli %mul3A_720, %add3A_591 : i32
      %add3A_722 = arith.constant 1 : i32
      %add3A_723 = arith.addi %mul3A_721, %add3A_722 : i32
      %get3A_724 = arith.constant 2 : i32
      %get3A_725 = arith.index_cast %get3A_724 : i32 to index
      %get3A_726 = arith.index_cast %add3A_723 : i32 to index
      %get3A_727 = arith.constant 80 : index
      %get3A_728 = tpu.vector_load %arg6[%get3A_725, %get3A_726, %get3A_727] {strides = array<i32>} : memref<4x128x128xf32, #tpu.memory_space<vmem>>, vector<16xf32>,
      %pack3A_729 = tpu.pack_subelements %get3A_719, %get3A_728 {pack_format = #tpu.pack_format<interleaved>, positions = array<i32: 0, 1>} : vector<16xf32>, vector<16xf32> -> vector<32xbf16>
      %bitcast3A_730 = vector.bitcast %pack3A_729 : vector<32xbf16> to vector<16xi32>
      %add3A_731 = arith.constant 0 : i32
      %add3A_732 = arith.addi %add3A_731, %add3A_591 : i32
      %swap3A_733 = arith.constant 1 : i32
      %swap3A_734 = arith.index_cast %swap3A_733 : i32 to index
      %swap3A_735 = arith.index_cast %add3A_732 : i32 to index
      %swap3A_736 = arith.constant 80 : index
      %swap3A_737 = tpu.vector_load %arg7[%swap3A_734, %swap3A_735, %swap3A_736] {strides = array<i32>} : memref<2x128x128xi32, #tpu.memory_space<vmem>>, vector<16xi32>,
      tpu.vector_store %arg7[%swap3A_734, %swap3A_735, %swap3A_736], %bitcast3A_730 {strides = array<i32>} : memref<2x128x128xi32, #tpu.memory_space<vmem>>, vector<16xi32>,
      %mul3A_738 = arith.constant 2 : i32
      %mul3A_739 = arith.muli %mul3A_738, %add3A_591 : i32
      %get3A_740 = arith.constant 2 : i32
      %get3A_741 = arith.index_cast %get3A_740 : i32 to index
      %get3A_742 = arith.index_cast %mul3A_739 : i32 to index
      %get3A_743 = arith.constant 96 : index
      %get3A_744 = tpu.vector_load %arg6[%get3A_741, %get3A_742, %get3A_743] {strides = array<i32>} : memref<4x128x128xf32, #tpu.memory_space<vmem>>, vector<16xf32>,
      %mul3A_745 = arith.constant 2 : i32
      %mul3A_746 = arith.muli %mul3A_745, %add3A_591 : i32
      %add3A_747 = arith.constant 1 : i32
      %add3A_748 = arith.addi %mul3A_746, %add3A_747 : i32
      %get3A_749 = arith.constant 2 : i32
      %get3A_750 = arith.index_cast %get3A_749 : i32 to index
      %get3A_751 = arith.index_cast %add3A_748 : i32 to index
      %get3A_752 = arith.constant 96 : index
      %get3A_753 = tpu.vector_load %arg6[%get3A_750, %get3A_751, %get3A_752] {strides = array<i32>} : memref<4x128x128xf32, #tpu.memory_space<vmem>>, vector<16xf32>,
      %pack3A_754 = tpu.pack_subelements %get3A_744, %get3A_753 {pack_format = #tpu.pack_format<interleaved>, positions = array<i32: 0, 1>} : vector<16xf32>, vector<16xf32> -> vector<32xbf16>
      %bitcast3A_755 = vector.bitcast %pack3A_754 : vector<32xbf16> to vector<16xi32>
      %add3A_756 = arith.constant 0 : i32
      %add3A_757 = arith.addi %add3A_756, %add3A_591 : i32
      %swap3A_758 = arith.constant 1 : i32
      %swap3A_759 = arith.index_cast %swap3A_758 : i32 to index
      %swap3A_760 = arith.index_cast %add3A_757 : i32 to index
      %swap3A_761 = arith.constant 96 : index
      %swap3A_762 = tpu.vector_load %arg7[%swap3A_759, %swap3A_760, %swap3A_761] {strides = array<i32>} : memref<2x128x128xi32, #tpu.memory_space<vmem>>, vector<16xi32>,
      tpu.vector_store %arg7[%swap3A_759, %swap3A_760, %swap3A_761], %bitcast3A_755 {strides = array<i32>} : memref<2x128x128xi32, #tpu.memory_space<vmem>>, vector<16xi32>,
      %mul3A_763 = arith.constant 2 : i32
      %mul3A_764 = arith.muli %mul3A_763, %add3A_591 : i32
      %get3A_765 = arith.constant 2 : i32
      %get3A_766 = arith.index_cast %get3A_765 : i32 to index
      %get3A_767 = arith.index_cast %mul3A_764 : i32 to index
      %get3A_768 = arith.constant 112 : index
      %get3A_769 = tpu.vector_load %arg6[%get3A_766, %get3A_767, %get3A_768] {strides = array<i32>} : memref<4x128x128xf32, #tpu.memory_space<vmem>>, vector<16xf32>,
      %mul3A_770 = arith.constant 2 : i32
      %mul3A_771 = arith.muli %mul3A_770, %add3A_591 : i32
      %add3A_772 = arith.constant 1 : i32
      %add3A_773 = arith.addi %mul3A_771, %add3A_772 : i32
      %get3A_774 = arith.constant 2 : i32
      %get3A_775 = arith.index_cast %get3A_774 : i32 to index
      %get3A_776 = arith.index_cast %add3A_773 : i32 to index
      %get3A_777 = arith.constant 112 : index
      %get3A_778 = tpu.vector_load %arg6[%get3A_775, %get3A_776, %get3A_777] {strides = array<i32>} : memref<4x128x128xf32, #tpu.memory_space<vmem>>, vector<16xf32>,
      %pack3A_779 = tpu.pack_subelements %get3A_769, %get3A_778 {pack_format = #tpu.pack_format<interleaved>, positions = array<i32: 0, 1>} : vector<16xf32>, vector<16xf32> -> vector<32xbf16>
      %bitcast3A_780 = vector.bitcast %pack3A_779 : vector<32xbf16> to vector<16xi32>
      %add3A_781 = arith.constant 0 : i32
      %add3A_782 = arith.addi %add3A_781, %add3A_591 : i32
      %swap3A_783 = arith.constant 1 : i32
      %swap3A_784 = arith.index_cast %swap3A_783 : i32 to index
      %swap3A_785 = arith.index_cast %add3A_782 : i32 to index
      %swap3A_786 = arith.constant 112 : index
      %swap3A_787 = tpu.vector_load %arg7[%swap3A_784, %swap3A_785, %swap3A_786] {strides = array<i32>} : memref<2x128x128xi32, #tpu.memory_space<vmem>>, vector<16xi32>,
      tpu.vector_store %arg7[%swap3A_784, %swap3A_785, %swap3A_786], %bitcast3A_780 {strides = array<i32>} : memref<2x128x128xi32, #tpu.memory_space<vmem>>, vector<16xi32>,
    }
    %scan3A_155 = arith.constant 64 : i32
    %dma_start3A_156 = arith.constant 2 : i32
    %dma_start3A_157 = arith.constant 2 : i32
    %dma_start3A_158 = arith.constant 0 : i32
    %dma_start3A_159 = arith.constant 0 : i32
    %dma_start3A_160 = tpu.memref_slice %arg6[%dma_start3A_156, %dma_start3A_158, %dma_start3A_159] : memref<4x128x128xf32, #tpu.memory_space<vmem>> -> memref<1x128x128xf32, #tpu.memory_space<vmem>>
    %dma_start3A_161 = tpu.memref_squeeze %dma_start3A_160 : memref<1x128x128xf32, #tpu.memory_space<vmem>> -> memref<128x128xf32, #tpu.memory_space<vmem>>
    %dma_start3A_162 = arith.constant 768 : i32
    %dma_start3A_163 = tpu.memref_slice %arg5[%dma_start3A_162] : memref<8640xi32, #tpu.memory_space<vmem>> -> memref<128xi32, #tpu.memory_space<vmem>>
    %dma_start3A_164 = arith.constant 0 : i32
    %dma_start3A_165 = arith.constant 0 : i32
    %dma_start3A_166 = tpu.memref_slice %arg2[%dma_start3A_164, %dma_start3A_165] : memref<10000x128xf32, #tpu.memory_space<hbm>> -> memref<10000x128xf32, #tpu.memory_space<hbm>>
    %dma_start3A_167 = tpu.memref_slice %arg8[%dma_start3A_157] : memref<4x!tpu.dma_semaphore, #tpu.memory_space<semaphore_mem>> -> memref<1x!tpu.dma_semaphore, #tpu.memory_space<semaphore_mem>>
    %dma_start3A_168 = tpu.memref_squeeze %dma_start3A_167 : memref<1x!tpu.dma_semaphore, #tpu.memory_space<semaphore_mem>> -> memref<!tpu.dma_semaphore, #tpu.memory_space<semaphore_mem>>
    tpu.enqueue_indirect_dma source(%dma_start3A_166 : memref<10000x128xf32, #tpu.memory_space<hbm>>) target(%dma_start3A_161 : memref<128x128xf32, #tpu.memory_space<vmem>>) offsets(%dma_start3A_163 : memref<128xi32, #tpu.memory_space<vmem>>) semaphore(%dma_start3A_168 : memref<!tpu.dma_semaphore, #tpu.memory_space<semaphore_mem>>)
    %dma_wait3A_169 = arith.constant 3 : i32
    %dma_wait3A_170 = arith.constant 3 : i32
    %dma_wait3A_171 = arith.constant 0 : i32
    %dma_wait3A_172 = arith.constant 0 : i32
    %dma_wait3A_173 = tpu.memref_slice %arg6[%dma_wait3A_169, %dma_wait3A_171, %dma_wait3A_172] : memref<4x128x128xf32, #tpu.memory_space<vmem>> -> memref<1x128x128xf32, #tpu.memory_space<vmem>>
    %dma_wait3A_174 = tpu.memref_squeeze %dma_wait3A_173 : memref<1x128x128xf32, #tpu.memory_space<vmem>> -> memref<128x128xf32, #tpu.memory_space<vmem>>
    %dma_wait3A_175 = arith.constant 0 : i32
    %dma_wait3A_176 = tpu.memref_slice %arg5[%dma_wait3A_175] : memref<8640xi32, #tpu.memory_space<vmem>> -> memref<128xi32, #tpu.memory_space<vmem>>
    %dma_wait3A_177 = arith.constant 0 : i32
    %dma_wait3A_178 = arith.constant 0 : i32
    %dma_wait3A_179 = tpu.memref_slice %arg2[%dma_wait3A_177, %dma_wait3A_178] : memref<10000x128xf32, #tpu.memory_space<hbm>> -> memref<10000x128xf32, #tpu.memory_space<hbm>>
    %dma_wait3A_180 = tpu.memref_slice %arg8[%dma_wait3A_170] : memref<4x!tpu.dma_semaphore, #tpu.memory_space<semaphore_mem>> -> memref<1x!tpu.dma_semaphore, #tpu.memory_space<semaphore_mem>>
    %dma_wait3A_181 = tpu.memref_squeeze %dma_wait3A_180 : memref<1x!tpu.dma_semaphore, #tpu.memory_space<semaphore_mem>> -> memref<!tpu.dma_semaphore, #tpu.memory_space<semaphore_mem>>
    tpu.wait_indirect_dma semaphore(%dma_wait3A_181 : memref<!tpu.dma_semaphore, #tpu.memory_space<semaphore_mem>>) src(%dma_wait3A_179 : memref<10000x128xf32, #tpu.memory_space<hbm>>) dst(%dma_wait3A_174 : memref<128x128xf32, #tpu.memory_space<vmem>>)
    %scan3A_182 = arith.constant 0 : i32
    %scan3A_183 = arith.constant 64 : i32
    %scan3A_184 = arith.addi %scan3A_182, %scan3A_183 : i32
    %scan3A_185 = arith.constant 1 : i32
    scf.for %scan3A_587 = %scan3A_182 to %scan3A_184 step %scan3A_185  : i32 {
      %mul3A_588 = arith.constant 1 : i32
      %mul3A_589 = arith.muli %scan3A_587, %mul3A_588 : i32
      %add3A_590 = arith.constant 0 : i32
      %add3A_591 = arith.addi %add3A_590, %mul3A_589 : i32
      %mul3A_592 = arith.constant 2 : i32
      %mul3A_593 = arith.muli %mul3A_592, %add3A_591 : i32
      %get3A = arith.constant 3 : i32
      %get3A_594 = arith.index_cast %get3A : i32 to index
      %get3A_595 = arith.index_cast %mul3A_593 : i32 to index
      %get3A_596 = arith.constant 0 : index
      %get3A_597 = tpu.vector_load %arg6[%get3A_594, %get3A_595, %get3A_596] {strides = array<i32>} : memref<4x128x128xf32, #tpu.memory_space<vmem>>, vector<16xf32>,
      %mul3A_598 = arith.constant 2 : i32
      %mul3A_599 = arith.muli %mul3A_598, %add3A_591 : i32
      %add3A_600 = arith.constant 1 : i32
      %add3A_601 = arith.addi %mul3A_599, %add3A_600 : i32
      %get3A_602 = arith.constant 3 : i32
      %get3A_603 = arith.index_cast %get3A_602 : i32 to index
      %get3A_604 = arith.index_cast %add3A_601 : i32 to index
      %get3A_605 = arith.constant 0 : index
      %get3A_606 = tpu.vector_load %arg6[%get3A_603, %get3A_604, %get3A_605] {strides = array<i32>} : memref<4x128x128xf32, #tpu.memory_space<vmem>>, vector<16xf32>,
      %pack3A = tpu.pack_subelements %get3A_597, %get3A_606 {pack_format = #tpu.pack_format<interleaved>, positions = array<i32: 0, 1>} : vector<16xf32>, vector<16xf32> -> vector<32xbf16>
      %bitcast3A = vector.bitcast %pack3A : vector<32xbf16> to vector<16xi32>
      %add3A_607 = arith.constant 64 : i32
      %add3A_608 = arith.addi %add3A_607, %add3A_591 : i32
      %swap3A = arith.constant 1 : i32
      %swap3A_609 = arith.index_cast %swap3A : i32 to index
      %swap3A_610 = arith.index_cast %add3A_608 : i32 to index
      %swap3A_611 = arith.constant 0 : index
      %swap3A_612 = tpu.vector_load %arg7[%swap3A_609, %swap3A_610, %swap3A_611] {strides = array<i32>} : memref<2x128x128xi32, #tpu.memory_space<vmem>>, vector<16xi32>,
      tpu.vector_store %arg7[%swap3A_609, %swap3A_610, %swap3A_611], %bitcast3A {strides = array<i32>} : memref<2x128x128xi32, #tpu.memory_space<vmem>>, vector<16xi32>,
      %mul3A_613 = arith.constant 2 : i32
      %mul3A_614 = arith.muli %mul3A_613, %add3A_591 : i32
      %get3A_615 = arith.constant 3 : i32
      %get3A_616 = arith.index_cast %get3A_615 : i32 to index
      %get3A_617 = arith.index_cast %mul3A_614 : i32 to index
      %get3A_618 = arith.constant 16 : index
      %get3A_619 = tpu.vector_load %arg6[%get3A_616, %get3A_617, %get3A_618] {strides = array<i32>} : memref<4x128x128xf32, #tpu.memory_space<vmem>>, vector<16xf32>,
      %mul3A_620 = arith.constant 2 : i32
      %mul3A_621 = arith.muli %mul3A_620, %add3A_591 : i32
      %add3A_622 = arith.constant 1 : i32
      %add3A_623 = arith.addi %mul3A_621, %add3A_622 : i32
      %get3A_624 = arith.constant 3 : i32
      %get3A_625 = arith.index_cast %get3A_624 : i32 to index
      %get3A_626 = arith.index_cast %add3A_623 : i32 to index
      %get3A_627 = arith.constant 16 : index
      %get3A_628 = tpu.vector_load %arg6[%get3A_625, %get3A_626, %get3A_627] {strides = array<i32>} : memref<4x128x128xf32, #tpu.memory_space<vmem>>, vector<16xf32>,
      %pack3A_629 = tpu.pack_subelements %get3A_619, %get3A_628 {pack_format = #tpu.pack_format<interleaved>, positions = array<i32: 0, 1>} : vector<16xf32>, vector<16xf32> -> vector<32xbf16>
      %bitcast3A_630 = vector.bitcast %pack3A_629 : vector<32xbf16> to vector<16xi32>
      %add3A_631 = arith.constant 64 : i32
      %add3A_632 = arith.addi %add3A_631, %add3A_591 : i32
      %swap3A_633 = arith.constant 1 : i32
      %swap3A_634 = arith.index_cast %swap3A_633 : i32 to index
      %swap3A_635 = arith.index_cast %add3A_632 : i32 to index
      %swap3A_636 = arith.constant 16 : index
      %swap3A_637 = tpu.vector_load %arg7[%swap3A_634, %swap3A_635, %swap3A_636] {strides = array<i32>} : memref<2x128x128xi32, #tpu.memory_space<vmem>>, vector<16xi32>,
      tpu.vector_store %arg7[%swap3A_634, %swap3A_635, %swap3A_636], %bitcast3A_630 {strides = array<i32>} : memref<2x128x128xi32, #tpu.memory_space<vmem>>, vector<16xi32>,
      %mul3A_638 = arith.constant 2 : i32
      %mul3A_639 = arith.muli %mul3A_638, %add3A_591 : i32
      %get3A_640 = arith.constant 3 : i32
      %get3A_641 = arith.index_cast %get3A_640 : i32 to index
      %get3A_642 = arith.index_cast %mul3A_639 : i32 to index
      %get3A_643 = arith.constant 32 : index
      %get3A_644 = tpu.vector_load %arg6[%get3A_641, %get3A_642, %get3A_643] {strides = array<i32>} : memref<4x128x128xf32, #tpu.memory_space<vmem>>, vector<16xf32>,
      %mul3A_645 = arith.constant 2 : i32
      %mul3A_646 = arith.muli %mul3A_645, %add3A_591 : i32
      %add3A_647 = arith.constant 1 : i32
      %add3A_648 = arith.addi %mul3A_646, %add3A_647 : i32
      %get3A_649 = arith.constant 3 : i32
      %get3A_650 = arith.index_cast %get3A_649 : i32 to index
      %get3A_651 = arith.index_cast %add3A_648 : i32 to index
      %get3A_652 = arith.constant 32 : index
      %get3A_653 = tpu.vector_load %arg6[%get3A_650, %get3A_651, %get3A_652] {strides = array<i32>} : memref<4x128x128xf32, #tpu.memory_space<vmem>>, vector<16xf32>,
      %pack3A_654 = tpu.pack_subelements %get3A_644, %get3A_653 {pack_format = #tpu.pack_format<interleaved>, positions = array<i32: 0, 1>} : vector<16xf32>, vector<16xf32> -> vector<32xbf16>
      %bitcast3A_655 = vector.bitcast %pack3A_654 : vector<32xbf16> to vector<16xi32>
      %add3A_656 = arith.constant 64 : i32
      %add3A_657 = arith.addi %add3A_656, %add3A_591 : i32
      %swap3A_658 = arith.constant 1 : i32
      %swap3A_659 = arith.index_cast %swap3A_658 : i32 to index
      %swap3A_660 = arith.index_cast %add3A_657 : i32 to index
      %swap3A_661 = arith.constant 32 : index
      %swap3A_662 = tpu.vector_load %arg7[%swap3A_659, %swap3A_660, %swap3A_661] {strides = array<i32>} : memref<2x128x128xi32, #tpu.memory_space<vmem>>, vector<16xi32>,
      tpu.vector_store %arg7[%swap3A_659, %swap3A_660, %swap3A_661], %bitcast3A_655 {strides = array<i32>} : memref<2x128x128xi32, #tpu.memory_space<vmem>>, vector<16xi32>,
      %mul3A_663 = arith.constant 2 : i32
      %mul3A_664 = arith.muli %mul3A_663, %add3A_591 : i32
      %get3A_665 = arith.constant 3 : i32
      %get3A_666 = arith.index_cast %get3A_665 : i32 to index
      %get3A_667 = arith.index_cast %mul3A_664 : i32 to index
      %get3A_668 = arith.constant 48 : index
      %get3A_669 = tpu.vector_load %arg6[%get3A_666, %get3A_667, %get3A_668] {strides = array<i32>} : memref<4x128x128xf32, #tpu.memory_space<vmem>>, vector<16xf32>,
      %mul3A_670 = arith.constant 2 : i32
      %mul3A_671 = arith.muli %mul3A_670, %add3A_591 : i32
      %add3A_672 = arith.constant 1 : i32
      %add3A_673 = arith.addi %mul3A_671, %add3A_672 : i32
      %get3A_674 = arith.constant 3 : i32
      %get3A_675 = arith.index_cast %get3A_674 : i32 to index
      %get3A_676 = arith.index_cast %add3A_673 : i32 to index
      %get3A_677 = arith.constant 48 : index
      %get3A_678 = tpu.vector_load %arg6[%get3A_675, %get3A_676, %get3A_677] {strides = array<i32>} : memref<4x128x128xf32, #tpu.memory_space<vmem>>, vector<16xf32>,
      %pack3A_679 = tpu.pack_subelements %get3A_669, %get3A_678 {pack_format = #tpu.pack_format<interleaved>, positions = array<i32: 0, 1>} : vector<16xf32>, vector<16xf32> -> vector<32xbf16>
      %bitcast3A_680 = vector.bitcast %pack3A_679 : vector<32xbf16> to vector<16xi32>
      %add3A_681 = arith.constant 64 : i32
      %add3A_682 = arith.addi %add3A_681, %add3A_591 : i32
      %swap3A_683 = arith.constant 1 : i32
      %swap3A_684 = arith.index_cast %swap3A_683 : i32 to index
      %swap3A_685 = arith.index_cast %add3A_682 : i32 to index
      %swap3A_686 = arith.constant 48 : index
      %swap3A_687 = tpu.vector_load %arg7[%swap3A_684, %swap3A_685, %swap3A_686] {strides = array<i32>} : memref<2x128x128xi32, #tpu.memory_space<vmem>>, vector<16xi32>,
      tpu.vector_store %arg7[%swap3A_684, %swap3A_685, %swap3A_686], %bitcast3A_680 {strides = array<i32>} : memref<2x128x128xi32, #tpu.memory_space<vmem>>, vector<16xi32>,
      %mul3A_688 = arith.constant 2 : i32
      %mul3A_689 = arith.muli %mul3A_688, %add3A_591 : i32
      %get3A_690 = arith.constant 3 : i32
      %get3A_691 = arith.index_cast %get3A_690 : i32 to index
      %get3A_692 = arith.index_cast %mul3A_689 : i32 to index
      %get3A_693 = arith.constant 64 : index
      %get3A_694 = tpu.vector_load %arg6[%get3A_691, %get3A_692, %get3A_693] {strides = array<i32>} : memref<4x128x128xf32, #tpu.memory_space<vmem>>, vector<16xf32>,
      %mul3A_695 = arith.constant 2 : i32
      %mul3A_696 = arith.muli %mul3A_695, %add3A_591 : i32
      %add3A_697 = arith.constant 1 : i32
      %add3A_698 = arith.addi %mul3A_696, %add3A_697 : i32
      %get3A_699 = arith.constant 3 : i32
      %get3A_700 = arith.index_cast %get3A_699 : i32 to index
      %get3A_701 = arith.index_cast %add3A_698 : i32 to index
      %get3A_702 = arith.constant 64 : index
      %get3A_703 = tpu.vector_load %arg6[%get3A_700, %get3A_701, %get3A_702] {strides = array<i32>} : memref<4x128x128xf32, #tpu.memory_space<vmem>>, vector<16xf32>,
      %pack3A_704 = tpu.pack_subelements %get3A_694, %get3A_703 {pack_format = #tpu.pack_format<interleaved>, positions = array<i32: 0, 1>} : vector<16xf32>, vector<16xf32> -> vector<32xbf16>
      %bitcast3A_705 = vector.bitcast %pack3A_704 : vector<32xbf16> to vector<16xi32>
      %add3A_706 = arith.constant 64 : i32
      %add3A_707 = arith.addi %add3A_706, %add3A_591 : i32
      %swap3A_708 = arith.constant 1 : i32
      %swap3A_709 = arith.index_cast %swap3A_708 : i32 to index
      %swap3A_710 = arith.index_cast %add3A_707 : i32 to index
      %swap3A_711 = arith.constant 64 : index
      %swap3A_712 = tpu.vector_load %arg7[%swap3A_709, %swap3A_710, %swap3A_711] {strides = array<i32>} : memref<2x128x128xi32, #tpu.memory_space<vmem>>, vector<16xi32>,
      tpu.vector_store %arg7[%swap3A_709, %swap3A_710, %swap3A_711], %bitcast3A_705 {strides = array<i32>} : memref<2x128x128xi32, #tpu.memory_space<vmem>>, vector<16xi32>,
      %mul3A_713 = arith.constant 2 : i32
      %mul3A_714 = arith.muli %mul3A_713, %add3A_591 : i32
      %get3A_715 = arith.constant 3 : i32
      %get3A_716 = arith.index_cast %get3A_715 : i32 to index
      %get3A_717 = arith.index_cast %mul3A_714 : i32 to index
      %get3A_718 = arith.constant 80 : index
      %get3A_719 = tpu.vector_load %arg6[%get3A_716, %get3A_717, %get3A_718] {strides = array<i32>} : memref<4x128x128xf32, #tpu.memory_space<vmem>>, vector<16xf32>,
      %mul3A_720 = arith.constant 2 : i32
      %mul3A_721 = arith.muli %mul3A_720, %add3A_591 : i32
      %add3A_722 = arith.constant 1 : i32
      %add3A_723 = arith.addi %mul3A_721, %add3A_722 : i32
      %get3A_724 = arith.constant 3 : i32
      %get3A_725 = arith.index_cast %get3A_724 : i32 to index
      %get3A_726 = arith.index_cast %add3A_723 : i32 to index
      %get3A_727 = arith.constant 80 : index
      %get3A_728 = tpu.vector_load %arg6[%get3A_725, %get3A_726, %get3A_727] {strides = array<i32>} : memref<4x128x128xf32, #tpu.memory_space<vmem>>, vector<16xf32>,
      %pack3A_729 = tpu.pack_subelements %get3A_719, %get3A_728 {pack_format = #tpu.pack_format<interleaved>, positions = array<i32: 0, 1>} : vector<16xf32>, vector<16xf32> -> vector<32xbf16>
      %bitcast3A_730 = vector.bitcast %pack3A_729 : vector<32xbf16> to vector<16xi32>
      %add3A_731 = arith.constant 64 : i32
      %add3A_732 = arith.addi %add3A_731, %add3A_591 : i32
      %swap3A_733 = arith.constant 1 : i32
      %swap3A_734 = arith.index_cast %swap3A_733 : i32 to index
      %swap3A_735 = arith.index_cast %add3A_732 : i32 to index
      %swap3A_736 = arith.constant 80 : index
      %swap3A_737 = tpu.vector_load %arg7[%swap3A_734, %swap3A_735, %swap3A_736] {strides = array<i32>} : memref<2x128x128xi32, #tpu.memory_space<vmem>>, vector<16xi32>,
      tpu.vector_store %arg7[%swap3A_734, %swap3A_735, %swap3A_736], %bitcast3A_730 {strides = array<i32>} : memref<2x128x128xi32, #tpu.memory_space<vmem>>, vector<16xi32>,
      %mul3A_738 = arith.constant 2 : i32
      %mul3A_739 = arith.muli %mul3A_738, %add3A_591 : i32
      %get3A_740 = arith.constant 3 : i32
      %get3A_741 = arith.index_cast %get3A_740 : i32 to index
      %get3A_742 = arith.index_cast %mul3A_739 : i32 to index
      %get3A_743 = arith.constant 96 : index
      %get3A_744 = tpu.vector_load %arg6[%get3A_741, %get3A_742, %get3A_743] {strides = array<i32>} : memref<4x128x128xf32, #tpu.memory_space<vmem>>, vector<16xf32>,
      %mul3A_745 = arith.constant 2 : i32
      %mul3A_746 = arith.muli %mul3A_745, %add3A_591 : i32
      %add3A_747 = arith.constant 1 : i32
      %add3A_748 = arith.addi %mul3A_746, %add3A_747 : i32
      %get3A_749 = arith.constant 3 : i32
      %get3A_750 = arith.index_cast %get3A_749 : i32 to index
      %get3A_751 = arith.index_cast %add3A_748 : i32 to index
      %get3A_752 = arith.constant 96 : index
      %get3A_753 = tpu.vector_load %arg6[%get3A_750, %get3A_751, %get3A_752] {strides = array<i32>} : memref<4x128x128xf32, #tpu.memory_space<vmem>>, vector<16xf32>,
      %pack3A_754 = tpu.pack_subelements %get3A_744, %get3A_753 {pack_format = #tpu.pack_format<interleaved>, positions = array<i32: 0, 1>} : vector<16xf32>, vector<16xf32> -> vector<32xbf16>
      %bitcast3A_755 = vector.bitcast %pack3A_754 : vector<32xbf16> to vector<16xi32>
      %add3A_756 = arith.constant 64 : i32
      %add3A_757 = arith.addi %add3A_756, %add3A_591 : i32
      %swap3A_758 = arith.constant 1 : i32
      %swap3A_759 = arith.index_cast %swap3A_758 : i32 to index
      %swap3A_760 = arith.index_cast %add3A_757 : i32 to index
      %swap3A_761 = arith.constant 96 : index
      %swap3A_762 = tpu.vector_load %arg7[%swap3A_759, %swap3A_760, %swap3A_761] {strides = array<i32>} : memref<2x128x128xi32, #tpu.memory_space<vmem>>, vector<16xi32>,
      tpu.vector_store %arg7[%swap3A_759, %swap3A_760, %swap3A_761], %bitcast3A_755 {strides = array<i32>} : memref<2x128x128xi32, #tpu.memory_space<vmem>>, vector<16xi32>,
      %mul3A_763 = arith.constant 2 : i32
      %mul3A_764 = arith.muli %mul3A_763, %add3A_591 : i32
      %get3A_765 = arith.constant 3 : i32
      %get3A_766 = arith.index_cast %get3A_765 : i32 to index
      %get3A_767 = arith.index_cast %mul3A_764 : i32 to index
      %get3A_768 = arith.constant 112 : index
      %get3A_769 = tpu.vector_load %arg6[%get3A_766, %get3A_767, %get3A_768] {strides = array<i32>} : memref<4x128x128xf32, #tpu.memory_space<vmem>>, vector<16xf32>,
      %mul3A_770 = arith.constant 2 : i32
      %mul3A_771 = arith.muli %mul3A_770, %add3A_591 : i32
      %add3A_772 = arith.constant 1 : i32
      %add3A_773 = arith.addi %mul3A_771, %add3A_772 : i32
      %get3A_774 = arith.constant 3 : i32
      %get3A_775 = arith.index_cast %get3A_774 : i32 to index
      %get3A_776 = arith.index_cast %add3A_773 : i32 to index
      %get3A_777 = arith.constant 112 : index
      %get3A_778 = tpu.vector_load %arg6[%get3A_775, %get3A_776, %get3A_777] {strides = array<i32>} : memref<4x128x128xf32, #tpu.memory_space<vmem>>, vector<16xf32>,
      %pack3A_779 = tpu.pack_subelements %get3A_769, %get3A_778 {pack_format = #tpu.pack_format<interleaved>, positions = array<i32: 0, 1>} : vector<16xf32>, vector<16xf32> -> vector<32xbf16>
      %bitcast3A_780 = vector.bitcast %pack3A_779 : vector<32xbf16> to vector<16xi32>
      %add3A_781 = arith.constant 64 : i32
      %add3A_782 = arith.addi %add3A_781, %add3A_591 : i32
      %swap3A_783 = arith.constant 1 : i32
      %swap3A_784 = arith.index_cast %swap3A_783 : i32 to index
      %swap3A_785 = arith.index_cast %add3A_782 : i32 to index
      %swap3A_786 = arith.constant 112 : index
      %swap3A_787 = tpu.vector_load %arg7[%swap3A_784, %swap3A_785, %swap3A_786] {strides = array<i32>} : memref<2x128x128xi32, #tpu.memory_space<vmem>>, vector<16xi32>,
      tpu.vector_store %arg7[%swap3A_784, %swap3A_785, %swap3A_786], %bitcast3A_780 {strides = array<i32>} : memref<2x128x128xi32, #tpu.memory_space<vmem>>, vector<16xi32>,
    }
    %scan3A_186 = arith.constant 64 : i32
    %add3A_187 = arith.constant 128 : i32
    %add3A_188 = arith.addi %mul3A_4, %add3A_187 : i32
    %dma_start3A_189 = arith.constant 1 : i32
    %dma_start3A_190 = arith.constant 1 : i32
    %dma_start3A_191 = arith.constant 0 : i32
    %dma_start3A_192 = arith.constant 0 : i32
    %dma_start3A_193 = tpu.memref_slice %arg7[%dma_start3A_189, %dma_start3A_191, %dma_start3A_192] : memref<2x128x128xi32, #tpu.memory_space<vmem>> -> memref<1x128x128xi32, #tpu.memory_space<vmem>>
    %dma_start3A_194 = tpu.memref_squeeze %dma_start3A_193 : memref<1x128x128xi32, #tpu.memory_space<vmem>> -> memref<128x128xi32, #tpu.memory_space<vmem>>
    %dma_start3A_195 = arith.constant 0 : i32
    %dma_start3A_196 = tpu.memref_slice %arg4[%add3A_188, %dma_start3A_195] : memref<138240x128xi32, #tpu.memory_space<hbm>> -> memref<128x128xi32, #tpu.memory_space<hbm>>
    %dma_start3A_197 = tpu.memref_slice %arg9[%dma_start3A_190] : memref<2x!tpu.dma_semaphore, #tpu.memory_space<semaphore_mem>> -> memref<1x!tpu.dma_semaphore, #tpu.memory_space<semaphore_mem>>
    %dma_start3A_198 = tpu.memref_squeeze %dma_start3A_197 : memref<1x!tpu.dma_semaphore, #tpu.memory_space<semaphore_mem>> -> memref<!tpu.dma_semaphore, #tpu.memory_space<semaphore_mem>>
    %dma_start3A_199 = arith.constant 0 : i32
    %dma_start3A_200 = tpu.memref_slice %arg4[%add3A_188, %dma_start3A_199] : memref<138240x128xi32, #tpu.memory_space<hbm>> -> memref<128x128xi32, #tpu.memory_space<hbm>>
    %dma_start3A_201 = arith.constant 0 : i32
    %dma_start3A_202 = arith.constant 0 : i32
    %dma_start3A_203 = tpu.memref_slice %arg7[%dma_start3A_189, %dma_start3A_201, %dma_start3A_202] : memref<2x128x128xi32, #tpu.memory_space<vmem>> -> memref<1x128x128xi32, #tpu.memory_space<vmem>>
    %dma_start3A_204 = tpu.memref_squeeze %dma_start3A_203 : memref<1x128x128xi32, #tpu.memory_space<vmem>> -> memref<128x128xi32, #tpu.memory_space<vmem>>
    tpu.enqueue_dma source(%dma_start3A_204 : memref<128x128xi32, #tpu.memory_space<vmem>>) target(%dma_start3A_200 : memref<128x128xi32, #tpu.memory_space<hbm>>) target_semaphore(%dma_start3A_198 : memref<!tpu.dma_semaphore, #tpu.memory_space<semaphore_mem>>)
    %dma_start3A_205 = arith.constant 3 : i32
    %dma_start3A_206 = arith.constant 3 : i32
    %dma_start3A_207 = arith.constant 0 : i32
    %dma_start3A_208 = arith.constant 0 : i32
    %dma_start3A_209 = tpu.memref_slice %arg6[%dma_start3A_205, %dma_start3A_207, %dma_start3A_208] : memref<4x128x128xf32, #tpu.memory_space<vmem>> -> memref<1x128x128xf32, #tpu.memory_space<vmem>>
    %dma_start3A_210 = tpu.memref_squeeze %dma_start3A_209 : memref<1x128x128xf32, #tpu.memory_space<vmem>> -> memref<128x128xf32, #tpu.memory_space<vmem>>
    %dma_start3A_211 = arith.constant 896 : i32
    %dma_start3A_212 = tpu.memref_slice %arg5[%dma_start3A_211] : memref<8640xi32, #tpu.memory_space<vmem>> -> memref<128xi32, #tpu.memory_space<vmem>>
    %dma_start3A_213 = arith.constant 0 : i32
    %dma_start3A_214 = arith.constant 0 : i32
    %dma_start3A_215 = tpu.memref_slice %arg2[%dma_start3A_213, %dma_start3A_214] : memref<10000x128xf32, #tpu.memory_space<hbm>> -> memref<10000x128xf32, #tpu.memory_space<hbm>>
    %dma_start3A_216 = tpu.memref_slice %arg8[%dma_start3A_206] : memref<4x!tpu.dma_semaphore, #tpu.memory_space<semaphore_mem>> -> memref<1x!tpu.dma_semaphore, #tpu.memory_space<semaphore_mem>>
    %dma_start3A_217 = tpu.memref_squeeze %dma_start3A_216 : memref<1x!tpu.dma_semaphore, #tpu.memory_space<semaphore_mem>> -> memref<!tpu.dma_semaphore, #tpu.memory_space<semaphore_mem>>
    tpu.enqueue_indirect_dma source(%dma_start3A_215 : memref<10000x128xf32, #tpu.memory_space<hbm>>) target(%dma_start3A_210 : memref<128x128xf32, #tpu.memory_space<vmem>>) offsets(%dma_start3A_212 : memref<128xi32, #tpu.memory_space<vmem>>) semaphore(%dma_start3A_217 : memref<!tpu.dma_semaphore, #tpu.memory_space<semaphore_mem>>)
    %scan3A_218 = arith.constant 0 : i32
    %scan3A_219 = arith.constant 14 : i32
    %scan3A_220 = arith.addi %scan3A_218, %scan3A_219 : i32
    %scan3A_221 = arith.constant 1 : i32
    scf.for %scan3A_587 = %scan3A_218 to %scan3A_220 step %scan3A_221  : i32 {
      %mul3A_588 = arith.constant 4 : i32
      %mul3A_589 = arith.muli %scan3A_587, %mul3A_588 : i32
      %add3A_590 = arith.constant 4 : i32
      %add3A_591 = arith.addi %add3A_590, %mul3A_589 : i32
      %dma_wait3A_592 = arith.constant 0 : i32
      %dma_wait3A_593 = arith.constant 0 : i32
      %dma_wait3A_594 = arith.constant 0 : i32
      %dma_wait3A_595 = arith.constant 0 : i32
      %dma_wait3A_596 = tpu.memref_slice %arg6[%dma_wait3A_592, %dma_wait3A_594, %dma_wait3A_595] : memref<4x128x128xf32, #tpu.memory_space<vmem>> -> memref<1x128x128xf32, #tpu.memory_space<vmem>>
      %dma_wait3A_597 = tpu.memref_squeeze %dma_wait3A_596 : memref<1x128x128xf32, #tpu.memory_space<vmem>> -> memref<128x128xf32, #tpu.memory_space<vmem>>
      %dma_wait3A_598 = arith.constant 0 : i32
      %dma_wait3A_599 = tpu.memref_slice %arg5[%dma_wait3A_598] : memref<8640xi32, #tpu.memory_space<vmem>> -> memref<128xi32, #tpu.memory_space<vmem>>
      %dma_wait3A_600 = arith.constant 0 : i32
      %dma_wait3A_601 = arith.constant 0 : i32
      %dma_wait3A_602 = tpu.memref_slice %arg2[%dma_wait3A_600, %dma_wait3A_601] : memref<10000x128xf32, #tpu.memory_space<hbm>> -> memref<10000x128xf32, #tpu.memory_space<hbm>>
      %dma_wait3A_603 = tpu.memref_slice %arg8[%dma_wait3A_593] : memref<4x!tpu.dma_semaphore, #tpu.memory_space<semaphore_mem>> -> memref<1x!tpu.dma_semaphore, #tpu.memory_space<semaphore_mem>>
      %dma_wait3A_604 = tpu.memref_squeeze %dma_wait3A_603 : memref<1x!tpu.dma_semaphore, #tpu.memory_space<semaphore_mem>> -> memref<!tpu.dma_semaphore, #tpu.memory_space<semaphore_mem>>
      tpu.wait_indirect_dma semaphore(%dma_wait3A_604 : memref<!tpu.dma_semaphore, #tpu.memory_space<semaphore_mem>>) src(%dma_wait3A_602 : memref<10000x128xf32, #tpu.memory_space<hbm>>) dst(%dma_wait3A_597 : memref<128x128xf32, #tpu.memory_space<vmem>>)
      %dma_wait3A_605 = arith.constant 0 : i32
      %dma_wait3A_606 = arith.constant 0 : i32
      %dma_wait3A_607 = arith.constant 0 : i32
      %dma_wait3A_608 = arith.constant 0 : i32
      %dma_wait3A_609 = tpu.memref_slice %arg7[%dma_wait3A_605, %dma_wait3A_607, %dma_wait3A_608] : memref<2x128x128xi32, #tpu.memory_space<vmem>> -> memref<1x128x128xi32, #tpu.memory_space<vmem>>
      %dma_wait3A_610 = tpu.memref_squeeze %dma_wait3A_609 : memref<1x128x128xi32, #tpu.memory_space<vmem>> -> memref<128x128xi32, #tpu.memory_space<vmem>>
      %dma_wait3A_611 = arith.constant 0 : i32
      %dma_wait3A_612 = tpu.memref_slice %arg4[%mul3A_4, %dma_wait3A_611] : memref<138240x128xi32, #tpu.memory_space<hbm>> -> memref<128x128xi32, #tpu.memory_space<hbm>>
      %dma_wait3A_613 = tpu.memref_slice %arg9[%dma_wait3A_606] : memref<2x!tpu.dma_semaphore, #tpu.memory_space<semaphore_mem>> -> memref<1x!tpu.dma_semaphore, #tpu.memory_space<semaphore_mem>>
      %dma_wait3A_614 = tpu.memref_squeeze %dma_wait3A_613 : memref<1x!tpu.dma_semaphore, #tpu.memory_space<semaphore_mem>> -> memref<!tpu.dma_semaphore, #tpu.memory_space<semaphore_mem>>
      %dma_wait3A_615 = arith.constant 0 : i32
      %dma_wait3A_616 = tpu.memref_slice %arg4[%mul3A_4, %dma_wait3A_615] : memref<138240x128xi32, #tpu.memory_space<hbm>> -> memref<128x128xi32, #tpu.memory_space<hbm>>
      %dma_wait3A_617 = arith.constant 0 : i32
      %dma_wait3A_618 = arith.constant 0 : i32
      %dma_wait3A_619 = tpu.memref_slice %arg7[%dma_wait3A_605, %dma_wait3A_617, %dma_wait3A_618] : memref<2x128x128xi32, #tpu.memory_space<vmem>> -> memref<1x128x128xi32, #tpu.memory_space<vmem>>
      %dma_wait3A_620 = tpu.memref_squeeze %dma_wait3A_619 : memref<1x128x128xi32, #tpu.memory_space<vmem>> -> memref<128x128xi32, #tpu.memory_space<vmem>>
      tpu.wait_dma2 semaphore(%dma_wait3A_614 : memref<!tpu.dma_semaphore, #tpu.memory_space<semaphore_mem>>) src(%dma_wait3A_620 : memref<128x128xi32, #tpu.memory_space<vmem>>) dst(%dma_wait3A_616 : memref<128x128xi32, #tpu.memory_space<hbm>>)
      %scan3A_621 = arith.constant 0 : i32
      %scan3A_622 = arith.constant 64 : i32
      %scan3A_623 = arith.addi %scan3A_621, %scan3A_622 : i32
      %scan3A_624 = arith.constant 1 : i32
      scf.for %scan3A_813 = %scan3A_621 to %scan3A_623 step %scan3A_624  : i32 {
        %mul3A_814 = arith.constant 1 : i32
        %mul3A_815 = arith.muli %scan3A_813, %mul3A_814 : i32
        %add3A_816 = arith.constant 0 : i32
        %add3A_817 = arith.addi %add3A_816, %mul3A_815 : i32
        %mul3A_818 = arith.constant 2 : i32
        %mul3A_819 = arith.muli %mul3A_818, %add3A_817 : i32
        %get3A = arith.constant 0 : i32
        %get3A_820 = arith.index_cast %get3A : i32 to index
        %get3A_821 = arith.index_cast %mul3A_819 : i32 to index
        %get3A_822 = arith.constant 0 : index
        %get3A_823 = tpu.vector_load %arg6[%get3A_820, %get3A_821, %get3A_822] {strides = array<i32>} : memref<4x128x128xf32, #tpu.memory_space<vmem>>, vector<16xf32>,
        %mul3A_824 = arith.constant 2 : i32
        %mul3A_825 = arith.muli %mul3A_824, %add3A_817 : i32
        %add3A_826 = arith.constant 1 : i32
        %add3A_827 = arith.addi %mul3A_825, %add3A_826 : i32
        %get3A_828 = arith.constant 0 : i32
        %get3A_829 = arith.index_cast %get3A_828 : i32 to index
        %get3A_830 = arith.index_cast %add3A_827 : i32 to index
        %get3A_831 = arith.constant 0 : index
        %get3A_832 = tpu.vector_load %arg6[%get3A_829, %get3A_830, %get3A_831] {strides = array<i32>} : memref<4x128x128xf32, #tpu.memory_space<vmem>>, vector<16xf32>,
        %pack3A = tpu.pack_subelements %get3A_823, %get3A_832 {pack_format = #tpu.pack_format<interleaved>, positions = array<i32: 0, 1>} : vector<16xf32>, vector<16xf32> -> vector<32xbf16>
        %bitcast3A = vector.bitcast %pack3A : vector<32xbf16> to vector<16xi32>
        %add3A_833 = arith.constant 0 : i32
        %add3A_834 = arith.addi %add3A_833, %add3A_817 : i32
        %swap3A = arith.constant 0 : i32
        %swap3A_835 = arith.index_cast %swap3A : i32 to index
        %swap3A_836 = arith.index_cast %add3A_834 : i32 to index
        %swap3A_837 = arith.constant 0 : index
        %swap3A_838 = tpu.vector_load %arg7[%swap3A_835, %swap3A_836, %swap3A_837] {strides = array<i32>} : memref<2x128x128xi32, #tpu.memory_space<vmem>>, vector<16xi32>,
        tpu.vector_store %arg7[%swap3A_835, %swap3A_836, %swap3A_837], %bitcast3A {strides = array<i32>} : memref<2x128x128xi32, #tpu.memory_space<vmem>>, vector<16xi32>,
        %mul3A_839 = arith.constant 2 : i32
        %mul3A_840 = arith.muli %mul3A_839, %add3A_817 : i32
        %get3A_841 = arith.constant 0 : i32
        %get3A_842 = arith.index_cast %get3A_841 : i32 to index
        %get3A_843 = arith.index_cast %mul3A_840 : i32 to index
        %get3A_844 = arith.constant 16 : index
        %get3A_845 = tpu.vector_load %arg6[%get3A_842, %get3A_843, %get3A_844] {strides = array<i32>} : memref<4x128x128xf32, #tpu.memory_space<vmem>>, vector<16xf32>,
        %mul3A_846 = arith.constant 2 : i32
        %mul3A_847 = arith.muli %mul3A_846, %add3A_817 : i32
        %add3A_848 = arith.constant 1 : i32
        %add3A_849 = arith.addi %mul3A_847, %add3A_848 : i32
        %get3A_850 = arith.constant 0 : i32
        %get3A_851 = arith.index_cast %get3A_850 : i32 to index
        %get3A_852 = arith.index_cast %add3A_849 : i32 to index
        %get3A_853 = arith.constant 16 : index
        %get3A_854 = tpu.vector_load %arg6[%get3A_851, %get3A_852, %get3A_853] {strides = array<i32>} : memref<4x128x128xf32, #tpu.memory_space<vmem>>, vector<16xf32>,
        %pack3A_855 = tpu.pack_subelements %get3A_845, %get3A_854 {pack_format = #tpu.pack_format<interleaved>, positions = array<i32: 0, 1>} : vector<16xf32>, vector<16xf32> -> vector<32xbf16>
        %bitcast3A_856 = vector.bitcast %pack3A_855 : vector<32xbf16> to vector<16xi32>
        %add3A_857 = arith.constant 0 : i32
        %add3A_858 = arith.addi %add3A_857, %add3A_817 : i32
        %swap3A_859 = arith.constant 0 : i32
        %swap3A_860 = arith.index_cast %swap3A_859 : i32 to index
        %swap3A_861 = arith.index_cast %add3A_858 : i32 to index
        %swap3A_862 = arith.constant 16 : index
        %swap3A_863 = tpu.vector_load %arg7[%swap3A_860, %swap3A_861, %swap3A_862] {strides = array<i32>} : memref<2x128x128xi32, #tpu.memory_space<vmem>>, vector<16xi32>,
        tpu.vector_store %arg7[%swap3A_860, %swap3A_861, %swap3A_862], %bitcast3A_856 {strides = array<i32>} : memref<2x128x128xi32, #tpu.memory_space<vmem>>, vector<16xi32>,
        %mul3A_864 = arith.constant 2 : i32
        %mul3A_865 = arith.muli %mul3A_864, %add3A_817 : i32
        %get3A_866 = arith.constant 0 : i32
        %get3A_867 = arith.index_cast %get3A_866 : i32 to index
        %get3A_868 = arith.index_cast %mul3A_865 : i32 to index
        %get3A_869 = arith.constant 32 : index
        %get3A_870 = tpu.vector_load %arg6[%get3A_867, %get3A_868, %get3A_869] {strides = array<i32>} : memref<4x128x128xf32, #tpu.memory_space<vmem>>, vector<16xf32>,
        %mul3A_871 = arith.constant 2 : i32
        %mul3A_872 = arith.muli %mul3A_871, %add3A_817 : i32
        %add3A_873 = arith.constant 1 : i32
        %add3A_874 = arith.addi %mul3A_872, %add3A_873 : i32
        %get3A_875 = arith.constant 0 : i32
        %get3A_876 = arith.index_cast %get3A_875 : i32 to index
        %get3A_877 = arith.index_cast %add3A_874 : i32 to index
        %get3A_878 = arith.constant 32 : index
        %get3A_879 = tpu.vector_load %arg6[%get3A_876, %get3A_877, %get3A_878] {strides = array<i32>} : memref<4x128x128xf32, #tpu.memory_space<vmem>>, vector<16xf32>,
        %pack3A_880 = tpu.pack_subelements %get3A_870, %get3A_879 {pack_format = #tpu.pack_format<interleaved>, positions = array<i32: 0, 1>} : vector<16xf32>, vector<16xf32> -> vector<32xbf16>
        %bitcast3A_881 = vector.bitcast %pack3A_880 : vector<32xbf16> to vector<16xi32>
        %add3A_882 = arith.constant 0 : i32
        %add3A_883 = arith.addi %add3A_882, %add3A_817 : i32
        %swap3A_884 = arith.constant 0 : i32
        %swap3A_885 = arith.index_cast %swap3A_884 : i32 to index
        %swap3A_886 = arith.index_cast %add3A_883 : i32 to index
        %swap3A_887 = arith.constant 32 : index
        %swap3A_888 = tpu.vector_load %arg7[%swap3A_885, %swap3A_886, %swap3A_887] {strides = array<i32>} : memref<2x128x128xi32, #tpu.memory_space<vmem>>, vector<16xi32>,
        tpu.vector_store %arg7[%swap3A_885, %swap3A_886, %swap3A_887], %bitcast3A_881 {strides = array<i32>} : memref<2x128x128xi32, #tpu.memory_space<vmem>>, vector<16xi32>,
        %mul3A_889 = arith.constant 2 : i32
        %mul3A_890 = arith.muli %mul3A_889, %add3A_817 : i32
        %get3A_891 = arith.constant 0 : i32
        %get3A_892 = arith.index_cast %get3A_891 : i32 to index
        %get3A_893 = arith.index_cast %mul3A_890 : i32 to index
        %get3A_894 = arith.constant 48 : index
        %get3A_895 = tpu.vector_load %arg6[%get3A_892, %get3A_893, %get3A_894] {strides = array<i32>} : memref<4x128x128xf32, #tpu.memory_space<vmem>>, vector<16xf32>,
        %mul3A_896 = arith.constant 2 : i32
        %mul3A_897 = arith.muli %mul3A_896, %add3A_817 : i32
        %add3A_898 = arith.constant 1 : i32
        %add3A_899 = arith.addi %mul3A_897, %add3A_898 : i32
        %get3A_900 = arith.constant 0 : i32
        %get3A_901 = arith.index_cast %get3A_900 : i32 to index
        %get3A_902 = arith.index_cast %add3A_899 : i32 to index
        %get3A_903 = arith.constant 48 : index
        %get3A_904 = tpu.vector_load %arg6[%get3A_901, %get3A_902, %get3A_903] {strides = array<i32>} : memref<4x128x128xf32, #tpu.memory_space<vmem>>, vector<16xf32>,
        %pack3A_905 = tpu.pack_subelements %get3A_895, %get3A_904 {pack_format = #tpu.pack_format<interleaved>, positions = array<i32: 0, 1>} : vector<16xf32>, vector<16xf32> -> vector<32xbf16>
        %bitcast3A_906 = vector.bitcast %pack3A_905 : vector<32xbf16> to vector<16xi32>
        %add3A_907 = arith.constant 0 : i32
        %add3A_908 = arith.addi %add3A_907, %add3A_817 : i32
        %swap3A_909 = arith.constant 0 : i32
        %swap3A_910 = arith.index_cast %swap3A_909 : i32 to index
        %swap3A_911 = arith.index_cast %add3A_908 : i32 to index
        %swap3A_912 = arith.constant 48 : index
        %swap3A_913 = tpu.vector_load %arg7[%swap3A_910, %swap3A_911, %swap3A_912] {strides = array<i32>} : memref<2x128x128xi32, #tpu.memory_space<vmem>>, vector<16xi32>,
        tpu.vector_store %arg7[%swap3A_910, %swap3A_911, %swap3A_912], %bitcast3A_906 {strides = array<i32>} : memref<2x128x128xi32, #tpu.memory_space<vmem>>, vector<16xi32>,
        %mul3A_914 = arith.constant 2 : i32
        %mul3A_915 = arith.muli %mul3A_914, %add3A_817 : i32
        %get3A_916 = arith.constant 0 : i32
        %get3A_917 = arith.index_cast %get3A_916 : i32 to index
        %get3A_918 = arith.index_cast %mul3A_915 : i32 to index
        %get3A_919 = arith.constant 64 : index
        %get3A_920 = tpu.vector_load %arg6[%get3A_917, %get3A_918, %get3A_919] {strides = array<i32>} : memref<4x128x128xf32, #tpu.memory_space<vmem>>, vector<16xf32>,
        %mul3A_921 = arith.constant 2 : i32
        %mul3A_922 = arith.muli %mul3A_921, %add3A_817 : i32
        %add3A_923 = arith.constant 1 : i32
        %add3A_924 = arith.addi %mul3A_922, %add3A_923 : i32
        %get3A_925 = arith.constant 0 : i32
        %get3A_926 = arith.index_cast %get3A_925 : i32 to index
        %get3A_927 = arith.index_cast %add3A_924 : i32 to index
        %get3A_928 = arith.constant 64 : index
        %get3A_929 = tpu.vector_load %arg6[%get3A_926, %get3A_927, %get3A_928] {strides = array<i32>} : memref<4x128x128xf32, #tpu.memory_space<vmem>>, vector<16xf32>,
        %pack3A_930 = tpu.pack_subelements %get3A_920, %get3A_929 {pack_format = #tpu.pack_format<interleaved>, positions = array<i32: 0, 1>} : vector<16xf32>, vector<16xf32> -> vector<32xbf16>
        %bitcast3A_931 = vector.bitcast %pack3A_930 : vector<32xbf16> to vector<16xi32>
        %add3A_932 = arith.constant 0 : i32
        %add3A_933 = arith.addi %add3A_932, %add3A_817 : i32
        %swap3A_934 = arith.constant 0 : i32
        %swap3A_935 = arith.index_cast %swap3A_934 : i32 to index
        %swap3A_936 = arith.index_cast %add3A_933 : i32 to index
        %swap3A_937 = arith.constant 64 : index
        %swap3A_938 = tpu.vector_load %arg7[%swap3A_935, %swap3A_936, %swap3A_937] {strides = array<i32>} : memref<2x128x128xi32, #tpu.memory_space<vmem>>, vector<16xi32>,
        tpu.vector_store %arg7[%swap3A_935, %swap3A_936, %swap3A_937], %bitcast3A_931 {strides = array<i32>} : memref<2x128x128xi32, #tpu.memory_space<vmem>>, vector<16xi32>,
        %mul3A_939 = arith.constant 2 : i32
        %mul3A_940 = arith.muli %mul3A_939, %add3A_817 : i32
        %get3A_941 = arith.constant 0 : i32
        %get3A_942 = arith.index_cast %get3A_941 : i32 to index
        %get3A_943 = arith.index_cast %mul3A_940 : i32 to index
        %get3A_944 = arith.constant 80 : index
        %get3A_945 = tpu.vector_load %arg6[%get3A_942, %get3A_943, %get3A_944] {strides = array<i32>} : memref<4x128x128xf32, #tpu.memory_space<vmem>>, vector<16xf32>,
        %mul3A_946 = arith.constant 2 : i32
        %mul3A_947 = arith.muli %mul3A_946, %add3A_817 : i32
        %add3A_948 = arith.constant 1 : i32
        %add3A_949 = arith.addi %mul3A_947, %add3A_948 : i32
        %get3A_950 = arith.constant 0 : i32
        %get3A_951 = arith.index_cast %get3A_950 : i32 to index
        %get3A_952 = arith.index_cast %add3A_949 : i32 to index
        %get3A_953 = arith.constant 80 : index
        %get3A_954 = tpu.vector_load %arg6[%get3A_951, %get3A_952, %get3A_953] {strides = array<i32>} : memref<4x128x128xf32, #tpu.memory_space<vmem>>, vector<16xf32>,
        %pack3A_955 = tpu.pack_subelements %get3A_945, %get3A_954 {pack_format = #tpu.pack_format<interleaved>, positions = array<i32: 0, 1>} : vector<16xf32>, vector<16xf32> -> vector<32xbf16>
        %bitcast3A_956 = vector.bitcast %pack3A_955 : vector<32xbf16> to vector<16xi32>
        %add3A_957 = arith.constant 0 : i32
        %add3A_958 = arith.addi %add3A_957, %add3A_817 : i32
        %swap3A_959 = arith.constant 0 : i32
        %swap3A_960 = arith.index_cast %swap3A_959 : i32 to index
        %swap3A_961 = arith.index_cast %add3A_958 : i32 to index
        %swap3A_962 = arith.constant 80 : index
        %swap3A_963 = tpu.vector_load %arg7[%swap3A_960, %swap3A_961, %swap3A_962] {strides = array<i32>} : memref<2x128x128xi32, #tpu.memory_space<vmem>>, vector<16xi32>,
        tpu.vector_store %arg7[%swap3A_960, %swap3A_961, %swap3A_962], %bitcast3A_956 {strides = array<i32>} : memref<2x128x128xi32, #tpu.memory_space<vmem>>, vector<16xi32>,
        %mul3A_964 = arith.constant 2 : i32
        %mul3A_965 = arith.muli %mul3A_964, %add3A_817 : i32
        %get3A_966 = arith.constant 0 : i32
        %get3A_967 = arith.index_cast %get3A_966 : i32 to index
        %get3A_968 = arith.index_cast %mul3A_965 : i32 to index
        %get3A_969 = arith.constant 96 : index
        %get3A_970 = tpu.vector_load %arg6[%get3A_967, %get3A_968, %get3A_969] {strides = array<i32>} : memref<4x128x128xf32, #tpu.memory_space<vmem>>, vector<16xf32>,
        %mul3A_971 = arith.constant 2 : i32
        %mul3A_972 = arith.muli %mul3A_971, %add3A_817 : i32
        %add3A_973 = arith.constant 1 : i32
        %add3A_974 = arith.addi %mul3A_972, %add3A_973 : i32
        %get3A_975 = arith.constant 0 : i32
        %get3A_976 = arith.index_cast %get3A_975 : i32 to index
        %get3A_977 = arith.index_cast %add3A_974 : i32 to index
        %get3A_978 = arith.constant 96 : index
        %get3A_979 = tpu.vector_load %arg6[%get3A_976, %get3A_977, %get3A_978] {strides = array<i32>} : memref<4x128x128xf32, #tpu.memory_space<vmem>>, vector<16xf32>,
        %pack3A_980 = tpu.pack_subelements %get3A_970, %get3A_979 {pack_format = #tpu.pack_format<interleaved>, positions = array<i32: 0, 1>} : vector<16xf32>, vector<16xf32> -> vector<32xbf16>
        %bitcast3A_981 = vector.bitcast %pack3A_980 : vector<32xbf16> to vector<16xi32>
        %add3A_982 = arith.constant 0 : i32
        %add3A_983 = arith.addi %add3A_982, %add3A_817 : i32
        %swap3A_984 = arith.constant 0 : i32
        %swap3A_985 = arith.index_cast %swap3A_984 : i32 to index
        %swap3A_986 = arith.index_cast %add3A_983 : i32 to index
        %swap3A_987 = arith.constant 96 : index
        %swap3A_988 = tpu.vector_load %arg7[%swap3A_985, %swap3A_986, %swap3A_987] {strides = array<i32>} : memref<2x128x128xi32, #tpu.memory_space<vmem>>, vector<16xi32>,
        tpu.vector_store %arg7[%swap3A_985, %swap3A_986, %swap3A_987], %bitcast3A_981 {strides = array<i32>} : memref<2x128x128xi32, #tpu.memory_space<vmem>>, vector<16xi32>,
        %mul3A_989 = arith.constant 2 : i32
        %mul3A_990 = arith.muli %mul3A_989, %add3A_817 : i32
        %get3A_991 = arith.constant 0 : i32
        %get3A_992 = arith.index_cast %get3A_991 : i32 to index
        %get3A_993 = arith.index_cast %mul3A_990 : i32 to index
        %get3A_994 = arith.constant 112 : index
        %get3A_995 = tpu.vector_load %arg6[%get3A_992, %get3A_993, %get3A_994] {strides = array<i32>} : memref<4x128x128xf32, #tpu.memory_space<vmem>>, vector<16xf32>,
        %mul3A_996 = arith.constant 2 : i32
        %mul3A_997 = arith.muli %mul3A_996, %add3A_817 : i32
        %add3A_998 = arith.constant 1 : i32
        %add3A_999 = arith.addi %mul3A_997, %add3A_998 : i32
        %get3A_1000 = arith.constant 0 : i32
        %get3A_1001 = arith.index_cast %get3A_1000 : i32 to index
        %get3A_1002 = arith.index_cast %add3A_999 : i32 to index
        %get3A_1003 = arith.constant 112 : index
        %get3A_1004 = tpu.vector_load %arg6[%get3A_1001, %get3A_1002, %get3A_1003] {strides = array<i32>} : memref<4x128x128xf32, #tpu.memory_space<vmem>>, vector<16xf32>,
        %pack3A_1005 = tpu.pack_subelements %get3A_995, %get3A_1004 {pack_format = #tpu.pack_format<interleaved>, positions = array<i32: 0, 1>} : vector<16xf32>, vector<16xf32> -> vector<32xbf16>
        %bitcast3A_1006 = vector.bitcast %pack3A_1005 : vector<32xbf16> to vector<16xi32>
        %add3A_1007 = arith.constant 0 : i32
        %add3A_1008 = arith.addi %add3A_1007, %add3A_817 : i32
        %swap3A_1009 = arith.constant 0 : i32
        %swap3A_1010 = arith.index_cast %swap3A_1009 : i32 to index
        %swap3A_1011 = arith.index_cast %add3A_1008 : i32 to index
        %swap3A_1012 = arith.constant 112 : index
        %swap3A_1013 = tpu.vector_load %arg7[%swap3A_1010, %swap3A_1011, %swap3A_1012] {strides = array<i32>} : memref<2x128x128xi32, #tpu.memory_space<vmem>>, vector<16xi32>,
        tpu.vector_store %arg7[%swap3A_1010, %swap3A_1011, %swap3A_1012], %bitcast3A_1006 {strides = array<i32>} : memref<2x128x128xi32, #tpu.memory_space<vmem>>, vector<16xi32>,
      }
      %scan3A_625 = arith.constant 64 : i32
      %add3A_626 = arith.constant 4 : i32
      %add3A_627 = arith.addi %add3A_591, %add3A_626 : i32
      %add3A_628 = arith.constant 0 : i32
      %add3A_629 = arith.addi %add3A_627, %add3A_628 : i32
      %mul3A_630 = arith.constant 128 : i32
      %mul3A_631 = arith.muli %add3A_629, %mul3A_630 : i32
      %dma_start3A_632 = arith.constant 0 : i32
      %dma_start3A_633 = arith.constant 0 : i32
      %dma_start3A_634 = arith.constant 0 : i32
      %dma_start3A_635 = arith.constant 0 : i32
      %dma_start3A_636 = tpu.memref_slice %arg6[%dma_start3A_632, %dma_start3A_634, %dma_start3A_635] : memref<4x128x128xf32, #tpu.memory_space<vmem>> -> memref<1x128x128xf32, #tpu.memory_space<vmem>>
      %dma_start3A_637 = tpu.memref_squeeze %dma_start3A_636 : memref<1x128x128xf32, #tpu.memory_space<vmem>> -> memref<128x128xf32, #tpu.memory_space<vmem>>
      %dma_start3A_638 = tpu.memref_slice %arg5[%mul3A_631] : memref<8640xi32, #tpu.memory_space<vmem>> -> memref<128xi32, #tpu.memory_space<vmem>>
      %dma_start3A_639 = arith.constant 0 : i32
      %dma_start3A_640 = arith.constant 0 : i32
      %dma_start3A_641 = tpu.memref_slice %arg2[%dma_start3A_639, %dma_start3A_640] : memref<10000x128xf32, #tpu.memory_space<hbm>> -> memref<10000x128xf32, #tpu.memory_space<hbm>>
      %dma_start3A_642 = tpu.memref_slice %arg8[%dma_start3A_633] : memref<4x!tpu.dma_semaphore, #tpu.memory_space<semaphore_mem>> -> memref<1x!tpu.dma_semaphore, #tpu.memory_space<semaphore_mem>>
      %dma_start3A_643 = tpu.memref_squeeze %dma_start3A_642 : memref<1x!tpu.dma_semaphore, #tpu.memory_space<semaphore_mem>> -> memref<!tpu.dma_semaphore, #tpu.memory_space<semaphore_mem>>
      tpu.enqueue_indirect_dma source(%dma_start3A_641 : memref<10000x128xf32, #tpu.memory_space<hbm>>) target(%dma_start3A_637 : memref<128x128xf32, #tpu.memory_space<vmem>>) offsets(%dma_start3A_638 : memref<128xi32, #tpu.memory_space<vmem>>) semaphore(%dma_start3A_643 : memref<!tpu.dma_semaphore, #tpu.memory_space<semaphore_mem>>)
      %dma_wait3A_644 = arith.constant 1 : i32
      %dma_wait3A_645 = arith.constant 1 : i32
      %dma_wait3A_646 = arith.constant 0 : i32
      %dma_wait3A_647 = arith.constant 0 : i32
      %dma_wait3A_648 = tpu.memref_slice %arg6[%dma_wait3A_644, %dma_wait3A_646, %dma_wait3A_647] : memref<4x128x128xf32, #tpu.memory_space<vmem>> -> memref<1x128x128xf32, #tpu.memory_space<vmem>>
      %dma_wait3A_649 = tpu.memref_squeeze %dma_wait3A_648 : memref<1x128x128xf32, #tpu.memory_space<vmem>> -> memref<128x128xf32, #tpu.memory_space<vmem>>
      %dma_wait3A_650 = arith.constant 0 : i32
      %dma_wait3A_651 = tpu.memref_slice %arg5[%dma_wait3A_650] : memref<8640xi32, #tpu.memory_space<vmem>> -> memref<128xi32, #tpu.memory_space<vmem>>
      %dma_wait3A_652 = arith.constant 0 : i32
      %dma_wait3A_653 = arith.constant 0 : i32
      %dma_wait3A_654 = tpu.memref_slice %arg2[%dma_wait3A_652, %dma_wait3A_653] : memref<10000x128xf32, #tpu.memory_space<hbm>> -> memref<10000x128xf32, #tpu.memory_space<hbm>>
      %dma_wait3A_655 = tpu.memref_slice %arg8[%dma_wait3A_645] : memref<4x!tpu.dma_semaphore, #tpu.memory_space<semaphore_mem>> -> memref<1x!tpu.dma_semaphore, #tpu.memory_space<semaphore_mem>>
      %dma_wait3A_656 = tpu.memref_squeeze %dma_wait3A_655 : memref<1x!tpu.dma_semaphore, #tpu.memory_space<semaphore_mem>> -> memref<!tpu.dma_semaphore, #tpu.memory_space<semaphore_mem>>
      tpu.wait_indirect_dma semaphore(%dma_wait3A_656 : memref<!tpu.dma_semaphore, #tpu.memory_space<semaphore_mem>>) src(%dma_wait3A_654 : memref<10000x128xf32, #tpu.memory_space<hbm>>) dst(%dma_wait3A_649 : memref<128x128xf32, #tpu.memory_space<vmem>>)
      %scan3A_657 = arith.constant 0 : i32
      %scan3A_658 = arith.constant 64 : i32
      %scan3A_659 = arith.addi %scan3A_657, %scan3A_658 : i32
      %scan3A_660 = arith.constant 1 : i32
      scf.for %scan3A_813 = %scan3A_657 to %scan3A_659 step %scan3A_660  : i32 {
        %mul3A_814 = arith.constant 1 : i32
        %mul3A_815 = arith.muli %scan3A_813, %mul3A_814 : i32
        %add3A_816 = arith.constant 0 : i32
        %add3A_817 = arith.addi %add3A_816, %mul3A_815 : i32
        %mul3A_818 = arith.constant 2 : i32
        %mul3A_819 = arith.muli %mul3A_818, %add3A_817 : i32
        %get3A = arith.constant 1 : i32
        %get3A_820 = arith.index_cast %get3A : i32 to index
        %get3A_821 = arith.index_cast %mul3A_819 : i32 to index
        %get3A_822 = arith.constant 0 : index
        %get3A_823 = tpu.vector_load %arg6[%get3A_820, %get3A_821, %get3A_822] {strides = array<i32>} : memref<4x128x128xf32, #tpu.memory_space<vmem>>, vector<16xf32>,
        %mul3A_824 = arith.constant 2 : i32
        %mul3A_825 = arith.muli %mul3A_824, %add3A_817 : i32
        %add3A_826 = arith.constant 1 : i32
        %add3A_827 = arith.addi %mul3A_825, %add3A_826 : i32
        %get3A_828 = arith.constant 1 : i32
        %get3A_829 = arith.index_cast %get3A_828 : i32 to index
        %get3A_830 = arith.index_cast %add3A_827 : i32 to index
        %get3A_831 = arith.constant 0 : index
        %get3A_832 = tpu.vector_load %arg6[%get3A_829, %get3A_830, %get3A_831] {strides = array<i32>} : memref<4x128x128xf32, #tpu.memory_space<vmem>>, vector<16xf32>,
        %pack3A = tpu.pack_subelements %get3A_823, %get3A_832 {pack_format = #tpu.pack_format<interleaved>, positions = array<i32: 0, 1>} : vector<16xf32>, vector<16xf32> -> vector<32xbf16>
        %bitcast3A = vector.bitcast %pack3A : vector<32xbf16> to vector<16xi32>
        %add3A_833 = arith.constant 64 : i32
        %add3A_834 = arith.addi %add3A_833, %add3A_817 : i32
        %swap3A = arith.constant 0 : i32
        %swap3A_835 = arith.index_cast %swap3A : i32 to index
        %swap3A_836 = arith.index_cast %add3A_834 : i32 to index
        %swap3A_837 = arith.constant 0 : index
        %swap3A_838 = tpu.vector_load %arg7[%swap3A_835, %swap3A_836, %swap3A_837] {strides = array<i32>} : memref<2x128x128xi32, #tpu.memory_space<vmem>>, vector<16xi32>,
        tpu.vector_store %arg7[%swap3A_835, %swap3A_836, %swap3A_837], %bitcast3A {strides = array<i32>} : memref<2x128x128xi32, #tpu.memory_space<vmem>>, vector<16xi32>,
        %mul3A_839 = arith.constant 2 : i32
        %mul3A_840 = arith.muli %mul3A_839, %add3A_817 : i32
        %get3A_841 = arith.constant 1 : i32
        %get3A_842 = arith.index_cast %get3A_841 : i32 to index
        %get3A_843 = arith.index_cast %mul3A_840 : i32 to index
        %get3A_844 = arith.constant 16 : index
        %get3A_845 = tpu.vector_load %arg6[%get3A_842, %get3A_843, %get3A_844] {strides = array<i32>} : memref<4x128x128xf32, #tpu.memory_space<vmem>>, vector<16xf32>,
        %mul3A_846 = arith.constant 2 : i32
        %mul3A_847 = arith.muli %mul3A_846, %add3A_817 : i32
        %add3A_848 = arith.constant 1 : i32
        %add3A_849 = arith.addi %mul3A_847, %add3A_848 : i32
        %get3A_850 = arith.constant 1 : i32
        %get3A_851 = arith.index_cast %get3A_850 : i32 to index
        %get3A_852 = arith.index_cast %add3A_849 : i32 to index
        %get3A_853 = arith.constant 16 : index
        %get3A_854 = tpu.vector_load %arg6[%get3A_851, %get3A_852, %get3A_853] {strides = array<i32>} : memref<4x128x128xf32, #tpu.memory_space<vmem>>, vector<16xf32>,
        %pack3A_855 = tpu.pack_subelements %get3A_845, %get3A_854 {pack_format = #tpu.pack_format<interleaved>, positions = array<i32: 0, 1>} : vector<16xf32>, vector<16xf32> -> vector<32xbf16>
        %bitcast3A_856 = vector.bitcast %pack3A_855 : vector<32xbf16> to vector<16xi32>
        %add3A_857 = arith.constant 64 : i32
        %add3A_858 = arith.addi %add3A_857, %add3A_817 : i32
        %swap3A_859 = arith.constant 0 : i32
        %swap3A_860 = arith.index_cast %swap3A_859 : i32 to index
        %swap3A_861 = arith.index_cast %add3A_858 : i32 to index
        %swap3A_862 = arith.constant 16 : index
        %swap3A_863 = tpu.vector_load %arg7[%swap3A_860, %swap3A_861, %swap3A_862] {strides = array<i32>} : memref<2x128x128xi32, #tpu.memory_space<vmem>>, vector<16xi32>,
        tpu.vector_store %arg7[%swap3A_860, %swap3A_861, %swap3A_862], %bitcast3A_856 {strides = array<i32>} : memref<2x128x128xi32, #tpu.memory_space<vmem>>, vector<16xi32>,
        %mul3A_864 = arith.constant 2 : i32
        %mul3A_865 = arith.muli %mul3A_864, %add3A_817 : i32
        %get3A_866 = arith.constant 1 : i32
        %get3A_867 = arith.index_cast %get3A_866 : i32 to index
        %get3A_868 = arith.index_cast %mul3A_865 : i32 to index
        %get3A_869 = arith.constant 32 : index
        %get3A_870 = tpu.vector_load %arg6[%get3A_867, %get3A_868, %get3A_869] {strides = array<i32>} : memref<4x128x128xf32, #tpu.memory_space<vmem>>, vector<16xf32>,
        %mul3A_871 = arith.constant 2 : i32
        %mul3A_872 = arith.muli %mul3A_871, %add3A_817 : i32
        %add3A_873 = arith.constant 1 : i32
        %add3A_874 = arith.addi %mul3A_872, %add3A_873 : i32
        %get3A_875 = arith.constant 1 : i32
        %get3A_876 = arith.index_cast %get3A_875 : i32 to index
        %get3A_877 = arith.index_cast %add3A_874 : i32 to index
        %get3A_878 = arith.constant 32 : index
        %get3A_879 = tpu.vector_load %arg6[%get3A_876, %get3A_877, %get3A_878] {strides = array<i32>} : memref<4x128x128xf32, #tpu.memory_space<vmem>>, vector<16xf32>,
        %pack3A_880 = tpu.pack_subelements %get3A_870, %get3A_879 {pack_format = #tpu.pack_format<interleaved>, positions = array<i32: 0, 1>} : vector<16xf32>, vector<16xf32> -> vector<32xbf16>
        %bitcast3A_881 = vector.bitcast %pack3A_880 : vector<32xbf16> to vector<16xi32>
        %add3A_882 = arith.constant 64 : i32
        %add3A_883 = arith.addi %add3A_882, %add3A_817 : i32
        %swap3A_884 = arith.constant 0 : i32
        %swap3A_885 = arith.index_cast %swap3A_884 : i32 to index
        %swap3A_886 = arith.index_cast %add3A_883 : i32 to index
        %swap3A_887 = arith.constant 32 : index
        %swap3A_888 = tpu.vector_load %arg7[%swap3A_885, %swap3A_886, %swap3A_887] {strides = array<i32>} : memref<2x128x128xi32, #tpu.memory_space<vmem>>, vector<16xi32>,
        tpu.vector_store %arg7[%swap3A_885, %swap3A_886, %swap3A_887], %bitcast3A_881 {strides = array<i32>} : memref<2x128x128xi32, #tpu.memory_space<vmem>>, vector<16xi32>,
        %mul3A_889 = arith.constant 2 : i32
        %mul3A_890 = arith.muli %mul3A_889, %add3A_817 : i32
        %get3A_891 = arith.constant 1 : i32
        %get3A_892 = arith.index_cast %get3A_891 : i32 to index
        %get3A_893 = arith.index_cast %mul3A_890 : i32 to index
        %get3A_894 = arith.constant 48 : index
        %get3A_895 = tpu.vector_load %arg6[%get3A_892, %get3A_893, %get3A_894] {strides = array<i32>} : memref<4x128x128xf32, #tpu.memory_space<vmem>>, vector<16xf32>,
        %mul3A_896 = arith.constant 2 : i32
        %mul3A_897 = arith.muli %mul3A_896, %add3A_817 : i32
        %add3A_898 = arith.constant 1 : i32
        %add3A_899 = arith.addi %mul3A_897, %add3A_898 : i32
        %get3A_900 = arith.constant 1 : i32
        %get3A_901 = arith.index_cast %get3A_900 : i32 to index
        %get3A_902 = arith.index_cast %add3A_899 : i32 to index
        %get3A_903 = arith.constant 48 : index
        %get3A_904 = tpu.vector_load %arg6[%get3A_901, %get3A_902, %get3A_903] {strides = array<i32>} : memref<4x128x128xf32, #tpu.memory_space<vmem>>, vector<16xf32>,
        %pack3A_905 = tpu.pack_subelements %get3A_895, %get3A_904 {pack_format = #tpu.pack_format<interleaved>, positions = array<i32: 0, 1>} : vector<16xf32>, vector<16xf32> -> vector<32xbf16>
        %bitcast3A_906 = vector.bitcast %pack3A_905 : vector<32xbf16> to vector<16xi32>
        %add3A_907 = arith.constant 64 : i32
        %add3A_908 = arith.addi %add3A_907, %add3A_817 : i32
        %swap3A_909 = arith.constant 0 : i32
        %swap3A_910 = arith.index_cast %swap3A_909 : i32 to index
        %swap3A_911 = arith.index_cast %add3A_908 : i32 to index
        %swap3A_912 = arith.constant 48 : index
        %swap3A_913 = tpu.vector_load %arg7[%swap3A_910, %swap3A_911, %swap3A_912] {strides = array<i32>} : memref<2x128x128xi32, #tpu.memory_space<vmem>>, vector<16xi32>,
        tpu.vector_store %arg7[%swap3A_910, %swap3A_911, %swap3A_912], %bitcast3A_906 {strides = array<i32>} : memref<2x128x128xi32, #tpu.memory_space<vmem>>, vector<16xi32>,
        %mul3A_914 = arith.constant 2 : i32
        %mul3A_915 = arith.muli %mul3A_914, %add3A_817 : i32
        %get3A_916 = arith.constant 1 : i32
        %get3A_917 = arith.index_cast %get3A_916 : i32 to index
        %get3A_918 = arith.index_cast %mul3A_915 : i32 to index
        %get3A_919 = arith.constant 64 : index
        %get3A_920 = tpu.vector_load %arg6[%get3A_917, %get3A_918, %get3A_919] {strides = array<i32>} : memref<4x128x128xf32, #tpu.memory_space<vmem>>, vector<16xf32>,
        %mul3A_921 = arith.constant 2 : i32
        %mul3A_922 = arith.muli %mul3A_921, %add3A_817 : i32
        %add3A_923 = arith.constant 1 : i32
        %add3A_924 = arith.addi %mul3A_922, %add3A_923 : i32
        %get3A_925 = arith.constant 1 : i32
        %get3A_926 = arith.index_cast %get3A_925 : i32 to index
        %get3A_927 = arith.index_cast %add3A_924 : i32 to index
        %get3A_928 = arith.constant 64 : index
        %get3A_929 = tpu.vector_load %arg6[%get3A_926, %get3A_927, %get3A_928] {strides = array<i32>} : memref<4x128x128xf32, #tpu.memory_space<vmem>>, vector<16xf32>,
        %pack3A_930 = tpu.pack_subelements %get3A_920, %get3A_929 {pack_format = #tpu.pack_format<interleaved>, positions = array<i32: 0, 1>} : vector<16xf32>, vector<16xf32> -> vector<32xbf16>
        %bitcast3A_931 = vector.bitcast %pack3A_930 : vector<32xbf16> to vector<16xi32>
        %add3A_932 = arith.constant 64 : i32
        %add3A_933 = arith.addi %add3A_932, %add3A_817 : i32
        %swap3A_934 = arith.constant 0 : i32
        %swap3A_935 = arith.index_cast %swap3A_934 : i32 to index
        %swap3A_936 = arith.index_cast %add3A_933 : i32 to index
        %swap3A_937 = arith.constant 64 : index
        %swap3A_938 = tpu.vector_load %arg7[%swap3A_935, %swap3A_936, %swap3A_937] {strides = array<i32>} : memref<2x128x128xi32, #tpu.memory_space<vmem>>, vector<16xi32>,
        tpu.vector_store %arg7[%swap3A_935, %swap3A_936, %swap3A_937], %bitcast3A_931 {strides = array<i32>} : memref<2x128x128xi32, #tpu.memory_space<vmem>>, vector<16xi32>,
        %mul3A_939 = arith.constant 2 : i32
        %mul3A_940 = arith.muli %mul3A_939, %add3A_817 : i32
        %get3A_941 = arith.constant 1 : i32
        %get3A_942 = arith.index_cast %get3A_941 : i32 to index
        %get3A_943 = arith.index_cast %mul3A_940 : i32 to index
        %get3A_944 = arith.constant 80 : index
        %get3A_945 = tpu.vector_load %arg6[%get3A_942, %get3A_943, %get3A_944] {strides = array<i32>} : memref<4x128x128xf32, #tpu.memory_space<vmem>>, vector<16xf32>,
        %mul3A_946 = arith.constant 2 : i32
        %mul3A_947 = arith.muli %mul3A_946, %add3A_817 : i32
        %add3A_948 = arith.constant 1 : i32
        %add3A_949 = arith.addi %mul3A_947, %add3A_948 : i32
        %get3A_950 = arith.constant 1 : i32
        %get3A_951 = arith.index_cast %get3A_950 : i32 to index
        %get3A_952 = arith.index_cast %add3A_949 : i32 to index
        %get3A_953 = arith.constant 80 : index
        %get3A_954 = tpu.vector_load %arg6[%get3A_951, %get3A_952, %get3A_953] {strides = array<i32>} : memref<4x128x128xf32, #tpu.memory_space<vmem>>, vector<16xf32>,
        %pack3A_955 = tpu.pack_subelements %get3A_945, %get3A_954 {pack_format = #tpu.pack_format<interleaved>, positions = array<i32: 0, 1>} : vector<16xf32>, vector<16xf32> -> vector<32xbf16>
        %bitcast3A_956 = vector.bitcast %pack3A_955 : vector<32xbf16> to vector<16xi32>
        %add3A_957 = arith.constant 64 : i32
        %add3A_958 = arith.addi %add3A_957, %add3A_817 : i32
        %swap3A_959 = arith.constant 0 : i32
        %swap3A_960 = arith.index_cast %swap3A_959 : i32 to index
        %swap3A_961 = arith.index_cast %add3A_958 : i32 to index
        %swap3A_962 = arith.constant 80 : index
        %swap3A_963 = tpu.vector_load %arg7[%swap3A_960, %swap3A_961, %swap3A_962] {strides = array<i32>} : memref<2x128x128xi32, #tpu.memory_space<vmem>>, vector<16xi32>,
        tpu.vector_store %arg7[%swap3A_960, %swap3A_961, %swap3A_962], %bitcast3A_956 {strides = array<i32>} : memref<2x128x128xi32, #tpu.memory_space<vmem>>, vector<16xi32>,
        %mul3A_964 = arith.constant 2 : i32
        %mul3A_965 = arith.muli %mul3A_964, %add3A_817 : i32
        %get3A_966 = arith.constant 1 : i32
        %get3A_967 = arith.index_cast %get3A_966 : i32 to index
        %get3A_968 = arith.index_cast %mul3A_965 : i32 to index
        %get3A_969 = arith.constant 96 : index
        %get3A_970 = tpu.vector_load %arg6[%get3A_967, %get3A_968, %get3A_969] {strides = array<i32>} : memref<4x128x128xf32, #tpu.memory_space<vmem>>, vector<16xf32>,
        %mul3A_971 = arith.constant 2 : i32
        %mul3A_972 = arith.muli %mul3A_971, %add3A_817 : i32
        %add3A_973 = arith.constant 1 : i32
        %add3A_974 = arith.addi %mul3A_972, %add3A_973 : i32
        %get3A_975 = arith.constant 1 : i32
        %get3A_976 = arith.index_cast %get3A_975 : i32 to index
        %get3A_977 = arith.index_cast %add3A_974 : i32 to index
        %get3A_978 = arith.constant 96 : index
        %get3A_979 = tpu.vector_load %arg6[%get3A_976, %get3A_977, %get3A_978] {strides = array<i32>} : memref<4x128x128xf32, #tpu.memory_space<vmem>>, vector<16xf32>,
        %pack3A_980 = tpu.pack_subelements %get3A_970, %get3A_979 {pack_format = #tpu.pack_format<interleaved>, positions = array<i32: 0, 1>} : vector<16xf32>, vector<16xf32> -> vector<32xbf16>
        %bitcast3A_981 = vector.bitcast %pack3A_980 : vector<32xbf16> to vector<16xi32>
        %add3A_982 = arith.constant 64 : i32
        %add3A_983 = arith.addi %add3A_982, %add3A_817 : i32
        %swap3A_984 = arith.constant 0 : i32
        %swap3A_985 = arith.index_cast %swap3A_984 : i32 to index
        %swap3A_986 = arith.index_cast %add3A_983 : i32 to index
        %swap3A_987 = arith.constant 96 : index
        %swap3A_988 = tpu.vector_load %arg7[%swap3A_985, %swap3A_986, %swap3A_987] {strides = array<i32>} : memref<2x128x128xi32, #tpu.memory_space<vmem>>, vector<16xi32>,
        tpu.vector_store %arg7[%swap3A_985, %swap3A_986, %swap3A_987], %bitcast3A_981 {strides = array<i32>} : memref<2x128x128xi32, #tpu.memory_space<vmem>>, vector<16xi32>,
        %mul3A_989 = arith.constant 2 : i32
        %mul3A_990 = arith.muli %mul3A_989, %add3A_817 : i32
        %get3A_991 = arith.constant 1 : i32
        %get3A_992 = arith.index_cast %get3A_991 : i32 to index
        %get3A_993 = arith.index_cast %mul3A_990 : i32 to index
        %get3A_994 = arith.constant 112 : index
        %get3A_995 = tpu.vector_load %arg6[%get3A_992, %get3A_993, %get3A_994] {strides = array<i32>} : memref<4x128x128xf32, #tpu.memory_space<vmem>>, vector<16xf32>,
        %mul3A_996 = arith.constant 2 : i32
        %mul3A_997 = arith.muli %mul3A_996, %add3A_817 : i32
        %add3A_998 = arith.constant 1 : i32
        %add3A_999 = arith.addi %mul3A_997, %add3A_998 : i32
        %get3A_1000 = arith.constant 1 : i32
        %get3A_1001 = arith.index_cast %get3A_1000 : i32 to index
        %get3A_1002 = arith.index_cast %add3A_999 : i32 to index
        %get3A_1003 = arith.constant 112 : index
        %get3A_1004 = tpu.vector_load %arg6[%get3A_1001, %get3A_1002, %get3A_1003] {strides = array<i32>} : memref<4x128x128xf32, #tpu.memory_space<vmem>>, vector<16xf32>,
        %pack3A_1005 = tpu.pack_subelements %get3A_995, %get3A_1004 {pack_format = #tpu.pack_format<interleaved>, positions = array<i32: 0, 1>} : vector<16xf32>, vector<16xf32> -> vector<32xbf16>
        %bitcast3A_1006 = vector.bitcast %pack3A_1005 : vector<32xbf16> to vector<16xi32>
        %add3A_1007 = arith.constant 64 : i32
        %add3A_1008 = arith.addi %add3A_1007, %add3A_817 : i32
        %swap3A_1009 = arith.constant 0 : i32
        %swap3A_1010 = arith.index_cast %swap3A_1009 : i32 to index
        %swap3A_1011 = arith.index_cast %add3A_1008 : i32 to index
        %swap3A_1012 = arith.constant 112 : index
        %swap3A_1013 = tpu.vector_load %arg7[%swap3A_1010, %swap3A_1011, %swap3A_1012] {strides = array<i32>} : memref<2x128x128xi32, #tpu.memory_space<vmem>>, vector<16xi32>,
        tpu.vector_store %arg7[%swap3A_1010, %swap3A_1011, %swap3A_1012], %bitcast3A_1006 {strides = array<i32>} : memref<2x128x128xi32, #tpu.memory_space<vmem>>, vector<16xi32>,
      }
      %scan3A_661 = arith.constant 64 : i32
      %add3A_662 = arith.constant 1 : i32
      %add3A_663 = arith.addi %add3A_591, %add3A_662 : i32
      %sub3A = arith.constant 1 : i32
      %sub3A_664 = arith.subi %add3A_663, %sub3A : i32
      %mul3A_665 = arith.constant 64 : i32
      %mul3A_666 = arith.muli %sub3A_664, %mul3A_665 : i32
      %add3A_667 = arith.addi %mul3A_4, %mul3A_666 : i32
      %dma_start3A_668 = arith.constant 0 : i32
      %dma_start3A_669 = arith.constant 0 : i32
      %dma_start3A_670 = arith.constant 0 : i32
      %dma_start3A_671 = arith.constant 0 : i32
      %dma_start3A_672 = tpu.memref_slice %arg7[%dma_start3A_668, %dma_start3A_670, %dma_start3A_671] : memref<2x128x128xi32, #tpu.memory_space<vmem>> -> memref<1x128x128xi32, #tpu.memory_space<vmem>>
      %dma_start3A_673 = tpu.memref_squeeze %dma_start3A_672 : memref<1x128x128xi32, #tpu.memory_space<vmem>> -> memref<128x128xi32, #tpu.memory_space<vmem>>
      %dma_start3A_674 = arith.constant 0 : i32
      %dma_start3A_675 = tpu.memref_slice %arg4[%add3A_667, %dma_start3A_674] : memref<138240x128xi32, #tpu.memory_space<hbm>> -> memref<128x128xi32, #tpu.memory_space<hbm>>
      %dma_start3A_676 = tpu.memref_slice %arg9[%dma_start3A_669] : memref<2x!tpu.dma_semaphore, #tpu.memory_space<semaphore_mem>> -> memref<1x!tpu.dma_semaphore, #tpu.memory_space<semaphore_mem>>
      %dma_start3A_677 = tpu.memref_squeeze %dma_start3A_676 : memref<1x!tpu.dma_semaphore, #tpu.memory_space<semaphore_mem>> -> memref<!tpu.dma_semaphore, #tpu.memory_space<semaphore_mem>>
      %dma_start3A_678 = arith.constant 0 : i32
      %dma_start3A_679 = tpu.memref_slice %arg4[%add3A_667, %dma_start3A_678] : memref<138240x128xi32, #tpu.memory_space<hbm>> -> memref<128x128xi32, #tpu.memory_space<hbm>>
      %dma_start3A_680 = arith.constant 0 : i32
      %dma_start3A_681 = arith.constant 0 : i32
      %dma_start3A_682 = tpu.memref_slice %arg7[%dma_start3A_668, %dma_start3A_680, %dma_start3A_681] : memref<2x128x128xi32, #tpu.memory_space<vmem>> -> memref<1x128x128xi32, #tpu.memory_space<vmem>>
      %dma_start3A_683 = tpu.memref_squeeze %dma_start3A_682 : memref<1x128x128xi32, #tpu.memory_space<vmem>> -> memref<128x128xi32, #tpu.memory_space<vmem>>
      tpu.enqueue_dma source(%dma_start3A_683 : memref<128x128xi32, #tpu.memory_space<vmem>>) target(%dma_start3A_679 : memref<128x128xi32, #tpu.memory_space<hbm>>) target_semaphore(%dma_start3A_677 : memref<!tpu.dma_semaphore, #tpu.memory_space<semaphore_mem>>)
      %add3A_684 = arith.constant 4 : i32
      %add3A_685 = arith.addi %add3A_591, %add3A_684 : i32
      %add3A_686 = arith.constant 1 : i32
      %add3A_687 = arith.addi %add3A_685, %add3A_686 : i32
      %mul3A_688 = arith.constant 128 : i32
      %mul3A_689 = arith.muli %add3A_687, %mul3A_688 : i32
      %dma_start3A_690 = arith.constant 1 : i32
      %dma_start3A_691 = arith.constant 1 : i32
      %dma_start3A_692 = arith.constant 0 : i32
      %dma_start3A_693 = arith.constant 0 : i32
      %dma_start3A_694 = tpu.memref_slice %arg6[%dma_start3A_690, %dma_start3A_692, %dma_start3A_693] : memref<4x128x128xf32, #tpu.memory_space<vmem>> -> memref<1x128x128xf32, #tpu.memory_space<vmem>>
      %dma_start3A_695 = tpu.memref_squeeze %dma_start3A_694 : memref<1x128x128xf32, #tpu.memory_space<vmem>> -> memref<128x128xf32, #tpu.memory_space<vmem>>
      %dma_start3A_696 = tpu.memref_slice %arg5[%mul3A_689] : memref<8640xi32, #tpu.memory_space<vmem>> -> memref<128xi32, #tpu.memory_space<vmem>>
      %dma_start3A_697 = arith.constant 0 : i32
      %dma_start3A_698 = arith.constant 0 : i32
      %dma_start3A_699 = tpu.memref_slice %arg2[%dma_start3A_697, %dma_start3A_698] : memref<10000x128xf32, #tpu.memory_space<hbm>> -> memref<10000x128xf32, #tpu.memory_space<hbm>>
      %dma_start3A_700 = tpu.memref_slice %arg8[%dma_start3A_691] : memref<4x!tpu.dma_semaphore, #tpu.memory_space<semaphore_mem>> -> memref<1x!tpu.dma_semaphore, #tpu.memory_space<semaphore_mem>>
      %dma_start3A_701 = tpu.memref_squeeze %dma_start3A_700 : memref<1x!tpu.dma_semaphore, #tpu.memory_space<semaphore_mem>> -> memref<!tpu.dma_semaphore, #tpu.memory_space<semaphore_mem>>
      tpu.enqueue_indirect_dma source(%dma_start3A_699 : memref<10000x128xf32, #tpu.memory_space<hbm>>) target(%dma_start3A_695 : memref<128x128xf32, #tpu.memory_space<vmem>>) offsets(%dma_start3A_696 : memref<128xi32, #tpu.memory_space<vmem>>) semaphore(%dma_start3A_701 : memref<!tpu.dma_semaphore, #tpu.memory_space<semaphore_mem>>)
      %dma_wait3A_702 = arith.constant 2 : i32
      %dma_wait3A_703 = arith.constant 2 : i32
      %dma_wait3A_704 = arith.constant 0 : i32
      %dma_wait3A_705 = arith.constant 0 : i32
      %dma_wait3A_706 = tpu.memref_slice %arg6[%dma_wait3A_702, %dma_wait3A_704, %dma_wait3A_705] : memref<4x128x128xf32, #tpu.memory_space<vmem>> -> memref<1x128x128xf32, #tpu.memory_space<vmem>>
      %dma_wait3A_707 = tpu.memref_squeeze %dma_wait3A_706 : memref<1x128x128xf32, #tpu.memory_space<vmem>> -> memref<128x128xf32, #tpu.memory_space<vmem>>
      %dma_wait3A_708 = arith.constant 0 : i32
      %dma_wait3A_709 = tpu.memref_slice %arg5[%dma_wait3A_708] : memref<8640xi32, #tpu.memory_space<vmem>> -> memref<128xi32, #tpu.memory_space<vmem>>
      %dma_wait3A_710 = arith.constant 0 : i32
      %dma_wait3A_711 = arith.constant 0 : i32
      %dma_wait3A_712 = tpu.memref_slice %arg2[%dma_wait3A_710, %dma_wait3A_711] : memref<10000x128xf32, #tpu.memory_space<hbm>> -> memref<10000x128xf32, #tpu.memory_space<hbm>>
      %dma_wait3A_713 = tpu.memref_slice %arg8[%dma_wait3A_703] : memref<4x!tpu.dma_semaphore, #tpu.memory_space<semaphore_mem>> -> memref<1x!tpu.dma_semaphore, #tpu.memory_space<semaphore_mem>>
      %dma_wait3A_714 = tpu.memref_squeeze %dma_wait3A_713 : memref<1x!tpu.dma_semaphore, #tpu.memory_space<semaphore_mem>> -> memref<!tpu.dma_semaphore, #tpu.memory_space<semaphore_mem>>
      tpu.wait_indirect_dma semaphore(%dma_wait3A_714 : memref<!tpu.dma_semaphore, #tpu.memory_space<semaphore_mem>>) src(%dma_wait3A_712 : memref<10000x128xf32, #tpu.memory_space<hbm>>) dst(%dma_wait3A_707 : memref<128x128xf32, #tpu.memory_space<vmem>>)
      %dma_wait3A_715 = arith.constant 1 : i32
      %dma_wait3A_716 = arith.constant 1 : i32
      %dma_wait3A_717 = arith.constant 0 : i32
      %dma_wait3A_718 = arith.constant 0 : i32
      %dma_wait3A_719 = tpu.memref_slice %arg7[%dma_wait3A_715, %dma_wait3A_717, %dma_wait3A_718] : memref<2x128x128xi32, #tpu.memory_space<vmem>> -> memref<1x128x128xi32, #tpu.memory_space<vmem>>
      %dma_wait3A_720 = tpu.memref_squeeze %dma_wait3A_719 : memref<1x128x128xi32, #tpu.memory_space<vmem>> -> memref<128x128xi32, #tpu.memory_space<vmem>>
      %dma_wait3A_721 = arith.constant 0 : i32
      %dma_wait3A_722 = tpu.memref_slice %arg4[%mul3A_4, %dma_wait3A_721] : memref<138240x128xi32, #tpu.memory_space<hbm>> -> memref<128x128xi32, #tpu.memory_space<hbm>>
      %dma_wait3A_723 = tpu.memref_slice %arg9[%dma_wait3A_716] : memref<2x!tpu.dma_semaphore, #tpu.memory_space<semaphore_mem>> -> memref<1x!tpu.dma_semaphore, #tpu.memory_space<semaphore_mem>>
      %dma_wait3A_724 = tpu.memref_squeeze %dma_wait3A_723 : memref<1x!tpu.dma_semaphore, #tpu.memory_space<semaphore_mem>> -> memref<!tpu.dma_semaphore, #tpu.memory_space<semaphore_mem>>
      %dma_wait3A_725 = arith.constant 0 : i32
      %dma_wait3A_726 = tpu.memref_slice %arg4[%mul3A_4, %dma_wait3A_725] : memref<138240x128xi32, #tpu.memory_space<hbm>> -> memref<128x128xi32, #tpu.memory_space<hbm>>
      %dma_wait3A_727 = arith.constant 0 : i32
      %dma_wait3A_728 = arith.constant 0 : i32
      %dma_wait3A_729 = tpu.memref_slice %arg7[%dma_wait3A_715, %dma_wait3A_727, %dma_wait3A_728] : memref<2x128x128xi32, #tpu.memory_space<vmem>> -> memref<1x128x128xi32, #tpu.memory_space<vmem>>
      %dma_wait3A_730 = tpu.memref_squeeze %dma_wait3A_729 : memref<1x128x128xi32, #tpu.memory_space<vmem>> -> memref<128x128xi32, #tpu.memory_space<vmem>>
      tpu.wait_dma2 semaphore(%dma_wait3A_724 : memref<!tpu.dma_semaphore, #tpu.memory_space<semaphore_mem>>) src(%dma_wait3A_730 : memref<128x128xi32, #tpu.memory_space<vmem>>) dst(%dma_wait3A_726 : memref<128x128xi32, #tpu.memory_space<hbm>>)
      %scan3A_731 = arith.constant 0 : i32
      %scan3A_732 = arith.constant 64 : i32
      %scan3A_733 = arith.addi %scan3A_731, %scan3A_732 : i32
      %scan3A_734 = arith.constant 1 : i32
      scf.for %scan3A_813 = %scan3A_731 to %scan3A_733 step %scan3A_734  : i32 {
        %mul3A_814 = arith.constant 1 : i32
        %mul3A_815 = arith.muli %scan3A_813, %mul3A_814 : i32
        %add3A_816 = arith.constant 0 : i32
        %add3A_817 = arith.addi %add3A_816, %mul3A_815 : i32
        %mul3A_818 = arith.constant 2 : i32
        %mul3A_819 = arith.muli %mul3A_818, %add3A_817 : i32
        %get3A = arith.constant 2 : i32
        %get3A_820 = arith.index_cast %get3A : i32 to index
        %get3A_821 = arith.index_cast %mul3A_819 : i32 to index
        %get3A_822 = arith.constant 0 : index
        %get3A_823 = tpu.vector_load %arg6[%get3A_820, %get3A_821, %get3A_822] {strides = array<i32>} : memref<4x128x128xf32, #tpu.memory_space<vmem>>, vector<16xf32>,
        %mul3A_824 = arith.constant 2 : i32
        %mul3A_825 = arith.muli %mul3A_824, %add3A_817 : i32
        %add3A_826 = arith.constant 1 : i32
        %add3A_827 = arith.addi %mul3A_825, %add3A_826 : i32
        %get3A_828 = arith.constant 2 : i32
        %get3A_829 = arith.index_cast %get3A_828 : i32 to index
        %get3A_830 = arith.index_cast %add3A_827 : i32 to index
        %get3A_831 = arith.constant 0 : index
        %get3A_832 = tpu.vector_load %arg6[%get3A_829, %get3A_830, %get3A_831] {strides = array<i32>} : memref<4x128x128xf32, #tpu.memory_space<vmem>>, vector<16xf32>,
        %pack3A = tpu.pack_subelements %get3A_823, %get3A_832 {pack_format = #tpu.pack_format<interleaved>, positions = array<i32: 0, 1>} : vector<16xf32>, vector<16xf32> -> vector<32xbf16>
        %bitcast3A = vector.bitcast %pack3A : vector<32xbf16> to vector<16xi32>
        %add3A_833 = arith.constant 0 : i32
        %add3A_834 = arith.addi %add3A_833, %add3A_817 : i32
        %swap3A = arith.constant 1 : i32
        %swap3A_835 = arith.index_cast %swap3A : i32 to index
        %swap3A_836 = arith.index_cast %add3A_834 : i32 to index
        %swap3A_837 = arith.constant 0 : index
        %swap3A_838 = tpu.vector_load %arg7[%swap3A_835, %swap3A_836, %swap3A_837] {strides = array<i32>} : memref<2x128x128xi32, #tpu.memory_space<vmem>>, vector<16xi32>,
        tpu.vector_store %arg7[%swap3A_835, %swap3A_836, %swap3A_837], %bitcast3A {strides = array<i32>} : memref<2x128x128xi32, #tpu.memory_space<vmem>>, vector<16xi32>,
        %mul3A_839 = arith.constant 2 : i32
        %mul3A_840 = arith.muli %mul3A_839, %add3A_817 : i32
        %get3A_841 = arith.constant 2 : i32
        %get3A_842 = arith.index_cast %get3A_841 : i32 to index
        %get3A_843 = arith.index_cast %mul3A_840 : i32 to index
        %get3A_844 = arith.constant 16 : index
        %get3A_845 = tpu.vector_load %arg6[%get3A_842, %get3A_843, %get3A_844] {strides = array<i32>} : memref<4x128x128xf32, #tpu.memory_space<vmem>>, vector<16xf32>,
        %mul3A_846 = arith.constant 2 : i32
        %mul3A_847 = arith.muli %mul3A_846, %add3A_817 : i32
        %add3A_848 = arith.constant 1 : i32
        %add3A_849 = arith.addi %mul3A_847, %add3A_848 : i32
        %get3A_850 = arith.constant 2 : i32
        %get3A_851 = arith.index_cast %get3A_850 : i32 to index
        %get3A_852 = arith.index_cast %add3A_849 : i32 to index
        %get3A_853 = arith.constant 16 : index
        %get3A_854 = tpu.vector_load %arg6[%get3A_851, %get3A_852, %get3A_853] {strides = array<i32>} : memref<4x128x128xf32, #tpu.memory_space<vmem>>, vector<16xf32>,
        %pack3A_855 = tpu.pack_subelements %get3A_845, %get3A_854 {pack_format = #tpu.pack_format<interleaved>, positions = array<i32: 0, 1>} : vector<16xf32>, vector<16xf32> -> vector<32xbf16>
        %bitcast3A_856 = vector.bitcast %pack3A_855 : vector<32xbf16> to vector<16xi32>
        %add3A_857 = arith.constant 0 : i32
        %add3A_858 = arith.addi %add3A_857, %add3A_817 : i32
        %swap3A_859 = arith.constant 1 : i32
        %swap3A_860 = arith.index_cast %swap3A_859 : i32 to index
        %swap3A_861 = arith.index_cast %add3A_858 : i32 to index
        %swap3A_862 = arith.constant 16 : index
        %swap3A_863 = tpu.vector_load %arg7[%swap3A_860, %swap3A_861, %swap3A_862] {strides = array<i32>} : memref<2x128x128xi32, #tpu.memory_space<vmem>>, vector<16xi32>,
        tpu.vector_store %arg7[%swap3A_860, %swap3A_861, %swap3A_862], %bitcast3A_856 {strides = array<i32>} : memref<2x128x128xi32, #tpu.memory_space<vmem>>, vector<16xi32>,
        %mul3A_864 = arith.constant 2 : i32
        %mul3A_865 = arith.muli %mul3A_864, %add3A_817 : i32
        %get3A_866 = arith.constant 2 : i32
        %get3A_867 = arith.index_cast %get3A_866 : i32 to index
        %get3A_868 = arith.index_cast %mul3A_865 : i32 to index
        %get3A_869 = arith.constant 32 : index
        %get3A_870 = tpu.vector_load %arg6[%get3A_867, %get3A_868, %get3A_869] {strides = array<i32>} : memref<4x128x128xf32, #tpu.memory_space<vmem>>, vector<16xf32>,
        %mul3A_871 = arith.constant 2 : i32
        %mul3A_872 = arith.muli %mul3A_871, %add3A_817 : i32
        %add3A_873 = arith.constant 1 : i32
        %add3A_874 = arith.addi %mul3A_872, %add3A_873 : i32
        %get3A_875 = arith.constant 2 : i32
        %get3A_876 = arith.index_cast %get3A_875 : i32 to index
        %get3A_877 = arith.index_cast %add3A_874 : i32 to index
        %get3A_878 = arith.constant 32 : index
        %get3A_879 = tpu.vector_load %arg6[%get3A_876, %get3A_877, %get3A_878] {strides = array<i32>} : memref<4x128x128xf32, #tpu.memory_space<vmem>>, vector<16xf32>,
        %pack3A_880 = tpu.pack_subelements %get3A_870, %get3A_879 {pack_format = #tpu.pack_format<interleaved>, positions = array<i32: 0, 1>} : vector<16xf32>, vector<16xf32> -> vector<32xbf16>
        %bitcast3A_881 = vector.bitcast %pack3A_880 : vector<32xbf16> to vector<16xi32>
        %add3A_882 = arith.constant 0 : i32
        %add3A_883 = arith.addi %add3A_882, %add3A_817 : i32
        %swap3A_884 = arith.constant 1 : i32
        %swap3A_885 = arith.index_cast %swap3A_884 : i32 to index
        %swap3A_886 = arith.index_cast %add3A_883 : i32 to index
        %swap3A_887 = arith.constant 32 : index
        %swap3A_888 = tpu.vector_load %arg7[%swap3A_885, %swap3A_886, %swap3A_887] {strides = array<i32>} : memref<2x128x128xi32, #tpu.memory_space<vmem>>, vector<16xi32>,
        tpu.vector_store %arg7[%swap3A_885, %swap3A_886, %swap3A_887], %bitcast3A_881 {strides = array<i32>} : memref<2x128x128xi32, #tpu.memory_space<vmem>>, vector<16xi32>,
        %mul3A_889 = arith.constant 2 : i32
        %mul3A_890 = arith.muli %mul3A_889, %add3A_817 : i32
        %get3A_891 = arith.constant 2 : i32
        %get3A_892 = arith.index_cast %get3A_891 : i32 to index
        %get3A_893 = arith.index_cast %mul3A_890 : i32 to index
        %get3A_894 = arith.constant 48 : index
        %get3A_895 = tpu.vector_load %arg6[%get3A_892, %get3A_893, %get3A_894] {strides = array<i32>} : memref<4x128x128xf32, #tpu.memory_space<vmem>>, vector<16xf32>,
        %mul3A_896 = arith.constant 2 : i32
        %mul3A_897 = arith.muli %mul3A_896, %add3A_817 : i32
        %add3A_898 = arith.constant 1 : i32
        %add3A_899 = arith.addi %mul3A_897, %add3A_898 : i32
        %get3A_900 = arith.constant 2 : i32
        %get3A_901 = arith.index_cast %get3A_900 : i32 to index
        %get3A_902 = arith.index_cast %add3A_899 : i32 to index
        %get3A_903 = arith.constant 48 : index
        %get3A_904 = tpu.vector_load %arg6[%get3A_901, %get3A_902, %get3A_903] {strides = array<i32>} : memref<4x128x128xf32, #tpu.memory_space<vmem>>, vector<16xf32>,
        %pack3A_905 = tpu.pack_subelements %get3A_895, %get3A_904 {pack_format = #tpu.pack_format<interleaved>, positions = array<i32: 0, 1>} : vector<16xf32>, vector<16xf32> -> vector<32xbf16>
        %bitcast3A_906 = vector.bitcast %pack3A_905 : vector<32xbf16> to vector<16xi32>
        %add3A_907 = arith.constant 0 : i32
        %add3A_908 = arith.addi %add3A_907, %add3A_817 : i32
        %swap3A_909 = arith.constant 1 : i32
        %swap3A_910 = arith.index_cast %swap3A_909 : i32 to index
        %swap3A_911 = arith.index_cast %add3A_908 : i32 to index
        %swap3A_912 = arith.constant 48 : index
        %swap3A_913 = tpu.vector_load %arg7[%swap3A_910, %swap3A_911, %swap3A_912] {strides = array<i32>} : memref<2x128x128xi32, #tpu.memory_space<vmem>>, vector<16xi32>,
        tpu.vector_store %arg7[%swap3A_910, %swap3A_911, %swap3A_912], %bitcast3A_906 {strides = array<i32>} : memref<2x128x128xi32, #tpu.memory_space<vmem>>, vector<16xi32>,
        %mul3A_914 = arith.constant 2 : i32
        %mul3A_915 = arith.muli %mul3A_914, %add3A_817 : i32
        %get3A_916 = arith.constant 2 : i32
        %get3A_917 = arith.index_cast %get3A_916 : i32 to index
        %get3A_918 = arith.index_cast %mul3A_915 : i32 to index
        %get3A_919 = arith.constant 64 : index
        %get3A_920 = tpu.vector_load %arg6[%get3A_917, %get3A_918, %get3A_919] {strides = array<i32>} : memref<4x128x128xf32, #tpu.memory_space<vmem>>, vector<16xf32>,
        %mul3A_921 = arith.constant 2 : i32
        %mul3A_922 = arith.muli %mul3A_921, %add3A_817 : i32
        %add3A_923 = arith.constant 1 : i32
        %add3A_924 = arith.addi %mul3A_922, %add3A_923 : i32
        %get3A_925 = arith.constant 2 : i32
        %get3A_926 = arith.index_cast %get3A_925 : i32 to index
        %get3A_927 = arith.index_cast %add3A_924 : i32 to index
        %get3A_928 = arith.constant 64 : index
        %get3A_929 = tpu.vector_load %arg6[%get3A_926, %get3A_927, %get3A_928] {strides = array<i32>} : memref<4x128x128xf32, #tpu.memory_space<vmem>>, vector<16xf32>,
        %pack3A_930 = tpu.pack_subelements %get3A_920, %get3A_929 {pack_format = #tpu.pack_format<interleaved>, positions = array<i32: 0, 1>} : vector<16xf32>, vector<16xf32> -> vector<32xbf16>
        %bitcast3A_931 = vector.bitcast %pack3A_930 : vector<32xbf16> to vector<16xi32>
        %add3A_932 = arith.constant 0 : i32
        %add3A_933 = arith.addi %add3A_932, %add3A_817 : i32
        %swap3A_934 = arith.constant 1 : i32
        %swap3A_935 = arith.index_cast %swap3A_934 : i32 to index
        %swap3A_936 = arith.index_cast %add3A_933 : i32 to index
        %swap3A_937 = arith.constant 64 : index
        %swap3A_938 = tpu.vector_load %arg7[%swap3A_935, %swap3A_936, %swap3A_937] {strides = array<i32>} : memref<2x128x128xi32, #tpu.memory_space<vmem>>, vector<16xi32>,
        tpu.vector_store %arg7[%swap3A_935, %swap3A_936, %swap3A_937], %bitcast3A_931 {strides = array<i32>} : memref<2x128x128xi32, #tpu.memory_space<vmem>>, vector<16xi32>,
        %mul3A_939 = arith.constant 2 : i32
        %mul3A_940 = arith.muli %mul3A_939, %add3A_817 : i32
        %get3A_941 = arith.constant 2 : i32
        %get3A_942 = arith.index_cast %get3A_941 : i32 to index
        %get3A_943 = arith.index_cast %mul3A_940 : i32 to index
        %get3A_944 = arith.constant 80 : index
        %get3A_945 = tpu.vector_load %arg6[%get3A_942, %get3A_943, %get3A_944] {strides = array<i32>} : memref<4x128x128xf32, #tpu.memory_space<vmem>>, vector<16xf32>,
        %mul3A_946 = arith.constant 2 : i32
        %mul3A_947 = arith.muli %mul3A_946, %add3A_817 : i32
        %add3A_948 = arith.constant 1 : i32
        %add3A_949 = arith.addi %mul3A_947, %add3A_948 : i32
        %get3A_950 = arith.constant 2 : i32
        %get3A_951 = arith.index_cast %get3A_950 : i32 to index
        %get3A_952 = arith.index_cast %add3A_949 : i32 to index
        %get3A_953 = arith.constant 80 : index
        %get3A_954 = tpu.vector_load %arg6[%get3A_951, %get3A_952, %get3A_953] {strides = array<i32>} : memref<4x128x128xf32, #tpu.memory_space<vmem>>, vector<16xf32>,
        %pack3A_955 = tpu.pack_subelements %get3A_945, %get3A_954 {pack_format = #tpu.pack_format<interleaved>, positions = array<i32: 0, 1>} : vector<16xf32>, vector<16xf32> -> vector<32xbf16>
        %bitcast3A_956 = vector.bitcast %pack3A_955 : vector<32xbf16> to vector<16xi32>
        %add3A_957 = arith.constant 0 : i32
        %add3A_958 = arith.addi %add3A_957, %add3A_817 : i32
        %swap3A_959 = arith.constant 1 : i32
        %swap3A_960 = arith.index_cast %swap3A_959 : i32 to index
        %swap3A_961 = arith.index_cast %add3A_958 : i32 to index
        %swap3A_962 = arith.constant 80 : index
        %swap3A_963 = tpu.vector_load %arg7[%swap3A_960, %swap3A_961, %swap3A_962] {strides = array<i32>} : memref<2x128x128xi32, #tpu.memory_space<vmem>>, vector<16xi32>,
        tpu.vector_store %arg7[%swap3A_960, %swap3A_961, %swap3A_962], %bitcast3A_956 {strides = array<i32>} : memref<2x128x128xi32, #tpu.memory_space<vmem>>, vector<16xi32>,
        %mul3A_964 = arith.constant 2 : i32
        %mul3A_965 = arith.muli %mul3A_964, %add3A_817 : i32
        %get3A_966 = arith.constant 2 : i32
        %get3A_967 = arith.index_cast %get3A_966 : i32 to index
        %get3A_968 = arith.index_cast %mul3A_965 : i32 to index
        %get3A_969 = arith.constant 96 : index
        %get3A_970 = tpu.vector_load %arg6[%get3A_967, %get3A_968, %get3A_969] {strides = array<i32>} : memref<4x128x128xf32, #tpu.memory_space<vmem>>, vector<16xf32>,
        %mul3A_971 = arith.constant 2 : i32
        %mul3A_972 = arith.muli %mul3A_971, %add3A_817 : i32
        %add3A_973 = arith.constant 1 : i32
        %add3A_974 = arith.addi %mul3A_972, %add3A_973 : i32
        %get3A_975 = arith.constant 2 : i32
        %get3A_976 = arith.index_cast %get3A_975 : i32 to index
        %get3A_977 = arith.index_cast %add3A_974 : i32 to index
        %get3A_978 = arith.constant 96 : index
        %get3A_979 = tpu.vector_load %arg6[%get3A_976, %get3A_977, %get3A_978] {strides = array<i32>} : memref<4x128x128xf32, #tpu.memory_space<vmem>>, vector<16xf32>,
        %pack3A_980 = tpu.pack_subelements %get3A_970, %get3A_979 {pack_format = #tpu.pack_format<interleaved>, positions = array<i32: 0, 1>} : vector<16xf32>, vector<16xf32> -> vector<32xbf16>
        %bitcast3A_981 = vector.bitcast %pack3A_980 : vector<32xbf16> to vector<16xi32>
        %add3A_982 = arith.constant 0 : i32
        %add3A_983 = arith.addi %add3A_982, %add3A_817 : i32
        %swap3A_984 = arith.constant 1 : i32
        %swap3A_985 = arith.index_cast %swap3A_984 : i32 to index
        %swap3A_986 = arith.index_cast %add3A_983 : i32 to index
        %swap3A_987 = arith.constant 96 : index
        %swap3A_988 = tpu.vector_load %arg7[%swap3A_985, %swap3A_986, %swap3A_987] {strides = array<i32>} : memref<2x128x128xi32, #tpu.memory_space<vmem>>, vector<16xi32>,
        tpu.vector_store %arg7[%swap3A_985, %swap3A_986, %swap3A_987], %bitcast3A_981 {strides = array<i32>} : memref<2x128x128xi32, #tpu.memory_space<vmem>>, vector<16xi32>,
        %mul3A_989 = arith.constant 2 : i32
        %mul3A_990 = arith.muli %mul3A_989, %add3A_817 : i32
        %get3A_991 = arith.constant 2 : i32
        %get3A_992 = arith.index_cast %get3A_991 : i32 to index
        %get3A_993 = arith.index_cast %mul3A_990 : i32 to index
        %get3A_994 = arith.constant 112 : index
        %get3A_995 = tpu.vector_load %arg6[%get3A_992, %get3A_993, %get3A_994] {strides = array<i32>} : memref<4x128x128xf32, #tpu.memory_space<vmem>>, vector<16xf32>,
        %mul3A_996 = arith.constant 2 : i32
        %mul3A_997 = arith.muli %mul3A_996, %add3A_817 : i32
        %add3A_998 = arith.constant 1 : i32
        %add3A_999 = arith.addi %mul3A_997, %add3A_998 : i32
        %get3A_1000 = arith.constant 2 : i32
        %get3A_1001 = arith.index_cast %get3A_1000 : i32 to index
        %get3A_1002 = arith.index_cast %add3A_999 : i32 to index
        %get3A_1003 = arith.constant 112 : index
        %get3A_1004 = tpu.vector_load %arg6[%get3A_1001, %get3A_1002, %get3A_1003] {strides = array<i32>} : memref<4x128x128xf32, #tpu.memory_space<vmem>>, vector<16xf32>,
        %pack3A_1005 = tpu.pack_subelements %get3A_995, %get3A_1004 {pack_format = #tpu.pack_format<interleaved>, positions = array<i32: 0, 1>} : vector<16xf32>, vector<16xf32> -> vector<32xbf16>
        %bitcast3A_1006 = vector.bitcast %pack3A_1005 : vector<32xbf16> to vector<16xi32>
        %add3A_1007 = arith.constant 0 : i32
        %add3A_1008 = arith.addi %add3A_1007, %add3A_817 : i32
        %swap3A_1009 = arith.constant 1 : i32
        %swap3A_1010 = arith.index_cast %swap3A_1009 : i32 to index
        %swap3A_1011 = arith.index_cast %add3A_1008 : i32 to index
        %swap3A_1012 = arith.constant 112 : index
        %swap3A_1013 = tpu.vector_load %arg7[%swap3A_1010, %swap3A_1011, %swap3A_1012] {strides = array<i32>} : memref<2x128x128xi32, #tpu.memory_space<vmem>>, vector<16xi32>,
        tpu.vector_store %arg7[%swap3A_1010, %swap3A_1011, %swap3A_1012], %bitcast3A_1006 {strides = array<i32>} : memref<2x128x128xi32, #tpu.memory_space<vmem>>, vector<16xi32>,
      }
      %scan3A_735 = arith.constant 64 : i32
      %add3A_736 = arith.constant 4 : i32
      %add3A_737 = arith.addi %add3A_591, %add3A_736 : i32
      %add3A_738 = arith.constant 2 : i32
      %add3A_739 = arith.addi %add3A_737, %add3A_738 : i32
      %mul3A_740 = arith.constant 128 : i32
      %mul3A_741 = arith.muli %add3A_739, %mul3A_740 : i32
      %dma_start3A_742 = arith.constant 2 : i32
      %dma_start3A_743 = arith.constant 2 : i32
      %dma_start3A_744 = arith.constant 0 : i32
      %dma_start3A_745 = arith.constant 0 : i32
      %dma_start3A_746 = tpu.memref_slice %arg6[%dma_start3A_742, %dma_start3A_744, %dma_start3A_745] : memref<4x128x128xf32, #tpu.memory_space<vmem>> -> memref<1x128x128xf32, #tpu.memory_space<vmem>>
      %dma_start3A_747 = tpu.memref_squeeze %dma_start3A_746 : memref<1x128x128xf32, #tpu.memory_space<vmem>> -> memref<128x128xf32, #tpu.memory_space<vmem>>
      %dma_start3A_748 = tpu.memref_slice %arg5[%mul3A_741] : memref<8640xi32, #tpu.memory_space<vmem>> -> memref<128xi32, #tpu.memory_space<vmem>>
      %dma_start3A_749 = arith.constant 0 : i32
      %dma_start3A_750 = arith.constant 0 : i32
      %dma_start3A_751 = tpu.memref_slice %arg2[%dma_start3A_749, %dma_start3A_750] : memref<10000x128xf32, #tpu.memory_space<hbm>> -> memref<10000x128xf32, #tpu.memory_space<hbm>>
      %dma_start3A_752 = tpu.memref_slice %arg8[%dma_start3A_743] : memref<4x!tpu.dma_semaphore, #tpu.memory_space<semaphore_mem>> -> memref<1x!tpu.dma_semaphore, #tpu.memory_space<semaphore_mem>>
      %dma_start3A_753 = tpu.memref_squeeze %dma_start3A_752 : memref<1x!tpu.dma_semaphore, #tpu.memory_space<semaphore_mem>> -> memref<!tpu.dma_semaphore, #tpu.memory_space<semaphore_mem>>
      tpu.enqueue_indirect_dma source(%dma_start3A_751 : memref<10000x128xf32, #tpu.memory_space<hbm>>) target(%dma_start3A_747 : memref<128x128xf32, #tpu.memory_space<vmem>>) offsets(%dma_start3A_748 : memref<128xi32, #tpu.memory_space<vmem>>) semaphore(%dma_start3A_753 : memref<!tpu.dma_semaphore, #tpu.memory_space<semaphore_mem>>)
      %dma_wait3A_754 = arith.constant 3 : i32
      %dma_wait3A_755 = arith.constant 3 : i32
      %dma_wait3A_756 = arith.constant 0 : i32
      %dma_wait3A_757 = arith.constant 0 : i32
      %dma_wait3A_758 = tpu.memref_slice %arg6[%dma_wait3A_754, %dma_wait3A_756, %dma_wait3A_757] : memref<4x128x128xf32, #tpu.memory_space<vmem>> -> memref<1x128x128xf32, #tpu.memory_space<vmem>>
      %dma_wait3A_759 = tpu.memref_squeeze %dma_wait3A_758 : memref<1x128x128xf32, #tpu.memory_space<vmem>> -> memref<128x128xf32, #tpu.memory_space<vmem>>
      %dma_wait3A_760 = arith.constant 0 : i32
      %dma_wait3A_761 = tpu.memref_slice %arg5[%dma_wait3A_760] : memref<8640xi32, #tpu.memory_space<vmem>> -> memref<128xi32, #tpu.memory_space<vmem>>
      %dma_wait3A_762 = arith.constant 0 : i32
      %dma_wait3A_763 = arith.constant 0 : i32
      %dma_wait3A_764 = tpu.memref_slice %arg2[%dma_wait3A_762, %dma_wait3A_763] : memref<10000x128xf32, #tpu.memory_space<hbm>> -> memref<10000x128xf32, #tpu.memory_space<hbm>>
      %dma_wait3A_765 = tpu.memref_slice %arg8[%dma_wait3A_755] : memref<4x!tpu.dma_semaphore, #tpu.memory_space<semaphore_mem>> -> memref<1x!tpu.dma_semaphore, #tpu.memory_space<semaphore_mem>>
      %dma_wait3A_766 = tpu.memref_squeeze %dma_wait3A_765 : memref<1x!tpu.dma_semaphore, #tpu.memory_space<semaphore_mem>> -> memref<!tpu.dma_semaphore, #tpu.memory_space<semaphore_mem>>
      tpu.wait_indirect_dma semaphore(%dma_wait3A_766 : memref<!tpu.dma_semaphore, #tpu.memory_space<semaphore_mem>>) src(%dma_wait3A_764 : memref<10000x128xf32, #tpu.memory_space<hbm>>) dst(%dma_wait3A_759 : memref<128x128xf32, #tpu.memory_space<vmem>>)
      %scan3A_767 = arith.constant 0 : i32
      %scan3A_768 = arith.constant 64 : i32
      %scan3A_769 = arith.addi %scan3A_767, %scan3A_768 : i32
      %scan3A_770 = arith.constant 1 : i32
      scf.for %scan3A_813 = %scan3A_767 to %scan3A_769 step %scan3A_770  : i32 {
        %mul3A_814 = arith.constant 1 : i32
        %mul3A_815 = arith.muli %scan3A_813, %mul3A_814 : i32
        %add3A_816 = arith.constant 0 : i32
        %add3A_817 = arith.addi %add3A_816, %mul3A_815 : i32
        %mul3A_818 = arith.constant 2 : i32
        %mul3A_819 = arith.muli %mul3A_818, %add3A_817 : i32
        %get3A = arith.constant 3 : i32
        %get3A_820 = arith.index_cast %get3A : i32 to index
        %get3A_821 = arith.index_cast %mul3A_819 : i32 to index
        %get3A_822 = arith.constant 0 : index
        %get3A_823 = tpu.vector_load %arg6[%get3A_820, %get3A_821, %get3A_822] {strides = array<i32>} : memref<4x128x128xf32, #tpu.memory_space<vmem>>, vector<16xf32>,
        %mul3A_824 = arith.constant 2 : i32
        %mul3A_825 = arith.muli %mul3A_824, %add3A_817 : i32
        %add3A_826 = arith.constant 1 : i32
        %add3A_827 = arith.addi %mul3A_825, %add3A_826 : i32
        %get3A_828 = arith.constant 3 : i32
        %get3A_829 = arith.index_cast %get3A_828 : i32 to index
        %get3A_830 = arith.index_cast %add3A_827 : i32 to index
        %get3A_831 = arith.constant 0 : index
        %get3A_832 = tpu.vector_load %arg6[%get3A_829, %get3A_830, %get3A_831] {strides = array<i32>} : memref<4x128x128xf32, #tpu.memory_space<vmem>>, vector<16xf32>,
        %pack3A = tpu.pack_subelements %get3A_823, %get3A_832 {pack_format = #tpu.pack_format<interleaved>, positions = array<i32: 0, 1>} : vector<16xf32>, vector<16xf32> -> vector<32xbf16>
        %bitcast3A = vector.bitcast %pack3A : vector<32xbf16> to vector<16xi32>
        %add3A_833 = arith.constant 64 : i32
        %add3A_834 = arith.addi %add3A_833, %add3A_817 : i32
        %swap3A = arith.constant 1 : i32
        %swap3A_835 = arith.index_cast %swap3A : i32 to index
        %swap3A_836 = arith.index_cast %add3A_834 : i32 to index
        %swap3A_837 = arith.constant 0 : index
        %swap3A_838 = tpu.vector_load %arg7[%swap3A_835, %swap3A_836, %swap3A_837] {strides = array<i32>} : memref<2x128x128xi32, #tpu.memory_space<vmem>>, vector<16xi32>,
        tpu.vector_store %arg7[%swap3A_835, %swap3A_836, %swap3A_837], %bitcast3A {strides = array<i32>} : memref<2x128x128xi32, #tpu.memory_space<vmem>>, vector<16xi32>,
        %mul3A_839 = arith.constant 2 : i32
        %mul3A_840 = arith.muli %mul3A_839, %add3A_817 : i32
        %get3A_841 = arith.constant 3 : i32
        %get3A_842 = arith.index_cast %get3A_841 : i32 to index
        %get3A_843 = arith.index_cast %mul3A_840 : i32 to index
        %get3A_844 = arith.constant 16 : index
        %get3A_845 = tpu.vector_load %arg6[%get3A_842, %get3A_843, %get3A_844] {strides = array<i32>} : memref<4x128x128xf32, #tpu.memory_space<vmem>>, vector<16xf32>,
        %mul3A_846 = arith.constant 2 : i32
        %mul3A_847 = arith.muli %mul3A_846, %add3A_817 : i32
        %add3A_848 = arith.constant 1 : i32
        %add3A_849 = arith.addi %mul3A_847, %add3A_848 : i32
        %get3A_850 = arith.constant 3 : i32
        %get3A_851 = arith.index_cast %get3A_850 : i32 to index
        %get3A_852 = arith.index_cast %add3A_849 : i32 to index
        %get3A_853 = arith.constant 16 : index
        %get3A_854 = tpu.vector_load %arg6[%get3A_851, %get3A_852, %get3A_853] {strides = array<i32>} : memref<4x128x128xf32, #tpu.memory_space<vmem>>, vector<16xf32>,
        %pack3A_855 = tpu.pack_subelements %get3A_845, %get3A_854 {pack_format = #tpu.pack_format<interleaved>, positions = array<i32: 0, 1>} : vector<16xf32>, vector<16xf32> -> vector<32xbf16>
        %bitcast3A_856 = vector.bitcast %pack3A_855 : vector<32xbf16> to vector<16xi32>
        %add3A_857 = arith.constant 64 : i32
        %add3A_858 = arith.addi %add3A_857, %add3A_817 : i32
        %swap3A_859 = arith.constant 1 : i32
        %swap3A_860 = arith.index_cast %swap3A_859 : i32 to index
        %swap3A_861 = arith.index_cast %add3A_858 : i32 to index
        %swap3A_862 = arith.constant 16 : index
        %swap3A_863 = tpu.vector_load %arg7[%swap3A_860, %swap3A_861, %swap3A_862] {strides = array<i32>} : memref<2x128x128xi32, #tpu.memory_space<vmem>>, vector<16xi32>,
        tpu.vector_store %arg7[%swap3A_860, %swap3A_861, %swap3A_862], %bitcast3A_856 {strides = array<i32>} : memref<2x128x128xi32, #tpu.memory_space<vmem>>, vector<16xi32>,
        %mul3A_864 = arith.constant 2 : i32
        %mul3A_865 = arith.muli %mul3A_864, %add3A_817 : i32
        %get3A_866 = arith.constant 3 : i32
        %get3A_867 = arith.index_cast %get3A_866 : i32 to index
        %get3A_868 = arith.index_cast %mul3A_865 : i32 to index
        %get3A_869 = arith.constant 32 : index
        %get3A_870 = tpu.vector_load %arg6[%get3A_867, %get3A_868, %get3A_869] {strides = array<i32>} : memref<4x128x128xf32, #tpu.memory_space<vmem>>, vector<16xf32>,
        %mul3A_871 = arith.constant 2 : i32
        %mul3A_872 = arith.muli %mul3A_871, %add3A_817 : i32
        %add3A_873 = arith.constant 1 : i32
        %add3A_874 = arith.addi %mul3A_872, %add3A_873 : i32
        %get3A_875 = arith.constant 3 : i32
        %get3A_876 = arith.index_cast %get3A_875 : i32 to index
        %get3A_877 = arith.index_cast %add3A_874 : i32 to index
        %get3A_878 = arith.constant 32 : index
        %get3A_879 = tpu.vector_load %arg6[%get3A_876, %get3A_877, %get3A_878] {strides = array<i32>} : memref<4x128x128xf32, #tpu.memory_space<vmem>>, vector<16xf32>,
        %pack3A_880 = tpu.pack_subelements %get3A_870, %get3A_879 {pack_format = #tpu.pack_format<interleaved>, positions = array<i32: 0, 1>} : vector<16xf32>, vector<16xf32> -> vector<32xbf16>
        %bitcast3A_881 = vector.bitcast %pack3A_880 : vector<32xbf16> to vector<16xi32>
        %add3A_882 = arith.constant 64 : i32
        %add3A_883 = arith.addi %add3A_882, %add3A_817 : i32
        %swap3A_884 = arith.constant 1 : i32
        %swap3A_885 = arith.index_cast %swap3A_884 : i32 to index
        %swap3A_886 = arith.index_cast %add3A_883 : i32 to index
        %swap3A_887 = arith.constant 32 : index
        %swap3A_888 = tpu.vector_load %arg7[%swap3A_885, %swap3A_886, %swap3A_887] {strides = array<i32>} : memref<2x128x128xi32, #tpu.memory_space<vmem>>, vector<16xi32>,
        tpu.vector_store %arg7[%swap3A_885, %swap3A_886, %swap3A_887], %bitcast3A_881 {strides = array<i32>} : memref<2x128x128xi32, #tpu.memory_space<vmem>>, vector<16xi32>,
        %mul3A_889 = arith.constant 2 : i32
        %mul3A_890 = arith.muli %mul3A_889, %add3A_817 : i32
        %get3A_891 = arith.constant 3 : i32
        %get3A_892 = arith.index_cast %get3A_891 : i32 to index
        %get3A_893 = arith.index_cast %mul3A_890 : i32 to index
        %get3A_894 = arith.constant 48 : index
        %get3A_895 = tpu.vector_load %arg6[%get3A_892, %get3A_893, %get3A_894] {strides = array<i32>} : memref<4x128x128xf32, #tpu.memory_space<vmem>>, vector<16xf32>,
        %mul3A_896 = arith.constant 2 : i32
        %mul3A_897 = arith.muli %mul3A_896, %add3A_817 : i32
        %add3A_898 = arith.constant 1 : i32
        %add3A_899 = arith.addi %mul3A_897, %add3A_898 : i32
        %get3A_900 = arith.constant 3 : i32
        %get3A_901 = arith.index_cast %get3A_900 : i32 to index
        %get3A_902 = arith.index_cast %add3A_899 : i32 to index
        %get3A_903 = arith.constant 48 : index
        %get3A_904 = tpu.vector_load %arg6[%get3A_901, %get3A_902, %get3A_903] {strides = array<i32>} : memref<4x128x128xf32, #tpu.memory_space<vmem>>, vector<16xf32>,
        %pack3A_905 = tpu.pack_subelements %get3A_895, %get3A_904 {pack_format = #tpu.pack_format<interleaved>, positions = array<i32: 0, 1>} : vector<16xf32>, vector<16xf32> -> vector<32xbf16>
        %bitcast3A_906 = vector.bitcast %pack3A_905 : vector<32xbf16> to vector<16xi32>
        %add3A_907 = arith.constant 64 : i32
        %add3A_908 = arith.addi %add3A_907, %add3A_817 : i32
        %swap3A_909 = arith.constant 1 : i32
        %swap3A_910 = arith.index_cast %swap3A_909 : i32 to index
        %swap3A_911 = arith.index_cast %add3A_908 : i32 to index
        %swap3A_912 = arith.constant 48 : index
        %swap3A_913 = tpu.vector_load %arg7[%swap3A_910, %swap3A_911, %swap3A_912] {strides = array<i32>} : memref<2x128x128xi32, #tpu.memory_space<vmem>>, vector<16xi32>,
        tpu.vector_store %arg7[%swap3A_910, %swap3A_911, %swap3A_912], %bitcast3A_906 {strides = array<i32>} : memref<2x128x128xi32, #tpu.memory_space<vmem>>, vector<16xi32>,
        %mul3A_914 = arith.constant 2 : i32
        %mul3A_915 = arith.muli %mul3A_914, %add3A_817 : i32
        %get3A_916 = arith.constant 3 : i32
        %get3A_917 = arith.index_cast %get3A_916 : i32 to index
        %get3A_918 = arith.index_cast %mul3A_915 : i32 to index
        %get3A_919 = arith.constant 64 : index
        %get3A_920 = tpu.vector_load %arg6[%get3A_917, %get3A_918, %get3A_919] {strides = array<i32>} : memref<4x128x128xf32, #tpu.memory_space<vmem>>, vector<16xf32>,
        %mul3A_921 = arith.constant 2 : i32
        %mul3A_922 = arith.muli %mul3A_921, %add3A_817 : i32
        %add3A_923 = arith.constant 1 : i32
        %add3A_924 = arith.addi %mul3A_922, %add3A_923 : i32
        %get3A_925 = arith.constant 3 : i32
        %get3A_926 = arith.index_cast %get3A_925 : i32 to index
        %get3A_927 = arith.index_cast %add3A_924 : i32 to index
        %get3A_928 = arith.constant 64 : index
        %get3A_929 = tpu.vector_load %arg6[%get3A_926, %get3A_927, %get3A_928] {strides = array<i32>} : memref<4x128x128xf32, #tpu.memory_space<vmem>>, vector<16xf32>,
        %pack3A_930 = tpu.pack_subelements %get3A_920, %get3A_929 {pack_format = #tpu.pack_format<interleaved>, positions = array<i32: 0, 1>} : vector<16xf32>, vector<16xf32> -> vector<32xbf16>
        %bitcast3A_931 = vector.bitcast %pack3A_930 : vector<32xbf16> to vector<16xi32>
        %add3A_932 = arith.constant 64 : i32
        %add3A_933 = arith.addi %add3A_932, %add3A_817 : i32
        %swap3A_934 = arith.constant 1 : i32
        %swap3A_935 = arith.index_cast %swap3A_934 : i32 to index
        %swap3A_936 = arith.index_cast %add3A_933 : i32 to index
        %swap3A_937 = arith.constant 64 : index
        %swap3A_938 = tpu.vector_load %arg7[%swap3A_935, %swap3A_936, %swap3A_937] {strides = array<i32>} : memref<2x128x128xi32, #tpu.memory_space<vmem>>, vector<16xi32>,
        tpu.vector_store %arg7[%swap3A_935, %swap3A_936, %swap3A_937], %bitcast3A_931 {strides = array<i32>} : memref<2x128x128xi32, #tpu.memory_space<vmem>>, vector<16xi32>,
        %mul3A_939 = arith.constant 2 : i32
        %mul3A_940 = arith.muli %mul3A_939, %add3A_817 : i32
        %get3A_941 = arith.constant 3 : i32
        %get3A_942 = arith.index_cast %get3A_941 : i32 to index
        %get3A_943 = arith.index_cast %mul3A_940 : i32 to index
        %get3A_944 = arith.constant 80 : index
        %get3A_945 = tpu.vector_load %arg6[%get3A_942, %get3A_943, %get3A_944] {strides = array<i32>} : memref<4x128x128xf32, #tpu.memory_space<vmem>>, vector<16xf32>,
        %mul3A_946 = arith.constant 2 : i32
        %mul3A_947 = arith.muli %mul3A_946, %add3A_817 : i32
        %add3A_948 = arith.constant 1 : i32
        %add3A_949 = arith.addi %mul3A_947, %add3A_948 : i32
        %get3A_950 = arith.constant 3 : i32
        %get3A_951 = arith.index_cast %get3A_950 : i32 to index
        %get3A_952 = arith.index_cast %add3A_949 : i32 to index
        %get3A_953 = arith.constant 80 : index
        %get3A_954 = tpu.vector_load %arg6[%get3A_951, %get3A_952, %get3A_953] {strides = array<i32>} : memref<4x128x128xf32, #tpu.memory_space<vmem>>, vector<16xf32>,
        %pack3A_955 = tpu.pack_subelements %get3A_945, %get3A_954 {pack_format = #tpu.pack_format<interleaved>, positions = array<i32: 0, 1>} : vector<16xf32>, vector<16xf32> -> vector<32xbf16>
        %bitcast3A_956 = vector.bitcast %pack3A_955 : vector<32xbf16> to vector<16xi32>
        %add3A_957 = arith.constant 64 : i32
        %add3A_958 = arith.addi %add3A_957, %add3A_817 : i32
        %swap3A_959 = arith.constant 1 : i32
        %swap3A_960 = arith.index_cast %swap3A_959 : i32 to index
        %swap3A_961 = arith.index_cast %add3A_958 : i32 to index
        %swap3A_962 = arith.constant 80 : index
        %swap3A_963 = tpu.vector_load %arg7[%swap3A_960, %swap3A_961, %swap3A_962] {strides = array<i32>} : memref<2x128x128xi32, #tpu.memory_space<vmem>>, vector<16xi32>,
        tpu.vector_store %arg7[%swap3A_960, %swap3A_961, %swap3A_962], %bitcast3A_956 {strides = array<i32>} : memref<2x128x128xi32, #tpu.memory_space<vmem>>, vector<16xi32>,
        %mul3A_964 = arith.constant 2 : i32
        %mul3A_965 = arith.muli %mul3A_964, %add3A_817 : i32
        %get3A_966 = arith.constant 3 : i32
        %get3A_967 = arith.index_cast %get3A_966 : i32 to index
        %get3A_968 = arith.index_cast %mul3A_965 : i32 to index
        %get3A_969 = arith.constant 96 : index
        %get3A_970 = tpu.vector_load %arg6[%get3A_967, %get3A_968, %get3A_969] {strides = array<i32>} : memref<4x128x128xf32, #tpu.memory_space<vmem>>, vector<16xf32>,
        %mul3A_971 = arith.constant 2 : i32
        %mul3A_972 = arith.muli %mul3A_971, %add3A_817 : i32
        %add3A_973 = arith.constant 1 : i32
        %add3A_974 = arith.addi %mul3A_972, %add3A_973 : i32
        %get3A_975 = arith.constant 3 : i32
        %get3A_976 = arith.index_cast %get3A_975 : i32 to index
        %get3A_977 = arith.index_cast %add3A_974 : i32 to index
        %get3A_978 = arith.constant 96 : index
        %get3A_979 = tpu.vector_load %arg6[%get3A_976, %get3A_977, %get3A_978] {strides = array<i32>} : memref<4x128x128xf32, #tpu.memory_space<vmem>>, vector<16xf32>,
        %pack3A_980 = tpu.pack_subelements %get3A_970, %get3A_979 {pack_format = #tpu.pack_format<interleaved>, positions = array<i32: 0, 1>} : vector<16xf32>, vector<16xf32> -> vector<32xbf16>
        %bitcast3A_981 = vector.bitcast %pack3A_980 : vector<32xbf16> to vector<16xi32>
        %add3A_982 = arith.constant 64 : i32
        %add3A_983 = arith.addi %add3A_982, %add3A_817 : i32
        %swap3A_984 = arith.constant 1 : i32
        %swap3A_985 = arith.index_cast %swap3A_984 : i32 to index
        %swap3A_986 = arith.index_cast %add3A_983 : i32 to index
        %swap3A_987 = arith.constant 96 : index
        %swap3A_988 = tpu.vector_load %arg7[%swap3A_985, %swap3A_986, %swap3A_987] {strides = array<i32>} : memref<2x128x128xi32, #tpu.memory_space<vmem>>, vector<16xi32>,
        tpu.vector_store %arg7[%swap3A_985, %swap3A_986, %swap3A_987], %bitcast3A_981 {strides = array<i32>} : memref<2x128x128xi32, #tpu.memory_space<vmem>>, vector<16xi32>,
        %mul3A_989 = arith.constant 2 : i32
        %mul3A_990 = arith.muli %mul3A_989, %add3A_817 : i32
        %get3A_991 = arith.constant 3 : i32
        %get3A_992 = arith.index_cast %get3A_991 : i32 to index
        %get3A_993 = arith.index_cast %mul3A_990 : i32 to index
        %get3A_994 = arith.constant 112 : index
        %get3A_995 = tpu.vector_load %arg6[%get3A_992, %get3A_993, %get3A_994] {strides = array<i32>} : memref<4x128x128xf32, #tpu.memory_space<vmem>>, vector<16xf32>,
        %mul3A_996 = arith.constant 2 : i32
        %mul3A_997 = arith.muli %mul3A_996, %add3A_817 : i32
        %add3A_998 = arith.constant 1 : i32
        %add3A_999 = arith.addi %mul3A_997, %add3A_998 : i32
        %get3A_1000 = arith.constant 3 : i32
        %get3A_1001 = arith.index_cast %get3A_1000 : i32 to index
        %get3A_1002 = arith.index_cast %add3A_999 : i32 to index
        %get3A_1003 = arith.constant 112 : index
        %get3A_1004 = tpu.vector_load %arg6[%get3A_1001, %get3A_1002, %get3A_1003] {strides = array<i32>} : memref<4x128x128xf32, #tpu.memory_space<vmem>>, vector<16xf32>,
        %pack3A_1005 = tpu.pack_subelements %get3A_995, %get3A_1004 {pack_format = #tpu.pack_format<interleaved>, positions = array<i32: 0, 1>} : vector<16xf32>, vector<16xf32> -> vector<32xbf16>
        %bitcast3A_1006 = vector.bitcast %pack3A_1005 : vector<32xbf16> to vector<16xi32>
        %add3A_1007 = arith.constant 64 : i32
        %add3A_1008 = arith.addi %add3A_1007, %add3A_817 : i32
        %swap3A_1009 = arith.constant 1 : i32
        %swap3A_1010 = arith.index_cast %swap3A_1009 : i32 to index
        %swap3A_1011 = arith.index_cast %add3A_1008 : i32 to index
        %swap3A_1012 = arith.constant 112 : index
        %swap3A_1013 = tpu.vector_load %arg7[%swap3A_1010, %swap3A_1011, %swap3A_1012] {strides = array<i32>} : memref<2x128x128xi32, #tpu.memory_space<vmem>>, vector<16xi32>,
        tpu.vector_store %arg7[%swap3A_1010, %swap3A_1011, %swap3A_1012], %bitcast3A_1006 {strides = array<i32>} : memref<2x128x128xi32, #tpu.memory_space<vmem>>, vector<16xi32>,
      }
      %scan3A_771 = arith.constant 64 : i32
      %add3A_772 = arith.constant 3 : i32
      %add3A_773 = arith.addi %add3A_591, %add3A_772 : i32
      %sub3A_774 = arith.constant 1 : i32
      %sub3A_775 = arith.subi %add3A_773, %sub3A_774 : i32
      %mul3A_776 = arith.constant 64 : i32
      %mul3A_777 = arith.muli %sub3A_775, %mul3A_776 : i32
      %add3A_778 = arith.addi %mul3A_4, %mul3A_777 : i32
      %dma_start3A_779 = arith.constant 1 : i32
      %dma_start3A_780 = arith.constant 1 : i32
      %dma_start3A_781 = arith.constant 0 : i32
      %dma_start3A_782 = arith.constant 0 : i32
      %dma_start3A_783 = tpu.memref_slice %arg7[%dma_start3A_779, %dma_start3A_781, %dma_start3A_782] : memref<2x128x128xi32, #tpu.memory_space<vmem>> -> memref<1x128x128xi32, #tpu.memory_space<vmem>>
      %dma_start3A_784 = tpu.memref_squeeze %dma_start3A_783 : memref<1x128x128xi32, #tpu.memory_space<vmem>> -> memref<128x128xi32, #tpu.memory_space<vmem>>
      %dma_start3A_785 = arith.constant 0 : i32
      %dma_start3A_786 = tpu.memref_slice %arg4[%add3A_778, %dma_start3A_785] : memref<138240x128xi32, #tpu.memory_space<hbm>> -> memref<128x128xi32, #tpu.memory_space<hbm>>
      %dma_start3A_787 = tpu.memref_slice %arg9[%dma_start3A_780] : memref<2x!tpu.dma_semaphore, #tpu.memory_space<semaphore_mem>> -> memref<1x!tpu.dma_semaphore, #tpu.memory_space<semaphore_mem>>
      %dma_start3A_788 = tpu.memref_squeeze %dma_start3A_787 : memref<1x!tpu.dma_semaphore, #tpu.memory_space<semaphore_mem>> -> memref<!tpu.dma_semaphore, #tpu.memory_space<semaphore_mem>>
      %dma_start3A_789 = arith.constant 0 : i32
      %dma_start3A_790 = tpu.memref_slice %arg4[%add3A_778, %dma_start3A_789] : memref<138240x128xi32, #tpu.memory_space<hbm>> -> memref<128x128xi32, #tpu.memory_space<hbm>>
      %dma_start3A_791 = arith.constant 0 : i32
      %dma_start3A_792 = arith.constant 0 : i32
      %dma_start3A_793 = tpu.memref_slice %arg7[%dma_start3A_779, %dma_start3A_791, %dma_start3A_792] : memref<2x128x128xi32, #tpu.memory_space<vmem>> -> memref<1x128x128xi32, #tpu.memory_space<vmem>>
      %dma_start3A_794 = tpu.memref_squeeze %dma_start3A_793 : memref<1x128x128xi32, #tpu.memory_space<vmem>> -> memref<128x128xi32, #tpu.memory_space<vmem>>
      tpu.enqueue_dma source(%dma_start3A_794 : memref<128x128xi32, #tpu.memory_space<vmem>>) target(%dma_start3A_790 : memref<128x128xi32, #tpu.memory_space<hbm>>) target_semaphore(%dma_start3A_788 : memref<!tpu.dma_semaphore, #tpu.memory_space<semaphore_mem>>)
      %add3A_795 = arith.constant 4 : i32
      %add3A_796 = arith.addi %add3A_591, %add3A_795 : i32
      %add3A_797 = arith.constant 3 : i32
      %add3A_798 = arith.addi %add3A_796, %add3A_797 : i32
      %mul3A_799 = arith.constant 128 : i32
      %mul3A_800 = arith.muli %add3A_798, %mul3A_799 : i32
      %dma_start3A_801 = arith.constant 3 : i32
      %dma_start3A_802 = arith.constant 3 : i32
      %dma_start3A_803 = arith.constant 0 : i32
      %dma_start3A_804 = arith.constant 0 : i32
      %dma_start3A_805 = tpu.memref_slice %arg6[%dma_start3A_801, %dma_start3A_803, %dma_start3A_804] : memref<4x128x128xf32, #tpu.memory_space<vmem>> -> memref<1x128x128xf32, #tpu.memory_space<vmem>>
      %dma_start3A_806 = tpu.memref_squeeze %dma_start3A_805 : memref<1x128x128xf32, #tpu.memory_space<vmem>> -> memref<128x128xf32, #tpu.memory_space<vmem>>
      %dma_start3A_807 = tpu.memref_slice %arg5[%mul3A_800] : memref<8640xi32, #tpu.memory_space<vmem>> -> memref<128xi32, #tpu.memory_space<vmem>>
      %dma_start3A_808 = arith.constant 0 : i32
      %dma_start3A_809 = arith.constant 0 : i32
      %dma_start3A_810 = tpu.memref_slice %arg2[%dma_start3A_808, %dma_start3A_809] : memref<10000x128xf32, #tpu.memory_space<hbm>> -> memref<10000x128xf32, #tpu.memory_space<hbm>>
      %dma_start3A_811 = tpu.memref_slice %arg8[%dma_start3A_802] : memref<4x!tpu.dma_semaphore, #tpu.memory_space<semaphore_mem>> -> memref<1x!tpu.dma_semaphore, #tpu.memory_space<semaphore_mem>>
      %dma_start3A_812 = tpu.memref_squeeze %dma_start3A_811 : memref<1x!tpu.dma_semaphore, #tpu.memory_space<semaphore_mem>> -> memref<!tpu.dma_semaphore, #tpu.memory_space<semaphore_mem>>
      tpu.enqueue_indirect_dma source(%dma_start3A_810 : memref<10000x128xf32, #tpu.memory_space<hbm>>) target(%dma_start3A_806 : memref<128x128xf32, #tpu.memory_space<vmem>>) offsets(%dma_start3A_807 : memref<128xi32, #tpu.memory_space<vmem>>) semaphore(%dma_start3A_812 : memref<!tpu.dma_semaphore, #tpu.memory_space<semaphore_mem>>)
    }
    %scan3A_222 = arith.constant 14 : i32
    %dma_wait3A_223 = arith.constant 0 : i32
    %dma_wait3A_224 = arith.constant 0 : i32
    %dma_wait3A_225 = arith.constant 0 : i32
    %dma_wait3A_226 = arith.constant 0 : i32
    %dma_wait3A_227 = tpu.memref_slice %arg6[%dma_wait3A_223, %dma_wait3A_225, %dma_wait3A_226] : memref<4x128x128xf32, #tpu.memory_space<vmem>> -> memref<1x128x128xf32, #tpu.memory_space<vmem>>
    %dma_wait3A_228 = tpu.memref_squeeze %dma_wait3A_227 : memref<1x128x128xf32, #tpu.memory_space<vmem>> -> memref<128x128xf32, #tpu.memory_space<vmem>>
    %dma_wait3A_229 = arith.constant 0 : i32
    %dma_wait3A_230 = tpu.memref_slice %arg5[%dma_wait3A_229] : memref<8640xi32, #tpu.memory_space<vmem>> -> memref<128xi32, #tpu.memory_space<vmem>>
    %dma_wait3A_231 = arith.constant 0 : i32
    %dma_wait3A_232 = arith.constant 0 : i32
    %dma_wait3A_233 = tpu.memref_slice %arg2[%dma_wait3A_231, %dma_wait3A_232] : memref<10000x128xf32, #tpu.memory_space<hbm>> -> memref<10000x128xf32, #tpu.memory_space<hbm>>
    %dma_wait3A_234 = tpu.memref_slice %arg8[%dma_wait3A_224] : memref<4x!tpu.dma_semaphore, #tpu.memory_space<semaphore_mem>> -> memref<1x!tpu.dma_semaphore, #tpu.memory_space<semaphore_mem>>
    %dma_wait3A_235 = tpu.memref_squeeze %dma_wait3A_234 : memref<1x!tpu.dma_semaphore, #tpu.memory_space<semaphore_mem>> -> memref<!tpu.dma_semaphore, #tpu.memory_space<semaphore_mem>>
    tpu.wait_indirect_dma semaphore(%dma_wait3A_235 : memref<!tpu.dma_semaphore, #tpu.memory_space<semaphore_mem>>) src(%dma_wait3A_233 : memref<10000x128xf32, #tpu.memory_space<hbm>>) dst(%dma_wait3A_228 : memref<128x128xf32, #tpu.memory_space<vmem>>)
    %dma_wait3A_236 = arith.constant 0 : i32
    %dma_wait3A_237 = arith.constant 0 : i32
    %dma_wait3A_238 = arith.constant 0 : i32
    %dma_wait3A_239 = arith.constant 0 : i32
    %dma_wait3A_240 = tpu.memref_slice %arg7[%dma_wait3A_236, %dma_wait3A_238, %dma_wait3A_239] : memref<2x128x128xi32, #tpu.memory_space<vmem>> -> memref<1x128x128xi32, #tpu.memory_space<vmem>>
    %dma_wait3A_241 = tpu.memref_squeeze %dma_wait3A_240 : memref<1x128x128xi32, #tpu.memory_space<vmem>> -> memref<128x128xi32, #tpu.memory_space<vmem>>
    %dma_wait3A_242 = arith.constant 0 : i32
    %dma_wait3A_243 = tpu.memref_slice %arg4[%mul3A_4, %dma_wait3A_242] : memref<138240x128xi32, #tpu.memory_space<hbm>> -> memref<128x128xi32, #tpu.memory_space<hbm>>
    %dma_wait3A_244 = tpu.memref_slice %arg9[%dma_wait3A_237] : memref<2x!tpu.dma_semaphore, #tpu.memory_space<semaphore_mem>> -> memref<1x!tpu.dma_semaphore, #tpu.memory_space<semaphore_mem>>
    %dma_wait3A_245 = tpu.memref_squeeze %dma_wait3A_244 : memref<1x!tpu.dma_semaphore, #tpu.memory_space<semaphore_mem>> -> memref<!tpu.dma_semaphore, #tpu.memory_space<semaphore_mem>>
    %dma_wait3A_246 = arith.constant 0 : i32
    %dma_wait3A_247 = tpu.memref_slice %arg4[%mul3A_4, %dma_wait3A_246] : memref<138240x128xi32, #tpu.memory_space<hbm>> -> memref<128x128xi32, #tpu.memory_space<hbm>>
    %dma_wait3A_248 = arith.constant 0 : i32
    %dma_wait3A_249 = arith.constant 0 : i32
    %dma_wait3A_250 = tpu.memref_slice %arg7[%dma_wait3A_236, %dma_wait3A_248, %dma_wait3A_249] : memref<2x128x128xi32, #tpu.memory_space<vmem>> -> memref<1x128x128xi32, #tpu.memory_space<vmem>>
    %dma_wait3A_251 = tpu.memref_squeeze %dma_wait3A_250 : memref<1x128x128xi32, #tpu.memory_space<vmem>> -> memref<128x128xi32, #tpu.memory_space<vmem>>
    tpu.wait_dma2 semaphore(%dma_wait3A_245 : memref<!tpu.dma_semaphore, #tpu.memory_space<semaphore_mem>>) src(%dma_wait3A_251 : memref<128x128xi32, #tpu.memory_space<vmem>>) dst(%dma_wait3A_247 : memref<128x128xi32, #tpu.memory_space<hbm>>)
    %scan3A_252 = arith.constant 0 : i32
    %scan3A_253 = arith.constant 64 : i32
    %scan3A_254 = arith.addi %scan3A_252, %scan3A_253 : i32
    %scan3A_255 = arith.constant 1 : i32
    scf.for %scan3A_587 = %scan3A_252 to %scan3A_254 step %scan3A_255  : i32 {
      %mul3A_588 = arith.constant 1 : i32
      %mul3A_589 = arith.muli %scan3A_587, %mul3A_588 : i32
      %add3A_590 = arith.constant 0 : i32
      %add3A_591 = arith.addi %add3A_590, %mul3A_589 : i32
      %mul3A_592 = arith.constant 2 : i32
      %mul3A_593 = arith.muli %mul3A_592, %add3A_591 : i32
      %get3A = arith.constant 0 : i32
      %get3A_594 = arith.index_cast %get3A : i32 to index
      %get3A_595 = arith.index_cast %mul3A_593 : i32 to index
      %get3A_596 = arith.constant 0 : index
      %get3A_597 = tpu.vector_load %arg6[%get3A_594, %get3A_595, %get3A_596] {strides = array<i32>} : memref<4x128x128xf32, #tpu.memory_space<vmem>>, vector<16xf32>,
      %mul3A_598 = arith.constant 2 : i32
      %mul3A_599 = arith.muli %mul3A_598, %add3A_591 : i32
      %add3A_600 = arith.constant 1 : i32
      %add3A_601 = arith.addi %mul3A_599, %add3A_600 : i32
      %get3A_602 = arith.constant 0 : i32
      %get3A_603 = arith.index_cast %get3A_602 : i32 to index
      %get3A_604 = arith.index_cast %add3A_601 : i32 to index
      %get3A_605 = arith.constant 0 : index
      %get3A_606 = tpu.vector_load %arg6[%get3A_603, %get3A_604, %get3A_605] {strides = array<i32>} : memref<4x128x128xf32, #tpu.memory_space<vmem>>, vector<16xf32>,
      %pack3A = tpu.pack_subelements %get3A_597, %get3A_606 {pack_format = #tpu.pack_format<interleaved>, positions = array<i32: 0, 1>} : vector<16xf32>, vector<16xf32> -> vector<32xbf16>
      %bitcast3A = vector.bitcast %pack3A : vector<32xbf16> to vector<16xi32>
      %add3A_607 = arith.constant 0 : i32
      %add3A_608 = arith.addi %add3A_607, %add3A_591 : i32
      %swap3A = arith.constant 0 : i32
      %swap3A_609 = arith.index_cast %swap3A : i32 to index
      %swap3A_610 = arith.index_cast %add3A_608 : i32 to index
      %swap3A_611 = arith.constant 0 : index
      %swap3A_612 = tpu.vector_load %arg7[%swap3A_609, %swap3A_610, %swap3A_611] {strides = array<i32>} : memref<2x128x128xi32, #tpu.memory_space<vmem>>, vector<16xi32>,
      tpu.vector_store %arg7[%swap3A_609, %swap3A_610, %swap3A_611], %bitcast3A {strides = array<i32>} : memref<2x128x128xi32, #tpu.memory_space<vmem>>, vector<16xi32>,
      %mul3A_613 = arith.constant 2 : i32
      %mul3A_614 = arith.muli %mul3A_613, %add3A_591 : i32
      %get3A_615 = arith.constant 0 : i32
      %get3A_616 = arith.index_cast %get3A_615 : i32 to index
      %get3A_617 = arith.index_cast %mul3A_614 : i32 to index
      %get3A_618 = arith.constant 16 : index
      %get3A_619 = tpu.vector_load %arg6[%get3A_616, %get3A_617, %get3A_618] {strides = array<i32>} : memref<4x128x128xf32, #tpu.memory_space<vmem>>, vector<16xf32>,
      %mul3A_620 = arith.constant 2 : i32
      %mul3A_621 = arith.muli %mul3A_620, %add3A_591 : i32
      %add3A_622 = arith.constant 1 : i32
      %add3A_623 = arith.addi %mul3A_621, %add3A_622 : i32
      %get3A_624 = arith.constant 0 : i32
      %get3A_625 = arith.index_cast %get3A_624 : i32 to index
      %get3A_626 = arith.index_cast %add3A_623 : i32 to index
      %get3A_627 = arith.constant 16 : index
      %get3A_628 = tpu.vector_load %arg6[%get3A_625, %get3A_626, %get3A_627] {strides = array<i32>} : memref<4x128x128xf32, #tpu.memory_space<vmem>>, vector<16xf32>,
      %pack3A_629 = tpu.pack_subelements %get3A_619, %get3A_628 {pack_format = #tpu.pack_format<interleaved>, positions = array<i32: 0, 1>} : vector<16xf32>, vector<16xf32> -> vector<32xbf16>
      %bitcast3A_630 = vector.bitcast %pack3A_629 : vector<32xbf16> to vector<16xi32>
      %add3A_631 = arith.constant 0 : i32
      %add3A_632 = arith.addi %add3A_631, %add3A_591 : i32
      %swap3A_633 = arith.constant 0 : i32
      %swap3A_634 = arith.index_cast %swap3A_633 : i32 to index
      %swap3A_635 = arith.index_cast %add3A_632 : i32 to index
      %swap3A_636 = arith.constant 16 : index
      %swap3A_637 = tpu.vector_load %arg7[%swap3A_634, %swap3A_635, %swap3A_636] {strides = array<i32>} : memref<2x128x128xi32, #tpu.memory_space<vmem>>, vector<16xi32>,
      tpu.vector_store %arg7[%swap3A_634, %swap3A_635, %swap3A_636], %bitcast3A_630 {strides = array<i32>} : memref<2x128x128xi32, #tpu.memory_space<vmem>>, vector<16xi32>,
      %mul3A_638 = arith.constant 2 : i32
      %mul3A_639 = arith.muli %mul3A_638, %add3A_591 : i32
      %get3A_640 = arith.constant 0 : i32
      %get3A_641 = arith.index_cast %get3A_640 : i32 to index
      %get3A_642 = arith.index_cast %mul3A_639 : i32 to index
      %get3A_643 = arith.constant 32 : index
      %get3A_644 = tpu.vector_load %arg6[%get3A_641, %get3A_642, %get3A_643] {strides = array<i32>} : memref<4x128x128xf32, #tpu.memory_space<vmem>>, vector<16xf32>,
      %mul3A_645 = arith.constant 2 : i32
      %mul3A_646 = arith.muli %mul3A_645, %add3A_591 : i32
      %add3A_647 = arith.constant 1 : i32
      %add3A_648 = arith.addi %mul3A_646, %add3A_647 : i32
      %get3A_649 = arith.constant 0 : i32
      %get3A_650 = arith.index_cast %get3A_649 : i32 to index
      %get3A_651 = arith.index_cast %add3A_648 : i32 to index
      %get3A_652 = arith.constant 32 : index
      %get3A_653 = tpu.vector_load %arg6[%get3A_650, %get3A_651, %get3A_652] {strides = array<i32>} : memref<4x128x128xf32, #tpu.memory_space<vmem>>, vector<16xf32>,
      %pack3A_654 = tpu.pack_subelements %get3A_644, %get3A_653 {pack_format = #tpu.pack_format<interleaved>, positions = array<i32: 0, 1>} : vector<16xf32>, vector<16xf32> -> vector<32xbf16>
      %bitcast3A_655 = vector.bitcast %pack3A_654 : vector<32xbf16> to vector<16xi32>
      %add3A_656 = arith.constant 0 : i32
      %add3A_657 = arith.addi %add3A_656, %add3A_591 : i32
      %swap3A_658 = arith.constant 0 : i32
      %swap3A_659 = arith.index_cast %swap3A_658 : i32 to index
      %swap3A_660 = arith.index_cast %add3A_657 : i32 to index
      %swap3A_661 = arith.constant 32 : index
      %swap3A_662 = tpu.vector_load %arg7[%swap3A_659, %swap3A_660, %swap3A_661] {strides = array<i32>} : memref<2x128x128xi32, #tpu.memory_space<vmem>>, vector<16xi32>,
      tpu.vector_store %arg7[%swap3A_659, %swap3A_660, %swap3A_661], %bitcast3A_655 {strides = array<i32>} : memref<2x128x128xi32, #tpu.memory_space<vmem>>, vector<16xi32>,
      %mul3A_663 = arith.constant 2 : i32
      %mul3A_664 = arith.muli %mul3A_663, %add3A_591 : i32
      %get3A_665 = arith.constant 0 : i32
      %get3A_666 = arith.index_cast %get3A_665 : i32 to index
      %get3A_667 = arith.index_cast %mul3A_664 : i32 to index
      %get3A_668 = arith.constant 48 : index
      %get3A_669 = tpu.vector_load %arg6[%get3A_666, %get3A_667, %get3A_668] {strides = array<i32>} : memref<4x128x128xf32, #tpu.memory_space<vmem>>, vector<16xf32>,
      %mul3A_670 = arith.constant 2 : i32
      %mul3A_671 = arith.muli %mul3A_670, %add3A_591 : i32
      %add3A_672 = arith.constant 1 : i32
      %add3A_673 = arith.addi %mul3A_671, %add3A_672 : i32
      %get3A_674 = arith.constant 0 : i32
      %get3A_675 = arith.index_cast %get3A_674 : i32 to index
      %get3A_676 = arith.index_cast %add3A_673 : i32 to index
      %get3A_677 = arith.constant 48 : index
      %get3A_678 = tpu.vector_load %arg6[%get3A_675, %get3A_676, %get3A_677] {strides = array<i32>} : memref<4x128x128xf32, #tpu.memory_space<vmem>>, vector<16xf32>,
      %pack3A_679 = tpu.pack_subelements %get3A_669, %get3A_678 {pack_format = #tpu.pack_format<interleaved>, positions = array<i32: 0, 1>} : vector<16xf32>, vector<16xf32> -> vector<32xbf16>
      %bitcast3A_680 = vector.bitcast %pack3A_679 : vector<32xbf16> to vector<16xi32>
      %add3A_681 = arith.constant 0 : i32
      %add3A_682 = arith.addi %add3A_681, %add3A_591 : i32
      %swap3A_683 = arith.constant 0 : i32
      %swap3A_684 = arith.index_cast %swap3A_683 : i32 to index
      %swap3A_685 = arith.index_cast %add3A_682 : i32 to index
      %swap3A_686 = arith.constant 48 : index
      %swap3A_687 = tpu.vector_load %arg7[%swap3A_684, %swap3A_685, %swap3A_686] {strides = array<i32>} : memref<2x128x128xi32, #tpu.memory_space<vmem>>, vector<16xi32>,
      tpu.vector_store %arg7[%swap3A_684, %swap3A_685, %swap3A_686], %bitcast3A_680 {strides = array<i32>} : memref<2x128x128xi32, #tpu.memory_space<vmem>>, vector<16xi32>,
      %mul3A_688 = arith.constant 2 : i32
      %mul3A_689 = arith.muli %mul3A_688, %add3A_591 : i32
      %get3A_690 = arith.constant 0 : i32
      %get3A_691 = arith.index_cast %get3A_690 : i32 to index
      %get3A_692 = arith.index_cast %mul3A_689 : i32 to index
      %get3A_693 = arith.constant 64 : index
      %get3A_694 = tpu.vector_load %arg6[%get3A_691, %get3A_692, %get3A_693] {strides = array<i32>} : memref<4x128x128xf32, #tpu.memory_space<vmem>>, vector<16xf32>,
      %mul3A_695 = arith.constant 2 : i32
      %mul3A_696 = arith.muli %mul3A_695, %add3A_591 : i32
      %add3A_697 = arith.constant 1 : i32
      %add3A_698 = arith.addi %mul3A_696, %add3A_697 : i32
      %get3A_699 = arith.constant 0 : i32
      %get3A_700 = arith.index_cast %get3A_699 : i32 to index
      %get3A_701 = arith.index_cast %add3A_698 : i32 to index
      %get3A_702 = arith.constant 64 : index
      %get3A_703 = tpu.vector_load %arg6[%get3A_700, %get3A_701, %get3A_702] {strides = array<i32>} : memref<4x128x128xf32, #tpu.memory_space<vmem>>, vector<16xf32>,
      %pack3A_704 = tpu.pack_subelements %get3A_694, %get3A_703 {pack_format = #tpu.pack_format<interleaved>, positions = array<i32: 0, 1>} : vector<16xf32>, vector<16xf32> -> vector<32xbf16>
      %bitcast3A_705 = vector.bitcast %pack3A_704 : vector<32xbf16> to vector<16xi32>
      %add3A_706 = arith.constant 0 : i32
      %add3A_707 = arith.addi %add3A_706, %add3A_591 : i32
      %swap3A_708 = arith.constant 0 : i32
      %swap3A_709 = arith.index_cast %swap3A_708 : i32 to index
      %swap3A_710 = arith.index_cast %add3A_707 : i32 to index
      %swap3A_711 = arith.constant 64 : index
      %swap3A_712 = tpu.vector_load %arg7[%swap3A_709, %swap3A_710, %swap3A_711] {strides = array<i32>} : memref<2x128x128xi32, #tpu.memory_space<vmem>>, vector<16xi32>,
      tpu.vector_store %arg7[%swap3A_709, %swap3A_710, %swap3A_711], %bitcast3A_705 {strides = array<i32>} : memref<2x128x128xi32, #tpu.memory_space<vmem>>, vector<16xi32>,
      %mul3A_713 = arith.constant 2 : i32
      %mul3A_714 = arith.muli %mul3A_713, %add3A_591 : i32
      %get3A_715 = arith.constant 0 : i32
      %get3A_716 = arith.index_cast %get3A_715 : i32 to index
      %get3A_717 = arith.index_cast %mul3A_714 : i32 to index
      %get3A_718 = arith.constant 80 : index
      %get3A_719 = tpu.vector_load %arg6[%get3A_716, %get3A_717, %get3A_718] {strides = array<i32>} : memref<4x128x128xf32, #tpu.memory_space<vmem>>, vector<16xf32>,
      %mul3A_720 = arith.constant 2 : i32
      %mul3A_721 = arith.muli %mul3A_720, %add3A_591 : i32
      %add3A_722 = arith.constant 1 : i32
      %add3A_723 = arith.addi %mul3A_721, %add3A_722 : i32
      %get3A_724 = arith.constant 0 : i32
      %get3A_725 = arith.index_cast %get3A_724 : i32 to index
      %get3A_726 = arith.index_cast %add3A_723 : i32 to index
      %get3A_727 = arith.constant 80 : index
      %get3A_728 = tpu.vector_load %arg6[%get3A_725, %get3A_726, %get3A_727] {strides = array<i32>} : memref<4x128x128xf32, #tpu.memory_space<vmem>>, vector<16xf32>,
      %pack3A_729 = tpu.pack_subelements %get3A_719, %get3A_728 {pack_format = #tpu.pack_format<interleaved>, positions = array<i32: 0, 1>} : vector<16xf32>, vector<16xf32> -> vector<32xbf16>
      %bitcast3A_730 = vector.bitcast %pack3A_729 : vector<32xbf16> to vector<16xi32>
      %add3A_731 = arith.constant 0 : i32
      %add3A_732 = arith.addi %add3A_731, %add3A_591 : i32
      %swap3A_733 = arith.constant 0 : i32
      %swap3A_734 = arith.index_cast %swap3A_733 : i32 to index
      %swap3A_735 = arith.index_cast %add3A_732 : i32 to index
      %swap3A_736 = arith.constant 80 : index
      %swap3A_737 = tpu.vector_load %arg7[%swap3A_734, %swap3A_735, %swap3A_736] {strides = array<i32>} : memref<2x128x128xi32, #tpu.memory_space<vmem>>, vector<16xi32>,
      tpu.vector_store %arg7[%swap3A_734, %swap3A_735, %swap3A_736], %bitcast3A_730 {strides = array<i32>} : memref<2x128x128xi32, #tpu.memory_space<vmem>>, vector<16xi32>,
      %mul3A_738 = arith.constant 2 : i32
      %mul3A_739 = arith.muli %mul3A_738, %add3A_591 : i32
      %get3A_740 = arith.constant 0 : i32
      %get3A_741 = arith.index_cast %get3A_740 : i32 to index
      %get3A_742 = arith.index_cast %mul3A_739 : i32 to index
      %get3A_743 = arith.constant 96 : index
      %get3A_744 = tpu.vector_load %arg6[%get3A_741, %get3A_742, %get3A_743] {strides = array<i32>} : memref<4x128x128xf32, #tpu.memory_space<vmem>>, vector<16xf32>,
      %mul3A_745 = arith.constant 2 : i32
      %mul3A_746 = arith.muli %mul3A_745, %add3A_591 : i32
      %add3A_747 = arith.constant 1 : i32
      %add3A_748 = arith.addi %mul3A_746, %add3A_747 : i32
      %get3A_749 = arith.constant 0 : i32
      %get3A_750 = arith.index_cast %get3A_749 : i32 to index
      %get3A_751 = arith.index_cast %add3A_748 : i32 to index
      %get3A_752 = arith.constant 96 : index
      %get3A_753 = tpu.vector_load %arg6[%get3A_750, %get3A_751, %get3A_752] {strides = array<i32>} : memref<4x128x128xf32, #tpu.memory_space<vmem>>, vector<16xf32>,
      %pack3A_754 = tpu.pack_subelements %get3A_744, %get3A_753 {pack_format = #tpu.pack_format<interleaved>, positions = array<i32: 0, 1>} : vector<16xf32>, vector<16xf32> -> vector<32xbf16>
      %bitcast3A_755 = vector.bitcast %pack3A_754 : vector<32xbf16> to vector<16xi32>
      %add3A_756 = arith.constant 0 : i32
      %add3A_757 = arith.addi %add3A_756, %add3A_591 : i32
      %swap3A_758 = arith.constant 0 : i32
      %swap3A_759 = arith.index_cast %swap3A_758 : i32 to index
      %swap3A_760 = arith.index_cast %add3A_757 : i32 to index
      %swap3A_761 = arith.constant 96 : index
      %swap3A_762 = tpu.vector_load %arg7[%swap3A_759, %swap3A_760, %swap3A_761] {strides = array<i32>} : memref<2x128x128xi32, #tpu.memory_space<vmem>>, vector<16xi32>,
      tpu.vector_store %arg7[%swap3A_759, %swap3A_760, %swap3A_761], %bitcast3A_755 {strides = array<i32>} : memref<2x128x128xi32, #tpu.memory_space<vmem>>, vector<16xi32>,
      %mul3A_763 = arith.constant 2 : i32
      %mul3A_764 = arith.muli %mul3A_763, %add3A_591 : i32
      %get3A_765 = arith.constant 0 : i32
      %get3A_766 = arith.index_cast %get3A_765 : i32 to index
      %get3A_767 = arith.index_cast %mul3A_764 : i32 to index
      %get3A_768 = arith.constant 112 : index
      %get3A_769 = tpu.vector_load %arg6[%get3A_766, %get3A_767, %get3A_768] {strides = array<i32>} : memref<4x128x128xf32, #tpu.memory_space<vmem>>, vector<16xf32>,
      %mul3A_770 = arith.constant 2 : i32
      %mul3A_771 = arith.muli %mul3A_770, %add3A_591 : i32
      %add3A_772 = arith.constant 1 : i32
      %add3A_773 = arith.addi %mul3A_771, %add3A_772 : i32
      %get3A_774 = arith.constant 0 : i32
      %get3A_775 = arith.index_cast %get3A_774 : i32 to index
      %get3A_776 = arith.index_cast %add3A_773 : i32 to index
      %get3A_777 = arith.constant 112 : index
      %get3A_778 = tpu.vector_load %arg6[%get3A_775, %get3A_776, %get3A_777] {strides = array<i32>} : memref<4x128x128xf32, #tpu.memory_space<vmem>>, vector<16xf32>,
      %pack3A_779 = tpu.pack_subelements %get3A_769, %get3A_778 {pack_format = #tpu.pack_format<interleaved>, positions = array<i32: 0, 1>} : vector<16xf32>, vector<16xf32> -> vector<32xbf16>
      %bitcast3A_780 = vector.bitcast %pack3A_779 : vector<32xbf16> to vector<16xi32>
      %add3A_781 = arith.constant 0 : i32
      %add3A_782 = arith.addi %add3A_781, %add3A_591 : i32
      %swap3A_783 = arith.constant 0 : i32
      %swap3A_784 = arith.index_cast %swap3A_783 : i32 to index
      %swap3A_785 = arith.index_cast %add3A_782 : i32 to index
      %swap3A_786 = arith.constant 112 : index
      %swap3A_787 = tpu.vector_load %arg7[%swap3A_784, %swap3A_785, %swap3A_786] {strides = array<i32>} : memref<2x128x128xi32, #tpu.memory_space<vmem>>, vector<16xi32>,
      tpu.vector_store %arg7[%swap3A_784, %swap3A_785, %swap3A_786], %bitcast3A_780 {strides = array<i32>} : memref<2x128x128xi32, #tpu.memory_space<vmem>>, vector<16xi32>,
    }
    %scan3A_256 = arith.constant 64 : i32
    %dma_start3A_257 = arith.constant 0 : i32
    %dma_start3A_258 = arith.constant 0 : i32
    %dma_start3A_259 = arith.constant 0 : i32
    %dma_start3A_260 = arith.constant 0 : i32
    %dma_start3A_261 = tpu.memref_slice %arg6[%dma_start3A_257, %dma_start3A_259, %dma_start3A_260] : memref<4x128x128xf32, #tpu.memory_space<vmem>> -> memref<1x128x128xf32, #tpu.memory_space<vmem>>
    %dma_start3A_262 = tpu.memref_squeeze %dma_start3A_261 : memref<1x128x128xf32, #tpu.memory_space<vmem>> -> memref<128x128xf32, #tpu.memory_space<vmem>>
    %dma_start3A_263 = arith.constant 8192 : i32
    %dma_start3A_264 = tpu.memref_slice %arg5[%dma_start3A_263] : memref<8640xi32, #tpu.memory_space<vmem>> -> memref<128xi32, #tpu.memory_space<vmem>>
    %dma_start3A_265 = arith.constant 0 : i32
    %dma_start3A_266 = arith.constant 0 : i32
    %dma_start3A_267 = tpu.memref_slice %arg2[%dma_start3A_265, %dma_start3A_266] : memref<10000x128xf32, #tpu.memory_space<hbm>> -> memref<10000x128xf32, #tpu.memory_space<hbm>>
    %dma_start3A_268 = tpu.memref_slice %arg8[%dma_start3A_258] : memref<4x!tpu.dma_semaphore, #tpu.memory_space<semaphore_mem>> -> memref<1x!tpu.dma_semaphore, #tpu.memory_space<semaphore_mem>>
    %dma_start3A_269 = tpu.memref_squeeze %dma_start3A_268 : memref<1x!tpu.dma_semaphore, #tpu.memory_space<semaphore_mem>> -> memref<!tpu.dma_semaphore, #tpu.memory_space<semaphore_mem>>
    tpu.enqueue_indirect_dma source(%dma_start3A_267 : memref<10000x128xf32, #tpu.memory_space<hbm>>) target(%dma_start3A_262 : memref<128x128xf32, #tpu.memory_space<vmem>>) offsets(%dma_start3A_264 : memref<128xi32, #tpu.memory_space<vmem>>) semaphore(%dma_start3A_269 : memref<!tpu.dma_semaphore, #tpu.memory_space<semaphore_mem>>)
    %dma_wait3A_270 = arith.constant 1 : i32
    %dma_wait3A_271 = arith.constant 1 : i32
    %dma_wait3A_272 = arith.constant 0 : i32
    %dma_wait3A_273 = arith.constant 0 : i32
    %dma_wait3A_274 = tpu.memref_slice %arg6[%dma_wait3A_270, %dma_wait3A_272, %dma_wait3A_273] : memref<4x128x128xf32, #tpu.memory_space<vmem>> -> memref<1x128x128xf32, #tpu.memory_space<vmem>>
    %dma_wait3A_275 = tpu.memref_squeeze %dma_wait3A_274 : memref<1x128x128xf32, #tpu.memory_space<vmem>> -> memref<128x128xf32, #tpu.memory_space<vmem>>
    %dma_wait3A_276 = arith.constant 0 : i32
    %dma_wait3A_277 = tpu.memref_slice %arg5[%dma_wait3A_276] : memref<8640xi32, #tpu.memory_space<vmem>> -> memref<128xi32, #tpu.memory_space<vmem>>
    %dma_wait3A_278 = arith.constant 0 : i32
    %dma_wait3A_279 = arith.constant 0 : i32
    %dma_wait3A_280 = tpu.memref_slice %arg2[%dma_wait3A_278, %dma_wait3A_279] : memref<10000x128xf32, #tpu.memory_space<hbm>> -> memref<10000x128xf32, #tpu.memory_space<hbm>>
    %dma_wait3A_281 = tpu.memref_slice %arg8[%dma_wait3A_271] : memref<4x!tpu.dma_semaphore, #tpu.memory_space<semaphore_mem>> -> memref<1x!tpu.dma_semaphore, #tpu.memory_space<semaphore_mem>>
    %dma_wait3A_282 = tpu.memref_squeeze %dma_wait3A_281 : memref<1x!tpu.dma_semaphore, #tpu.memory_space<semaphore_mem>> -> memref<!tpu.dma_semaphore, #tpu.memory_space<semaphore_mem>>
    tpu.wait_indirect_dma semaphore(%dma_wait3A_282 : memref<!tpu.dma_semaphore, #tpu.memory_space<semaphore_mem>>) src(%dma_wait3A_280 : memref<10000x128xf32, #tpu.memory_space<hbm>>) dst(%dma_wait3A_275 : memref<128x128xf32, #tpu.memory_space<vmem>>)
    %scan3A_283 = arith.constant 0 : i32
    %scan3A_284 = arith.constant 64 : i32
    %scan3A_285 = arith.addi %scan3A_283, %scan3A_284 : i32
    %scan3A_286 = arith.constant 1 : i32
    scf.for %scan3A_587 = %scan3A_283 to %scan3A_285 step %scan3A_286  : i32 {
      %mul3A_588 = arith.constant 1 : i32
      %mul3A_589 = arith.muli %scan3A_587, %mul3A_588 : i32
      %add3A_590 = arith.constant 0 : i32
      %add3A_591 = arith.addi %add3A_590, %mul3A_589 : i32
      %mul3A_592 = arith.constant 2 : i32
      %mul3A_593 = arith.muli %mul3A_592, %add3A_591 : i32
      %get3A = arith.constant 1 : i32
      %get3A_594 = arith.index_cast %get3A : i32 to index
      %get3A_595 = arith.index_cast %mul3A_593 : i32 to index
      %get3A_596 = arith.constant 0 : index
      %get3A_597 = tpu.vector_load %arg6[%get3A_594, %get3A_595, %get3A_596] {strides = array<i32>} : memref<4x128x128xf32, #tpu.memory_space<vmem>>, vector<16xf32>,
      %mul3A_598 = arith.constant 2 : i32
      %mul3A_599 = arith.muli %mul3A_598, %add3A_591 : i32
      %add3A_600 = arith.constant 1 : i32
      %add3A_601 = arith.addi %mul3A_599, %add3A_600 : i32
      %get3A_602 = arith.constant 1 : i32
      %get3A_603 = arith.index_cast %get3A_602 : i32 to index
      %get3A_604 = arith.index_cast %add3A_601 : i32 to index
      %get3A_605 = arith.constant 0 : index
      %get3A_606 = tpu.vector_load %arg6[%get3A_603, %get3A_604, %get3A_605] {strides = array<i32>} : memref<4x128x128xf32, #tpu.memory_space<vmem>>, vector<16xf32>,
      %pack3A = tpu.pack_subelements %get3A_597, %get3A_606 {pack_format = #tpu.pack_format<interleaved>, positions = array<i32: 0, 1>} : vector<16xf32>, vector<16xf32> -> vector<32xbf16>
      %bitcast3A = vector.bitcast %pack3A : vector<32xbf16> to vector<16xi32>
      %add3A_607 = arith.constant 64 : i32
      %add3A_608 = arith.addi %add3A_607, %add3A_591 : i32
      %swap3A = arith.constant 0 : i32
      %swap3A_609 = arith.index_cast %swap3A : i32 to index
      %swap3A_610 = arith.index_cast %add3A_608 : i32 to index
      %swap3A_611 = arith.constant 0 : index
      %swap3A_612 = tpu.vector_load %arg7[%swap3A_609, %swap3A_610, %swap3A_611] {strides = array<i32>} : memref<2x128x128xi32, #tpu.memory_space<vmem>>, vector<16xi32>,
      tpu.vector_store %arg7[%swap3A_609, %swap3A_610, %swap3A_611], %bitcast3A {strides = array<i32>} : memref<2x128x128xi32, #tpu.memory_space<vmem>>, vector<16xi32>,
      %mul3A_613 = arith.constant 2 : i32
      %mul3A_614 = arith.muli %mul3A_613, %add3A_591 : i32
      %get3A_615 = arith.constant 1 : i32
      %get3A_616 = arith.index_cast %get3A_615 : i32 to index
      %get3A_617 = arith.index_cast %mul3A_614 : i32 to index
      %get3A_618 = arith.constant 16 : index
      %get3A_619 = tpu.vector_load %arg6[%get3A_616, %get3A_617, %get3A_618] {strides = array<i32>} : memref<4x128x128xf32, #tpu.memory_space<vmem>>, vector<16xf32>,
      %mul3A_620 = arith.constant 2 : i32
      %mul3A_621 = arith.muli %mul3A_620, %add3A_591 : i32
      %add3A_622 = arith.constant 1 : i32
      %add3A_623 = arith.addi %mul3A_621, %add3A_622 : i32
      %get3A_624 = arith.constant 1 : i32
      %get3A_625 = arith.index_cast %get3A_624 : i32 to index
      %get3A_626 = arith.index_cast %add3A_623 : i32 to index
      %get3A_627 = arith.constant 16 : index
      %get3A_628 = tpu.vector_load %arg6[%get3A_625, %get3A_626, %get3A_627] {strides = array<i32>} : memref<4x128x128xf32, #tpu.memory_space<vmem>>, vector<16xf32>,
      %pack3A_629 = tpu.pack_subelements %get3A_619, %get3A_628 {pack_format = #tpu.pack_format<interleaved>, positions = array<i32: 0, 1>} : vector<16xf32>, vector<16xf32> -> vector<32xbf16>
      %bitcast3A_630 = vector.bitcast %pack3A_629 : vector<32xbf16> to vector<16xi32>
      %add3A_631 = arith.constant 64 : i32
      %add3A_632 = arith.addi %add3A_631, %add3A_591 : i32
      %swap3A_633 = arith.constant 0 : i32
      %swap3A_634 = arith.index_cast %swap3A_633 : i32 to index
      %swap3A_635 = arith.index_cast %add3A_632 : i32 to index
      %swap3A_636 = arith.constant 16 : index
      %swap3A_637 = tpu.vector_load %arg7[%swap3A_634, %swap3A_635, %swap3A_636] {strides = array<i32>} : memref<2x128x128xi32, #tpu.memory_space<vmem>>, vector<16xi32>,
      tpu.vector_store %arg7[%swap3A_634, %swap3A_635, %swap3A_636], %bitcast3A_630 {strides = array<i32>} : memref<2x128x128xi32, #tpu.memory_space<vmem>>, vector<16xi32>,
      %mul3A_638 = arith.constant 2 : i32
      %mul3A_639 = arith.muli %mul3A_638, %add3A_591 : i32
      %get3A_640 = arith.constant 1 : i32
      %get3A_641 = arith.index_cast %get3A_640 : i32 to index
      %get3A_642 = arith.index_cast %mul3A_639 : i32 to index
      %get3A_643 = arith.constant 32 : index
      %get3A_644 = tpu.vector_load %arg6[%get3A_641, %get3A_642, %get3A_643] {strides = array<i32>} : memref<4x128x128xf32, #tpu.memory_space<vmem>>, vector<16xf32>,
      %mul3A_645 = arith.constant 2 : i32
      %mul3A_646 = arith.muli %mul3A_645, %add3A_591 : i32
      %add3A_647 = arith.constant 1 : i32
      %add3A_648 = arith.addi %mul3A_646, %add3A_647 : i32
      %get3A_649 = arith.constant 1 : i32
      %get3A_650 = arith.index_cast %get3A_649 : i32 to index
      %get3A_651 = arith.index_cast %add3A_648 : i32 to index
      %get3A_652 = arith.constant 32 : index
      %get3A_653 = tpu.vector_load %arg6[%get3A_650, %get3A_651, %get3A_652] {strides = array<i32>} : memref<4x128x128xf32, #tpu.memory_space<vmem>>, vector<16xf32>,
      %pack3A_654 = tpu.pack_subelements %get3A_644, %get3A_653 {pack_format = #tpu.pack_format<interleaved>, positions = array<i32: 0, 1>} : vector<16xf32>, vector<16xf32> -> vector<32xbf16>
      %bitcast3A_655 = vector.bitcast %pack3A_654 : vector<32xbf16> to vector<16xi32>
      %add3A_656 = arith.constant 64 : i32
      %add3A_657 = arith.addi %add3A_656, %add3A_591 : i32
      %swap3A_658 = arith.constant 0 : i32
      %swap3A_659 = arith.index_cast %swap3A_658 : i32 to index
      %swap3A_660 = arith.index_cast %add3A_657 : i32 to index
      %swap3A_661 = arith.constant 32 : index
      %swap3A_662 = tpu.vector_load %arg7[%swap3A_659, %swap3A_660, %swap3A_661] {strides = array<i32>} : memref<2x128x128xi32, #tpu.memory_space<vmem>>, vector<16xi32>,
      tpu.vector_store %arg7[%swap3A_659, %swap3A_660, %swap3A_661], %bitcast3A_655 {strides = array<i32>} : memref<2x128x128xi32, #tpu.memory_space<vmem>>, vector<16xi32>,
      %mul3A_663 = arith.constant 2 : i32
      %mul3A_664 = arith.muli %mul3A_663, %add3A_591 : i32
      %get3A_665 = arith.constant 1 : i32
      %get3A_666 = arith.index_cast %get3A_665 : i32 to index
      %get3A_667 = arith.index_cast %mul3A_664 : i32 to index
      %get3A_668 = arith.constant 48 : index
      %get3A_669 = tpu.vector_load %arg6[%get3A_666, %get3A_667, %get3A_668] {strides = array<i32>} : memref<4x128x128xf32, #tpu.memory_space<vmem>>, vector<16xf32>,
      %mul3A_670 = arith.constant 2 : i32
      %mul3A_671 = arith.muli %mul3A_670, %add3A_591 : i32
      %add3A_672 = arith.constant 1 : i32
      %add3A_673 = arith.addi %mul3A_671, %add3A_672 : i32
      %get3A_674 = arith.constant 1 : i32
      %get3A_675 = arith.index_cast %get3A_674 : i32 to index
      %get3A_676 = arith.index_cast %add3A_673 : i32 to index
      %get3A_677 = arith.constant 48 : index
      %get3A_678 = tpu.vector_load %arg6[%get3A_675, %get3A_676, %get3A_677] {strides = array<i32>} : memref<4x128x128xf32, #tpu.memory_space<vmem>>, vector<16xf32>,
      %pack3A_679 = tpu.pack_subelements %get3A_669, %get3A_678 {pack_format = #tpu.pack_format<interleaved>, positions = array<i32: 0, 1>} : vector<16xf32>, vector<16xf32> -> vector<32xbf16>
      %bitcast3A_680 = vector.bitcast %pack3A_679 : vector<32xbf16> to vector<16xi32>
      %add3A_681 = arith.constant 64 : i32
      %add3A_682 = arith.addi %add3A_681, %add3A_591 : i32
      %swap3A_683 = arith.constant 0 : i32
      %swap3A_684 = arith.index_cast %swap3A_683 : i32 to index
      %swap3A_685 = arith.index_cast %add3A_682 : i32 to index
      %swap3A_686 = arith.constant 48 : index
      %swap3A_687 = tpu.vector_load %arg7[%swap3A_684, %swap3A_685, %swap3A_686] {strides = array<i32>} : memref<2x128x128xi32, #tpu.memory_space<vmem>>, vector<16xi32>,
      tpu.vector_store %arg7[%swap3A_684, %swap3A_685, %swap3A_686], %bitcast3A_680 {strides = array<i32>} : memref<2x128x128xi32, #tpu.memory_space<vmem>>, vector<16xi32>,
      %mul3A_688 = arith.constant 2 : i32
      %mul3A_689 = arith.muli %mul3A_688, %add3A_591 : i32
      %get3A_690 = arith.constant 1 : i32
      %get3A_691 = arith.index_cast %get3A_690 : i32 to index
      %get3A_692 = arith.index_cast %mul3A_689 : i32 to index
      %get3A_693 = arith.constant 64 : index
      %get3A_694 = tpu.vector_load %arg6[%get3A_691, %get3A_692, %get3A_693] {strides = array<i32>} : memref<4x128x128xf32, #tpu.memory_space<vmem>>, vector<16xf32>,
      %mul3A_695 = arith.constant 2 : i32
      %mul3A_696 = arith.muli %mul3A_695, %add3A_591 : i32
      %add3A_697 = arith.constant 1 : i32
      %add3A_698 = arith.addi %mul3A_696, %add3A_697 : i32
      %get3A_699 = arith.constant 1 : i32
      %get3A_700 = arith.index_cast %get3A_699 : i32 to index
      %get3A_701 = arith.index_cast %add3A_698 : i32 to index
      %get3A_702 = arith.constant 64 : index
      %get3A_703 = tpu.vector_load %arg6[%get3A_700, %get3A_701, %get3A_702] {strides = array<i32>} : memref<4x128x128xf32, #tpu.memory_space<vmem>>, vector<16xf32>,
      %pack3A_704 = tpu.pack_subelements %get3A_694, %get3A_703 {pack_format = #tpu.pack_format<interleaved>, positions = array<i32: 0, 1>} : vector<16xf32>, vector<16xf32> -> vector<32xbf16>
      %bitcast3A_705 = vector.bitcast %pack3A_704 : vector<32xbf16> to vector<16xi32>
      %add3A_706 = arith.constant 64 : i32
      %add3A_707 = arith.addi %add3A_706, %add3A_591 : i32
      %swap3A_708 = arith.constant 0 : i32
      %swap3A_709 = arith.index_cast %swap3A_708 : i32 to index
      %swap3A_710 = arith.index_cast %add3A_707 : i32 to index
      %swap3A_711 = arith.constant 64 : index
      %swap3A_712 = tpu.vector_load %arg7[%swap3A_709, %swap3A_710, %swap3A_711] {strides = array<i32>} : memref<2x128x128xi32, #tpu.memory_space<vmem>>, vector<16xi32>,
      tpu.vector_store %arg7[%swap3A_709, %swap3A_710, %swap3A_711], %bitcast3A_705 {strides = array<i32>} : memref<2x128x128xi32, #tpu.memory_space<vmem>>, vector<16xi32>,
      %mul3A_713 = arith.constant 2 : i32
      %mul3A_714 = arith.muli %mul3A_713, %add3A_591 : i32
      %get3A_715 = arith.constant 1 : i32
      %get3A_716 = arith.index_cast %get3A_715 : i32 to index
      %get3A_717 = arith.index_cast %mul3A_714 : i32 to index
      %get3A_718 = arith.constant 80 : index
      %get3A_719 = tpu.vector_load %arg6[%get3A_716, %get3A_717, %get3A_718] {strides = array<i32>} : memref<4x128x128xf32, #tpu.memory_space<vmem>>, vector<16xf32>,
      %mul3A_720 = arith.constant 2 : i32
      %mul3A_721 = arith.muli %mul3A_720, %add3A_591 : i32
      %add3A_722 = arith.constant 1 : i32
      %add3A_723 = arith.addi %mul3A_721, %add3A_722 : i32
      %get3A_724 = arith.constant 1 : i32
      %get3A_725 = arith.index_cast %get3A_724 : i32 to index
      %get3A_726 = arith.index_cast %add3A_723 : i32 to index
      %get3A_727 = arith.constant 80 : index
      %get3A_728 = tpu.vector_load %arg6[%get3A_725, %get3A_726, %get3A_727] {strides = array<i32>} : memref<4x128x128xf32, #tpu.memory_space<vmem>>, vector<16xf32>,
      %pack3A_729 = tpu.pack_subelements %get3A_719, %get3A_728 {pack_format = #tpu.pack_format<interleaved>, positions = array<i32: 0, 1>} : vector<16xf32>, vector<16xf32> -> vector<32xbf16>
      %bitcast3A_730 = vector.bitcast %pack3A_729 : vector<32xbf16> to vector<16xi32>
      %add3A_731 = arith.constant 64 : i32
      %add3A_732 = arith.addi %add3A_731, %add3A_591 : i32
      %swap3A_733 = arith.constant 0 : i32
      %swap3A_734 = arith.index_cast %swap3A_733 : i32 to index
      %swap3A_735 = arith.index_cast %add3A_732 : i32 to index
      %swap3A_736 = arith.constant 80 : index
      %swap3A_737 = tpu.vector_load %arg7[%swap3A_734, %swap3A_735, %swap3A_736] {strides = array<i32>} : memref<2x128x128xi32, #tpu.memory_space<vmem>>, vector<16xi32>,
      tpu.vector_store %arg7[%swap3A_734, %swap3A_735, %swap3A_736], %bitcast3A_730 {strides = array<i32>} : memref<2x128x128xi32, #tpu.memory_space<vmem>>, vector<16xi32>,
      %mul3A_738 = arith.constant 2 : i32
      %mul3A_739 = arith.muli %mul3A_738, %add3A_591 : i32
      %get3A_740 = arith.constant 1 : i32
      %get3A_741 = arith.index_cast %get3A_740 : i32 to index
      %get3A_742 = arith.index_cast %mul3A_739 : i32 to index
      %get3A_743 = arith.constant 96 : index
      %get3A_744 = tpu.vector_load %arg6[%get3A_741, %get3A_742, %get3A_743] {strides = array<i32>} : memref<4x128x128xf32, #tpu.memory_space<vmem>>, vector<16xf32>,
      %mul3A_745 = arith.constant 2 : i32
      %mul3A_746 = arith.muli %mul3A_745, %add3A_591 : i32
      %add3A_747 = arith.constant 1 : i32
      %add3A_748 = arith.addi %mul3A_746, %add3A_747 : i32
      %get3A_749 = arith.constant 1 : i32
      %get3A_750 = arith.index_cast %get3A_749 : i32 to index
      %get3A_751 = arith.index_cast %add3A_748 : i32 to index
      %get3A_752 = arith.constant 96 : index
      %get3A_753 = tpu.vector_load %arg6[%get3A_750, %get3A_751, %get3A_752] {strides = array<i32>} : memref<4x128x128xf32, #tpu.memory_space<vmem>>, vector<16xf32>,
      %pack3A_754 = tpu.pack_subelements %get3A_744, %get3A_753 {pack_format = #tpu.pack_format<interleaved>, positions = array<i32: 0, 1>} : vector<16xf32>, vector<16xf32> -> vector<32xbf16>
      %bitcast3A_755 = vector.bitcast %pack3A_754 : vector<32xbf16> to vector<16xi32>
      %add3A_756 = arith.constant 64 : i32
      %add3A_757 = arith.addi %add3A_756, %add3A_591 : i32
      %swap3A_758 = arith.constant 0 : i32
      %swap3A_759 = arith.index_cast %swap3A_758 : i32 to index
      %swap3A_760 = arith.index_cast %add3A_757 : i32 to index
      %swap3A_761 = arith.constant 96 : index
      %swap3A_762 = tpu.vector_load %arg7[%swap3A_759, %swap3A_760, %swap3A_761] {strides = array<i32>} : memref<2x128x128xi32, #tpu.memory_space<vmem>>, vector<16xi32>,
      tpu.vector_store %arg7[%swap3A_759, %swap3A_760, %swap3A_761], %bitcast3A_755 {strides = array<i32>} : memref<2x128x128xi32, #tpu.memory_space<vmem>>, vector<16xi32>,
      %mul3A_763 = arith.constant 2 : i32
      %mul3A_764 = arith.muli %mul3A_763, %add3A_591 : i32
      %get3A_765 = arith.constant 1 : i32
      %get3A_766 = arith.index_cast %get3A_765 : i32 to index
      %get3A_767 = arith.index_cast %mul3A_764 : i32 to index
      %get3A_768 = arith.constant 112 : index
      %get3A_769 = tpu.vector_load %arg6[%get3A_766, %get3A_767, %get3A_768] {strides = array<i32>} : memref<4x128x128xf32, #tpu.memory_space<vmem>>, vector<16xf32>,
      %mul3A_770 = arith.constant 2 : i32
      %mul3A_771 = arith.muli %mul3A_770, %add3A_591 : i32
      %add3A_772 = arith.constant 1 : i32
      %add3A_773 = arith.addi %mul3A_771, %add3A_772 : i32
      %get3A_774 = arith.constant 1 : i32
      %get3A_775 = arith.index_cast %get3A_774 : i32 to index
      %get3A_776 = arith.index_cast %add3A_773 : i32 to index
      %get3A_777 = arith.constant 112 : index
      %get3A_778 = tpu.vector_load %arg6[%get3A_775, %get3A_776, %get3A_777] {strides = array<i32>} : memref<4x128x128xf32, #tpu.memory_space<vmem>>, vector<16xf32>,
      %pack3A_779 = tpu.pack_subelements %get3A_769, %get3A_778 {pack_format = #tpu.pack_format<interleaved>, positions = array<i32: 0, 1>} : vector<16xf32>, vector<16xf32> -> vector<32xbf16>
      %bitcast3A_780 = vector.bitcast %pack3A_779 : vector<32xbf16> to vector<16xi32>
      %add3A_781 = arith.constant 64 : i32
      %add3A_782 = arith.addi %add3A_781, %add3A_591 : i32
      %swap3A_783 = arith.constant 0 : i32
      %swap3A_784 = arith.index_cast %swap3A_783 : i32 to index
      %swap3A_785 = arith.index_cast %add3A_782 : i32 to index
      %swap3A_786 = arith.constant 112 : index
      %swap3A_787 = tpu.vector_load %arg7[%swap3A_784, %swap3A_785, %swap3A_786] {strides = array<i32>} : memref<2x128x128xi32, #tpu.memory_space<vmem>>, vector<16xi32>,
      tpu.vector_store %arg7[%swap3A_784, %swap3A_785, %swap3A_786], %bitcast3A_780 {strides = array<i32>} : memref<2x128x128xi32, #tpu.memory_space<vmem>>, vector<16xi32>,
    }
    %scan3A_287 = arith.constant 64 : i32
    %add3A_288 = arith.constant 3840 : i32
    %add3A_289 = arith.addi %mul3A_4, %add3A_288 : i32
    %dma_start3A_290 = arith.constant 0 : i32
    %dma_start3A_291 = arith.constant 0 : i32
    %dma_start3A_292 = arith.constant 0 : i32
    %dma_start3A_293 = arith.constant 0 : i32
    %dma_start3A_294 = tpu.memref_slice %arg7[%dma_start3A_290, %dma_start3A_292, %dma_start3A_293] : memref<2x128x128xi32, #tpu.memory_space<vmem>> -> memref<1x128x128xi32, #tpu.memory_space<vmem>>
    %dma_start3A_295 = tpu.memref_squeeze %dma_start3A_294 : memref<1x128x128xi32, #tpu.memory_space<vmem>> -> memref<128x128xi32, #tpu.memory_space<vmem>>
    %dma_start3A_296 = arith.constant 0 : i32
    %dma_start3A_297 = tpu.memref_slice %arg4[%add3A_289, %dma_start3A_296] : memref<138240x128xi32, #tpu.memory_space<hbm>> -> memref<128x128xi32, #tpu.memory_space<hbm>>
    %dma_start3A_298 = tpu.memref_slice %arg9[%dma_start3A_291] : memref<2x!tpu.dma_semaphore, #tpu.memory_space<semaphore_mem>> -> memref<1x!tpu.dma_semaphore, #tpu.memory_space<semaphore_mem>>
    %dma_start3A_299 = tpu.memref_squeeze %dma_start3A_298 : memref<1x!tpu.dma_semaphore, #tpu.memory_space<semaphore_mem>> -> memref<!tpu.dma_semaphore, #tpu.memory_space<semaphore_mem>>
    %dma_start3A_300 = arith.constant 0 : i32
    %dma_start3A_301 = tpu.memref_slice %arg4[%add3A_289, %dma_start3A_300] : memref<138240x128xi32, #tpu.memory_space<hbm>> -> memref<128x128xi32, #tpu.memory_space<hbm>>
    %dma_start3A_302 = arith.constant 0 : i32
    %dma_start3A_303 = arith.constant 0 : i32
    %dma_start3A_304 = tpu.memref_slice %arg7[%dma_start3A_290, %dma_start3A_302, %dma_start3A_303] : memref<2x128x128xi32, #tpu.memory_space<vmem>> -> memref<1x128x128xi32, #tpu.memory_space<vmem>>
    %dma_start3A_305 = tpu.memref_squeeze %dma_start3A_304 : memref<1x128x128xi32, #tpu.memory_space<vmem>> -> memref<128x128xi32, #tpu.memory_space<vmem>>
    tpu.enqueue_dma source(%dma_start3A_305 : memref<128x128xi32, #tpu.memory_space<vmem>>) target(%dma_start3A_301 : memref<128x128xi32, #tpu.memory_space<hbm>>) target_semaphore(%dma_start3A_299 : memref<!tpu.dma_semaphore, #tpu.memory_space<semaphore_mem>>)
    %dma_start3A_306 = arith.constant 1 : i32
    %dma_start3A_307 = arith.constant 1 : i32
    %dma_start3A_308 = arith.constant 0 : i32
    %dma_start3A_309 = arith.constant 0 : i32
    %dma_start3A_310 = tpu.memref_slice %arg6[%dma_start3A_306, %dma_start3A_308, %dma_start3A_309] : memref<4x128x128xf32, #tpu.memory_space<vmem>> -> memref<1x128x128xf32, #tpu.memory_space<vmem>>
    %dma_start3A_311 = tpu.memref_squeeze %dma_start3A_310 : memref<1x128x128xf32, #tpu.memory_space<vmem>> -> memref<128x128xf32, #tpu.memory_space<vmem>>
    %dma_start3A_312 = arith.constant 8320 : i32
    %dma_start3A_313 = tpu.memref_slice %arg5[%dma_start3A_312] : memref<8640xi32, #tpu.memory_space<vmem>> -> memref<128xi32, #tpu.memory_space<vmem>>
    %dma_start3A_314 = arith.constant 0 : i32
    %dma_start3A_315 = arith.constant 0 : i32
    %dma_start3A_316 = tpu.memref_slice %arg2[%dma_start3A_314, %dma_start3A_315] : memref<10000x128xf32, #tpu.memory_space<hbm>> -> memref<10000x128xf32, #tpu.memory_space<hbm>>
    %dma_start3A_317 = tpu.memref_slice %arg8[%dma_start3A_307] : memref<4x!tpu.dma_semaphore, #tpu.memory_space<semaphore_mem>> -> memref<1x!tpu.dma_semaphore, #tpu.memory_space<semaphore_mem>>
    %dma_start3A_318 = tpu.memref_squeeze %dma_start3A_317 : memref<1x!tpu.dma_semaphore, #tpu.memory_space<semaphore_mem>> -> memref<!tpu.dma_semaphore, #tpu.memory_space<semaphore_mem>>
    tpu.enqueue_indirect_dma source(%dma_start3A_316 : memref<10000x128xf32, #tpu.memory_space<hbm>>) target(%dma_start3A_311 : memref<128x128xf32, #tpu.memory_space<vmem>>) offsets(%dma_start3A_313 : memref<128xi32, #tpu.memory_space<vmem>>) semaphore(%dma_start3A_318 : memref<!tpu.dma_semaphore, #tpu.memory_space<semaphore_mem>>)
    %dma_wait3A_319 = arith.constant 2 : i32
    %dma_wait3A_320 = arith.constant 2 : i32
    %dma_wait3A_321 = arith.constant 0 : i32
    %dma_wait3A_322 = arith.constant 0 : i32
    %dma_wait3A_323 = tpu.memref_slice %arg6[%dma_wait3A_319, %dma_wait3A_321, %dma_wait3A_322] : memref<4x128x128xf32, #tpu.memory_space<vmem>> -> memref<1x128x128xf32, #tpu.memory_space<vmem>>
    %dma_wait3A_324 = tpu.memref_squeeze %dma_wait3A_323 : memref<1x128x128xf32, #tpu.memory_space<vmem>> -> memref<128x128xf32, #tpu.memory_space<vmem>>
    %dma_wait3A_325 = arith.constant 0 : i32
    %dma_wait3A_326 = tpu.memref_slice %arg5[%dma_wait3A_325] : memref<8640xi32, #tpu.memory_space<vmem>> -> memref<128xi32, #tpu.memory_space<vmem>>
    %dma_wait3A_327 = arith.constant 0 : i32
    %dma_wait3A_328 = arith.constant 0 : i32
    %dma_wait3A_329 = tpu.memref_slice %arg2[%dma_wait3A_327, %dma_wait3A_328] : memref<10000x128xf32, #tpu.memory_space<hbm>> -> memref<10000x128xf32, #tpu.memory_space<hbm>>
    %dma_wait3A_330 = tpu.memref_slice %arg8[%dma_wait3A_320] : memref<4x!tpu.dma_semaphore, #tpu.memory_space<semaphore_mem>> -> memref<1x!tpu.dma_semaphore, #tpu.memory_space<semaphore_mem>>
    %dma_wait3A_331 = tpu.memref_squeeze %dma_wait3A_330 : memref<1x!tpu.dma_semaphore, #tpu.memory_space<semaphore_mem>> -> memref<!tpu.dma_semaphore, #tpu.memory_space<semaphore_mem>>
    tpu.wait_indirect_dma semaphore(%dma_wait3A_331 : memref<!tpu.dma_semaphore, #tpu.memory_space<semaphore_mem>>) src(%dma_wait3A_329 : memref<10000x128xf32, #tpu.memory_space<hbm>>) dst(%dma_wait3A_324 : memref<128x128xf32, #tpu.memory_space<vmem>>)
    %dma_wait3A_332 = arith.constant 1 : i32
    %dma_wait3A_333 = arith.constant 1 : i32
    %dma_wait3A_334 = arith.constant 0 : i32
    %dma_wait3A_335 = arith.constant 0 : i32
    %dma_wait3A_336 = tpu.memref_slice %arg7[%dma_wait3A_332, %dma_wait3A_334, %dma_wait3A_335] : memref<2x128x128xi32, #tpu.memory_space<vmem>> -> memref<1x128x128xi32, #tpu.memory_space<vmem>>
    %dma_wait3A_337 = tpu.memref_squeeze %dma_wait3A_336 : memref<1x128x128xi32, #tpu.memory_space<vmem>> -> memref<128x128xi32, #tpu.memory_space<vmem>>
    %dma_wait3A_338 = arith.constant 0 : i32
    %dma_wait3A_339 = tpu.memref_slice %arg4[%mul3A_4, %dma_wait3A_338] : memref<138240x128xi32, #tpu.memory_space<hbm>> -> memref<128x128xi32, #tpu.memory_space<hbm>>
    %dma_wait3A_340 = tpu.memref_slice %arg9[%dma_wait3A_333] : memref<2x!tpu.dma_semaphore, #tpu.memory_space<semaphore_mem>> -> memref<1x!tpu.dma_semaphore, #tpu.memory_space<semaphore_mem>>
    %dma_wait3A_341 = tpu.memref_squeeze %dma_wait3A_340 : memref<1x!tpu.dma_semaphore, #tpu.memory_space<semaphore_mem>> -> memref<!tpu.dma_semaphore, #tpu.memory_space<semaphore_mem>>
    %dma_wait3A_342 = arith.constant 0 : i32
    %dma_wait3A_343 = tpu.memref_slice %arg4[%mul3A_4, %dma_wait3A_342] : memref<138240x128xi32, #tpu.memory_space<hbm>> -> memref<128x128xi32, #tpu.memory_space<hbm>>
    %dma_wait3A_344 = arith.constant 0 : i32
    %dma_wait3A_345 = arith.constant 0 : i32
    %dma_wait3A_346 = tpu.memref_slice %arg7[%dma_wait3A_332, %dma_wait3A_344, %dma_wait3A_345] : memref<2x128x128xi32, #tpu.memory_space<vmem>> -> memref<1x128x128xi32, #tpu.memory_space<vmem>>
    %dma_wait3A_347 = tpu.memref_squeeze %dma_wait3A_346 : memref<1x128x128xi32, #tpu.memory_space<vmem>> -> memref<128x128xi32, #tpu.memory_space<vmem>>
    tpu.wait_dma2 semaphore(%dma_wait3A_341 : memref<!tpu.dma_semaphore, #tpu.memory_space<semaphore_mem>>) src(%dma_wait3A_347 : memref<128x128xi32, #tpu.memory_space<vmem>>) dst(%dma_wait3A_343 : memref<128x128xi32, #tpu.memory_space<hbm>>)
    %scan3A_348 = arith.constant 0 : i32
    %scan3A_349 = arith.constant 64 : i32
    %scan3A_350 = arith.addi %scan3A_348, %scan3A_349 : i32
    %scan3A_351 = arith.constant 1 : i32
    scf.for %scan3A_587 = %scan3A_348 to %scan3A_350 step %scan3A_351  : i32 {
      %mul3A_588 = arith.constant 1 : i32
      %mul3A_589 = arith.muli %scan3A_587, %mul3A_588 : i32
      %add3A_590 = arith.constant 0 : i32
      %add3A_591 = arith.addi %add3A_590, %mul3A_589 : i32
      %mul3A_592 = arith.constant 2 : i32
      %mul3A_593 = arith.muli %mul3A_592, %add3A_591 : i32
      %get3A = arith.constant 2 : i32
      %get3A_594 = arith.index_cast %get3A : i32 to index
      %get3A_595 = arith.index_cast %mul3A_593 : i32 to index
      %get3A_596 = arith.constant 0 : index
      %get3A_597 = tpu.vector_load %arg6[%get3A_594, %get3A_595, %get3A_596] {strides = array<i32>} : memref<4x128x128xf32, #tpu.memory_space<vmem>>, vector<16xf32>,
      %mul3A_598 = arith.constant 2 : i32
      %mul3A_599 = arith.muli %mul3A_598, %add3A_591 : i32
      %add3A_600 = arith.constant 1 : i32
      %add3A_601 = arith.addi %mul3A_599, %add3A_600 : i32
      %get3A_602 = arith.constant 2 : i32
      %get3A_603 = arith.index_cast %get3A_602 : i32 to index
      %get3A_604 = arith.index_cast %add3A_601 : i32 to index
      %get3A_605 = arith.constant 0 : index
      %get3A_606 = tpu.vector_load %arg6[%get3A_603, %get3A_604, %get3A_605] {strides = array<i32>} : memref<4x128x128xf32, #tpu.memory_space<vmem>>, vector<16xf32>,
      %pack3A = tpu.pack_subelements %get3A_597, %get3A_606 {pack_format = #tpu.pack_format<interleaved>, positions = array<i32: 0, 1>} : vector<16xf32>, vector<16xf32> -> vector<32xbf16>
      %bitcast3A = vector.bitcast %pack3A : vector<32xbf16> to vector<16xi32>
      %add3A_607 = arith.constant 0 : i32
      %add3A_608 = arith.addi %add3A_607, %add3A_591 : i32
      %swap3A = arith.constant 1 : i32
      %swap3A_609 = arith.index_cast %swap3A : i32 to index
      %swap3A_610 = arith.index_cast %add3A_608 : i32 to index
      %swap3A_611 = arith.constant 0 : index
      %swap3A_612 = tpu.vector_load %arg7[%swap3A_609, %swap3A_610, %swap3A_611] {strides = array<i32>} : memref<2x128x128xi32, #tpu.memory_space<vmem>>, vector<16xi32>,
      tpu.vector_store %arg7[%swap3A_609, %swap3A_610, %swap3A_611], %bitcast3A {strides = array<i32>} : memref<2x128x128xi32, #tpu.memory_space<vmem>>, vector<16xi32>,
      %mul3A_613 = arith.constant 2 : i32
      %mul3A_614 = arith.muli %mul3A_613, %add3A_591 : i32
      %get3A_615 = arith.constant 2 : i32
      %get3A_616 = arith.index_cast %get3A_615 : i32 to index
      %get3A_617 = arith.index_cast %mul3A_614 : i32 to index
      %get3A_618 = arith.constant 16 : index
      %get3A_619 = tpu.vector_load %arg6[%get3A_616, %get3A_617, %get3A_618] {strides = array<i32>} : memref<4x128x128xf32, #tpu.memory_space<vmem>>, vector<16xf32>,
      %mul3A_620 = arith.constant 2 : i32
      %mul3A_621 = arith.muli %mul3A_620, %add3A_591 : i32
      %add3A_622 = arith.constant 1 : i32
      %add3A_623 = arith.addi %mul3A_621, %add3A_622 : i32
      %get3A_624 = arith.constant 2 : i32
      %get3A_625 = arith.index_cast %get3A_624 : i32 to index
      %get3A_626 = arith.index_cast %add3A_623 : i32 to index
      %get3A_627 = arith.constant 16 : index
      %get3A_628 = tpu.vector_load %arg6[%get3A_625, %get3A_626, %get3A_627] {strides = array<i32>} : memref<4x128x128xf32, #tpu.memory_space<vmem>>, vector<16xf32>,
      %pack3A_629 = tpu.pack_subelements %get3A_619, %get3A_628 {pack_format = #tpu.pack_format<interleaved>, positions = array<i32: 0, 1>} : vector<16xf32>, vector<16xf32> -> vector<32xbf16>
      %bitcast3A_630 = vector.bitcast %pack3A_629 : vector<32xbf16> to vector<16xi32>
      %add3A_631 = arith.constant 0 : i32
      %add3A_632 = arith.addi %add3A_631, %add3A_591 : i32
      %swap3A_633 = arith.constant 1 : i32
      %swap3A_634 = arith.index_cast %swap3A_633 : i32 to index
      %swap3A_635 = arith.index_cast %add3A_632 : i32 to index
      %swap3A_636 = arith.constant 16 : index
      %swap3A_637 = tpu.vector_load %arg7[%swap3A_634, %swap3A_635, %swap3A_636] {strides = array<i32>} : memref<2x128x128xi32, #tpu.memory_space<vmem>>, vector<16xi32>,
      tpu.vector_store %arg7[%swap3A_634, %swap3A_635, %swap3A_636], %bitcast3A_630 {strides = array<i32>} : memref<2x128x128xi32, #tpu.memory_space<vmem>>, vector<16xi32>,
      %mul3A_638 = arith.constant 2 : i32
      %mul3A_639 = arith.muli %mul3A_638, %add3A_591 : i32
      %get3A_640 = arith.constant 2 : i32
      %get3A_641 = arith.index_cast %get3A_640 : i32 to index
      %get3A_642 = arith.index_cast %mul3A_639 : i32 to index
      %get3A_643 = arith.constant 32 : index
      %get3A_644 = tpu.vector_load %arg6[%get3A_641, %get3A_642, %get3A_643] {strides = array<i32>} : memref<4x128x128xf32, #tpu.memory_space<vmem>>, vector<16xf32>,
      %mul3A_645 = arith.constant 2 : i32
      %mul3A_646 = arith.muli %mul3A_645, %add3A_591 : i32
      %add3A_647 = arith.constant 1 : i32
      %add3A_648 = arith.addi %mul3A_646, %add3A_647 : i32
      %get3A_649 = arith.constant 2 : i32
      %get3A_650 = arith.index_cast %get3A_649 : i32 to index
      %get3A_651 = arith.index_cast %add3A_648 : i32 to index
      %get3A_652 = arith.constant 32 : index
      %get3A_653 = tpu.vector_load %arg6[%get3A_650, %get3A_651, %get3A_652] {strides = array<i32>} : memref<4x128x128xf32, #tpu.memory_space<vmem>>, vector<16xf32>,
      %pack3A_654 = tpu.pack_subelements %get3A_644, %get3A_653 {pack_format = #tpu.pack_format<interleaved>, positions = array<i32: 0, 1>} : vector<16xf32>, vector<16xf32> -> vector<32xbf16>
      %bitcast3A_655 = vector.bitcast %pack3A_654 : vector<32xbf16> to vector<16xi32>
      %add3A_656 = arith.constant 0 : i32
      %add3A_657 = arith.addi %add3A_656, %add3A_591 : i32
      %swap3A_658 = arith.constant 1 : i32
      %swap3A_659 = arith.index_cast %swap3A_658 : i32 to index
      %swap3A_660 = arith.index_cast %add3A_657 : i32 to index
      %swap3A_661 = arith.constant 32 : index
      %swap3A_662 = tpu.vector_load %arg7[%swap3A_659, %swap3A_660, %swap3A_661] {strides = array<i32>} : memref<2x128x128xi32, #tpu.memory_space<vmem>>, vector<16xi32>,
      tpu.vector_store %arg7[%swap3A_659, %swap3A_660, %swap3A_661], %bitcast3A_655 {strides = array<i32>} : memref<2x128x128xi32, #tpu.memory_space<vmem>>, vector<16xi32>,
      %mul3A_663 = arith.constant 2 : i32
      %mul3A_664 = arith.muli %mul3A_663, %add3A_591 : i32
      %get3A_665 = arith.constant 2 : i32
      %get3A_666 = arith.index_cast %get3A_665 : i32 to index
      %get3A_667 = arith.index_cast %mul3A_664 : i32 to index
      %get3A_668 = arith.constant 48 : index
      %get3A_669 = tpu.vector_load %arg6[%get3A_666, %get3A_667, %get3A_668] {strides = array<i32>} : memref<4x128x128xf32, #tpu.memory_space<vmem>>, vector<16xf32>,
      %mul3A_670 = arith.constant 2 : i32
      %mul3A_671 = arith.muli %mul3A_670, %add3A_591 : i32
      %add3A_672 = arith.constant 1 : i32
      %add3A_673 = arith.addi %mul3A_671, %add3A_672 : i32
      %get3A_674 = arith.constant 2 : i32
      %get3A_675 = arith.index_cast %get3A_674 : i32 to index
      %get3A_676 = arith.index_cast %add3A_673 : i32 to index
      %get3A_677 = arith.constant 48 : index
      %get3A_678 = tpu.vector_load %arg6[%get3A_675, %get3A_676, %get3A_677] {strides = array<i32>} : memref<4x128x128xf32, #tpu.memory_space<vmem>>, vector<16xf32>,
      %pack3A_679 = tpu.pack_subelements %get3A_669, %get3A_678 {pack_format = #tpu.pack_format<interleaved>, positions = array<i32: 0, 1>} : vector<16xf32>, vector<16xf32> -> vector<32xbf16>
      %bitcast3A_680 = vector.bitcast %pack3A_679 : vector<32xbf16> to vector<16xi32>
      %add3A_681 = arith.constant 0 : i32
      %add3A_682 = arith.addi %add3A_681, %add3A_591 : i32
      %swap3A_683 = arith.constant 1 : i32
      %swap3A_684 = arith.index_cast %swap3A_683 : i32 to index
      %swap3A_685 = arith.index_cast %add3A_682 : i32 to index
      %swap3A_686 = arith.constant 48 : index
      %swap3A_687 = tpu.vector_load %arg7[%swap3A_684, %swap3A_685, %swap3A_686] {strides = array<i32>} : memref<2x128x128xi32, #tpu.memory_space<vmem>>, vector<16xi32>,
      tpu.vector_store %arg7[%swap3A_684, %swap3A_685, %swap3A_686], %bitcast3A_680 {strides = array<i32>} : memref<2x128x128xi32, #tpu.memory_space<vmem>>, vector<16xi32>,
      %mul3A_688 = arith.constant 2 : i32
      %mul3A_689 = arith.muli %mul3A_688, %add3A_591 : i32
      %get3A_690 = arith.constant 2 : i32
      %get3A_691 = arith.index_cast %get3A_690 : i32 to index
      %get3A_692 = arith.index_cast %mul3A_689 : i32 to index
      %get3A_693 = arith.constant 64 : index
      %get3A_694 = tpu.vector_load %arg6[%get3A_691, %get3A_692, %get3A_693] {strides = array<i32>} : memref<4x128x128xf32, #tpu.memory_space<vmem>>, vector<16xf32>,
      %mul3A_695 = arith.constant 2 : i32
      %mul3A_696 = arith.muli %mul3A_695, %add3A_591 : i32
      %add3A_697 = arith.constant 1 : i32
      %add3A_698 = arith.addi %mul3A_696, %add3A_697 : i32
      %get3A_699 = arith.constant 2 : i32
      %get3A_700 = arith.index_cast %get3A_699 : i32 to index
      %get3A_701 = arith.index_cast %add3A_698 : i32 to index
      %get3A_702 = arith.constant 64 : index
      %get3A_703 = tpu.vector_load %arg6[%get3A_700, %get3A_701, %get3A_702] {strides = array<i32>} : memref<4x128x128xf32, #tpu.memory_space<vmem>>, vector<16xf32>,
      %pack3A_704 = tpu.pack_subelements %get3A_694, %get3A_703 {pack_format = #tpu.pack_format<interleaved>, positions = array<i32: 0, 1>} : vector<16xf32>, vector<16xf32> -> vector<32xbf16>
      %bitcast3A_705 = vector.bitcast %pack3A_704 : vector<32xbf16> to vector<16xi32>
      %add3A_706 = arith.constant 0 : i32
      %add3A_707 = arith.addi %add3A_706, %add3A_591 : i32
      %swap3A_708 = arith.constant 1 : i32
      %swap3A_709 = arith.index_cast %swap3A_708 : i32 to index
      %swap3A_710 = arith.index_cast %add3A_707 : i32 to index
      %swap3A_711 = arith.constant 64 : index
      %swap3A_712 = tpu.vector_load %arg7[%swap3A_709, %swap3A_710, %swap3A_711] {strides = array<i32>} : memref<2x128x128xi32, #tpu.memory_space<vmem>>, vector<16xi32>,
      tpu.vector_store %arg7[%swap3A_709, %swap3A_710, %swap3A_711], %bitcast3A_705 {strides = array<i32>} : memref<2x128x128xi32, #tpu.memory_space<vmem>>, vector<16xi32>,
      %mul3A_713 = arith.constant 2 : i32
      %mul3A_714 = arith.muli %mul3A_713, %add3A_591 : i32
      %get3A_715 = arith.constant 2 : i32
      %get3A_716 = arith.index_cast %get3A_715 : i32 to index
      %get3A_717 = arith.index_cast %mul3A_714 : i32 to index
      %get3A_718 = arith.constant 80 : index
      %get3A_719 = tpu.vector_load %arg6[%get3A_716, %get3A_717, %get3A_718] {strides = array<i32>} : memref<4x128x128xf32, #tpu.memory_space<vmem>>, vector<16xf32>,
      %mul3A_720 = arith.constant 2 : i32
      %mul3A_721 = arith.muli %mul3A_720, %add3A_591 : i32
      %add3A_722 = arith.constant 1 : i32
      %add3A_723 = arith.addi %mul3A_721, %add3A_722 : i32
      %get3A_724 = arith.constant 2 : i32
      %get3A_725 = arith.index_cast %get3A_724 : i32 to index
      %get3A_726 = arith.index_cast %add3A_723 : i32 to index
      %get3A_727 = arith.constant 80 : index
      %get3A_728 = tpu.vector_load %arg6[%get3A_725, %get3A_726, %get3A_727] {strides = array<i32>} : memref<4x128x128xf32, #tpu.memory_space<vmem>>, vector<16xf32>,
      %pack3A_729 = tpu.pack_subelements %get3A_719, %get3A_728 {pack_format = #tpu.pack_format<interleaved>, positions = array<i32: 0, 1>} : vector<16xf32>, vector<16xf32> -> vector<32xbf16>
      %bitcast3A_730 = vector.bitcast %pack3A_729 : vector<32xbf16> to vector<16xi32>
      %add3A_731 = arith.constant 0 : i32
      %add3A_732 = arith.addi %add3A_731, %add3A_591 : i32
      %swap3A_733 = arith.constant 1 : i32
      %swap3A_734 = arith.index_cast %swap3A_733 : i32 to index
      %swap3A_735 = arith.index_cast %add3A_732 : i32 to index
      %swap3A_736 = arith.constant 80 : index
      %swap3A_737 = tpu.vector_load %arg7[%swap3A_734, %swap3A_735, %swap3A_736] {strides = array<i32>} : memref<2x128x128xi32, #tpu.memory_space<vmem>>, vector<16xi32>,
      tpu.vector_store %arg7[%swap3A_734, %swap3A_735, %swap3A_736], %bitcast3A_730 {strides = array<i32>} : memref<2x128x128xi32, #tpu.memory_space<vmem>>, vector<16xi32>,
      %mul3A_738 = arith.constant 2 : i32
      %mul3A_739 = arith.muli %mul3A_738, %add3A_591 : i32
      %get3A_740 = arith.constant 2 : i32
      %get3A_741 = arith.index_cast %get3A_740 : i32 to index
      %get3A_742 = arith.index_cast %mul3A_739 : i32 to index
      %get3A_743 = arith.constant 96 : index
      %get3A_744 = tpu.vector_load %arg6[%get3A_741, %get3A_742, %get3A_743] {strides = array<i32>} : memref<4x128x128xf32, #tpu.memory_space<vmem>>, vector<16xf32>,
      %mul3A_745 = arith.constant 2 : i32
      %mul3A_746 = arith.muli %mul3A_745, %add3A_591 : i32
      %add3A_747 = arith.constant 1 : i32
      %add3A_748 = arith.addi %mul3A_746, %add3A_747 : i32
      %get3A_749 = arith.constant 2 : i32
      %get3A_750 = arith.index_cast %get3A_749 : i32 to index
      %get3A_751 = arith.index_cast %add3A_748 : i32 to index
      %get3A_752 = arith.constant 96 : index
      %get3A_753 = tpu.vector_load %arg6[%get3A_750, %get3A_751, %get3A_752] {strides = array<i32>} : memref<4x128x128xf32, #tpu.memory_space<vmem>>, vector<16xf32>,
      %pack3A_754 = tpu.pack_subelements %get3A_744, %get3A_753 {pack_format = #tpu.pack_format<interleaved>, positions = array<i32: 0, 1>} : vector<16xf32>, vector<16xf32> -> vector<32xbf16>
      %bitcast3A_755 = vector.bitcast %pack3A_754 : vector<32xbf16> to vector<16xi32>
      %add3A_756 = arith.constant 0 : i32
      %add3A_757 = arith.addi %add3A_756, %add3A_591 : i32
      %swap3A_758 = arith.constant 1 : i32
      %swap3A_759 = arith.index_cast %swap3A_758 : i32 to index
      %swap3A_760 = arith.index_cast %add3A_757 : i32 to index
      %swap3A_761 = arith.constant 96 : index
      %swap3A_762 = tpu.vector_load %arg7[%swap3A_759, %swap3A_760, %swap3A_761] {strides = array<i32>} : memref<2x128x128xi32, #tpu.memory_space<vmem>>, vector<16xi32>,
      tpu.vector_store %arg7[%swap3A_759, %swap3A_760, %swap3A_761], %bitcast3A_755 {strides = array<i32>} : memref<2x128x128xi32, #tpu.memory_space<vmem>>, vector<16xi32>,
      %mul3A_763 = arith.constant 2 : i32
      %mul3A_764 = arith.muli %mul3A_763, %add3A_591 : i32
      %get3A_765 = arith.constant 2 : i32
      %get3A_766 = arith.index_cast %get3A_765 : i32 to index
      %get3A_767 = arith.index_cast %mul3A_764 : i32 to index
      %get3A_768 = arith.constant 112 : index
      %get3A_769 = tpu.vector_load %arg6[%get3A_766, %get3A_767, %get3A_768] {strides = array<i32>} : memref<4x128x128xf32, #tpu.memory_space<vmem>>, vector<16xf32>,
      %mul3A_770 = arith.constant 2 : i32
      %mul3A_771 = arith.muli %mul3A_770, %add3A_591 : i32
      %add3A_772 = arith.constant 1 : i32
      %add3A_773 = arith.addi %mul3A_771, %add3A_772 : i32
      %get3A_774 = arith.constant 2 : i32
      %get3A_775 = arith.index_cast %get3A_774 : i32 to index
      %get3A_776 = arith.index_cast %add3A_773 : i32 to index
      %get3A_777 = arith.constant 112 : index
      %get3A_778 = tpu.vector_load %arg6[%get3A_775, %get3A_776, %get3A_777] {strides = array<i32>} : memref<4x128x128xf32, #tpu.memory_space<vmem>>, vector<16xf32>,
      %pack3A_779 = tpu.pack_subelements %get3A_769, %get3A_778 {pack_format = #tpu.pack_format<interleaved>, positions = array<i32: 0, 1>} : vector<16xf32>, vector<16xf32> -> vector<32xbf16>
      %bitcast3A_780 = vector.bitcast %pack3A_779 : vector<32xbf16> to vector<16xi32>
      %add3A_781 = arith.constant 0 : i32
      %add3A_782 = arith.addi %add3A_781, %add3A_591 : i32
      %swap3A_783 = arith.constant 1 : i32
      %swap3A_784 = arith.index_cast %swap3A_783 : i32 to index
      %swap3A_785 = arith.index_cast %add3A_782 : i32 to index
      %swap3A_786 = arith.constant 112 : index
      %swap3A_787 = tpu.vector_load %arg7[%swap3A_784, %swap3A_785, %swap3A_786] {strides = array<i32>} : memref<2x128x128xi32, #tpu.memory_space<vmem>>, vector<16xi32>,
      tpu.vector_store %arg7[%swap3A_784, %swap3A_785, %swap3A_786], %bitcast3A_780 {strides = array<i32>} : memref<2x128x128xi32, #tpu.memory_space<vmem>>, vector<16xi32>,
    }
    %scan3A_352 = arith.constant 64 : i32
    %dma_start3A_353 = arith.constant 2 : i32
    %dma_start3A_354 = arith.constant 2 : i32
    %dma_start3A_355 = arith.constant 0 : i32
    %dma_start3A_356 = arith.constant 0 : i32
    %dma_start3A_357 = tpu.memref_slice %arg6[%dma_start3A_353, %dma_start3A_355, %dma_start3A_356] : memref<4x128x128xf32, #tpu.memory_space<vmem>> -> memref<1x128x128xf32, #tpu.memory_space<vmem>>
    %dma_start3A_358 = tpu.memref_squeeze %dma_start3A_357 : memref<1x128x128xf32, #tpu.memory_space<vmem>> -> memref<128x128xf32, #tpu.memory_space<vmem>>
    %dma_start3A_359 = arith.constant 8448 : i32
    %dma_start3A_360 = tpu.memref_slice %arg5[%dma_start3A_359] : memref<8640xi32, #tpu.memory_space<vmem>> -> memref<128xi32, #tpu.memory_space<vmem>>
    %dma_start3A_361 = arith.constant 0 : i32
    %dma_start3A_362 = arith.constant 0 : i32
    %dma_start3A_363 = tpu.memref_slice %arg2[%dma_start3A_361, %dma_start3A_362] : memref<10000x128xf32, #tpu.memory_space<hbm>> -> memref<10000x128xf32, #tpu.memory_space<hbm>>
    %dma_start3A_364 = tpu.memref_slice %arg8[%dma_start3A_354] : memref<4x!tpu.dma_semaphore, #tpu.memory_space<semaphore_mem>> -> memref<1x!tpu.dma_semaphore, #tpu.memory_space<semaphore_mem>>
    %dma_start3A_365 = tpu.memref_squeeze %dma_start3A_364 : memref<1x!tpu.dma_semaphore, #tpu.memory_space<semaphore_mem>> -> memref<!tpu.dma_semaphore, #tpu.memory_space<semaphore_mem>>
    tpu.enqueue_indirect_dma source(%dma_start3A_363 : memref<10000x128xf32, #tpu.memory_space<hbm>>) target(%dma_start3A_358 : memref<128x128xf32, #tpu.memory_space<vmem>>) offsets(%dma_start3A_360 : memref<128xi32, #tpu.memory_space<vmem>>) semaphore(%dma_start3A_365 : memref<!tpu.dma_semaphore, #tpu.memory_space<semaphore_mem>>)
    %dma_wait3A_366 = arith.constant 3 : i32
    %dma_wait3A_367 = arith.constant 3 : i32
    %dma_wait3A_368 = arith.constant 0 : i32
    %dma_wait3A_369 = arith.constant 0 : i32
    %dma_wait3A_370 = tpu.memref_slice %arg6[%dma_wait3A_366, %dma_wait3A_368, %dma_wait3A_369] : memref<4x128x128xf32, #tpu.memory_space<vmem>> -> memref<1x128x128xf32, #tpu.memory_space<vmem>>
    %dma_wait3A_371 = tpu.memref_squeeze %dma_wait3A_370 : memref<1x128x128xf32, #tpu.memory_space<vmem>> -> memref<128x128xf32, #tpu.memory_space<vmem>>
    %dma_wait3A_372 = arith.constant 0 : i32
    %dma_wait3A_373 = tpu.memref_slice %arg5[%dma_wait3A_372] : memref<8640xi32, #tpu.memory_space<vmem>> -> memref<128xi32, #tpu.memory_space<vmem>>
    %dma_wait3A_374 = arith.constant 0 : i32
    %dma_wait3A_375 = arith.constant 0 : i32
    %dma_wait3A_376 = tpu.memref_slice %arg2[%dma_wait3A_374, %dma_wait3A_375] : memref<10000x128xf32, #tpu.memory_space<hbm>> -> memref<10000x128xf32, #tpu.memory_space<hbm>>
    %dma_wait3A_377 = tpu.memref_slice %arg8[%dma_wait3A_367] : memref<4x!tpu.dma_semaphore, #tpu.memory_space<semaphore_mem>> -> memref<1x!tpu.dma_semaphore, #tpu.memory_space<semaphore_mem>>
    %dma_wait3A_378 = tpu.memref_squeeze %dma_wait3A_377 : memref<1x!tpu.dma_semaphore, #tpu.memory_space<semaphore_mem>> -> memref<!tpu.dma_semaphore, #tpu.memory_space<semaphore_mem>>
    tpu.wait_indirect_dma semaphore(%dma_wait3A_378 : memref<!tpu.dma_semaphore, #tpu.memory_space<semaphore_mem>>) src(%dma_wait3A_376 : memref<10000x128xf32, #tpu.memory_space<hbm>>) dst(%dma_wait3A_371 : memref<128x128xf32, #tpu.memory_space<vmem>>)
    %scan3A_379 = arith.constant 0 : i32
    %scan3A_380 = arith.constant 64 : i32
    %scan3A_381 = arith.addi %scan3A_379, %scan3A_380 : i32
    %scan3A_382 = arith.constant 1 : i32
    scf.for %scan3A_587 = %scan3A_379 to %scan3A_381 step %scan3A_382  : i32 {
      %mul3A_588 = arith.constant 1 : i32
      %mul3A_589 = arith.muli %scan3A_587, %mul3A_588 : i32
      %add3A_590 = arith.constant 0 : i32
      %add3A_591 = arith.addi %add3A_590, %mul3A_589 : i32
      %mul3A_592 = arith.constant 2 : i32
      %mul3A_593 = arith.muli %mul3A_592, %add3A_591 : i32
      %get3A = arith.constant 3 : i32
      %get3A_594 = arith.index_cast %get3A : i32 to index
      %get3A_595 = arith.index_cast %mul3A_593 : i32 to index
      %get3A_596 = arith.constant 0 : index
      %get3A_597 = tpu.vector_load %arg6[%get3A_594, %get3A_595, %get3A_596] {strides = array<i32>} : memref<4x128x128xf32, #tpu.memory_space<vmem>>, vector<16xf32>,
      %mul3A_598 = arith.constant 2 : i32
      %mul3A_599 = arith.muli %mul3A_598, %add3A_591 : i32
      %add3A_600 = arith.constant 1 : i32
      %add3A_601 = arith.addi %mul3A_599, %add3A_600 : i32
      %get3A_602 = arith.constant 3 : i32
      %get3A_603 = arith.index_cast %get3A_602 : i32 to index
      %get3A_604 = arith.index_cast %add3A_601 : i32 to index
      %get3A_605 = arith.constant 0 : index
      %get3A_606 = tpu.vector_load %arg6[%get3A_603, %get3A_604, %get3A_605] {strides = array<i32>} : memref<4x128x128xf32, #tpu.memory_space<vmem>>, vector<16xf32>,
      %pack3A = tpu.pack_subelements %get3A_597, %get3A_606 {pack_format = #tpu.pack_format<interleaved>, positions = array<i32: 0, 1>} : vector<16xf32>, vector<16xf32> -> vector<32xbf16>
      %bitcast3A = vector.bitcast %pack3A : vector<32xbf16> to vector<16xi32>
      %add3A_607 = arith.constant 64 : i32
      %add3A_608 = arith.addi %add3A_607, %add3A_591 : i32
      %swap3A = arith.constant 1 : i32
      %swap3A_609 = arith.index_cast %swap3A : i32 to index
      %swap3A_610 = arith.index_cast %add3A_608 : i32 to index
      %swap3A_611 = arith.constant 0 : index
      %swap3A_612 = tpu.vector_load %arg7[%swap3A_609, %swap3A_610, %swap3A_611] {strides = array<i32>} : memref<2x128x128xi32, #tpu.memory_space<vmem>>, vector<16xi32>,
      tpu.vector_store %arg7[%swap3A_609, %swap3A_610, %swap3A_611], %bitcast3A {strides = array<i32>} : memref<2x128x128xi32, #tpu.memory_space<vmem>>, vector<16xi32>,
      %mul3A_613 = arith.constant 2 : i32
      %mul3A_614 = arith.muli %mul3A_613, %add3A_591 : i32
      %get3A_615 = arith.constant 3 : i32
      %get3A_616 = arith.index_cast %get3A_615 : i32 to index
      %get3A_617 = arith.index_cast %mul3A_614 : i32 to index
      %get3A_618 = arith.constant 16 : index
      %get3A_619 = tpu.vector_load %arg6[%get3A_616, %get3A_617, %get3A_618] {strides = array<i32>} : memref<4x128x128xf32, #tpu.memory_space<vmem>>, vector<16xf32>,
      %mul3A_620 = arith.constant 2 : i32
      %mul3A_621 = arith.muli %mul3A_620, %add3A_591 : i32
      %add3A_622 = arith.constant 1 : i32
      %add3A_623 = arith.addi %mul3A_621, %add3A_622 : i32
      %get3A_624 = arith.constant 3 : i32
      %get3A_625 = arith.index_cast %get3A_624 : i32 to index
      %get3A_626 = arith.index_cast %add3A_623 : i32 to index
      %get3A_627 = arith.constant 16 : index
      %get3A_628 = tpu.vector_load %arg6[%get3A_625, %get3A_626, %get3A_627] {strides = array<i32>} : memref<4x128x128xf32, #tpu.memory_space<vmem>>, vector<16xf32>,
      %pack3A_629 = tpu.pack_subelements %get3A_619, %get3A_628 {pack_format = #tpu.pack_format<interleaved>, positions = array<i32: 0, 1>} : vector<16xf32>, vector<16xf32> -> vector<32xbf16>
      %bitcast3A_630 = vector.bitcast %pack3A_629 : vector<32xbf16> to vector<16xi32>
      %add3A_631 = arith.constant 64 : i32
      %add3A_632 = arith.addi %add3A_631, %add3A_591 : i32
      %swap3A_633 = arith.constant 1 : i32
      %swap3A_634 = arith.index_cast %swap3A_633 : i32 to index
      %swap3A_635 = arith.index_cast %add3A_632 : i32 to index
      %swap3A_636 = arith.constant 16 : index
      %swap3A_637 = tpu.vector_load %arg7[%swap3A_634, %swap3A_635, %swap3A_636] {strides = array<i32>} : memref<2x128x128xi32, #tpu.memory_space<vmem>>, vector<16xi32>,
      tpu.vector_store %arg7[%swap3A_634, %swap3A_635, %swap3A_636], %bitcast3A_630 {strides = array<i32>} : memref<2x128x128xi32, #tpu.memory_space<vmem>>, vector<16xi32>,
      %mul3A_638 = arith.constant 2 : i32
      %mul3A_639 = arith.muli %mul3A_638, %add3A_591 : i32
      %get3A_640 = arith.constant 3 : i32
      %get3A_641 = arith.index_cast %get3A_640 : i32 to index
      %get3A_642 = arith.index_cast %mul3A_639 : i32 to index
      %get3A_643 = arith.constant 32 : index
      %get3A_644 = tpu.vector_load %arg6[%get3A_641, %get3A_642, %get3A_643] {strides = array<i32>} : memref<4x128x128xf32, #tpu.memory_space<vmem>>, vector<16xf32>,
      %mul3A_645 = arith.constant 2 : i32
      %mul3A_646 = arith.muli %mul3A_645, %add3A_591 : i32
      %add3A_647 = arith.constant 1 : i32
      %add3A_648 = arith.addi %mul3A_646, %add3A_647 : i32
      %get3A_649 = arith.constant 3 : i32
      %get3A_650 = arith.index_cast %get3A_649 : i32 to index
      %get3A_651 = arith.index_cast %add3A_648 : i32 to index
      %get3A_652 = arith.constant 32 : index
      %get3A_653 = tpu.vector_load %arg6[%get3A_650, %get3A_651, %get3A_652] {strides = array<i32>} : memref<4x128x128xf32, #tpu.memory_space<vmem>>, vector<16xf32>,
      %pack3A_654 = tpu.pack_subelements %get3A_644, %get3A_653 {pack_format = #tpu.pack_format<interleaved>, positions = array<i32: 0, 1>} : vector<16xf32>, vector<16xf32> -> vector<32xbf16>
      %bitcast3A_655 = vector.bitcast %pack3A_654 : vector<32xbf16> to vector<16xi32>
      %add3A_656 = arith.constant 64 : i32
      %add3A_657 = arith.addi %add3A_656, %add3A_591 : i32
      %swap3A_658 = arith.constant 1 : i32
      %swap3A_659 = arith.index_cast %swap3A_658 : i32 to index
      %swap3A_660 = arith.index_cast %add3A_657 : i32 to index
      %swap3A_661 = arith.constant 32 : index
      %swap3A_662 = tpu.vector_load %arg7[%swap3A_659, %swap3A_660, %swap3A_661] {strides = array<i32>} : memref<2x128x128xi32, #tpu.memory_space<vmem>>, vector<16xi32>,
      tpu.vector_store %arg7[%swap3A_659, %swap3A_660, %swap3A_661], %bitcast3A_655 {strides = array<i32>} : memref<2x128x128xi32, #tpu.memory_space<vmem>>, vector<16xi32>,
      %mul3A_663 = arith.constant 2 : i32
      %mul3A_664 = arith.muli %mul3A_663, %add3A_591 : i32
      %get3A_665 = arith.constant 3 : i32
      %get3A_666 = arith.index_cast %get3A_665 : i32 to index
      %get3A_667 = arith.index_cast %mul3A_664 : i32 to index
      %get3A_668 = arith.constant 48 : index
      %get3A_669 = tpu.vector_load %arg6[%get3A_666, %get3A_667, %get3A_668] {strides = array<i32>} : memref<4x128x128xf32, #tpu.memory_space<vmem>>, vector<16xf32>,
      %mul3A_670 = arith.constant 2 : i32
      %mul3A_671 = arith.muli %mul3A_670, %add3A_591 : i32
      %add3A_672 = arith.constant 1 : i32
      %add3A_673 = arith.addi %mul3A_671, %add3A_672 : i32
      %get3A_674 = arith.constant 3 : i32
      %get3A_675 = arith.index_cast %get3A_674 : i32 to index
      %get3A_676 = arith.index_cast %add3A_673 : i32 to index
      %get3A_677 = arith.constant 48 : index
      %get3A_678 = tpu.vector_load %arg6[%get3A_675, %get3A_676, %get3A_677] {strides = array<i32>} : memref<4x128x128xf32, #tpu.memory_space<vmem>>, vector<16xf32>,
      %pack3A_679 = tpu.pack_subelements %get3A_669, %get3A_678 {pack_format = #tpu.pack_format<interleaved>, positions = array<i32: 0, 1>} : vector<16xf32>, vector<16xf32> -> vector<32xbf16>
      %bitcast3A_680 = vector.bitcast %pack3A_679 : vector<32xbf16> to vector<16xi32>
      %add3A_681 = arith.constant 64 : i32
      %add3A_682 = arith.addi %add3A_681, %add3A_591 : i32
      %swap3A_683 = arith.constant 1 : i32
      %swap3A_684 = arith.index_cast %swap3A_683 : i32 to index
      %swap3A_685 = arith.index_cast %add3A_682 : i32 to index
      %swap3A_686 = arith.constant 48 : index
      %swap3A_687 = tpu.vector_load %arg7[%swap3A_684, %swap3A_685, %swap3A_686] {strides = array<i32>} : memref<2x128x128xi32, #tpu.memory_space<vmem>>, vector<16xi32>,
      tpu.vector_store %arg7[%swap3A_684, %swap3A_685, %swap3A_686], %bitcast3A_680 {strides = array<i32>} : memref<2x128x128xi32, #tpu.memory_space<vmem>>, vector<16xi32>,
      %mul3A_688 = arith.constant 2 : i32
      %mul3A_689 = arith.muli %mul3A_688, %add3A_591 : i32
      %get3A_690 = arith.constant 3 : i32
      %get3A_691 = arith.index_cast %get3A_690 : i32 to index
      %get3A_692 = arith.index_cast %mul3A_689 : i32 to index
      %get3A_693 = arith.constant 64 : index
      %get3A_694 = tpu.vector_load %arg6[%get3A_691, %get3A_692, %get3A_693] {strides = array<i32>} : memref<4x128x128xf32, #tpu.memory_space<vmem>>, vector<16xf32>,
      %mul3A_695 = arith.constant 2 : i32
      %mul3A_696 = arith.muli %mul3A_695, %add3A_591 : i32
      %add3A_697 = arith.constant 1 : i32
      %add3A_698 = arith.addi %mul3A_696, %add3A_697 : i32
      %get3A_699 = arith.constant 3 : i32
      %get3A_700 = arith.index_cast %get3A_699 : i32 to index
      %get3A_701 = arith.index_cast %add3A_698 : i32 to index
      %get3A_702 = arith.constant 64 : index
      %get3A_703 = tpu.vector_load %arg6[%get3A_700, %get3A_701, %get3A_702] {strides = array<i32>} : memref<4x128x128xf32, #tpu.memory_space<vmem>>, vector<16xf32>,
      %pack3A_704 = tpu.pack_subelements %get3A_694, %get3A_703 {pack_format = #tpu.pack_format<interleaved>, positions = array<i32: 0, 1>} : vector<16xf32>, vector<16xf32> -> vector<32xbf16>
      %bitcast3A_705 = vector.bitcast %pack3A_704 : vector<32xbf16> to vector<16xi32>
      %add3A_706 = arith.constant 64 : i32
      %add3A_707 = arith.addi %add3A_706, %add3A_591 : i32
      %swap3A_708 = arith.constant 1 : i32
      %swap3A_709 = arith.index_cast %swap3A_708 : i32 to index
      %swap3A_710 = arith.index_cast %add3A_707 : i32 to index
      %swap3A_711 = arith.constant 64 : index
      %swap3A_712 = tpu.vector_load %arg7[%swap3A_709, %swap3A_710, %swap3A_711] {strides = array<i32>} : memref<2x128x128xi32, #tpu.memory_space<vmem>>, vector<16xi32>,
      tpu.vector_store %arg7[%swap3A_709, %swap3A_710, %swap3A_711], %bitcast3A_705 {strides = array<i32>} : memref<2x128x128xi32, #tpu.memory_space<vmem>>, vector<16xi32>,
      %mul3A_713 = arith.constant 2 : i32
      %mul3A_714 = arith.muli %mul3A_713, %add3A_591 : i32
      %get3A_715 = arith.constant 3 : i32
      %get3A_716 = arith.index_cast %get3A_715 : i32 to index
      %get3A_717 = arith.index_cast %mul3A_714 : i32 to index
      %get3A_718 = arith.constant 80 : index
      %get3A_719 = tpu.vector_load %arg6[%get3A_716, %get3A_717, %get3A_718] {strides = array<i32>} : memref<4x128x128xf32, #tpu.memory_space<vmem>>, vector<16xf32>,
      %mul3A_720 = arith.constant 2 : i32
      %mul3A_721 = arith.muli %mul3A_720, %add3A_591 : i32
      %add3A_722 = arith.constant 1 : i32
      %add3A_723 = arith.addi %mul3A_721, %add3A_722 : i32
      %get3A_724 = arith.constant 3 : i32
      %get3A_725 = arith.index_cast %get3A_724 : i32 to index
      %get3A_726 = arith.index_cast %add3A_723 : i32 to index
      %get3A_727 = arith.constant 80 : index
      %get3A_728 = tpu.vector_load %arg6[%get3A_725, %get3A_726, %get3A_727] {strides = array<i32>} : memref<4x128x128xf32, #tpu.memory_space<vmem>>, vector<16xf32>,
      %pack3A_729 = tpu.pack_subelements %get3A_719, %get3A_728 {pack_format = #tpu.pack_format<interleaved>, positions = array<i32: 0, 1>} : vector<16xf32>, vector<16xf32> -> vector<32xbf16>
      %bitcast3A_730 = vector.bitcast %pack3A_729 : vector<32xbf16> to vector<16xi32>
      %add3A_731 = arith.constant 64 : i32
      %add3A_732 = arith.addi %add3A_731, %add3A_591 : i32
      %swap3A_733 = arith.constant 1 : i32
      %swap3A_734 = arith.index_cast %swap3A_733 : i32 to index
      %swap3A_735 = arith.index_cast %add3A_732 : i32 to index
      %swap3A_736 = arith.constant 80 : index
      %swap3A_737 = tpu.vector_load %arg7[%swap3A_734, %swap3A_735, %swap3A_736] {strides = array<i32>} : memref<2x128x128xi32, #tpu.memory_space<vmem>>, vector<16xi32>,
      tpu.vector_store %arg7[%swap3A_734, %swap3A_735, %swap3A_736], %bitcast3A_730 {strides = array<i32>} : memref<2x128x128xi32, #tpu.memory_space<vmem>>, vector<16xi32>,
      %mul3A_738 = arith.constant 2 : i32
      %mul3A_739 = arith.muli %mul3A_738, %add3A_591 : i32
      %get3A_740 = arith.constant 3 : i32
      %get3A_741 = arith.index_cast %get3A_740 : i32 to index
      %get3A_742 = arith.index_cast %mul3A_739 : i32 to index
      %get3A_743 = arith.constant 96 : index
      %get3A_744 = tpu.vector_load %arg6[%get3A_741, %get3A_742, %get3A_743] {strides = array<i32>} : memref<4x128x128xf32, #tpu.memory_space<vmem>>, vector<16xf32>,
      %mul3A_745 = arith.constant 2 : i32
      %mul3A_746 = arith.muli %mul3A_745, %add3A_591 : i32
      %add3A_747 = arith.constant 1 : i32
      %add3A_748 = arith.addi %mul3A_746, %add3A_747 : i32
      %get3A_749 = arith.constant 3 : i32
      %get3A_750 = arith.index_cast %get3A_749 : i32 to index
      %get3A_751 = arith.index_cast %add3A_748 : i32 to index
      %get3A_752 = arith.constant 96 : index
      %get3A_753 = tpu.vector_load %arg6[%get3A_750, %get3A_751, %get3A_752] {strides = array<i32>} : memref<4x128x128xf32, #tpu.memory_space<vmem>>, vector<16xf32>,
      %pack3A_754 = tpu.pack_subelements %get3A_744, %get3A_753 {pack_format = #tpu.pack_format<interleaved>, positions = array<i32: 0, 1>} : vector<16xf32>, vector<16xf32> -> vector<32xbf16>
      %bitcast3A_755 = vector.bitcast %pack3A_754 : vector<32xbf16> to vector<16xi32>
      %add3A_756 = arith.constant 64 : i32
      %add3A_757 = arith.addi %add3A_756, %add3A_591 : i32
      %swap3A_758 = arith.constant 1 : i32
      %swap3A_759 = arith.index_cast %swap3A_758 : i32 to index
      %swap3A_760 = arith.index_cast %add3A_757 : i32 to index
      %swap3A_761 = arith.constant 96 : index
      %swap3A_762 = tpu.vector_load %arg7[%swap3A_759, %swap3A_760, %swap3A_761] {strides = array<i32>} : memref<2x128x128xi32, #tpu.memory_space<vmem>>, vector<16xi32>,
      tpu.vector_store %arg7[%swap3A_759, %swap3A_760, %swap3A_761], %bitcast3A_755 {strides = array<i32>} : memref<2x128x128xi32, #tpu.memory_space<vmem>>, vector<16xi32>,
      %mul3A_763 = arith.constant 2 : i32
      %mul3A_764 = arith.muli %mul3A_763, %add3A_591 : i32
      %get3A_765 = arith.constant 3 : i32
      %get3A_766 = arith.index_cast %get3A_765 : i32 to index
      %get3A_767 = arith.index_cast %mul3A_764 : i32 to index
      %get3A_768 = arith.constant 112 : index
      %get3A_769 = tpu.vector_load %arg6[%get3A_766, %get3A_767, %get3A_768] {strides = array<i32>} : memref<4x128x128xf32, #tpu.memory_space<vmem>>, vector<16xf32>,
      %mul3A_770 = arith.constant 2 : i32
      %mul3A_771 = arith.muli %mul3A_770, %add3A_591 : i32
      %add3A_772 = arith.constant 1 : i32
      %add3A_773 = arith.addi %mul3A_771, %add3A_772 : i32
      %get3A_774 = arith.constant 3 : i32
      %get3A_775 = arith.index_cast %get3A_774 : i32 to index
      %get3A_776 = arith.index_cast %add3A_773 : i32 to index
      %get3A_777 = arith.constant 112 : index
      %get3A_778 = tpu.vector_load %arg6[%get3A_775, %get3A_776, %get3A_777] {strides = array<i32>} : memref<4x128x128xf32, #tpu.memory_space<vmem>>, vector<16xf32>,
      %pack3A_779 = tpu.pack_subelements %get3A_769, %get3A_778 {pack_format = #tpu.pack_format<interleaved>, positions = array<i32: 0, 1>} : vector<16xf32>, vector<16xf32> -> vector<32xbf16>
      %bitcast3A_780 = vector.bitcast %pack3A_779 : vector<32xbf16> to vector<16xi32>
      %add3A_781 = arith.constant 64 : i32
      %add3A_782 = arith.addi %add3A_781, %add3A_591 : i32
      %swap3A_783 = arith.constant 1 : i32
      %swap3A_784 = arith.index_cast %swap3A_783 : i32 to index
      %swap3A_785 = arith.index_cast %add3A_782 : i32 to index
      %swap3A_786 = arith.constant 112 : index
      %swap3A_787 = tpu.vector_load %arg7[%swap3A_784, %swap3A_785, %swap3A_786] {strides = array<i32>} : memref<2x128x128xi32, #tpu.memory_space<vmem>>, vector<16xi32>,
      tpu.vector_store %arg7[%swap3A_784, %swap3A_785, %swap3A_786], %bitcast3A_780 {strides = array<i32>} : memref<2x128x128xi32, #tpu.memory_space<vmem>>, vector<16xi32>,
    }
    %scan3A_383 = arith.constant 64 : i32
    %add3A_384 = arith.constant 3968 : i32
    %add3A_385 = arith.addi %mul3A_4, %add3A_384 : i32
    %dma_start3A_386 = arith.constant 1 : i32
    %dma_start3A_387 = arith.constant 1 : i32
    %dma_start3A_388 = arith.constant 0 : i32
    %dma_start3A_389 = arith.constant 0 : i32
    %dma_start3A_390 = tpu.memref_slice %arg7[%dma_start3A_386, %dma_start3A_388, %dma_start3A_389] : memref<2x128x128xi32, #tpu.memory_space<vmem>> -> memref<1x128x128xi32, #tpu.memory_space<vmem>>
    %dma_start3A_391 = tpu.memref_squeeze %dma_start3A_390 : memref<1x128x128xi32, #tpu.memory_space<vmem>> -> memref<128x128xi32, #tpu.memory_space<vmem>>
    %dma_start3A_392 = arith.constant 0 : i32
    %dma_start3A_393 = tpu.memref_slice %arg4[%add3A_385, %dma_start3A_392] : memref<138240x128xi32, #tpu.memory_space<hbm>> -> memref<128x128xi32, #tpu.memory_space<hbm>>
    %dma_start3A_394 = tpu.memref_slice %arg9[%dma_start3A_387] : memref<2x!tpu.dma_semaphore, #tpu.memory_space<semaphore_mem>> -> memref<1x!tpu.dma_semaphore, #tpu.memory_space<semaphore_mem>>
    %dma_start3A_395 = tpu.memref_squeeze %dma_start3A_394 : memref<1x!tpu.dma_semaphore, #tpu.memory_space<semaphore_mem>> -> memref<!tpu.dma_semaphore, #tpu.memory_space<semaphore_mem>>
    %dma_start3A_396 = arith.constant 0 : i32
    %dma_start3A_397 = tpu.memref_slice %arg4[%add3A_385, %dma_start3A_396] : memref<138240x128xi32, #tpu.memory_space<hbm>> -> memref<128x128xi32, #tpu.memory_space<hbm>>
    %dma_start3A_398 = arith.constant 0 : i32
    %dma_start3A_399 = arith.constant 0 : i32
    %dma_start3A_400 = tpu.memref_slice %arg7[%dma_start3A_386, %dma_start3A_398, %dma_start3A_399] : memref<2x128x128xi32, #tpu.memory_space<vmem>> -> memref<1x128x128xi32, #tpu.memory_space<vmem>>
    %dma_start3A_401 = tpu.memref_squeeze %dma_start3A_400 : memref<1x128x128xi32, #tpu.memory_space<vmem>> -> memref<128x128xi32, #tpu.memory_space<vmem>>
    tpu.enqueue_dma source(%dma_start3A_401 : memref<128x128xi32, #tpu.memory_space<vmem>>) target(%dma_start3A_397 : memref<128x128xi32, #tpu.memory_space<hbm>>) target_semaphore(%dma_start3A_395 : memref<!tpu.dma_semaphore, #tpu.memory_space<semaphore_mem>>)
    %dma_start3A_402 = arith.constant 3 : i32
    %dma_start3A_403 = arith.constant 3 : i32
    %dma_start3A_404 = arith.constant 0 : i32
    %dma_start3A_405 = arith.constant 0 : i32
    %dma_start3A_406 = tpu.memref_slice %arg6[%dma_start3A_402, %dma_start3A_404, %dma_start3A_405] : memref<4x128x128xf32, #tpu.memory_space<vmem>> -> memref<1x64x128xf32, #tpu.memory_space<vmem>>
    %dma_start3A_407 = tpu.memref_squeeze %dma_start3A_406 : memref<1x64x128xf32, #tpu.memory_space<vmem>> -> memref<64x128xf32, #tpu.memory_space<vmem>>
    %dma_start3A_408 = arith.constant 8576 : i32
    %dma_start3A_409 = tpu.memref_slice %arg5[%dma_start3A_408] : memref<8640xi32, #tpu.memory_space<vmem>> -> memref<64xi32, #tpu.memory_space<vmem>>
    %dma_start3A_410 = arith.constant 0 : i32
    %dma_start3A_411 = arith.constant 0 : i32
    %dma_start3A_412 = tpu.memref_slice %arg2[%dma_start3A_410, %dma_start3A_411] : memref<10000x128xf32, #tpu.memory_space<hbm>> -> memref<10000x128xf32, #tpu.memory_space<hbm>>
    %dma_start3A_413 = tpu.memref_slice %arg8[%dma_start3A_403] : memref<4x!tpu.dma_semaphore, #tpu.memory_space<semaphore_mem>> -> memref<1x!tpu.dma_semaphore, #tpu.memory_space<semaphore_mem>>
    %dma_start3A_414 = tpu.memref_squeeze %dma_start3A_413 : memref<1x!tpu.dma_semaphore, #tpu.memory_space<semaphore_mem>> -> memref<!tpu.dma_semaphore, #tpu.memory_space<semaphore_mem>>
    tpu.enqueue_indirect_dma source(%dma_start3A_412 : memref<10000x128xf32, #tpu.memory_space<hbm>>) target(%dma_start3A_407 : memref<64x128xf32, #tpu.memory_space<vmem>>) offsets(%dma_start3A_409 : memref<64xi32, #tpu.memory_space<vmem>>) semaphore(%dma_start3A_414 : memref<!tpu.dma_semaphore, #tpu.memory_space<semaphore_mem>>)
    %dma_wait3A_415 = arith.constant 0 : i32
    %dma_wait3A_416 = arith.constant 0 : i32
    %dma_wait3A_417 = arith.constant 0 : i32
    %dma_wait3A_418 = arith.constant 0 : i32
    %dma_wait3A_419 = tpu.memref_slice %arg6[%dma_wait3A_415, %dma_wait3A_417, %dma_wait3A_418] : memref<4x128x128xf32, #tpu.memory_space<vmem>> -> memref<1x128x128xf32, #tpu.memory_space<vmem>>
    %dma_wait3A_420 = tpu.memref_squeeze %dma_wait3A_419 : memref<1x128x128xf32, #tpu.memory_space<vmem>> -> memref<128x128xf32, #tpu.memory_space<vmem>>
    %dma_wait3A_421 = arith.constant 0 : i32
    %dma_wait3A_422 = tpu.memref_slice %arg5[%dma_wait3A_421] : memref<8640xi32, #tpu.memory_space<vmem>> -> memref<128xi32, #tpu.memory_space<vmem>>
    %dma_wait3A_423 = arith.constant 0 : i32
    %dma_wait3A_424 = arith.constant 0 : i32
    %dma_wait3A_425 = tpu.memref_slice %arg2[%dma_wait3A_423, %dma_wait3A_424] : memref<10000x128xf32, #tpu.memory_space<hbm>> -> memref<10000x128xf32, #tpu.memory_space<hbm>>
    %dma_wait3A_426 = tpu.memref_slice %arg8[%dma_wait3A_416] : memref<4x!tpu.dma_semaphore, #tpu.memory_space<semaphore_mem>> -> memref<1x!tpu.dma_semaphore, #tpu.memory_space<semaphore_mem>>
    %dma_wait3A_427 = tpu.memref_squeeze %dma_wait3A_426 : memref<1x!tpu.dma_semaphore, #tpu.memory_space<semaphore_mem>> -> memref<!tpu.dma_semaphore, #tpu.memory_space<semaphore_mem>>
    tpu.wait_indirect_dma semaphore(%dma_wait3A_427 : memref<!tpu.dma_semaphore, #tpu.memory_space<semaphore_mem>>) src(%dma_wait3A_425 : memref<10000x128xf32, #tpu.memory_space<hbm>>) dst(%dma_wait3A_420 : memref<128x128xf32, #tpu.memory_space<vmem>>)
    %dma_wait3A_428 = arith.constant 0 : i32
    %dma_wait3A_429 = arith.constant 0 : i32
    %dma_wait3A_430 = arith.constant 0 : i32
    %dma_wait3A_431 = arith.constant 0 : i32
    %dma_wait3A_432 = tpu.memref_slice %arg7[%dma_wait3A_428, %dma_wait3A_430, %dma_wait3A_431] : memref<2x128x128xi32, #tpu.memory_space<vmem>> -> memref<1x128x128xi32, #tpu.memory_space<vmem>>
    %dma_wait3A_433 = tpu.memref_squeeze %dma_wait3A_432 : memref<1x128x128xi32, #tpu.memory_space<vmem>> -> memref<128x128xi32, #tpu.memory_space<vmem>>
    %dma_wait3A_434 = arith.constant 0 : i32
    %dma_wait3A_435 = tpu.memref_slice %arg4[%mul3A_4, %dma_wait3A_434] : memref<138240x128xi32, #tpu.memory_space<hbm>> -> memref<128x128xi32, #tpu.memory_space<hbm>>
    %dma_wait3A_436 = tpu.memref_slice %arg9[%dma_wait3A_429] : memref<2x!tpu.dma_semaphore, #tpu.memory_space<semaphore_mem>> -> memref<1x!tpu.dma_semaphore, #tpu.memory_space<semaphore_mem>>
    %dma_wait3A_437 = tpu.memref_squeeze %dma_wait3A_436 : memref<1x!tpu.dma_semaphore, #tpu.memory_space<semaphore_mem>> -> memref<!tpu.dma_semaphore, #tpu.memory_space<semaphore_mem>>
    %dma_wait3A_438 = arith.constant 0 : i32
    %dma_wait3A_439 = tpu.memref_slice %arg4[%mul3A_4, %dma_wait3A_438] : memref<138240x128xi32, #tpu.memory_space<hbm>> -> memref<128x128xi32, #tpu.memory_space<hbm>>
    %dma_wait3A_440 = arith.constant 0 : i32
    %dma_wait3A_441 = arith.constant 0 : i32
    %dma_wait3A_442 = tpu.memref_slice %arg7[%dma_wait3A_428, %dma_wait3A_440, %dma_wait3A_441] : memref<2x128x128xi32, #tpu.memory_space<vmem>> -> memref<1x128x128xi32, #tpu.memory_space<vmem>>
    %dma_wait3A_443 = tpu.memref_squeeze %dma_wait3A_442 : memref<1x128x128xi32, #tpu.memory_space<vmem>> -> memref<128x128xi32, #tpu.memory_space<vmem>>
    tpu.wait_dma2 semaphore(%dma_wait3A_437 : memref<!tpu.dma_semaphore, #tpu.memory_space<semaphore_mem>>) src(%dma_wait3A_443 : memref<128x128xi32, #tpu.memory_space<vmem>>) dst(%dma_wait3A_439 : memref<128x128xi32, #tpu.memory_space<hbm>>)
    %scan3A_444 = arith.constant 0 : i32
    %scan3A_445 = arith.constant 64 : i32
    %scan3A_446 = arith.addi %scan3A_444, %scan3A_445 : i32
    %scan3A_447 = arith.constant 1 : i32
    scf.for %scan3A_587 = %scan3A_444 to %scan3A_446 step %scan3A_447  : i32 {
      %mul3A_588 = arith.constant 1 : i32
      %mul3A_589 = arith.muli %scan3A_587, %mul3A_588 : i32
      %add3A_590 = arith.constant 0 : i32
      %add3A_591 = arith.addi %add3A_590, %mul3A_589 : i32
      %mul3A_592 = arith.constant 2 : i32
      %mul3A_593 = arith.muli %mul3A_592, %add3A_591 : i32
      %get3A = arith.constant 0 : i32
      %get3A_594 = arith.index_cast %get3A : i32 to index
      %get3A_595 = arith.index_cast %mul3A_593 : i32 to index
      %get3A_596 = arith.constant 0 : index
      %get3A_597 = tpu.vector_load %arg6[%get3A_594, %get3A_595, %get3A_596] {strides = array<i32>} : memref<4x128x128xf32, #tpu.memory_space<vmem>>, vector<16xf32>,
      %mul3A_598 = arith.constant 2 : i32
      %mul3A_599 = arith.muli %mul3A_598, %add3A_591 : i32
      %add3A_600 = arith.constant 1 : i32
      %add3A_601 = arith.addi %mul3A_599, %add3A_600 : i32
      %get3A_602 = arith.constant 0 : i32
      %get3A_603 = arith.index_cast %get3A_602 : i32 to index
      %get3A_604 = arith.index_cast %add3A_601 : i32 to index
      %get3A_605 = arith.constant 0 : index
      %get3A_606 = tpu.vector_load %arg6[%get3A_603, %get3A_604, %get3A_605] {strides = array<i32>} : memref<4x128x128xf32, #tpu.memory_space<vmem>>, vector<16xf32>,
      %pack3A = tpu.pack_subelements %get3A_597, %get3A_606 {pack_format = #tpu.pack_format<interleaved>, positions = array<i32: 0, 1>} : vector<16xf32>, vector<16xf32> -> vector<32xbf16>
      %bitcast3A = vector.bitcast %pack3A : vector<32xbf16> to vector<16xi32>
      %add3A_607 = arith.constant 0 : i32
      %add3A_608 = arith.addi %add3A_607, %add3A_591 : i32
      %swap3A = arith.constant 0 : i32
      %swap3A_609 = arith.index_cast %swap3A : i32 to index
      %swap3A_610 = arith.index_cast %add3A_608 : i32 to index
      %swap3A_611 = arith.constant 0 : index
      %swap3A_612 = tpu.vector_load %arg7[%swap3A_609, %swap3A_610, %swap3A_611] {strides = array<i32>} : memref<2x128x128xi32, #tpu.memory_space<vmem>>, vector<16xi32>,
      tpu.vector_store %arg7[%swap3A_609, %swap3A_610, %swap3A_611], %bitcast3A {strides = array<i32>} : memref<2x128x128xi32, #tpu.memory_space<vmem>>, vector<16xi32>,
      %mul3A_613 = arith.constant 2 : i32
      %mul3A_614 = arith.muli %mul3A_613, %add3A_591 : i32
      %get3A_615 = arith.constant 0 : i32
      %get3A_616 = arith.index_cast %get3A_615 : i32 to index
      %get3A_617 = arith.index_cast %mul3A_614 : i32 to index
      %get3A_618 = arith.constant 16 : index
      %get3A_619 = tpu.vector_load %arg6[%get3A_616, %get3A_617, %get3A_618] {strides = array<i32>} : memref<4x128x128xf32, #tpu.memory_space<vmem>>, vector<16xf32>,
      %mul3A_620 = arith.constant 2 : i32
      %mul3A_621 = arith.muli %mul3A_620, %add3A_591 : i32
      %add3A_622 = arith.constant 1 : i32
      %add3A_623 = arith.addi %mul3A_621, %add3A_622 : i32
      %get3A_624 = arith.constant 0 : i32
      %get3A_625 = arith.index_cast %get3A_624 : i32 to index
      %get3A_626 = arith.index_cast %add3A_623 : i32 to index
      %get3A_627 = arith.constant 16 : index
      %get3A_628 = tpu.vector_load %arg6[%get3A_625, %get3A_626, %get3A_627] {strides = array<i32>} : memref<4x128x128xf32, #tpu.memory_space<vmem>>, vector<16xf32>,
      %pack3A_629 = tpu.pack_subelements %get3A_619, %get3A_628 {pack_format = #tpu.pack_format<interleaved>, positions = array<i32: 0, 1>} : vector<16xf32>, vector<16xf32> -> vector<32xbf16>
      %bitcast3A_630 = vector.bitcast %pack3A_629 : vector<32xbf16> to vector<16xi32>
      %add3A_631 = arith.constant 0 : i32
      %add3A_632 = arith.addi %add3A_631, %add3A_591 : i32
      %swap3A_633 = arith.constant 0 : i32
      %swap3A_634 = arith.index_cast %swap3A_633 : i32 to index
      %swap3A_635 = arith.index_cast %add3A_632 : i32 to index
      %swap3A_636 = arith.constant 16 : index
      %swap3A_637 = tpu.vector_load %arg7[%swap3A_634, %swap3A_635, %swap3A_636] {strides = array<i32>} : memref<2x128x128xi32, #tpu.memory_space<vmem>>, vector<16xi32>,
      tpu.vector_store %arg7[%swap3A_634, %swap3A_635, %swap3A_636], %bitcast3A_630 {strides = array<i32>} : memref<2x128x128xi32, #tpu.memory_space<vmem>>, vector<16xi32>,
      %mul3A_638 = arith.constant 2 : i32
      %mul3A_639 = arith.muli %mul3A_638, %add3A_591 : i32
      %get3A_640 = arith.constant 0 : i32
      %get3A_641 = arith.index_cast %get3A_640 : i32 to index
      %get3A_642 = arith.index_cast %mul3A_639 : i32 to index
      %get3A_643 = arith.constant 32 : index
      %get3A_644 = tpu.vector_load %arg6[%get3A_641, %get3A_642, %get3A_643] {strides = array<i32>} : memref<4x128x128xf32, #tpu.memory_space<vmem>>, vector<16xf32>,
      %mul3A_645 = arith.constant 2 : i32
      %mul3A_646 = arith.muli %mul3A_645, %add3A_591 : i32
      %add3A_647 = arith.constant 1 : i32
      %add3A_648 = arith.addi %mul3A_646, %add3A_647 : i32
      %get3A_649 = arith.constant 0 : i32
      %get3A_650 = arith.index_cast %get3A_649 : i32 to index
      %get3A_651 = arith.index_cast %add3A_648 : i32 to index
      %get3A_652 = arith.constant 32 : index
      %get3A_653 = tpu.vector_load %arg6[%get3A_650, %get3A_651, %get3A_652] {strides = array<i32>} : memref<4x128x128xf32, #tpu.memory_space<vmem>>, vector<16xf32>,
      %pack3A_654 = tpu.pack_subelements %get3A_644, %get3A_653 {pack_format = #tpu.pack_format<interleaved>, positions = array<i32: 0, 1>} : vector<16xf32>, vector<16xf32> -> vector<32xbf16>
      %bitcast3A_655 = vector.bitcast %pack3A_654 : vector<32xbf16> to vector<16xi32>
      %add3A_656 = arith.constant 0 : i32
      %add3A_657 = arith.addi %add3A_656, %add3A_591 : i32
      %swap3A_658 = arith.constant 0 : i32
      %swap3A_659 = arith.index_cast %swap3A_658 : i32 to index
      %swap3A_660 = arith.index_cast %add3A_657 : i32 to index
      %swap3A_661 = arith.constant 32 : index
      %swap3A_662 = tpu.vector_load %arg7[%swap3A_659, %swap3A_660, %swap3A_661] {strides = array<i32>} : memref<2x128x128xi32, #tpu.memory_space<vmem>>, vector<16xi32>,
      tpu.vector_store %arg7[%swap3A_659, %swap3A_660, %swap3A_661], %bitcast3A_655 {strides = array<i32>} : memref<2x128x128xi32, #tpu.memory_space<vmem>>, vector<16xi32>,
      %mul3A_663 = arith.constant 2 : i32
      %mul3A_664 = arith.muli %mul3A_663, %add3A_591 : i32
      %get3A_665 = arith.constant 0 : i32
      %get3A_666 = arith.index_cast %get3A_665 : i32 to index
      %get3A_667 = arith.index_cast %mul3A_664 : i32 to index
      %get3A_668 = arith.constant 48 : index
      %get3A_669 = tpu.vector_load %arg6[%get3A_666, %get3A_667, %get3A_668] {strides = array<i32>} : memref<4x128x128xf32, #tpu.memory_space<vmem>>, vector<16xf32>,
      %mul3A_670 = arith.constant 2 : i32
      %mul3A_671 = arith.muli %mul3A_670, %add3A_591 : i32
      %add3A_672 = arith.constant 1 : i32
      %add3A_673 = arith.addi %mul3A_671, %add3A_672 : i32
      %get3A_674 = arith.constant 0 : i32
      %get3A_675 = arith.index_cast %get3A_674 : i32 to index
      %get3A_676 = arith.index_cast %add3A_673 : i32 to index
      %get3A_677 = arith.constant 48 : index
      %get3A_678 = tpu.vector_load %arg6[%get3A_675, %get3A_676, %get3A_677] {strides = array<i32>} : memref<4x128x128xf32, #tpu.memory_space<vmem>>, vector<16xf32>,
      %pack3A_679 = tpu.pack_subelements %get3A_669, %get3A_678 {pack_format = #tpu.pack_format<interleaved>, positions = array<i32: 0, 1>} : vector<16xf32>, vector<16xf32> -> vector<32xbf16>
      %bitcast3A_680 = vector.bitcast %pack3A_679 : vector<32xbf16> to vector<16xi32>
      %add3A_681 = arith.constant 0 : i32
      %add3A_682 = arith.addi %add3A_681, %add3A_591 : i32
      %swap3A_683 = arith.constant 0 : i32
      %swap3A_684 = arith.index_cast %swap3A_683 : i32 to index
      %swap3A_685 = arith.index_cast %add3A_682 : i32 to index
      %swap3A_686 = arith.constant 48 : index
      %swap3A_687 = tpu.vector_load %arg7[%swap3A_684, %swap3A_685, %swap3A_686] {strides = array<i32>} : memref<2x128x128xi32, #tpu.memory_space<vmem>>, vector<16xi32>,
      tpu.vector_store %arg7[%swap3A_684, %swap3A_685, %swap3A_686], %bitcast3A_680 {strides = array<i32>} : memref<2x128x128xi32, #tpu.memory_space<vmem>>, vector<16xi32>,
      %mul3A_688 = arith.constant 2 : i32
      %mul3A_689 = arith.muli %mul3A_688, %add3A_591 : i32
      %get3A_690 = arith.constant 0 : i32
      %get3A_691 = arith.index_cast %get3A_690 : i32 to index
      %get3A_692 = arith.index_cast %mul3A_689 : i32 to index
      %get3A_693 = arith.constant 64 : index
      %get3A_694 = tpu.vector_load %arg6[%get3A_691, %get3A_692, %get3A_693] {strides = array<i32>} : memref<4x128x128xf32, #tpu.memory_space<vmem>>, vector<16xf32>,
      %mul3A_695 = arith.constant 2 : i32
      %mul3A_696 = arith.muli %mul3A_695, %add3A_591 : i32
      %add3A_697 = arith.constant 1 : i32
      %add3A_698 = arith.addi %mul3A_696, %add3A_697 : i32
      %get3A_699 = arith.constant 0 : i32
      %get3A_700 = arith.index_cast %get3A_699 : i32 to index
      %get3A_701 = arith.index_cast %add3A_698 : i32 to index
      %get3A_702 = arith.constant 64 : index
      %get3A_703 = tpu.vector_load %arg6[%get3A_700, %get3A_701, %get3A_702] {strides = array<i32>} : memref<4x128x128xf32, #tpu.memory_space<vmem>>, vector<16xf32>,
      %pack3A_704 = tpu.pack_subelements %get3A_694, %get3A_703 {pack_format = #tpu.pack_format<interleaved>, positions = array<i32: 0, 1>} : vector<16xf32>, vector<16xf32> -> vector<32xbf16>
      %bitcast3A_705 = vector.bitcast %pack3A_704 : vector<32xbf16> to vector<16xi32>
      %add3A_706 = arith.constant 0 : i32
      %add3A_707 = arith.addi %add3A_706, %add3A_591 : i32
      %swap3A_708 = arith.constant 0 : i32
      %swap3A_709 = arith.index_cast %swap3A_708 : i32 to index
      %swap3A_710 = arith.index_cast %add3A_707 : i32 to index
      %swap3A_711 = arith.constant 64 : index
      %swap3A_712 = tpu.vector_load %arg7[%swap3A_709, %swap3A_710, %swap3A_711] {strides = array<i32>} : memref<2x128x128xi32, #tpu.memory_space<vmem>>, vector<16xi32>,
      tpu.vector_store %arg7[%swap3A_709, %swap3A_710, %swap3A_711], %bitcast3A_705 {strides = array<i32>} : memref<2x128x128xi32, #tpu.memory_space<vmem>>, vector<16xi32>,
      %mul3A_713 = arith.constant 2 : i32
      %mul3A_714 = arith.muli %mul3A_713, %add3A_591 : i32
      %get3A_715 = arith.constant 0 : i32
      %get3A_716 = arith.index_cast %get3A_715 : i32 to index
      %get3A_717 = arith.index_cast %mul3A_714 : i32 to index
      %get3A_718 = arith.constant 80 : index
      %get3A_719 = tpu.vector_load %arg6[%get3A_716, %get3A_717, %get3A_718] {strides = array<i32>} : memref<4x128x128xf32, #tpu.memory_space<vmem>>, vector<16xf32>,
      %mul3A_720 = arith.constant 2 : i32
      %mul3A_721 = arith.muli %mul3A_720, %add3A_591 : i32
      %add3A_722 = arith.constant 1 : i32
      %add3A_723 = arith.addi %mul3A_721, %add3A_722 : i32
      %get3A_724 = arith.constant 0 : i32
      %get3A_725 = arith.index_cast %get3A_724 : i32 to index
      %get3A_726 = arith.index_cast %add3A_723 : i32 to index
      %get3A_727 = arith.constant 80 : index
      %get3A_728 = tpu.vector_load %arg6[%get3A_725, %get3A_726, %get3A_727] {strides = array<i32>} : memref<4x128x128xf32, #tpu.memory_space<vmem>>, vector<16xf32>,
      %pack3A_729 = tpu.pack_subelements %get3A_719, %get3A_728 {pack_format = #tpu.pack_format<interleaved>, positions = array<i32: 0, 1>} : vector<16xf32>, vector<16xf32> -> vector<32xbf16>
      %bitcast3A_730 = vector.bitcast %pack3A_729 : vector<32xbf16> to vector<16xi32>
      %add3A_731 = arith.constant 0 : i32
      %add3A_732 = arith.addi %add3A_731, %add3A_591 : i32
      %swap3A_733 = arith.constant 0 : i32
      %swap3A_734 = arith.index_cast %swap3A_733 : i32 to index
      %swap3A_735 = arith.index_cast %add3A_732 : i32 to index
      %swap3A_736 = arith.constant 80 : index
      %swap3A_737 = tpu.vector_load %arg7[%swap3A_734, %swap3A_735, %swap3A_736] {strides = array<i32>} : memref<2x128x128xi32, #tpu.memory_space<vmem>>, vector<16xi32>,
      tpu.vector_store %arg7[%swap3A_734, %swap3A_735, %swap3A_736], %bitcast3A_730 {strides = array<i32>} : memref<2x128x128xi32, #tpu.memory_space<vmem>>, vector<16xi32>,
      %mul3A_738 = arith.constant 2 : i32
      %mul3A_739 = arith.muli %mul3A_738, %add3A_591 : i32
      %get3A_740 = arith.constant 0 : i32
      %get3A_741 = arith.index_cast %get3A_740 : i32 to index
      %get3A_742 = arith.index_cast %mul3A_739 : i32 to index
      %get3A_743 = arith.constant 96 : index
      %get3A_744 = tpu.vector_load %arg6[%get3A_741, %get3A_742, %get3A_743] {strides = array<i32>} : memref<4x128x128xf32, #tpu.memory_space<vmem>>, vector<16xf32>,
      %mul3A_745 = arith.constant 2 : i32
      %mul3A_746 = arith.muli %mul3A_745, %add3A_591 : i32
      %add3A_747 = arith.constant 1 : i32
      %add3A_748 = arith.addi %mul3A_746, %add3A_747 : i32
      %get3A_749 = arith.constant 0 : i32
      %get3A_750 = arith.index_cast %get3A_749 : i32 to index
      %get3A_751 = arith.index_cast %add3A_748 : i32 to index
      %get3A_752 = arith.constant 96 : index
      %get3A_753 = tpu.vector_load %arg6[%get3A_750, %get3A_751, %get3A_752] {strides = array<i32>} : memref<4x128x128xf32, #tpu.memory_space<vmem>>, vector<16xf32>,
      %pack3A_754 = tpu.pack_subelements %get3A_744, %get3A_753 {pack_format = #tpu.pack_format<interleaved>, positions = array<i32: 0, 1>} : vector<16xf32>, vector<16xf32> -> vector<32xbf16>
      %bitcast3A_755 = vector.bitcast %pack3A_754 : vector<32xbf16> to vector<16xi32>
      %add3A_756 = arith.constant 0 : i32
      %add3A_757 = arith.addi %add3A_756, %add3A_591 : i32
      %swap3A_758 = arith.constant 0 : i32
      %swap3A_759 = arith.index_cast %swap3A_758 : i32 to index
      %swap3A_760 = arith.index_cast %add3A_757 : i32 to index
      %swap3A_761 = arith.constant 96 : index
      %swap3A_762 = tpu.vector_load %arg7[%swap3A_759, %swap3A_760, %swap3A_761] {strides = array<i32>} : memref<2x128x128xi32, #tpu.memory_space<vmem>>, vector<16xi32>,
      tpu.vector_store %arg7[%swap3A_759, %swap3A_760, %swap3A_761], %bitcast3A_755 {strides = array<i32>} : memref<2x128x128xi32, #tpu.memory_space<vmem>>, vector<16xi32>,
      %mul3A_763 = arith.constant 2 : i32
      %mul3A_764 = arith.muli %mul3A_763, %add3A_591 : i32
      %get3A_765 = arith.constant 0 : i32
      %get3A_766 = arith.index_cast %get3A_765 : i32 to index
      %get3A_767 = arith.index_cast %mul3A_764 : i32 to index
      %get3A_768 = arith.constant 112 : index
      %get3A_769 = tpu.vector_load %arg6[%get3A_766, %get3A_767, %get3A_768] {strides = array<i32>} : memref<4x128x128xf32, #tpu.memory_space<vmem>>, vector<16xf32>,
      %mul3A_770 = arith.constant 2 : i32
      %mul3A_771 = arith.muli %mul3A_770, %add3A_591 : i32
      %add3A_772 = arith.constant 1 : i32
      %add3A_773 = arith.addi %mul3A_771, %add3A_772 : i32
      %get3A_774 = arith.constant 0 : i32
      %get3A_775 = arith.index_cast %get3A_774 : i32 to index
      %get3A_776 = arith.index_cast %add3A_773 : i32 to index
      %get3A_777 = arith.constant 112 : index
      %get3A_778 = tpu.vector_load %arg6[%get3A_775, %get3A_776, %get3A_777] {strides = array<i32>} : memref<4x128x128xf32, #tpu.memory_space<vmem>>, vector<16xf32>,
      %pack3A_779 = tpu.pack_subelements %get3A_769, %get3A_778 {pack_format = #tpu.pack_format<interleaved>, positions = array<i32: 0, 1>} : vector<16xf32>, vector<16xf32> -> vector<32xbf16>
      %bitcast3A_780 = vector.bitcast %pack3A_779 : vector<32xbf16> to vector<16xi32>
      %add3A_781 = arith.constant 0 : i32
      %add3A_782 = arith.addi %add3A_781, %add3A_591 : i32
      %swap3A_783 = arith.constant 0 : i32
      %swap3A_784 = arith.index_cast %swap3A_783 : i32 to index
      %swap3A_785 = arith.index_cast %add3A_782 : i32 to index
      %swap3A_786 = arith.constant 112 : index
      %swap3A_787 = tpu.vector_load %arg7[%swap3A_784, %swap3A_785, %swap3A_786] {strides = array<i32>} : memref<2x128x128xi32, #tpu.memory_space<vmem>>, vector<16xi32>,
      tpu.vector_store %arg7[%swap3A_784, %swap3A_785, %swap3A_786], %bitcast3A_780 {strides = array<i32>} : memref<2x128x128xi32, #tpu.memory_space<vmem>>, vector<16xi32>,
    }
    %scan3A_448 = arith.constant 64 : i32
    %dma_wait3A_449 = arith.constant 1 : i32
    %dma_wait3A_450 = arith.constant 1 : i32
    %dma_wait3A_451 = arith.constant 0 : i32
    %dma_wait3A_452 = arith.constant 0 : i32
    %dma_wait3A_453 = tpu.memref_slice %arg6[%dma_wait3A_449, %dma_wait3A_451, %dma_wait3A_452] : memref<4x128x128xf32, #tpu.memory_space<vmem>> -> memref<1x128x128xf32, #tpu.memory_space<vmem>>
    %dma_wait3A_454 = tpu.memref_squeeze %dma_wait3A_453 : memref<1x128x128xf32, #tpu.memory_space<vmem>> -> memref<128x128xf32, #tpu.memory_space<vmem>>
    %dma_wait3A_455 = arith.constant 0 : i32
    %dma_wait3A_456 = tpu.memref_slice %arg5[%dma_wait3A_455] : memref<8640xi32, #tpu.memory_space<vmem>> -> memref<128xi32, #tpu.memory_space<vmem>>
    %dma_wait3A_457 = arith.constant 0 : i32
    %dma_wait3A_458 = arith.constant 0 : i32
    %dma_wait3A_459 = tpu.memref_slice %arg2[%dma_wait3A_457, %dma_wait3A_458] : memref<10000x128xf32, #tpu.memory_space<hbm>> -> memref<10000x128xf32, #tpu.memory_space<hbm>>
    %dma_wait3A_460 = tpu.memref_slice %arg8[%dma_wait3A_450] : memref<4x!tpu.dma_semaphore, #tpu.memory_space<semaphore_mem>> -> memref<1x!tpu.dma_semaphore, #tpu.memory_space<semaphore_mem>>
    %dma_wait3A_461 = tpu.memref_squeeze %dma_wait3A_460 : memref<1x!tpu.dma_semaphore, #tpu.memory_space<semaphore_mem>> -> memref<!tpu.dma_semaphore, #tpu.memory_space<semaphore_mem>>
    tpu.wait_indirect_dma semaphore(%dma_wait3A_461 : memref<!tpu.dma_semaphore, #tpu.memory_space<semaphore_mem>>) src(%dma_wait3A_459 : memref<10000x128xf32, #tpu.memory_space<hbm>>) dst(%dma_wait3A_454 : memref<128x128xf32, #tpu.memory_space<vmem>>)
    %scan3A_462 = arith.constant 0 : i32
    %scan3A_463 = arith.constant 64 : i32
    %scan3A_464 = arith.addi %scan3A_462, %scan3A_463 : i32
    %scan3A_465 = arith.constant 1 : i32
    scf.for %scan3A_587 = %scan3A_462 to %scan3A_464 step %scan3A_465  : i32 {
      %mul3A_588 = arith.constant 1 : i32
      %mul3A_589 = arith.muli %scan3A_587, %mul3A_588 : i32
      %add3A_590 = arith.constant 0 : i32
      %add3A_591 = arith.addi %add3A_590, %mul3A_589 : i32
      %mul3A_592 = arith.constant 2 : i32
      %mul3A_593 = arith.muli %mul3A_592, %add3A_591 : i32
      %get3A = arith.constant 1 : i32
      %get3A_594 = arith.index_cast %get3A : i32 to index
      %get3A_595 = arith.index_cast %mul3A_593 : i32 to index
      %get3A_596 = arith.constant 0 : index
      %get3A_597 = tpu.vector_load %arg6[%get3A_594, %get3A_595, %get3A_596] {strides = array<i32>} : memref<4x128x128xf32, #tpu.memory_space<vmem>>, vector<16xf32>,
      %mul3A_598 = arith.constant 2 : i32
      %mul3A_599 = arith.muli %mul3A_598, %add3A_591 : i32
      %add3A_600 = arith.constant 1 : i32
      %add3A_601 = arith.addi %mul3A_599, %add3A_600 : i32
      %get3A_602 = arith.constant 1 : i32
      %get3A_603 = arith.index_cast %get3A_602 : i32 to index
      %get3A_604 = arith.index_cast %add3A_601 : i32 to index
      %get3A_605 = arith.constant 0 : index
      %get3A_606 = tpu.vector_load %arg6[%get3A_603, %get3A_604, %get3A_605] {strides = array<i32>} : memref<4x128x128xf32, #tpu.memory_space<vmem>>, vector<16xf32>,
      %pack3A = tpu.pack_subelements %get3A_597, %get3A_606 {pack_format = #tpu.pack_format<interleaved>, positions = array<i32: 0, 1>} : vector<16xf32>, vector<16xf32> -> vector<32xbf16>
      %bitcast3A = vector.bitcast %pack3A : vector<32xbf16> to vector<16xi32>
      %add3A_607 = arith.constant 64 : i32
      %add3A_608 = arith.addi %add3A_607, %add3A_591 : i32
      %swap3A = arith.constant 0 : i32
      %swap3A_609 = arith.index_cast %swap3A : i32 to index
      %swap3A_610 = arith.index_cast %add3A_608 : i32 to index
      %swap3A_611 = arith.constant 0 : index
      %swap3A_612 = tpu.vector_load %arg7[%swap3A_609, %swap3A_610, %swap3A_611] {strides = array<i32>} : memref<2x128x128xi32, #tpu.memory_space<vmem>>, vector<16xi32>,
      tpu.vector_store %arg7[%swap3A_609, %swap3A_610, %swap3A_611], %bitcast3A {strides = array<i32>} : memref<2x128x128xi32, #tpu.memory_space<vmem>>, vector<16xi32>,
      %mul3A_613 = arith.constant 2 : i32
      %mul3A_614 = arith.muli %mul3A_613, %add3A_591 : i32
      %get3A_615 = arith.constant 1 : i32
      %get3A_616 = arith.index_cast %get3A_615 : i32 to index
      %get3A_617 = arith.index_cast %mul3A_614 : i32 to index
      %get3A_618 = arith.constant 16 : index
      %get3A_619 = tpu.vector_load %arg6[%get3A_616, %get3A_617, %get3A_618] {strides = array<i32>} : memref<4x128x128xf32, #tpu.memory_space<vmem>>, vector<16xf32>,
      %mul3A_620 = arith.constant 2 : i32
      %mul3A_621 = arith.muli %mul3A_620, %add3A_591 : i32
      %add3A_622 = arith.constant 1 : i32
      %add3A_623 = arith.addi %mul3A_621, %add3A_622 : i32
      %get3A_624 = arith.constant 1 : i32
      %get3A_625 = arith.index_cast %get3A_624 : i32 to index
      %get3A_626 = arith.index_cast %add3A_623 : i32 to index
      %get3A_627 = arith.constant 16 : index
      %get3A_628 = tpu.vector_load %arg6[%get3A_625, %get3A_626, %get3A_627] {strides = array<i32>} : memref<4x128x128xf32, #tpu.memory_space<vmem>>, vector<16xf32>,
      %pack3A_629 = tpu.pack_subelements %get3A_619, %get3A_628 {pack_format = #tpu.pack_format<interleaved>, positions = array<i32: 0, 1>} : vector<16xf32>, vector<16xf32> -> vector<32xbf16>
      %bitcast3A_630 = vector.bitcast %pack3A_629 : vector<32xbf16> to vector<16xi32>
      %add3A_631 = arith.constant 64 : i32
      %add3A_632 = arith.addi %add3A_631, %add3A_591 : i32
      %swap3A_633 = arith.constant 0 : i32
      %swap3A_634 = arith.index_cast %swap3A_633 : i32 to index
      %swap3A_635 = arith.index_cast %add3A_632 : i32 to index
      %swap3A_636 = arith.constant 16 : index
      %swap3A_637 = tpu.vector_load %arg7[%swap3A_634, %swap3A_635, %swap3A_636] {strides = array<i32>} : memref<2x128x128xi32, #tpu.memory_space<vmem>>, vector<16xi32>,
      tpu.vector_store %arg7[%swap3A_634, %swap3A_635, %swap3A_636], %bitcast3A_630 {strides = array<i32>} : memref<2x128x128xi32, #tpu.memory_space<vmem>>, vector<16xi32>,
      %mul3A_638 = arith.constant 2 : i32
      %mul3A_639 = arith.muli %mul3A_638, %add3A_591 : i32
      %get3A_640 = arith.constant 1 : i32
      %get3A_641 = arith.index_cast %get3A_640 : i32 to index
      %get3A_642 = arith.index_cast %mul3A_639 : i32 to index
      %get3A_643 = arith.constant 32 : index
      %get3A_644 = tpu.vector_load %arg6[%get3A_641, %get3A_642, %get3A_643] {strides = array<i32>} : memref<4x128x128xf32, #tpu.memory_space<vmem>>, vector<16xf32>,
      %mul3A_645 = arith.constant 2 : i32
      %mul3A_646 = arith.muli %mul3A_645, %add3A_591 : i32
      %add3A_647 = arith.constant 1 : i32
      %add3A_648 = arith.addi %mul3A_646, %add3A_647 : i32
      %get3A_649 = arith.constant 1 : i32
      %get3A_650 = arith.index_cast %get3A_649 : i32 to index
      %get3A_651 = arith.index_cast %add3A_648 : i32 to index
      %get3A_652 = arith.constant 32 : index
      %get3A_653 = tpu.vector_load %arg6[%get3A_650, %get3A_651, %get3A_652] {strides = array<i32>} : memref<4x128x128xf32, #tpu.memory_space<vmem>>, vector<16xf32>,
      %pack3A_654 = tpu.pack_subelements %get3A_644, %get3A_653 {pack_format = #tpu.pack_format<interleaved>, positions = array<i32: 0, 1>} : vector<16xf32>, vector<16xf32> -> vector<32xbf16>
      %bitcast3A_655 = vector.bitcast %pack3A_654 : vector<32xbf16> to vector<16xi32>
      %add3A_656 = arith.constant 64 : i32
      %add3A_657 = arith.addi %add3A_656, %add3A_591 : i32
      %swap3A_658 = arith.constant 0 : i32
      %swap3A_659 = arith.index_cast %swap3A_658 : i32 to index
      %swap3A_660 = arith.index_cast %add3A_657 : i32 to index
      %swap3A_661 = arith.constant 32 : index
      %swap3A_662 = tpu.vector_load %arg7[%swap3A_659, %swap3A_660, %swap3A_661] {strides = array<i32>} : memref<2x128x128xi32, #tpu.memory_space<vmem>>, vector<16xi32>,
      tpu.vector_store %arg7[%swap3A_659, %swap3A_660, %swap3A_661], %bitcast3A_655 {strides = array<i32>} : memref<2x128x128xi32, #tpu.memory_space<vmem>>, vector<16xi32>,
      %mul3A_663 = arith.constant 2 : i32
      %mul3A_664 = arith.muli %mul3A_663, %add3A_591 : i32
      %get3A_665 = arith.constant 1 : i32
      %get3A_666 = arith.index_cast %get3A_665 : i32 to index
      %get3A_667 = arith.index_cast %mul3A_664 : i32 to index
      %get3A_668 = arith.constant 48 : index
      %get3A_669 = tpu.vector_load %arg6[%get3A_666, %get3A_667, %get3A_668] {strides = array<i32>} : memref<4x128x128xf32, #tpu.memory_space<vmem>>, vector<16xf32>,
      %mul3A_670 = arith.constant 2 : i32
      %mul3A_671 = arith.muli %mul3A_670, %add3A_591 : i32
      %add3A_672 = arith.constant 1 : i32
      %add3A_673 = arith.addi %mul3A_671, %add3A_672 : i32
      %get3A_674 = arith.constant 1 : i32
      %get3A_675 = arith.index_cast %get3A_674 : i32 to index
      %get3A_676 = arith.index_cast %add3A_673 : i32 to index
      %get3A_677 = arith.constant 48 : index
      %get3A_678 = tpu.vector_load %arg6[%get3A_675, %get3A_676, %get3A_677] {strides = array<i32>} : memref<4x128x128xf32, #tpu.memory_space<vmem>>, vector<16xf32>,
      %pack3A_679 = tpu.pack_subelements %get3A_669, %get3A_678 {pack_format = #tpu.pack_format<interleaved>, positions = array<i32: 0, 1>} : vector<16xf32>, vector<16xf32> -> vector<32xbf16>
      %bitcast3A_680 = vector.bitcast %pack3A_679 : vector<32xbf16> to vector<16xi32>
      %add3A_681 = arith.constant 64 : i32
      %add3A_682 = arith.addi %add3A_681, %add3A_591 : i32
      %swap3A_683 = arith.constant 0 : i32
      %swap3A_684 = arith.index_cast %swap3A_683 : i32 to index
      %swap3A_685 = arith.index_cast %add3A_682 : i32 to index
      %swap3A_686 = arith.constant 48 : index
      %swap3A_687 = tpu.vector_load %arg7[%swap3A_684, %swap3A_685, %swap3A_686] {strides = array<i32>} : memref<2x128x128xi32, #tpu.memory_space<vmem>>, vector<16xi32>,
      tpu.vector_store %arg7[%swap3A_684, %swap3A_685, %swap3A_686], %bitcast3A_680 {strides = array<i32>} : memref<2x128x128xi32, #tpu.memory_space<vmem>>, vector<16xi32>,
      %mul3A_688 = arith.constant 2 : i32
      %mul3A_689 = arith.muli %mul3A_688, %add3A_591 : i32
      %get3A_690 = arith.constant 1 : i32
      %get3A_691 = arith.index_cast %get3A_690 : i32 to index
      %get3A_692 = arith.index_cast %mul3A_689 : i32 to index
      %get3A_693 = arith.constant 64 : index
      %get3A_694 = tpu.vector_load %arg6[%get3A_691, %get3A_692, %get3A_693] {strides = array<i32>} : memref<4x128x128xf32, #tpu.memory_space<vmem>>, vector<16xf32>,
      %mul3A_695 = arith.constant 2 : i32
      %mul3A_696 = arith.muli %mul3A_695, %add3A_591 : i32
      %add3A_697 = arith.constant 1 : i32
      %add3A_698 = arith.addi %mul3A_696, %add3A_697 : i32
      %get3A_699 = arith.constant 1 : i32
      %get3A_700 = arith.index_cast %get3A_699 : i32 to index
      %get3A_701 = arith.index_cast %add3A_698 : i32 to index
      %get3A_702 = arith.constant 64 : index
      %get3A_703 = tpu.vector_load %arg6[%get3A_700, %get3A_701, %get3A_702] {strides = array<i32>} : memref<4x128x128xf32, #tpu.memory_space<vmem>>, vector<16xf32>,
      %pack3A_704 = tpu.pack_subelements %get3A_694, %get3A_703 {pack_format = #tpu.pack_format<interleaved>, positions = array<i32: 0, 1>} : vector<16xf32>, vector<16xf32> -> vector<32xbf16>
      %bitcast3A_705 = vector.bitcast %pack3A_704 : vector<32xbf16> to vector<16xi32>
      %add3A_706 = arith.constant 64 : i32
      %add3A_707 = arith.addi %add3A_706, %add3A_591 : i32
      %swap3A_708 = arith.constant 0 : i32
      %swap3A_709 = arith.index_cast %swap3A_708 : i32 to index
      %swap3A_710 = arith.index_cast %add3A_707 : i32 to index
      %swap3A_711 = arith.constant 64 : index
      %swap3A_712 = tpu.vector_load %arg7[%swap3A_709, %swap3A_710, %swap3A_711] {strides = array<i32>} : memref<2x128x128xi32, #tpu.memory_space<vmem>>, vector<16xi32>,
      tpu.vector_store %arg7[%swap3A_709, %swap3A_710, %swap3A_711], %bitcast3A_705 {strides = array<i32>} : memref<2x128x128xi32, #tpu.memory_space<vmem>>, vector<16xi32>,
      %mul3A_713 = arith.constant 2 : i32
      %mul3A_714 = arith.muli %mul3A_713, %add3A_591 : i32
      %get3A_715 = arith.constant 1 : i32
      %get3A_716 = arith.index_cast %get3A_715 : i32 to index
      %get3A_717 = arith.index_cast %mul3A_714 : i32 to index
      %get3A_718 = arith.constant 80 : index
      %get3A_719 = tpu.vector_load %arg6[%get3A_716, %get3A_717, %get3A_718] {strides = array<i32>} : memref<4x128x128xf32, #tpu.memory_space<vmem>>, vector<16xf32>,
      %mul3A_720 = arith.constant 2 : i32
      %mul3A_721 = arith.muli %mul3A_720, %add3A_591 : i32
      %add3A_722 = arith.constant 1 : i32
      %add3A_723 = arith.addi %mul3A_721, %add3A_722 : i32
      %get3A_724 = arith.constant 1 : i32
      %get3A_725 = arith.index_cast %get3A_724 : i32 to index
      %get3A_726 = arith.index_cast %add3A_723 : i32 to index
      %get3A_727 = arith.constant 80 : index
      %get3A_728 = tpu.vector_load %arg6[%get3A_725, %get3A_726, %get3A_727] {strides = array<i32>} : memref<4x128x128xf32, #tpu.memory_space<vmem>>, vector<16xf32>,
      %pack3A_729 = tpu.pack_subelements %get3A_719, %get3A_728 {pack_format = #tpu.pack_format<interleaved>, positions = array<i32: 0, 1>} : vector<16xf32>, vector<16xf32> -> vector<32xbf16>
      %bitcast3A_730 = vector.bitcast %pack3A_729 : vector<32xbf16> to vector<16xi32>
      %add3A_731 = arith.constant 64 : i32
      %add3A_732 = arith.addi %add3A_731, %add3A_591 : i32
      %swap3A_733 = arith.constant 0 : i32
      %swap3A_734 = arith.index_cast %swap3A_733 : i32 to index
      %swap3A_735 = arith.index_cast %add3A_732 : i32 to index
      %swap3A_736 = arith.constant 80 : index
      %swap3A_737 = tpu.vector_load %arg7[%swap3A_734, %swap3A_735, %swap3A_736] {strides = array<i32>} : memref<2x128x128xi32, #tpu.memory_space<vmem>>, vector<16xi32>,
      tpu.vector_store %arg7[%swap3A_734, %swap3A_735, %swap3A_736], %bitcast3A_730 {strides = array<i32>} : memref<2x128x128xi32, #tpu.memory_space<vmem>>, vector<16xi32>,
      %mul3A_738 = arith.constant 2 : i32
      %mul3A_739 = arith.muli %mul3A_738, %add3A_591 : i32
      %get3A_740 = arith.constant 1 : i32
      %get3A_741 = arith.index_cast %get3A_740 : i32 to index
      %get3A_742 = arith.index_cast %mul3A_739 : i32 to index
      %get3A_743 = arith.constant 96 : index
      %get3A_744 = tpu.vector_load %arg6[%get3A_741, %get3A_742, %get3A_743] {strides = array<i32>} : memref<4x128x128xf32, #tpu.memory_space<vmem>>, vector<16xf32>,
      %mul3A_745 = arith.constant 2 : i32
      %mul3A_746 = arith.muli %mul3A_745, %add3A_591 : i32
      %add3A_747 = arith.constant 1 : i32
      %add3A_748 = arith.addi %mul3A_746, %add3A_747 : i32
      %get3A_749 = arith.constant 1 : i32
      %get3A_750 = arith.index_cast %get3A_749 : i32 to index
      %get3A_751 = arith.index_cast %add3A_748 : i32 to index
      %get3A_752 = arith.constant 96 : index
      %get3A_753 = tpu.vector_load %arg6[%get3A_750, %get3A_751, %get3A_752] {strides = array<i32>} : memref<4x128x128xf32, #tpu.memory_space<vmem>>, vector<16xf32>,
      %pack3A_754 = tpu.pack_subelements %get3A_744, %get3A_753 {pack_format = #tpu.pack_format<interleaved>, positions = array<i32: 0, 1>} : vector<16xf32>, vector<16xf32> -> vector<32xbf16>
      %bitcast3A_755 = vector.bitcast %pack3A_754 : vector<32xbf16> to vector<16xi32>
      %add3A_756 = arith.constant 64 : i32
      %add3A_757 = arith.addi %add3A_756, %add3A_591 : i32
      %swap3A_758 = arith.constant 0 : i32
      %swap3A_759 = arith.index_cast %swap3A_758 : i32 to index
      %swap3A_760 = arith.index_cast %add3A_757 : i32 to index
      %swap3A_761 = arith.constant 96 : index
      %swap3A_762 = tpu.vector_load %arg7[%swap3A_759, %swap3A_760, %swap3A_761] {strides = array<i32>} : memref<2x128x128xi32, #tpu.memory_space<vmem>>, vector<16xi32>,
      tpu.vector_store %arg7[%swap3A_759, %swap3A_760, %swap3A_761], %bitcast3A_755 {strides = array<i32>} : memref<2x128x128xi32, #tpu.memory_space<vmem>>, vector<16xi32>,
      %mul3A_763 = arith.constant 2 : i32
      %mul3A_764 = arith.muli %mul3A_763, %add3A_591 : i32
      %get3A_765 = arith.constant 1 : i32
      %get3A_766 = arith.index_cast %get3A_765 : i32 to index
      %get3A_767 = arith.index_cast %mul3A_764 : i32 to index
      %get3A_768 = arith.constant 112 : index
      %get3A_769 = tpu.vector_load %arg6[%get3A_766, %get3A_767, %get3A_768] {strides = array<i32>} : memref<4x128x128xf32, #tpu.memory_space<vmem>>, vector<16xf32>,
      %mul3A_770 = arith.constant 2 : i32
      %mul3A_771 = arith.muli %mul3A_770, %add3A_591 : i32
      %add3A_772 = arith.constant 1 : i32
      %add3A_773 = arith.addi %mul3A_771, %add3A_772 : i32
      %get3A_774 = arith.constant 1 : i32
      %get3A_775 = arith.index_cast %get3A_774 : i32 to index
      %get3A_776 = arith.index_cast %add3A_773 : i32 to index
      %get3A_777 = arith.constant 112 : index
      %get3A_778 = tpu.vector_load %arg6[%get3A_775, %get3A_776, %get3A_777] {strides = array<i32>} : memref<4x128x128xf32, #tpu.memory_space<vmem>>, vector<16xf32>,
      %pack3A_779 = tpu.pack_subelements %get3A_769, %get3A_778 {pack_format = #tpu.pack_format<interleaved>, positions = array<i32: 0, 1>} : vector<16xf32>, vector<16xf32> -> vector<32xbf16>
      %bitcast3A_780 = vector.bitcast %pack3A_779 : vector<32xbf16> to vector<16xi32>
      %add3A_781 = arith.constant 64 : i32
      %add3A_782 = arith.addi %add3A_781, %add3A_591 : i32
      %swap3A_783 = arith.constant 0 : i32
      %swap3A_784 = arith.index_cast %swap3A_783 : i32 to index
      %swap3A_785 = arith.index_cast %add3A_782 : i32 to index
      %swap3A_786 = arith.constant 112 : index
      %swap3A_787 = tpu.vector_load %arg7[%swap3A_784, %swap3A_785, %swap3A_786] {strides = array<i32>} : memref<2x128x128xi32, #tpu.memory_space<vmem>>, vector<16xi32>,
      tpu.vector_store %arg7[%swap3A_784, %swap3A_785, %swap3A_786], %bitcast3A_780 {strides = array<i32>} : memref<2x128x128xi32, #tpu.memory_space<vmem>>, vector<16xi32>,
    }
    %scan3A_466 = arith.constant 64 : i32
    %add3A_467 = arith.constant 4096 : i32
    %add3A_468 = arith.addi %mul3A_4, %add3A_467 : i32
    %dma_start3A_469 = arith.constant 0 : i32
    %dma_start3A_470 = arith.constant 0 : i32
    %dma_start3A_471 = arith.constant 0 : i32
    %dma_start3A_472 = arith.constant 0 : i32
    %dma_start3A_473 = tpu.memref_slice %arg7[%dma_start3A_469, %dma_start3A_471, %dma_start3A_472] : memref<2x128x128xi32, #tpu.memory_space<vmem>> -> memref<1x128x128xi32, #tpu.memory_space<vmem>>
    %dma_start3A_474 = tpu.memref_squeeze %dma_start3A_473 : memref<1x128x128xi32, #tpu.memory_space<vmem>> -> memref<128x128xi32, #tpu.memory_space<vmem>>
    %dma_start3A_475 = arith.constant 0 : i32
    %dma_start3A_476 = tpu.memref_slice %arg4[%add3A_468, %dma_start3A_475] : memref<138240x128xi32, #tpu.memory_space<hbm>> -> memref<128x128xi32, #tpu.memory_space<hbm>>
    %dma_start3A_477 = tpu.memref_slice %arg9[%dma_start3A_470] : memref<2x!tpu.dma_semaphore, #tpu.memory_space<semaphore_mem>> -> memref<1x!tpu.dma_semaphore, #tpu.memory_space<semaphore_mem>>
    %dma_start3A_478 = tpu.memref_squeeze %dma_start3A_477 : memref<1x!tpu.dma_semaphore, #tpu.memory_space<semaphore_mem>> -> memref<!tpu.dma_semaphore, #tpu.memory_space<semaphore_mem>>
    %dma_start3A_479 = arith.constant 0 : i32
    %dma_start3A_480 = tpu.memref_slice %arg4[%add3A_468, %dma_start3A_479] : memref<138240x128xi32, #tpu.memory_space<hbm>> -> memref<128x128xi32, #tpu.memory_space<hbm>>
    %dma_start3A_481 = arith.constant 0 : i32
    %dma_start3A_482 = arith.constant 0 : i32
    %dma_start3A_483 = tpu.memref_slice %arg7[%dma_start3A_469, %dma_start3A_481, %dma_start3A_482] : memref<2x128x128xi32, #tpu.memory_space<vmem>> -> memref<1x128x128xi32, #tpu.memory_space<vmem>>
    %dma_start3A_484 = tpu.memref_squeeze %dma_start3A_483 : memref<1x128x128xi32, #tpu.memory_space<vmem>> -> memref<128x128xi32, #tpu.memory_space<vmem>>
    tpu.enqueue_dma source(%dma_start3A_484 : memref<128x128xi32, #tpu.memory_space<vmem>>) target(%dma_start3A_480 : memref<128x128xi32, #tpu.memory_space<hbm>>) target_semaphore(%dma_start3A_478 : memref<!tpu.dma_semaphore, #tpu.memory_space<semaphore_mem>>)
    %dma_wait3A_485 = arith.constant 2 : i32
    %dma_wait3A_486 = arith.constant 2 : i32
    %dma_wait3A_487 = arith.constant 0 : i32
    %dma_wait3A_488 = arith.constant 0 : i32
    %dma_wait3A_489 = tpu.memref_slice %arg6[%dma_wait3A_485, %dma_wait3A_487, %dma_wait3A_488] : memref<4x128x128xf32, #tpu.memory_space<vmem>> -> memref<1x128x128xf32, #tpu.memory_space<vmem>>
    %dma_wait3A_490 = tpu.memref_squeeze %dma_wait3A_489 : memref<1x128x128xf32, #tpu.memory_space<vmem>> -> memref<128x128xf32, #tpu.memory_space<vmem>>
    %dma_wait3A_491 = arith.constant 0 : i32
    %dma_wait3A_492 = tpu.memref_slice %arg5[%dma_wait3A_491] : memref<8640xi32, #tpu.memory_space<vmem>> -> memref<128xi32, #tpu.memory_space<vmem>>
    %dma_wait3A_493 = arith.constant 0 : i32
    %dma_wait3A_494 = arith.constant 0 : i32
    %dma_wait3A_495 = tpu.memref_slice %arg2[%dma_wait3A_493, %dma_wait3A_494] : memref<10000x128xf32, #tpu.memory_space<hbm>> -> memref<10000x128xf32, #tpu.memory_space<hbm>>
    %dma_wait3A_496 = tpu.memref_slice %arg8[%dma_wait3A_486] : memref<4x!tpu.dma_semaphore, #tpu.memory_space<semaphore_mem>> -> memref<1x!tpu.dma_semaphore, #tpu.memory_space<semaphore_mem>>
    %dma_wait3A_497 = tpu.memref_squeeze %dma_wait3A_496 : memref<1x!tpu.dma_semaphore, #tpu.memory_space<semaphore_mem>> -> memref<!tpu.dma_semaphore, #tpu.memory_space<semaphore_mem>>
    tpu.wait_indirect_dma semaphore(%dma_wait3A_497 : memref<!tpu.dma_semaphore, #tpu.memory_space<semaphore_mem>>) src(%dma_wait3A_495 : memref<10000x128xf32, #tpu.memory_space<hbm>>) dst(%dma_wait3A_490 : memref<128x128xf32, #tpu.memory_space<vmem>>)
    %dma_wait3A_498 = arith.constant 1 : i32
    %dma_wait3A_499 = arith.constant 1 : i32
    %dma_wait3A_500 = arith.constant 0 : i32
    %dma_wait3A_501 = arith.constant 0 : i32
    %dma_wait3A_502 = tpu.memref_slice %arg7[%dma_wait3A_498, %dma_wait3A_500, %dma_wait3A_501] : memref<2x128x128xi32, #tpu.memory_space<vmem>> -> memref<1x128x128xi32, #tpu.memory_space<vmem>>
    %dma_wait3A_503 = tpu.memref_squeeze %dma_wait3A_502 : memref<1x128x128xi32, #tpu.memory_space<vmem>> -> memref<128x128xi32, #tpu.memory_space<vmem>>
    %dma_wait3A_504 = arith.constant 0 : i32
    %dma_wait3A_505 = tpu.memref_slice %arg4[%mul3A_4, %dma_wait3A_504] : memref<138240x128xi32, #tpu.memory_space<hbm>> -> memref<128x128xi32, #tpu.memory_space<hbm>>
    %dma_wait3A_506 = tpu.memref_slice %arg9[%dma_wait3A_499] : memref<2x!tpu.dma_semaphore, #tpu.memory_space<semaphore_mem>> -> memref<1x!tpu.dma_semaphore, #tpu.memory_space<semaphore_mem>>
    %dma_wait3A_507 = tpu.memref_squeeze %dma_wait3A_506 : memref<1x!tpu.dma_semaphore, #tpu.memory_space<semaphore_mem>> -> memref<!tpu.dma_semaphore, #tpu.memory_space<semaphore_mem>>
    %dma_wait3A_508 = arith.constant 0 : i32
    %dma_wait3A_509 = tpu.memref_slice %arg4[%mul3A_4, %dma_wait3A_508] : memref<138240x128xi32, #tpu.memory_space<hbm>> -> memref<128x128xi32, #tpu.memory_space<hbm>>
    %dma_wait3A_510 = arith.constant 0 : i32
    %dma_wait3A_511 = arith.constant 0 : i32
    %dma_wait3A_512 = tpu.memref_slice %arg7[%dma_wait3A_498, %dma_wait3A_510, %dma_wait3A_511] : memref<2x128x128xi32, #tpu.memory_space<vmem>> -> memref<1x128x128xi32, #tpu.memory_space<vmem>>
    %dma_wait3A_513 = tpu.memref_squeeze %dma_wait3A_512 : memref<1x128x128xi32, #tpu.memory_space<vmem>> -> memref<128x128xi32, #tpu.memory_space<vmem>>
    tpu.wait_dma2 semaphore(%dma_wait3A_507 : memref<!tpu.dma_semaphore, #tpu.memory_space<semaphore_mem>>) src(%dma_wait3A_513 : memref<128x128xi32, #tpu.memory_space<vmem>>) dst(%dma_wait3A_509 : memref<128x128xi32, #tpu.memory_space<hbm>>)
    %scan3A_514 = arith.constant 0 : i32
    %scan3A_515 = arith.constant 64 : i32
    %scan3A_516 = arith.addi %scan3A_514, %scan3A_515 : i32
    %scan3A_517 = arith.constant 1 : i32
    scf.for %scan3A_587 = %scan3A_514 to %scan3A_516 step %scan3A_517  : i32 {
      %mul3A_588 = arith.constant 1 : i32
      %mul3A_589 = arith.muli %scan3A_587, %mul3A_588 : i32
      %add3A_590 = arith.constant 0 : i32
      %add3A_591 = arith.addi %add3A_590, %mul3A_589 : i32
      %mul3A_592 = arith.constant 2 : i32
      %mul3A_593 = arith.muli %mul3A_592, %add3A_591 : i32
      %get3A = arith.constant 2 : i32
      %get3A_594 = arith.index_cast %get3A : i32 to index
      %get3A_595 = arith.index_cast %mul3A_593 : i32 to index
      %get3A_596 = arith.constant 0 : index
      %get3A_597 = tpu.vector_load %arg6[%get3A_594, %get3A_595, %get3A_596] {strides = array<i32>} : memref<4x128x128xf32, #tpu.memory_space<vmem>>, vector<16xf32>,
      %mul3A_598 = arith.constant 2 : i32
      %mul3A_599 = arith.muli %mul3A_598, %add3A_591 : i32
      %add3A_600 = arith.constant 1 : i32
      %add3A_601 = arith.addi %mul3A_599, %add3A_600 : i32
      %get3A_602 = arith.constant 2 : i32
      %get3A_603 = arith.index_cast %get3A_602 : i32 to index
      %get3A_604 = arith.index_cast %add3A_601 : i32 to index
      %get3A_605 = arith.constant 0 : index
      %get3A_606 = tpu.vector_load %arg6[%get3A_603, %get3A_604, %get3A_605] {strides = array<i32>} : memref<4x128x128xf32, #tpu.memory_space<vmem>>, vector<16xf32>,
      %pack3A = tpu.pack_subelements %get3A_597, %get3A_606 {pack_format = #tpu.pack_format<interleaved>, positions = array<i32: 0, 1>} : vector<16xf32>, vector<16xf32> -> vector<32xbf16>
      %bitcast3A = vector.bitcast %pack3A : vector<32xbf16> to vector<16xi32>
      %add3A_607 = arith.constant 0 : i32
      %add3A_608 = arith.addi %add3A_607, %add3A_591 : i32
      %swap3A = arith.constant 1 : i32
      %swap3A_609 = arith.index_cast %swap3A : i32 to index
      %swap3A_610 = arith.index_cast %add3A_608 : i32 to index
      %swap3A_611 = arith.constant 0 : index
      %swap3A_612 = tpu.vector_load %arg7[%swap3A_609, %swap3A_610, %swap3A_611] {strides = array<i32>} : memref<2x128x128xi32, #tpu.memory_space<vmem>>, vector<16xi32>,
      tpu.vector_store %arg7[%swap3A_609, %swap3A_610, %swap3A_611], %bitcast3A {strides = array<i32>} : memref<2x128x128xi32, #tpu.memory_space<vmem>>, vector<16xi32>,
      %mul3A_613 = arith.constant 2 : i32
      %mul3A_614 = arith.muli %mul3A_613, %add3A_591 : i32
      %get3A_615 = arith.constant 2 : i32
      %get3A_616 = arith.index_cast %get3A_615 : i32 to index
      %get3A_617 = arith.index_cast %mul3A_614 : i32 to index
      %get3A_618 = arith.constant 16 : index
      %get3A_619 = tpu.vector_load %arg6[%get3A_616, %get3A_617, %get3A_618] {strides = array<i32>} : memref<4x128x128xf32, #tpu.memory_space<vmem>>, vector<16xf32>,
      %mul3A_620 = arith.constant 2 : i32
      %mul3A_621 = arith.muli %mul3A_620, %add3A_591 : i32
      %add3A_622 = arith.constant 1 : i32
      %add3A_623 = arith.addi %mul3A_621, %add3A_622 : i32
      %get3A_624 = arith.constant 2 : i32
      %get3A_625 = arith.index_cast %get3A_624 : i32 to index
      %get3A_626 = arith.index_cast %add3A_623 : i32 to index
      %get3A_627 = arith.constant 16 : index
      %get3A_628 = tpu.vector_load %arg6[%get3A_625, %get3A_626, %get3A_627] {strides = array<i32>} : memref<4x128x128xf32, #tpu.memory_space<vmem>>, vector<16xf32>,
      %pack3A_629 = tpu.pack_subelements %get3A_619, %get3A_628 {pack_format = #tpu.pack_format<interleaved>, positions = array<i32: 0, 1>} : vector<16xf32>, vector<16xf32> -> vector<32xbf16>
      %bitcast3A_630 = vector.bitcast %pack3A_629 : vector<32xbf16> to vector<16xi32>
      %add3A_631 = arith.constant 0 : i32
      %add3A_632 = arith.addi %add3A_631, %add3A_591 : i32
      %swap3A_633 = arith.constant 1 : i32
      %swap3A_634 = arith.index_cast %swap3A_633 : i32 to index
      %swap3A_635 = arith.index_cast %add3A_632 : i32 to index
      %swap3A_636 = arith.constant 16 : index
      %swap3A_637 = tpu.vector_load %arg7[%swap3A_634, %swap3A_635, %swap3A_636] {strides = array<i32>} : memref<2x128x128xi32, #tpu.memory_space<vmem>>, vector<16xi32>,
      tpu.vector_store %arg7[%swap3A_634, %swap3A_635, %swap3A_636], %bitcast3A_630 {strides = array<i32>} : memref<2x128x128xi32, #tpu.memory_space<vmem>>, vector<16xi32>,
      %mul3A_638 = arith.constant 2 : i32
      %mul3A_639 = arith.muli %mul3A_638, %add3A_591 : i32
      %get3A_640 = arith.constant 2 : i32
      %get3A_641 = arith.index_cast %get3A_640 : i32 to index
      %get3A_642 = arith.index_cast %mul3A_639 : i32 to index
      %get3A_643 = arith.constant 32 : index
      %get3A_644 = tpu.vector_load %arg6[%get3A_641, %get3A_642, %get3A_643] {strides = array<i32>} : memref<4x128x128xf32, #tpu.memory_space<vmem>>, vector<16xf32>,
      %mul3A_645 = arith.constant 2 : i32
      %mul3A_646 = arith.muli %mul3A_645, %add3A_591 : i32
      %add3A_647 = arith.constant 1 : i32
      %add3A_648 = arith.addi %mul3A_646, %add3A_647 : i32
      %get3A_649 = arith.constant 2 : i32
      %get3A_650 = arith.index_cast %get3A_649 : i32 to index
      %get3A_651 = arith.index_cast %add3A_648 : i32 to index
      %get3A_652 = arith.constant 32 : index
      %get3A_653 = tpu.vector_load %arg6[%get3A_650, %get3A_651, %get3A_652] {strides = array<i32>} : memref<4x128x128xf32, #tpu.memory_space<vmem>>, vector<16xf32>,
      %pack3A_654 = tpu.pack_subelements %get3A_644, %get3A_653 {pack_format = #tpu.pack_format<interleaved>, positions = array<i32: 0, 1>} : vector<16xf32>, vector<16xf32> -> vector<32xbf16>
      %bitcast3A_655 = vector.bitcast %pack3A_654 : vector<32xbf16> to vector<16xi32>
      %add3A_656 = arith.constant 0 : i32
      %add3A_657 = arith.addi %add3A_656, %add3A_591 : i32
      %swap3A_658 = arith.constant 1 : i32
      %swap3A_659 = arith.index_cast %swap3A_658 : i32 to index
      %swap3A_660 = arith.index_cast %add3A_657 : i32 to index
      %swap3A_661 = arith.constant 32 : index
      %swap3A_662 = tpu.vector_load %arg7[%swap3A_659, %swap3A_660, %swap3A_661] {strides = array<i32>} : memref<2x128x128xi32, #tpu.memory_space<vmem>>, vector<16xi32>,
      tpu.vector_store %arg7[%swap3A_659, %swap3A_660, %swap3A_661], %bitcast3A_655 {strides = array<i32>} : memref<2x128x128xi32, #tpu.memory_space<vmem>>, vector<16xi32>,
      %mul3A_663 = arith.constant 2 : i32
      %mul3A_664 = arith.muli %mul3A_663, %add3A_591 : i32
      %get3A_665 = arith.constant 2 : i32
      %get3A_666 = arith.index_cast %get3A_665 : i32 to index
      %get3A_667 = arith.index_cast %mul3A_664 : i32 to index
      %get3A_668 = arith.constant 48 : index
      %get3A_669 = tpu.vector_load %arg6[%get3A_666, %get3A_667, %get3A_668] {strides = array<i32>} : memref<4x128x128xf32, #tpu.memory_space<vmem>>, vector<16xf32>,
      %mul3A_670 = arith.constant 2 : i32
      %mul3A_671 = arith.muli %mul3A_670, %add3A_591 : i32
      %add3A_672 = arith.constant 1 : i32
      %add3A_673 = arith.addi %mul3A_671, %add3A_672 : i32
      %get3A_674 = arith.constant 2 : i32
      %get3A_675 = arith.index_cast %get3A_674 : i32 to index
      %get3A_676 = arith.index_cast %add3A_673 : i32 to index
      %get3A_677 = arith.constant 48 : index
      %get3A_678 = tpu.vector_load %arg6[%get3A_675, %get3A_676, %get3A_677] {strides = array<i32>} : memref<4x128x128xf32, #tpu.memory_space<vmem>>, vector<16xf32>,
      %pack3A_679 = tpu.pack_subelements %get3A_669, %get3A_678 {pack_format = #tpu.pack_format<interleaved>, positions = array<i32: 0, 1>} : vector<16xf32>, vector<16xf32> -> vector<32xbf16>
      %bitcast3A_680 = vector.bitcast %pack3A_679 : vector<32xbf16> to vector<16xi32>
      %add3A_681 = arith.constant 0 : i32
      %add3A_682 = arith.addi %add3A_681, %add3A_591 : i32
      %swap3A_683 = arith.constant 1 : i32
      %swap3A_684 = arith.index_cast %swap3A_683 : i32 to index
      %swap3A_685 = arith.index_cast %add3A_682 : i32 to index
      %swap3A_686 = arith.constant 48 : index
      %swap3A_687 = tpu.vector_load %arg7[%swap3A_684, %swap3A_685, %swap3A_686] {strides = array<i32>} : memref<2x128x128xi32, #tpu.memory_space<vmem>>, vector<16xi32>,
      tpu.vector_store %arg7[%swap3A_684, %swap3A_685, %swap3A_686], %bitcast3A_680 {strides = array<i32>} : memref<2x128x128xi32, #tpu.memory_space<vmem>>, vector<16xi32>,
      %mul3A_688 = arith.constant 2 : i32
      %mul3A_689 = arith.muli %mul3A_688, %add3A_591 : i32
      %get3A_690 = arith.constant 2 : i32
      %get3A_691 = arith.index_cast %get3A_690 : i32 to index
      %get3A_692 = arith.index_cast %mul3A_689 : i32 to index
      %get3A_693 = arith.constant 64 : index
      %get3A_694 = tpu.vector_load %arg6[%get3A_691, %get3A_692, %get3A_693] {strides = array<i32>} : memref<4x128x128xf32, #tpu.memory_space<vmem>>, vector<16xf32>,
      %mul3A_695 = arith.constant 2 : i32
      %mul3A_696 = arith.muli %mul3A_695, %add3A_591 : i32
      %add3A_697 = arith.constant 1 : i32
      %add3A_698 = arith.addi %mul3A_696, %add3A_697 : i32
      %get3A_699 = arith.constant 2 : i32
      %get3A_700 = arith.index_cast %get3A_699 : i32 to index
      %get3A_701 = arith.index_cast %add3A_698 : i32 to index
      %get3A_702 = arith.constant 64 : index
      %get3A_703 = tpu.vector_load %arg6[%get3A_700, %get3A_701, %get3A_702] {strides = array<i32>} : memref<4x128x128xf32, #tpu.memory_space<vmem>>, vector<16xf32>,
      %pack3A_704 = tpu.pack_subelements %get3A_694, %get3A_703 {pack_format = #tpu.pack_format<interleaved>, positions = array<i32: 0, 1>} : vector<16xf32>, vector<16xf32> -> vector<32xbf16>
      %bitcast3A_705 = vector.bitcast %pack3A_704 : vector<32xbf16> to vector<16xi32>
      %add3A_706 = arith.constant 0 : i32
      %add3A_707 = arith.addi %add3A_706, %add3A_591 : i32
      %swap3A_708 = arith.constant 1 : i32
      %swap3A_709 = arith.index_cast %swap3A_708 : i32 to index
      %swap3A_710 = arith.index_cast %add3A_707 : i32 to index
      %swap3A_711 = arith.constant 64 : index
      %swap3A_712 = tpu.vector_load %arg7[%swap3A_709, %swap3A_710, %swap3A_711] {strides = array<i32>} : memref<2x128x128xi32, #tpu.memory_space<vmem>>, vector<16xi32>,
      tpu.vector_store %arg7[%swap3A_709, %swap3A_710, %swap3A_711], %bitcast3A_705 {strides = array<i32>} : memref<2x128x128xi32, #tpu.memory_space<vmem>>, vector<16xi32>,
      %mul3A_713 = arith.constant 2 : i32
      %mul3A_714 = arith.muli %mul3A_713, %add3A_591 : i32
      %get3A_715 = arith.constant 2 : i32
      %get3A_716 = arith.index_cast %get3A_715 : i32 to index
      %get3A_717 = arith.index_cast %mul3A_714 : i32 to index
      %get3A_718 = arith.constant 80 : index
      %get3A_719 = tpu.vector_load %arg6[%get3A_716, %get3A_717, %get3A_718] {strides = array<i32>} : memref<4x128x128xf32, #tpu.memory_space<vmem>>, vector<16xf32>,
      %mul3A_720 = arith.constant 2 : i32
      %mul3A_721 = arith.muli %mul3A_720, %add3A_591 : i32
      %add3A_722 = arith.constant 1 : i32
      %add3A_723 = arith.addi %mul3A_721, %add3A_722 : i32
      %get3A_724 = arith.constant 2 : i32
      %get3A_725 = arith.index_cast %get3A_724 : i32 to index
      %get3A_726 = arith.index_cast %add3A_723 : i32 to index
      %get3A_727 = arith.constant 80 : index
      %get3A_728 = tpu.vector_load %arg6[%get3A_725, %get3A_726, %get3A_727] {strides = array<i32>} : memref<4x128x128xf32, #tpu.memory_space<vmem>>, vector<16xf32>,
      %pack3A_729 = tpu.pack_subelements %get3A_719, %get3A_728 {pack_format = #tpu.pack_format<interleaved>, positions = array<i32: 0, 1>} : vector<16xf32>, vector<16xf32> -> vector<32xbf16>
      %bitcast3A_730 = vector.bitcast %pack3A_729 : vector<32xbf16> to vector<16xi32>
      %add3A_731 = arith.constant 0 : i32
      %add3A_732 = arith.addi %add3A_731, %add3A_591 : i32
      %swap3A_733 = arith.constant 1 : i32
      %swap3A_734 = arith.index_cast %swap3A_733 : i32 to index
      %swap3A_735 = arith.index_cast %add3A_732 : i32 to index
      %swap3A_736 = arith.constant 80 : index
      %swap3A_737 = tpu.vector_load %arg7[%swap3A_734, %swap3A_735, %swap3A_736] {strides = array<i32>} : memref<2x128x128xi32, #tpu.memory_space<vmem>>, vector<16xi32>,
      tpu.vector_store %arg7[%swap3A_734, %swap3A_735, %swap3A_736], %bitcast3A_730 {strides = array<i32>} : memref<2x128x128xi32, #tpu.memory_space<vmem>>, vector<16xi32>,
      %mul3A_738 = arith.constant 2 : i32
      %mul3A_739 = arith.muli %mul3A_738, %add3A_591 : i32
      %get3A_740 = arith.constant 2 : i32
      %get3A_741 = arith.index_cast %get3A_740 : i32 to index
      %get3A_742 = arith.index_cast %mul3A_739 : i32 to index
      %get3A_743 = arith.constant 96 : index
      %get3A_744 = tpu.vector_load %arg6[%get3A_741, %get3A_742, %get3A_743] {strides = array<i32>} : memref<4x128x128xf32, #tpu.memory_space<vmem>>, vector<16xf32>,
      %mul3A_745 = arith.constant 2 : i32
      %mul3A_746 = arith.muli %mul3A_745, %add3A_591 : i32
      %add3A_747 = arith.constant 1 : i32
      %add3A_748 = arith.addi %mul3A_746, %add3A_747 : i32
      %get3A_749 = arith.constant 2 : i32
      %get3A_750 = arith.index_cast %get3A_749 : i32 to index
      %get3A_751 = arith.index_cast %add3A_748 : i32 to index
      %get3A_752 = arith.constant 96 : index
      %get3A_753 = tpu.vector_load %arg6[%get3A_750, %get3A_751, %get3A_752] {strides = array<i32>} : memref<4x128x128xf32, #tpu.memory_space<vmem>>, vector<16xf32>,
      %pack3A_754 = tpu.pack_subelements %get3A_744, %get3A_753 {pack_format = #tpu.pack_format<interleaved>, positions = array<i32: 0, 1>} : vector<16xf32>, vector<16xf32> -> vector<32xbf16>
      %bitcast3A_755 = vector.bitcast %pack3A_754 : vector<32xbf16> to vector<16xi32>
      %add3A_756 = arith.constant 0 : i32
      %add3A_757 = arith.addi %add3A_756, %add3A_591 : i32
      %swap3A_758 = arith.constant 1 : i32
      %swap3A_759 = arith.index_cast %swap3A_758 : i32 to index
      %swap3A_760 = arith.index_cast %add3A_757 : i32 to index
      %swap3A_761 = arith.constant 96 : index
      %swap3A_762 = tpu.vector_load %arg7[%swap3A_759, %swap3A_760, %swap3A_761] {strides = array<i32>} : memref<2x128x128xi32, #tpu.memory_space<vmem>>, vector<16xi32>,
      tpu.vector_store %arg7[%swap3A_759, %swap3A_760, %swap3A_761], %bitcast3A_755 {strides = array<i32>} : memref<2x128x128xi32, #tpu.memory_space<vmem>>, vector<16xi32>,
      %mul3A_763 = arith.constant 2 : i32
      %mul3A_764 = arith.muli %mul3A_763, %add3A_591 : i32
      %get3A_765 = arith.constant 2 : i32
      %get3A_766 = arith.index_cast %get3A_765 : i32 to index
      %get3A_767 = arith.index_cast %mul3A_764 : i32 to index
      %get3A_768 = arith.constant 112 : index
      %get3A_769 = tpu.vector_load %arg6[%get3A_766, %get3A_767, %get3A_768] {strides = array<i32>} : memref<4x128x128xf32, #tpu.memory_space<vmem>>, vector<16xf32>,
      %mul3A_770 = arith.constant 2 : i32
      %mul3A_771 = arith.muli %mul3A_770, %add3A_591 : i32
      %add3A_772 = arith.constant 1 : i32
      %add3A_773 = arith.addi %mul3A_771, %add3A_772 : i32
      %get3A_774 = arith.constant 2 : i32
      %get3A_775 = arith.index_cast %get3A_774 : i32 to index
      %get3A_776 = arith.index_cast %add3A_773 : i32 to index
      %get3A_777 = arith.constant 112 : index
      %get3A_778 = tpu.vector_load %arg6[%get3A_775, %get3A_776, %get3A_777] {strides = array<i32>} : memref<4x128x128xf32, #tpu.memory_space<vmem>>, vector<16xf32>,
      %pack3A_779 = tpu.pack_subelements %get3A_769, %get3A_778 {pack_format = #tpu.pack_format<interleaved>, positions = array<i32: 0, 1>} : vector<16xf32>, vector<16xf32> -> vector<32xbf16>
      %bitcast3A_780 = vector.bitcast %pack3A_779 : vector<32xbf16> to vector<16xi32>
      %add3A_781 = arith.constant 0 : i32
      %add3A_782 = arith.addi %add3A_781, %add3A_591 : i32
      %swap3A_783 = arith.constant 1 : i32
      %swap3A_784 = arith.index_cast %swap3A_783 : i32 to index
      %swap3A_785 = arith.index_cast %add3A_782 : i32 to index
      %swap3A_786 = arith.constant 112 : index
      %swap3A_787 = tpu.vector_load %arg7[%swap3A_784, %swap3A_785, %swap3A_786] {strides = array<i32>} : memref<2x128x128xi32, #tpu.memory_space<vmem>>, vector<16xi32>,
      tpu.vector_store %arg7[%swap3A_784, %swap3A_785, %swap3A_786], %bitcast3A_780 {strides = array<i32>} : memref<2x128x128xi32, #tpu.memory_space<vmem>>, vector<16xi32>,
    }
    %scan3A_518 = arith.constant 64 : i32
    %dma_wait3A_519 = arith.constant 3 : i32
    %dma_wait3A_520 = arith.constant 3 : i32
    %dma_wait3A_521 = arith.constant 0 : i32
    %dma_wait3A_522 = arith.constant 0 : i32
    %dma_wait3A_523 = tpu.memref_slice %arg6[%dma_wait3A_519, %dma_wait3A_521, %dma_wait3A_522] : memref<4x128x128xf32, #tpu.memory_space<vmem>> -> memref<1x64x128xf32, #tpu.memory_space<vmem>>
    %dma_wait3A_524 = tpu.memref_squeeze %dma_wait3A_523 : memref<1x64x128xf32, #tpu.memory_space<vmem>> -> memref<64x128xf32, #tpu.memory_space<vmem>>
    %dma_wait3A_525 = arith.constant 0 : i32
    %dma_wait3A_526 = tpu.memref_slice %arg5[%dma_wait3A_525] : memref<8640xi32, #tpu.memory_space<vmem>> -> memref<64xi32, #tpu.memory_space<vmem>>
    %dma_wait3A_527 = arith.constant 0 : i32
    %dma_wait3A_528 = arith.constant 0 : i32
    %dma_wait3A_529 = tpu.memref_slice %arg2[%dma_wait3A_527, %dma_wait3A_528] : memref<10000x128xf32, #tpu.memory_space<hbm>> -> memref<10000x128xf32, #tpu.memory_space<hbm>>
    %dma_wait3A_530 = tpu.memref_slice %arg8[%dma_wait3A_520] : memref<4x!tpu.dma_semaphore, #tpu.memory_space<semaphore_mem>> -> memref<1x!tpu.dma_semaphore, #tpu.memory_space<semaphore_mem>>
    %dma_wait3A_531 = tpu.memref_squeeze %dma_wait3A_530 : memref<1x!tpu.dma_semaphore, #tpu.memory_space<semaphore_mem>> -> memref<!tpu.dma_semaphore, #tpu.memory_space<semaphore_mem>>
    tpu.wait_indirect_dma semaphore(%dma_wait3A_531 : memref<!tpu.dma_semaphore, #tpu.memory_space<semaphore_mem>>) src(%dma_wait3A_529 : memref<10000x128xf32, #tpu.memory_space<hbm>>) dst(%dma_wait3A_524 : memref<64x128xf32, #tpu.memory_space<vmem>>)
    %scan3A_532 = arith.constant 0 : i32
    %scan3A_533 = arith.constant 32 : i32
    %scan3A_534 = arith.addi %scan3A_532, %scan3A_533 : i32
    %scan3A_535 = arith.constant 1 : i32
    scf.for %scan3A_587 = %scan3A_532 to %scan3A_534 step %scan3A_535  : i32 {
      %mul3A_588 = arith.constant 1 : i32
      %mul3A_589 = arith.muli %scan3A_587, %mul3A_588 : i32
      %add3A_590 = arith.constant 0 : i32
      %add3A_591 = arith.addi %add3A_590, %mul3A_589 : i32
      %mul3A_592 = arith.constant 2 : i32
      %mul3A_593 = arith.muli %mul3A_592, %add3A_591 : i32
      %get3A = arith.constant 3 : i32
      %get3A_594 = arith.index_cast %get3A : i32 to index
      %get3A_595 = arith.index_cast %mul3A_593 : i32 to index
      %get3A_596 = arith.constant 0 : index
      %get3A_597 = tpu.vector_load %arg6[%get3A_594, %get3A_595, %get3A_596] {strides = array<i32>} : memref<4x128x128xf32, #tpu.memory_space<vmem>>, vector<16xf32>,
      %mul3A_598 = arith.constant 2 : i32
      %mul3A_599 = arith.muli %mul3A_598, %add3A_591 : i32
      %add3A_600 = arith.constant 1 : i32
      %add3A_601 = arith.addi %mul3A_599, %add3A_600 : i32
      %get3A_602 = arith.constant 3 : i32
      %get3A_603 = arith.index_cast %get3A_602 : i32 to index
      %get3A_604 = arith.index_cast %add3A_601 : i32 to index
      %get3A_605 = arith.constant 0 : index
      %get3A_606 = tpu.vector_load %arg6[%get3A_603, %get3A_604, %get3A_605] {strides = array<i32>} : memref<4x128x128xf32, #tpu.memory_space<vmem>>, vector<16xf32>,
      %pack3A = tpu.pack_subelements %get3A_597, %get3A_606 {pack_format = #tpu.pack_format<interleaved>, positions = array<i32: 0, 1>} : vector<16xf32>, vector<16xf32> -> vector<32xbf16>
      %bitcast3A = vector.bitcast %pack3A : vector<32xbf16> to vector<16xi32>
      %add3A_607 = arith.constant 64 : i32
      %add3A_608 = arith.addi %add3A_607, %add3A_591 : i32
      %swap3A = arith.constant 1 : i32
      %swap3A_609 = arith.index_cast %swap3A : i32 to index
      %swap3A_610 = arith.index_cast %add3A_608 : i32 to index
      %swap3A_611 = arith.constant 0 : index
      %swap3A_612 = tpu.vector_load %arg7[%swap3A_609, %swap3A_610, %swap3A_611] {strides = array<i32>} : memref<2x128x128xi32, #tpu.memory_space<vmem>>, vector<16xi32>,
      tpu.vector_store %arg7[%swap3A_609, %swap3A_610, %swap3A_611], %bitcast3A {strides = array<i32>} : memref<2x128x128xi32, #tpu.memory_space<vmem>>, vector<16xi32>,
      %mul3A_613 = arith.constant 2 : i32
      %mul3A_614 = arith.muli %mul3A_613, %add3A_591 : i32
      %get3A_615 = arith.constant 3 : i32
      %get3A_616 = arith.index_cast %get3A_615 : i32 to index
      %get3A_617 = arith.index_cast %mul3A_614 : i32 to index
      %get3A_618 = arith.constant 16 : index
      %get3A_619 = tpu.vector_load %arg6[%get3A_616, %get3A_617, %get3A_618] {strides = array<i32>} : memref<4x128x128xf32, #tpu.memory_space<vmem>>, vector<16xf32>,
      %mul3A_620 = arith.constant 2 : i32
      %mul3A_621 = arith.muli %mul3A_620, %add3A_591 : i32
      %add3A_622 = arith.constant 1 : i32
      %add3A_623 = arith.addi %mul3A_621, %add3A_622 : i32
      %get3A_624 = arith.constant 3 : i32
      %get3A_625 = arith.index_cast %get3A_624 : i32 to index
      %get3A_626 = arith.index_cast %add3A_623 : i32 to index
      %get3A_627 = arith.constant 16 : index
      %get3A_628 = tpu.vector_load %arg6[%get3A_625, %get3A_626, %get3A_627] {strides = array<i32>} : memref<4x128x128xf32, #tpu.memory_space<vmem>>, vector<16xf32>,
      %pack3A_629 = tpu.pack_subelements %get3A_619, %get3A_628 {pack_format = #tpu.pack_format<interleaved>, positions = array<i32: 0, 1>} : vector<16xf32>, vector<16xf32> -> vector<32xbf16>
      %bitcast3A_630 = vector.bitcast %pack3A_629 : vector<32xbf16> to vector<16xi32>
      %add3A_631 = arith.constant 64 : i32
      %add3A_632 = arith.addi %add3A_631, %add3A_591 : i32
      %swap3A_633 = arith.constant 1 : i32
      %swap3A_634 = arith.index_cast %swap3A_633 : i32 to index
      %swap3A_635 = arith.index_cast %add3A_632 : i32 to index
      %swap3A_636 = arith.constant 16 : index
      %swap3A_637 = tpu.vector_load %arg7[%swap3A_634, %swap3A_635, %swap3A_636] {strides = array<i32>} : memref<2x128x128xi32, #tpu.memory_space<vmem>>, vector<16xi32>,
      tpu.vector_store %arg7[%swap3A_634, %swap3A_635, %swap3A_636], %bitcast3A_630 {strides = array<i32>} : memref<2x128x128xi32, #tpu.memory_space<vmem>>, vector<16xi32>,
      %mul3A_638 = arith.constant 2 : i32
      %mul3A_639 = arith.muli %mul3A_638, %add3A_591 : i32
      %get3A_640 = arith.constant 3 : i32
      %get3A_641 = arith.index_cast %get3A_640 : i32 to index
      %get3A_642 = arith.index_cast %mul3A_639 : i32 to index
      %get3A_643 = arith.constant 32 : index
      %get3A_644 = tpu.vector_load %arg6[%get3A_641, %get3A_642, %get3A_643] {strides = array<i32>} : memref<4x128x128xf32, #tpu.memory_space<vmem>>, vector<16xf32>,
      %mul3A_645 = arith.constant 2 : i32
      %mul3A_646 = arith.muli %mul3A_645, %add3A_591 : i32
      %add3A_647 = arith.constant 1 : i32
      %add3A_648 = arith.addi %mul3A_646, %add3A_647 : i32
      %get3A_649 = arith.constant 3 : i32
      %get3A_650 = arith.index_cast %get3A_649 : i32 to index
      %get3A_651 = arith.index_cast %add3A_648 : i32 to index
      %get3A_652 = arith.constant 32 : index
      %get3A_653 = tpu.vector_load %arg6[%get3A_650, %get3A_651, %get3A_652] {strides = array<i32>} : memref<4x128x128xf32, #tpu.memory_space<vmem>>, vector<16xf32>,
      %pack3A_654 = tpu.pack_subelements %get3A_644, %get3A_653 {pack_format = #tpu.pack_format<interleaved>, positions = array<i32: 0, 1>} : vector<16xf32>, vector<16xf32> -> vector<32xbf16>
      %bitcast3A_655 = vector.bitcast %pack3A_654 : vector<32xbf16> to vector<16xi32>
      %add3A_656 = arith.constant 64 : i32
      %add3A_657 = arith.addi %add3A_656, %add3A_591 : i32
      %swap3A_658 = arith.constant 1 : i32
      %swap3A_659 = arith.index_cast %swap3A_658 : i32 to index
      %swap3A_660 = arith.index_cast %add3A_657 : i32 to index
      %swap3A_661 = arith.constant 32 : index
      %swap3A_662 = tpu.vector_load %arg7[%swap3A_659, %swap3A_660, %swap3A_661] {strides = array<i32>} : memref<2x128x128xi32, #tpu.memory_space<vmem>>, vector<16xi32>,
      tpu.vector_store %arg7[%swap3A_659, %swap3A_660, %swap3A_661], %bitcast3A_655 {strides = array<i32>} : memref<2x128x128xi32, #tpu.memory_space<vmem>>, vector<16xi32>,
      %mul3A_663 = arith.constant 2 : i32
      %mul3A_664 = arith.muli %mul3A_663, %add3A_591 : i32
      %get3A_665 = arith.constant 3 : i32
      %get3A_666 = arith.index_cast %get3A_665 : i32 to index
      %get3A_667 = arith.index_cast %mul3A_664 : i32 to index
      %get3A_668 = arith.constant 48 : index
      %get3A_669 = tpu.vector_load %arg6[%get3A_666, %get3A_667, %get3A_668] {strides = array<i32>} : memref<4x128x128xf32, #tpu.memory_space<vmem>>, vector<16xf32>,
      %mul3A_670 = arith.constant 2 : i32
      %mul3A_671 = arith.muli %mul3A_670, %add3A_591 : i32
      %add3A_672 = arith.constant 1 : i32
      %add3A_673 = arith.addi %mul3A_671, %add3A_672 : i32
      %get3A_674 = arith.constant 3 : i32
      %get3A_675 = arith.index_cast %get3A_674 : i32 to index
      %get3A_676 = arith.index_cast %add3A_673 : i32 to index
      %get3A_677 = arith.constant 48 : index
      %get3A_678 = tpu.vector_load %arg6[%get3A_675, %get3A_676, %get3A_677] {strides = array<i32>} : memref<4x128x128xf32, #tpu.memory_space<vmem>>, vector<16xf32>,
      %pack3A_679 = tpu.pack_subelements %get3A_669, %get3A_678 {pack_format = #tpu.pack_format<interleaved>, positions = array<i32: 0, 1>} : vector<16xf32>, vector<16xf32> -> vector<32xbf16>
      %bitcast3A_680 = vector.bitcast %pack3A_679 : vector<32xbf16> to vector<16xi32>
      %add3A_681 = arith.constant 64 : i32
      %add3A_682 = arith.addi %add3A_681, %add3A_591 : i32
      %swap3A_683 = arith.constant 1 : i32
      %swap3A_684 = arith.index_cast %swap3A_683 : i32 to index
      %swap3A_685 = arith.index_cast %add3A_682 : i32 to index
      %swap3A_686 = arith.constant 48 : index
      %swap3A_687 = tpu.vector_load %arg7[%swap3A_684, %swap3A_685, %swap3A_686] {strides = array<i32>} : memref<2x128x128xi32, #tpu.memory_space<vmem>>, vector<16xi32>,
      tpu.vector_store %arg7[%swap3A_684, %swap3A_685, %swap3A_686], %bitcast3A_680 {strides = array<i32>} : memref<2x128x128xi32, #tpu.memory_space<vmem>>, vector<16xi32>,
      %mul3A_688 = arith.constant 2 : i32
      %mul3A_689 = arith.muli %mul3A_688, %add3A_591 : i32
      %get3A_690 = arith.constant 3 : i32
      %get3A_691 = arith.index_cast %get3A_690 : i32 to index
      %get3A_692 = arith.index_cast %mul3A_689 : i32 to index
      %get3A_693 = arith.constant 64 : index
      %get3A_694 = tpu.vector_load %arg6[%get3A_691, %get3A_692, %get3A_693] {strides = array<i32>} : memref<4x128x128xf32, #tpu.memory_space<vmem>>, vector<16xf32>,
      %mul3A_695 = arith.constant 2 : i32
      %mul3A_696 = arith.muli %mul3A_695, %add3A_591 : i32
      %add3A_697 = arith.constant 1 : i32
      %add3A_698 = arith.addi %mul3A_696, %add3A_697 : i32
      %get3A_699 = arith.constant 3 : i32
      %get3A_700 = arith.index_cast %get3A_699 : i32 to index
      %get3A_701 = arith.index_cast %add3A_698 : i32 to index
      %get3A_702 = arith.constant 64 : index
      %get3A_703 = tpu.vector_load %arg6[%get3A_700, %get3A_701, %get3A_702] {strides = array<i32>} : memref<4x128x128xf32, #tpu.memory_space<vmem>>, vector<16xf32>,
      %pack3A_704 = tpu.pack_subelements %get3A_694, %get3A_703 {pack_format = #tpu.pack_format<interleaved>, positions = array<i32: 0, 1>} : vector<16xf32>, vector<16xf32> -> vector<32xbf16>
      %bitcast3A_705 = vector.bitcast %pack3A_704 : vector<32xbf16> to vector<16xi32>
      %add3A_706 = arith.constant 64 : i32
      %add3A_707 = arith.addi %add3A_706, %add3A_591 : i32
      %swap3A_708 = arith.constant 1 : i32
      %swap3A_709 = arith.index_cast %swap3A_708 : i32 to index
      %swap3A_710 = arith.index_cast %add3A_707 : i32 to index
      %swap3A_711 = arith.constant 64 : index
      %swap3A_712 = tpu.vector_load %arg7[%swap3A_709, %swap3A_710, %swap3A_711] {strides = array<i32>} : memref<2x128x128xi32, #tpu.memory_space<vmem>>, vector<16xi32>,
      tpu.vector_store %arg7[%swap3A_709, %swap3A_710, %swap3A_711], %bitcast3A_705 {strides = array<i32>} : memref<2x128x128xi32, #tpu.memory_space<vmem>>, vector<16xi32>,
      %mul3A_713 = arith.constant 2 : i32
      %mul3A_714 = arith.muli %mul3A_713, %add3A_591 : i32
      %get3A_715 = arith.constant 3 : i32
      %get3A_716 = arith.index_cast %get3A_715 : i32 to index
      %get3A_717 = arith.index_cast %mul3A_714 : i32 to index
      %get3A_718 = arith.constant 80 : index
      %get3A_719 = tpu.vector_load %arg6[%get3A_716, %get3A_717, %get3A_718] {strides = array<i32>} : memref<4x128x128xf32, #tpu.memory_space<vmem>>, vector<16xf32>,
      %mul3A_720 = arith.constant 2 : i32
      %mul3A_721 = arith.muli %mul3A_720, %add3A_591 : i32
      %add3A_722 = arith.constant 1 : i32
      %add3A_723 = arith.addi %mul3A_721, %add3A_722 : i32
      %get3A_724 = arith.constant 3 : i32
      %get3A_725 = arith.index_cast %get3A_724 : i32 to index
      %get3A_726 = arith.index_cast %add3A_723 : i32 to index
      %get3A_727 = arith.constant 80 : index
      %get3A_728 = tpu.vector_load %arg6[%get3A_725, %get3A_726, %get3A_727] {strides = array<i32>} : memref<4x128x128xf32, #tpu.memory_space<vmem>>, vector<16xf32>,
      %pack3A_729 = tpu.pack_subelements %get3A_719, %get3A_728 {pack_format = #tpu.pack_format<interleaved>, positions = array<i32: 0, 1>} : vector<16xf32>, vector<16xf32> -> vector<32xbf16>
      %bitcast3A_730 = vector.bitcast %pack3A_729 : vector<32xbf16> to vector<16xi32>
      %add3A_731 = arith.constant 64 : i32
      %add3A_732 = arith.addi %add3A_731, %add3A_591 : i32
      %swap3A_733 = arith.constant 1 : i32
      %swap3A_734 = arith.index_cast %swap3A_733 : i32 to index
      %swap3A_735 = arith.index_cast %add3A_732 : i32 to index
      %swap3A_736 = arith.constant 80 : index
      %swap3A_737 = tpu.vector_load %arg7[%swap3A_734, %swap3A_735, %swap3A_736] {strides = array<i32>} : memref<2x128x128xi32, #tpu.memory_space<vmem>>, vector<16xi32>,
      tpu.vector_store %arg7[%swap3A_734, %swap3A_735, %swap3A_736], %bitcast3A_730 {strides = array<i32>} : memref<2x128x128xi32, #tpu.memory_space<vmem>>, vector<16xi32>,
      %mul3A_738 = arith.constant 2 : i32
      %mul3A_739 = arith.muli %mul3A_738, %add3A_591 : i32
      %get3A_740 = arith.constant 3 : i32
      %get3A_741 = arith.index_cast %get3A_740 : i32 to index
      %get3A_742 = arith.index_cast %mul3A_739 : i32 to index
      %get3A_743 = arith.constant 96 : index
      %get3A_744 = tpu.vector_load %arg6[%get3A_741, %get3A_742, %get3A_743] {strides = array<i32>} : memref<4x128x128xf32, #tpu.memory_space<vmem>>, vector<16xf32>,
      %mul3A_745 = arith.constant 2 : i32
      %mul3A_746 = arith.muli %mul3A_745, %add3A_591 : i32
      %add3A_747 = arith.constant 1 : i32
      %add3A_748 = arith.addi %mul3A_746, %add3A_747 : i32
      %get3A_749 = arith.constant 3 : i32
      %get3A_750 = arith.index_cast %get3A_749 : i32 to index
      %get3A_751 = arith.index_cast %add3A_748 : i32 to index
      %get3A_752 = arith.constant 96 : index
      %get3A_753 = tpu.vector_load %arg6[%get3A_750, %get3A_751, %get3A_752] {strides = array<i32>} : memref<4x128x128xf32, #tpu.memory_space<vmem>>, vector<16xf32>,
      %pack3A_754 = tpu.pack_subelements %get3A_744, %get3A_753 {pack_format = #tpu.pack_format<interleaved>, positions = array<i32: 0, 1>} : vector<16xf32>, vector<16xf32> -> vector<32xbf16>
      %bitcast3A_755 = vector.bitcast %pack3A_754 : vector<32xbf16> to vector<16xi32>
      %add3A_756 = arith.constant 64 : i32
      %add3A_757 = arith.addi %add3A_756, %add3A_591 : i32
      %swap3A_758 = arith.constant 1 : i32
      %swap3A_759 = arith.index_cast %swap3A_758 : i32 to index
      %swap3A_760 = arith.index_cast %add3A_757 : i32 to index
      %swap3A_761 = arith.constant 96 : index
      %swap3A_762 = tpu.vector_load %arg7[%swap3A_759, %swap3A_760, %swap3A_761] {strides = array<i32>} : memref<2x128x128xi32, #tpu.memory_space<vmem>>, vector<16xi32>,
      tpu.vector_store %arg7[%swap3A_759, %swap3A_760, %swap3A_761], %bitcast3A_755 {strides = array<i32>} : memref<2x128x128xi32, #tpu.memory_space<vmem>>, vector<16xi32>,
      %mul3A_763 = arith.constant 2 : i32
      %mul3A_764 = arith.muli %mul3A_763, %add3A_591 : i32
      %get3A_765 = arith.constant 3 : i32
      %get3A_766 = arith.index_cast %get3A_765 : i32 to index
      %get3A_767 = arith.index_cast %mul3A_764 : i32 to index
      %get3A_768 = arith.constant 112 : index
      %get3A_769 = tpu.vector_load %arg6[%get3A_766, %get3A_767, %get3A_768] {strides = array<i32>} : memref<4x128x128xf32, #tpu.memory_space<vmem>>, vector<16xf32>,
      %mul3A_770 = arith.constant 2 : i32
      %mul3A_771 = arith.muli %mul3A_770, %add3A_591 : i32
      %add3A_772 = arith.constant 1 : i32
      %add3A_773 = arith.addi %mul3A_771, %add3A_772 : i32
      %get3A_774 = arith.constant 3 : i32
      %get3A_775 = arith.index_cast %get3A_774 : i32 to index
      %get3A_776 = arith.index_cast %add3A_773 : i32 to index
      %get3A_777 = arith.constant 112 : index
      %get3A_778 = tpu.vector_load %arg6[%get3A_775, %get3A_776, %get3A_777] {strides = array<i32>} : memref<4x128x128xf32, #tpu.memory_space<vmem>>, vector<16xf32>,
      %pack3A_779 = tpu.pack_subelements %get3A_769, %get3A_778 {pack_format = #tpu.pack_format<interleaved>, positions = array<i32: 0, 1>} : vector<16xf32>, vector<16xf32> -> vector<32xbf16>
      %bitcast3A_780 = vector.bitcast %pack3A_779 : vector<32xbf16> to vector<16xi32>
      %add3A_781 = arith.constant 64 : i32
      %add3A_782 = arith.addi %add3A_781, %add3A_591 : i32
      %swap3A_783 = arith.constant 1 : i32
      %swap3A_784 = arith.index_cast %swap3A_783 : i32 to index
      %swap3A_785 = arith.index_cast %add3A_782 : i32 to index
      %swap3A_786 = arith.constant 112 : index
      %swap3A_787 = tpu.vector_load %arg7[%swap3A_784, %swap3A_785, %swap3A_786] {strides = array<i32>} : memref<2x128x128xi32, #tpu.memory_space<vmem>>, vector<16xi32>,
      tpu.vector_store %arg7[%swap3A_784, %swap3A_785, %swap3A_786], %bitcast3A_780 {strides = array<i32>} : memref<2x128x128xi32, #tpu.memory_space<vmem>>, vector<16xi32>,
    }
    %scan3A_536 = arith.constant 32 : i32
    %add3A_537 = arith.constant 4224 : i32
    %add3A_538 = arith.addi %mul3A_4, %add3A_537 : i32
    %dma_start3A_539 = arith.constant 1 : i32
    %dma_start3A_540 = arith.constant 1 : i32
    %dma_start3A_541 = arith.constant 0 : i32
    %dma_start3A_542 = arith.constant 0 : i32
    %dma_start3A_543 = tpu.memref_slice %arg7[%dma_start3A_539, %dma_start3A_541, %dma_start3A_542] : memref<2x128x128xi32, #tpu.memory_space<vmem>> -> memref<1x96x128xi32, #tpu.memory_space<vmem>>
    %dma_start3A_544 = tpu.memref_squeeze %dma_start3A_543 : memref<1x96x128xi32, #tpu.memory_space<vmem>> -> memref<96x128xi32, #tpu.memory_space<vmem>>
    %dma_start3A_545 = arith.constant 0 : i32
    %dma_start3A_546 = tpu.memref_slice %arg4[%add3A_538, %dma_start3A_545] : memref<138240x128xi32, #tpu.memory_space<hbm>> -> memref<96x128xi32, #tpu.memory_space<hbm>>
    %dma_start3A_547 = tpu.memref_slice %arg9[%dma_start3A_540] : memref<2x!tpu.dma_semaphore, #tpu.memory_space<semaphore_mem>> -> memref<1x!tpu.dma_semaphore, #tpu.memory_space<semaphore_mem>>
    %dma_start3A_548 = tpu.memref_squeeze %dma_start3A_547 : memref<1x!tpu.dma_semaphore, #tpu.memory_space<semaphore_mem>> -> memref<!tpu.dma_semaphore, #tpu.memory_space<semaphore_mem>>
    %dma_start3A_549 = arith.constant 0 : i32
    %dma_start3A_550 = tpu.memref_slice %arg4[%add3A_538, %dma_start3A_549] : memref<138240x128xi32, #tpu.memory_space<hbm>> -> memref<96x128xi32, #tpu.memory_space<hbm>>
    %dma_start3A_551 = arith.constant 0 : i32
    %dma_start3A_552 = arith.constant 0 : i32
    %dma_start3A_553 = tpu.memref_slice %arg7[%dma_start3A_539, %dma_start3A_551, %dma_start3A_552] : memref<2x128x128xi32, #tpu.memory_space<vmem>> -> memref<1x96x128xi32, #tpu.memory_space<vmem>>
    %dma_start3A_554 = tpu.memref_squeeze %dma_start3A_553 : memref<1x96x128xi32, #tpu.memory_space<vmem>> -> memref<96x128xi32, #tpu.memory_space<vmem>>
    tpu.enqueue_dma source(%dma_start3A_554 : memref<96x128xi32, #tpu.memory_space<vmem>>) target(%dma_start3A_550 : memref<96x128xi32, #tpu.memory_space<hbm>>) target_semaphore(%dma_start3A_548 : memref<!tpu.dma_semaphore, #tpu.memory_space<semaphore_mem>>)
    %dma_wait3A_555 = arith.constant 0 : i32
    %dma_wait3A_556 = arith.constant 0 : i32
    %dma_wait3A_557 = arith.constant 0 : i32
    %dma_wait3A_558 = arith.constant 0 : i32
    %dma_wait3A_559 = tpu.memref_slice %arg7[%dma_wait3A_555, %dma_wait3A_557, %dma_wait3A_558] : memref<2x128x128xi32, #tpu.memory_space<vmem>> -> memref<1x128x128xi32, #tpu.memory_space<vmem>>
    %dma_wait3A_560 = tpu.memref_squeeze %dma_wait3A_559 : memref<1x128x128xi32, #tpu.memory_space<vmem>> -> memref<128x128xi32, #tpu.memory_space<vmem>>
    %dma_wait3A_561 = arith.constant 0 : i32
    %dma_wait3A_562 = tpu.memref_slice %arg4[%mul3A_4, %dma_wait3A_561] : memref<138240x128xi32, #tpu.memory_space<hbm>> -> memref<128x128xi32, #tpu.memory_space<hbm>>
    %dma_wait3A_563 = tpu.memref_slice %arg9[%dma_wait3A_556] : memref<2x!tpu.dma_semaphore, #tpu.memory_space<semaphore_mem>> -> memref<1x!tpu.dma_semaphore, #tpu.memory_space<semaphore_mem>>
    %dma_wait3A_564 = tpu.memref_squeeze %dma_wait3A_563 : memref<1x!tpu.dma_semaphore, #tpu.memory_space<semaphore_mem>> -> memref<!tpu.dma_semaphore, #tpu.memory_space<semaphore_mem>>
    %dma_wait3A_565 = arith.constant 0 : i32
    %dma_wait3A_566 = tpu.memref_slice %arg4[%mul3A_4, %dma_wait3A_565] : memref<138240x128xi32, #tpu.memory_space<hbm>> -> memref<128x128xi32, #tpu.memory_space<hbm>>
    %dma_wait3A_567 = arith.constant 0 : i32
    %dma_wait3A_568 = arith.constant 0 : i32
    %dma_wait3A_569 = tpu.memref_slice %arg7[%dma_wait3A_555, %dma_wait3A_567, %dma_wait3A_568] : memref<2x128x128xi32, #tpu.memory_space<vmem>> -> memref<1x128x128xi32, #tpu.memory_space<vmem>>
    %dma_wait3A_570 = tpu.memref_squeeze %dma_wait3A_569 : memref<1x128x128xi32, #tpu.memory_space<vmem>> -> memref<128x128xi32, #tpu.memory_space<vmem>>
    tpu.wait_dma2 semaphore(%dma_wait3A_564 : memref<!tpu.dma_semaphore, #tpu.memory_space<semaphore_mem>>) src(%dma_wait3A_570 : memref<128x128xi32, #tpu.memory_space<vmem>>) dst(%dma_wait3A_566 : memref<128x128xi32, #tpu.memory_space<hbm>>)
    %dma_wait3A_571 = arith.constant 1 : i32
    %dma_wait3A_572 = arith.constant 1 : i32
    %dma_wait3A_573 = arith.constant 0 : i32
    %dma_wait3A_574 = arith.constant 0 : i32
    %dma_wait3A_575 = tpu.memref_slice %arg7[%dma_wait3A_571, %dma_wait3A_573, %dma_wait3A_574] : memref<2x128x128xi32, #tpu.memory_space<vmem>> -> memref<1x96x128xi32, #tpu.memory_space<vmem>>
    %dma_wait3A_576 = tpu.memref_squeeze %dma_wait3A_575 : memref<1x96x128xi32, #tpu.memory_space<vmem>> -> memref<96x128xi32, #tpu.memory_space<vmem>>
    %dma_wait3A_577 = arith.constant 0 : i32
    %dma_wait3A_578 = tpu.memref_slice %arg4[%mul3A_4, %dma_wait3A_577] : memref<138240x128xi32, #tpu.memory_space<hbm>> -> memref<96x128xi32, #tpu.memory_space<hbm>>
    %dma_wait3A_579 = tpu.memref_slice %arg9[%dma_wait3A_572] : memref<2x!tpu.dma_semaphore, #tpu.memory_space<semaphore_mem>> -> memref<1x!tpu.dma_semaphore, #tpu.memory_space<semaphore_mem>>
    %dma_wait3A_580 = tpu.memref_squeeze %dma_wait3A_579 : memref<1x!tpu.dma_semaphore, #tpu.memory_space<semaphore_mem>> -> memref<!tpu.dma_semaphore, #tpu.memory_space<semaphore_mem>>
    %dma_wait3A_581 = arith.constant 0 : i32
    %dma_wait3A_582 = tpu.memref_slice %arg4[%mul3A_4, %dma_wait3A_581] : memref<138240x128xi32, #tpu.memory_space<hbm>> -> memref<96x128xi32, #tpu.memory_space<hbm>>
    %dma_wait3A_583 = arith.constant 0 : i32
    %dma_wait3A_584 = arith.constant 0 : i32
    %dma_wait3A_585 = tpu.memref_slice %arg7[%dma_wait3A_571, %dma_wait3A_583, %dma_wait3A_584] : memref<2x128x128xi32, #tpu.memory_space<vmem>> -> memref<1x96x128xi32, #tpu.memory_space<vmem>>
    %dma_wait3A_586 = tpu.memref_squeeze %dma_wait3A_585 : memref<1x96x128xi32, #tpu.memory_space<vmem>> -> memref<96x128xi32, #tpu.memory_space<vmem>>
    tpu.wait_dma2 semaphore(%dma_wait3A_580 : memref<!tpu.dma_semaphore, #tpu.memory_space<semaphore_mem>>) src(%dma_wait3A_586 : memref<96x128xi32, #tpu.memory_space<vmem>>) dst(%dma_wait3A_582 : memref<96x128xi32, #tpu.memory_space<hbm>>)
    return
  }
}

module attributes {stable_mosaic.version = 14 : i64} {
  func.func @_gemm_body(%arg0: i32, %arg1: memref<27x1024x128xi32, #tpu.memory_space<vmem>>, %arg2: memref<27x128x128xf32, #tpu.memory_space<vmem>>, %arg3: memref<2048x128xf32, #tpu.memory_space<vmem>>) attributes {dimension_semantics = [#tpu.dimension_semantics<arbitrary>], iteration_bounds = array<i64: 5>, scalar_prefetch = 0 : i64, scratch_operands = 0 : i64, tpu.core_type = #tpu.core_type<tc>, window_params = [{transform_indices = @transform_0, window_bounds = array<i64: 27, 1024, 128>}, {pipeline_mode = #tpu.pipeline_mode<synchronous>, transform_indices = @transform_1, window_bounds = array<i64: 27, 128, 128>}, {transform_indices = @transform_2, window_bounds = array<i64: 2048, 128>}]} {
    %broadcast_in_dim3A = arith.constant 0.000000e+00 : f32
    %broadcast_in_dim3A_0 = vector.broadcast %broadcast_in_dim3A : f32 to vector<2048x128xf32>
    %get3A = arith.constant 0 : index
    %get3A_1 = arith.constant 0 : index
    %get3A_2 = arith.constant 0 : index
    %get3A_3 = vector.load %arg1[%get3A, %get3A_1, %get3A_2] : memref<27x1024x128xi32, #tpu.memory_space<vmem>>, vector<1x1024x128xi32>
    %get3A_4 = vector.shape_cast %get3A_3 : vector<1x1024x128xi32> to vector<1024x128xi32>
    %bitcast3A = tpu.bitcast %get3A_4 : vector<1024x128xi32> -> vector<2048x128xbf16>
    %get3A_5 = arith.constant 0 : index
    %get3A_6 = arith.constant 0 : index
    %get3A_7 = arith.constant 0 : index
    %get3A_8 = vector.load %arg2[%get3A_5, %get3A_6, %get3A_7] : memref<27x128x128xf32, #tpu.memory_space<vmem>>, vector<1x128x128xf32>
    %get3A_9 = vector.shape_cast %get3A_8 : vector<1x128x128xf32> to vector<128x128xf32>
    %convert_element_type3A = arith.truncf %get3A_9 : vector<128x128xf32> to vector<128x128xbf16>
    %dot_general3A = arith.constant dense<0.000000e+00> : vector<2048x128xf32>
    %dot_general3A_10 = tpu.matmul %bitcast3A, %convert_element_type3A, %dot_general3A {dimension_numbers = #tpu.dot_dimension_numbers<[1], [0], [0], [1], [0, 0, 1, 1], [], []>, transpose_lhs_hint = false} : vector<2048x128xbf16>, vector<128x128xbf16>, vector<2048x128xf32> -> vector<2048x128xf32>
    %add3A = arith.addf %broadcast_in_dim3A_0, %dot_general3A_10 : vector<2048x128xf32>
    %get3A_11 = arith.constant 1 : index
    %get3A_12 = arith.constant 0 : index
    %get3A_13 = arith.constant 0 : index
    %get3A_14 = vector.load %arg1[%get3A_11, %get3A_12, %get3A_13] : memref<27x1024x128xi32, #tpu.memory_space<vmem>>, vector<1x1024x128xi32>
    %get3A_15 = vector.shape_cast %get3A_14 : vector<1x1024x128xi32> to vector<1024x128xi32>
    %bitcast3A_16 = tpu.bitcast %get3A_15 : vector<1024x128xi32> -> vector<2048x128xbf16>
    %get3A_17 = arith.constant 1 : index
    %get3A_18 = arith.constant 0 : index
    %get3A_19 = arith.constant 0 : index
    %get3A_20 = vector.load %arg2[%get3A_17, %get3A_18, %get3A_19] : memref<27x128x128xf32, #tpu.memory_space<vmem>>, vector<1x128x128xf32>
    %get3A_21 = vector.shape_cast %get3A_20 : vector<1x128x128xf32> to vector<128x128xf32>
    %convert_element_type3A_22 = arith.truncf %get3A_21 : vector<128x128xf32> to vector<128x128xbf16>
    %dot_general3A_23 = arith.constant dense<0.000000e+00> : vector<2048x128xf32>
    %dot_general3A_24 = tpu.matmul %bitcast3A_16, %convert_element_type3A_22, %dot_general3A_23 {dimension_numbers = #tpu.dot_dimension_numbers<[1], [0], [0], [1], [0, 0, 1, 1], [], []>, transpose_lhs_hint = false} : vector<2048x128xbf16>, vector<128x128xbf16>, vector<2048x128xf32> -> vector<2048x128xf32>
    %add3A_25 = arith.addf %add3A, %dot_general3A_24 : vector<2048x128xf32>
    %get3A_26 = arith.constant 2 : index
    %get3A_27 = arith.constant 0 : index
    %get3A_28 = arith.constant 0 : index
    %get3A_29 = vector.load %arg1[%get3A_26, %get3A_27, %get3A_28] : memref<27x1024x128xi32, #tpu.memory_space<vmem>>, vector<1x1024x128xi32>
    %get3A_30 = vector.shape_cast %get3A_29 : vector<1x1024x128xi32> to vector<1024x128xi32>
    %bitcast3A_31 = tpu.bitcast %get3A_30 : vector<1024x128xi32> -> vector<2048x128xbf16>
    %get3A_32 = arith.constant 2 : index
    %get3A_33 = arith.constant 0 : index
    %get3A_34 = arith.constant 0 : index
    %get3A_35 = vector.load %arg2[%get3A_32, %get3A_33, %get3A_34] : memref<27x128x128xf32, #tpu.memory_space<vmem>>, vector<1x128x128xf32>
    %get3A_36 = vector.shape_cast %get3A_35 : vector<1x128x128xf32> to vector<128x128xf32>
    %convert_element_type3A_37 = arith.truncf %get3A_36 : vector<128x128xf32> to vector<128x128xbf16>
    %dot_general3A_38 = arith.constant dense<0.000000e+00> : vector<2048x128xf32>
    %dot_general3A_39 = tpu.matmul %bitcast3A_31, %convert_element_type3A_37, %dot_general3A_38 {dimension_numbers = #tpu.dot_dimension_numbers<[1], [0], [0], [1], [0, 0, 1, 1], [], []>, transpose_lhs_hint = false} : vector<2048x128xbf16>, vector<128x128xbf16>, vector<2048x128xf32> -> vector<2048x128xf32>
    %add3A_40 = arith.addf %add3A_25, %dot_general3A_39 : vector<2048x128xf32>
    %get3A_41 = arith.constant 3 : index
    %get3A_42 = arith.constant 0 : index
    %get3A_43 = arith.constant 0 : index
    %get3A_44 = vector.load %arg1[%get3A_41, %get3A_42, %get3A_43] : memref<27x1024x128xi32, #tpu.memory_space<vmem>>, vector<1x1024x128xi32>
    %get3A_45 = vector.shape_cast %get3A_44 : vector<1x1024x128xi32> to vector<1024x128xi32>
    %bitcast3A_46 = tpu.bitcast %get3A_45 : vector<1024x128xi32> -> vector<2048x128xbf16>
    %get3A_47 = arith.constant 3 : index
    %get3A_48 = arith.constant 0 : index
    %get3A_49 = arith.constant 0 : index
    %get3A_50 = vector.load %arg2[%get3A_47, %get3A_48, %get3A_49] : memref<27x128x128xf32, #tpu.memory_space<vmem>>, vector<1x128x128xf32>
    %get3A_51 = vector.shape_cast %get3A_50 : vector<1x128x128xf32> to vector<128x128xf32>
    %convert_element_type3A_52 = arith.truncf %get3A_51 : vector<128x128xf32> to vector<128x128xbf16>
    %dot_general3A_53 = arith.constant dense<0.000000e+00> : vector<2048x128xf32>
    %dot_general3A_54 = tpu.matmul %bitcast3A_46, %convert_element_type3A_52, %dot_general3A_53 {dimension_numbers = #tpu.dot_dimension_numbers<[1], [0], [0], [1], [0, 0, 1, 1], [], []>, transpose_lhs_hint = false} : vector<2048x128xbf16>, vector<128x128xbf16>, vector<2048x128xf32> -> vector<2048x128xf32>
    %add3A_55 = arith.addf %add3A_40, %dot_general3A_54 : vector<2048x128xf32>
    %get3A_56 = arith.constant 4 : index
    %get3A_57 = arith.constant 0 : index
    %get3A_58 = arith.constant 0 : index
    %get3A_59 = vector.load %arg1[%get3A_56, %get3A_57, %get3A_58] : memref<27x1024x128xi32, #tpu.memory_space<vmem>>, vector<1x1024x128xi32>
    %get3A_60 = vector.shape_cast %get3A_59 : vector<1x1024x128xi32> to vector<1024x128xi32>
    %bitcast3A_61 = tpu.bitcast %get3A_60 : vector<1024x128xi32> -> vector<2048x128xbf16>
    %get3A_62 = arith.constant 4 : index
    %get3A_63 = arith.constant 0 : index
    %get3A_64 = arith.constant 0 : index
    %get3A_65 = vector.load %arg2[%get3A_62, %get3A_63, %get3A_64] : memref<27x128x128xf32, #tpu.memory_space<vmem>>, vector<1x128x128xf32>
    %get3A_66 = vector.shape_cast %get3A_65 : vector<1x128x128xf32> to vector<128x128xf32>
    %convert_element_type3A_67 = arith.truncf %get3A_66 : vector<128x128xf32> to vector<128x128xbf16>
    %dot_general3A_68 = arith.constant dense<0.000000e+00> : vector<2048x128xf32>
    %dot_general3A_69 = tpu.matmul %bitcast3A_61, %convert_element_type3A_67, %dot_general3A_68 {dimension_numbers = #tpu.dot_dimension_numbers<[1], [0], [0], [1], [0, 0, 1, 1], [], []>, transpose_lhs_hint = false} : vector<2048x128xbf16>, vector<128x128xbf16>, vector<2048x128xf32> -> vector<2048x128xf32>
    %add3A_70 = arith.addf %add3A_55, %dot_general3A_69 : vector<2048x128xf32>
    %get3A_71 = arith.constant 5 : index
    %get3A_72 = arith.constant 0 : index
    %get3A_73 = arith.constant 0 : index
    %get3A_74 = vector.load %arg1[%get3A_71, %get3A_72, %get3A_73] : memref<27x1024x128xi32, #tpu.memory_space<vmem>>, vector<1x1024x128xi32>
    %get3A_75 = vector.shape_cast %get3A_74 : vector<1x1024x128xi32> to vector<1024x128xi32>
    %bitcast3A_76 = tpu.bitcast %get3A_75 : vector<1024x128xi32> -> vector<2048x128xbf16>
    %get3A_77 = arith.constant 5 : index
    %get3A_78 = arith.constant 0 : index
    %get3A_79 = arith.constant 0 : index
    %get3A_80 = vector.load %arg2[%get3A_77, %get3A_78, %get3A_79] : memref<27x128x128xf32, #tpu.memory_space<vmem>>, vector<1x128x128xf32>
    %get3A_81 = vector.shape_cast %get3A_80 : vector<1x128x128xf32> to vector<128x128xf32>
    %convert_element_type3A_82 = arith.truncf %get3A_81 : vector<128x128xf32> to vector<128x128xbf16>
    %dot_general3A_83 = arith.constant dense<0.000000e+00> : vector<2048x128xf32>
    %dot_general3A_84 = tpu.matmul %bitcast3A_76, %convert_element_type3A_82, %dot_general3A_83 {dimension_numbers = #tpu.dot_dimension_numbers<[1], [0], [0], [1], [0, 0, 1, 1], [], []>, transpose_lhs_hint = false} : vector<2048x128xbf16>, vector<128x128xbf16>, vector<2048x128xf32> -> vector<2048x128xf32>
    %add3A_85 = arith.addf %add3A_70, %dot_general3A_84 : vector<2048x128xf32>
    %get3A_86 = arith.constant 6 : index
    %get3A_87 = arith.constant 0 : index
    %get3A_88 = arith.constant 0 : index
    %get3A_89 = vector.load %arg1[%get3A_86, %get3A_87, %get3A_88] : memref<27x1024x128xi32, #tpu.memory_space<vmem>>, vector<1x1024x128xi32>
    %get3A_90 = vector.shape_cast %get3A_89 : vector<1x1024x128xi32> to vector<1024x128xi32>
    %bitcast3A_91 = tpu.bitcast %get3A_90 : vector<1024x128xi32> -> vector<2048x128xbf16>
    %get3A_92 = arith.constant 6 : index
    %get3A_93 = arith.constant 0 : index
    %get3A_94 = arith.constant 0 : index
    %get3A_95 = vector.load %arg2[%get3A_92, %get3A_93, %get3A_94] : memref<27x128x128xf32, #tpu.memory_space<vmem>>, vector<1x128x128xf32>
    %get3A_96 = vector.shape_cast %get3A_95 : vector<1x128x128xf32> to vector<128x128xf32>
    %convert_element_type3A_97 = arith.truncf %get3A_96 : vector<128x128xf32> to vector<128x128xbf16>
    %dot_general3A_98 = arith.constant dense<0.000000e+00> : vector<2048x128xf32>
    %dot_general3A_99 = tpu.matmul %bitcast3A_91, %convert_element_type3A_97, %dot_general3A_98 {dimension_numbers = #tpu.dot_dimension_numbers<[1], [0], [0], [1], [0, 0, 1, 1], [], []>, transpose_lhs_hint = false} : vector<2048x128xbf16>, vector<128x128xbf16>, vector<2048x128xf32> -> vector<2048x128xf32>
    %add3A_100 = arith.addf %add3A_85, %dot_general3A_99 : vector<2048x128xf32>
    %get3A_101 = arith.constant 7 : index
    %get3A_102 = arith.constant 0 : index
    %get3A_103 = arith.constant 0 : index
    %get3A_104 = vector.load %arg1[%get3A_101, %get3A_102, %get3A_103] : memref<27x1024x128xi32, #tpu.memory_space<vmem>>, vector<1x1024x128xi32>
    %get3A_105 = vector.shape_cast %get3A_104 : vector<1x1024x128xi32> to vector<1024x128xi32>
    %bitcast3A_106 = tpu.bitcast %get3A_105 : vector<1024x128xi32> -> vector<2048x128xbf16>
    %get3A_107 = arith.constant 7 : index
    %get3A_108 = arith.constant 0 : index
    %get3A_109 = arith.constant 0 : index
    %get3A_110 = vector.load %arg2[%get3A_107, %get3A_108, %get3A_109] : memref<27x128x128xf32, #tpu.memory_space<vmem>>, vector<1x128x128xf32>
    %get3A_111 = vector.shape_cast %get3A_110 : vector<1x128x128xf32> to vector<128x128xf32>
    %convert_element_type3A_112 = arith.truncf %get3A_111 : vector<128x128xf32> to vector<128x128xbf16>
    %dot_general3A_113 = arith.constant dense<0.000000e+00> : vector<2048x128xf32>
    %dot_general3A_114 = tpu.matmul %bitcast3A_106, %convert_element_type3A_112, %dot_general3A_113 {dimension_numbers = #tpu.dot_dimension_numbers<[1], [0], [0], [1], [0, 0, 1, 1], [], []>, transpose_lhs_hint = false} : vector<2048x128xbf16>, vector<128x128xbf16>, vector<2048x128xf32> -> vector<2048x128xf32>
    %add3A_115 = arith.addf %add3A_100, %dot_general3A_114 : vector<2048x128xf32>
    %get3A_116 = arith.constant 8 : index
    %get3A_117 = arith.constant 0 : index
    %get3A_118 = arith.constant 0 : index
    %get3A_119 = vector.load %arg1[%get3A_116, %get3A_117, %get3A_118] : memref<27x1024x128xi32, #tpu.memory_space<vmem>>, vector<1x1024x128xi32>
    %get3A_120 = vector.shape_cast %get3A_119 : vector<1x1024x128xi32> to vector<1024x128xi32>
    %bitcast3A_121 = tpu.bitcast %get3A_120 : vector<1024x128xi32> -> vector<2048x128xbf16>
    %get3A_122 = arith.constant 8 : index
    %get3A_123 = arith.constant 0 : index
    %get3A_124 = arith.constant 0 : index
    %get3A_125 = vector.load %arg2[%get3A_122, %get3A_123, %get3A_124] : memref<27x128x128xf32, #tpu.memory_space<vmem>>, vector<1x128x128xf32>
    %get3A_126 = vector.shape_cast %get3A_125 : vector<1x128x128xf32> to vector<128x128xf32>
    %convert_element_type3A_127 = arith.truncf %get3A_126 : vector<128x128xf32> to vector<128x128xbf16>
    %dot_general3A_128 = arith.constant dense<0.000000e+00> : vector<2048x128xf32>
    %dot_general3A_129 = tpu.matmul %bitcast3A_121, %convert_element_type3A_127, %dot_general3A_128 {dimension_numbers = #tpu.dot_dimension_numbers<[1], [0], [0], [1], [0, 0, 1, 1], [], []>, transpose_lhs_hint = false} : vector<2048x128xbf16>, vector<128x128xbf16>, vector<2048x128xf32> -> vector<2048x128xf32>
    %add3A_130 = arith.addf %add3A_115, %dot_general3A_129 : vector<2048x128xf32>
    %get3A_131 = arith.constant 9 : index
    %get3A_132 = arith.constant 0 : index
    %get3A_133 = arith.constant 0 : index
    %get3A_134 = vector.load %arg1[%get3A_131, %get3A_132, %get3A_133] : memref<27x1024x128xi32, #tpu.memory_space<vmem>>, vector<1x1024x128xi32>
    %get3A_135 = vector.shape_cast %get3A_134 : vector<1x1024x128xi32> to vector<1024x128xi32>
    %bitcast3A_136 = tpu.bitcast %get3A_135 : vector<1024x128xi32> -> vector<2048x128xbf16>
    %get3A_137 = arith.constant 9 : index
    %get3A_138 = arith.constant 0 : index
    %get3A_139 = arith.constant 0 : index
    %get3A_140 = vector.load %arg2[%get3A_137, %get3A_138, %get3A_139] : memref<27x128x128xf32, #tpu.memory_space<vmem>>, vector<1x128x128xf32>
    %get3A_141 = vector.shape_cast %get3A_140 : vector<1x128x128xf32> to vector<128x128xf32>
    %convert_element_type3A_142 = arith.truncf %get3A_141 : vector<128x128xf32> to vector<128x128xbf16>
    %dot_general3A_143 = arith.constant dense<0.000000e+00> : vector<2048x128xf32>
    %dot_general3A_144 = tpu.matmul %bitcast3A_136, %convert_element_type3A_142, %dot_general3A_143 {dimension_numbers = #tpu.dot_dimension_numbers<[1], [0], [0], [1], [0, 0, 1, 1], [], []>, transpose_lhs_hint = false} : vector<2048x128xbf16>, vector<128x128xbf16>, vector<2048x128xf32> -> vector<2048x128xf32>
    %add3A_145 = arith.addf %add3A_130, %dot_general3A_144 : vector<2048x128xf32>
    %get3A_146 = arith.constant 10 : index
    %get3A_147 = arith.constant 0 : index
    %get3A_148 = arith.constant 0 : index
    %get3A_149 = vector.load %arg1[%get3A_146, %get3A_147, %get3A_148] : memref<27x1024x128xi32, #tpu.memory_space<vmem>>, vector<1x1024x128xi32>
    %get3A_150 = vector.shape_cast %get3A_149 : vector<1x1024x128xi32> to vector<1024x128xi32>
    %bitcast3A_151 = tpu.bitcast %get3A_150 : vector<1024x128xi32> -> vector<2048x128xbf16>
    %get3A_152 = arith.constant 10 : index
    %get3A_153 = arith.constant 0 : index
    %get3A_154 = arith.constant 0 : index
    %get3A_155 = vector.load %arg2[%get3A_152, %get3A_153, %get3A_154] : memref<27x128x128xf32, #tpu.memory_space<vmem>>, vector<1x128x128xf32>
    %get3A_156 = vector.shape_cast %get3A_155 : vector<1x128x128xf32> to vector<128x128xf32>
    %convert_element_type3A_157 = arith.truncf %get3A_156 : vector<128x128xf32> to vector<128x128xbf16>
    %dot_general3A_158 = arith.constant dense<0.000000e+00> : vector<2048x128xf32>
    %dot_general3A_159 = tpu.matmul %bitcast3A_151, %convert_element_type3A_157, %dot_general3A_158 {dimension_numbers = #tpu.dot_dimension_numbers<[1], [0], [0], [1], [0, 0, 1, 1], [], []>, transpose_lhs_hint = false} : vector<2048x128xbf16>, vector<128x128xbf16>, vector<2048x128xf32> -> vector<2048x128xf32>
    %add3A_160 = arith.addf %add3A_145, %dot_general3A_159 : vector<2048x128xf32>
    %get3A_161 = arith.constant 11 : index
    %get3A_162 = arith.constant 0 : index
    %get3A_163 = arith.constant 0 : index
    %get3A_164 = vector.load %arg1[%get3A_161, %get3A_162, %get3A_163] : memref<27x1024x128xi32, #tpu.memory_space<vmem>>, vector<1x1024x128xi32>
    %get3A_165 = vector.shape_cast %get3A_164 : vector<1x1024x128xi32> to vector<1024x128xi32>
    %bitcast3A_166 = tpu.bitcast %get3A_165 : vector<1024x128xi32> -> vector<2048x128xbf16>
    %get3A_167 = arith.constant 11 : index
    %get3A_168 = arith.constant 0 : index
    %get3A_169 = arith.constant 0 : index
    %get3A_170 = vector.load %arg2[%get3A_167, %get3A_168, %get3A_169] : memref<27x128x128xf32, #tpu.memory_space<vmem>>, vector<1x128x128xf32>
    %get3A_171 = vector.shape_cast %get3A_170 : vector<1x128x128xf32> to vector<128x128xf32>
    %convert_element_type3A_172 = arith.truncf %get3A_171 : vector<128x128xf32> to vector<128x128xbf16>
    %dot_general3A_173 = arith.constant dense<0.000000e+00> : vector<2048x128xf32>
    %dot_general3A_174 = tpu.matmul %bitcast3A_166, %convert_element_type3A_172, %dot_general3A_173 {dimension_numbers = #tpu.dot_dimension_numbers<[1], [0], [0], [1], [0, 0, 1, 1], [], []>, transpose_lhs_hint = false} : vector<2048x128xbf16>, vector<128x128xbf16>, vector<2048x128xf32> -> vector<2048x128xf32>
    %add3A_175 = arith.addf %add3A_160, %dot_general3A_174 : vector<2048x128xf32>
    %get3A_176 = arith.constant 12 : index
    %get3A_177 = arith.constant 0 : index
    %get3A_178 = arith.constant 0 : index
    %get3A_179 = vector.load %arg1[%get3A_176, %get3A_177, %get3A_178] : memref<27x1024x128xi32, #tpu.memory_space<vmem>>, vector<1x1024x128xi32>
    %get3A_180 = vector.shape_cast %get3A_179 : vector<1x1024x128xi32> to vector<1024x128xi32>
    %bitcast3A_181 = tpu.bitcast %get3A_180 : vector<1024x128xi32> -> vector<2048x128xbf16>
    %get3A_182 = arith.constant 12 : index
    %get3A_183 = arith.constant 0 : index
    %get3A_184 = arith.constant 0 : index
    %get3A_185 = vector.load %arg2[%get3A_182, %get3A_183, %get3A_184] : memref<27x128x128xf32, #tpu.memory_space<vmem>>, vector<1x128x128xf32>
    %get3A_186 = vector.shape_cast %get3A_185 : vector<1x128x128xf32> to vector<128x128xf32>
    %convert_element_type3A_187 = arith.truncf %get3A_186 : vector<128x128xf32> to vector<128x128xbf16>
    %dot_general3A_188 = arith.constant dense<0.000000e+00> : vector<2048x128xf32>
    %dot_general3A_189 = tpu.matmul %bitcast3A_181, %convert_element_type3A_187, %dot_general3A_188 {dimension_numbers = #tpu.dot_dimension_numbers<[1], [0], [0], [1], [0, 0, 1, 1], [], []>, transpose_lhs_hint = false} : vector<2048x128xbf16>, vector<128x128xbf16>, vector<2048x128xf32> -> vector<2048x128xf32>
    %add3A_190 = arith.addf %add3A_175, %dot_general3A_189 : vector<2048x128xf32>
    %get3A_191 = arith.constant 13 : index
    %get3A_192 = arith.constant 0 : index
    %get3A_193 = arith.constant 0 : index
    %get3A_194 = vector.load %arg1[%get3A_191, %get3A_192, %get3A_193] : memref<27x1024x128xi32, #tpu.memory_space<vmem>>, vector<1x1024x128xi32>
    %get3A_195 = vector.shape_cast %get3A_194 : vector<1x1024x128xi32> to vector<1024x128xi32>
    %bitcast3A_196 = tpu.bitcast %get3A_195 : vector<1024x128xi32> -> vector<2048x128xbf16>
    %get3A_197 = arith.constant 13 : index
    %get3A_198 = arith.constant 0 : index
    %get3A_199 = arith.constant 0 : index
    %get3A_200 = vector.load %arg2[%get3A_197, %get3A_198, %get3A_199] : memref<27x128x128xf32, #tpu.memory_space<vmem>>, vector<1x128x128xf32>
    %get3A_201 = vector.shape_cast %get3A_200 : vector<1x128x128xf32> to vector<128x128xf32>
    %convert_element_type3A_202 = arith.truncf %get3A_201 : vector<128x128xf32> to vector<128x128xbf16>
    %dot_general3A_203 = arith.constant dense<0.000000e+00> : vector<2048x128xf32>
    %dot_general3A_204 = tpu.matmul %bitcast3A_196, %convert_element_type3A_202, %dot_general3A_203 {dimension_numbers = #tpu.dot_dimension_numbers<[1], [0], [0], [1], [0, 0, 1, 1], [], []>, transpose_lhs_hint = false} : vector<2048x128xbf16>, vector<128x128xbf16>, vector<2048x128xf32> -> vector<2048x128xf32>
    %add3A_205 = arith.addf %add3A_190, %dot_general3A_204 : vector<2048x128xf32>
    %get3A_206 = arith.constant 14 : index
    %get3A_207 = arith.constant 0 : index
    %get3A_208 = arith.constant 0 : index
    %get3A_209 = vector.load %arg1[%get3A_206, %get3A_207, %get3A_208] : memref<27x1024x128xi32, #tpu.memory_space<vmem>>, vector<1x1024x128xi32>
    %get3A_210 = vector.shape_cast %get3A_209 : vector<1x1024x128xi32> to vector<1024x128xi32>
    %bitcast3A_211 = tpu.bitcast %get3A_210 : vector<1024x128xi32> -> vector<2048x128xbf16>
    %get3A_212 = arith.constant 14 : index
    %get3A_213 = arith.constant 0 : index
    %get3A_214 = arith.constant 0 : index
    %get3A_215 = vector.load %arg2[%get3A_212, %get3A_213, %get3A_214] : memref<27x128x128xf32, #tpu.memory_space<vmem>>, vector<1x128x128xf32>
    %get3A_216 = vector.shape_cast %get3A_215 : vector<1x128x128xf32> to vector<128x128xf32>
    %convert_element_type3A_217 = arith.truncf %get3A_216 : vector<128x128xf32> to vector<128x128xbf16>
    %dot_general3A_218 = arith.constant dense<0.000000e+00> : vector<2048x128xf32>
    %dot_general3A_219 = tpu.matmul %bitcast3A_211, %convert_element_type3A_217, %dot_general3A_218 {dimension_numbers = #tpu.dot_dimension_numbers<[1], [0], [0], [1], [0, 0, 1, 1], [], []>, transpose_lhs_hint = false} : vector<2048x128xbf16>, vector<128x128xbf16>, vector<2048x128xf32> -> vector<2048x128xf32>
    %add3A_220 = arith.addf %add3A_205, %dot_general3A_219 : vector<2048x128xf32>
    %get3A_221 = arith.constant 15 : index
    %get3A_222 = arith.constant 0 : index
    %get3A_223 = arith.constant 0 : index
    %get3A_224 = vector.load %arg1[%get3A_221, %get3A_222, %get3A_223] : memref<27x1024x128xi32, #tpu.memory_space<vmem>>, vector<1x1024x128xi32>
    %get3A_225 = vector.shape_cast %get3A_224 : vector<1x1024x128xi32> to vector<1024x128xi32>
    %bitcast3A_226 = tpu.bitcast %get3A_225 : vector<1024x128xi32> -> vector<2048x128xbf16>
    %get3A_227 = arith.constant 15 : index
    %get3A_228 = arith.constant 0 : index
    %get3A_229 = arith.constant 0 : index
    %get3A_230 = vector.load %arg2[%get3A_227, %get3A_228, %get3A_229] : memref<27x128x128xf32, #tpu.memory_space<vmem>>, vector<1x128x128xf32>
    %get3A_231 = vector.shape_cast %get3A_230 : vector<1x128x128xf32> to vector<128x128xf32>
    %convert_element_type3A_232 = arith.truncf %get3A_231 : vector<128x128xf32> to vector<128x128xbf16>
    %dot_general3A_233 = arith.constant dense<0.000000e+00> : vector<2048x128xf32>
    %dot_general3A_234 = tpu.matmul %bitcast3A_226, %convert_element_type3A_232, %dot_general3A_233 {dimension_numbers = #tpu.dot_dimension_numbers<[1], [0], [0], [1], [0, 0, 1, 1], [], []>, transpose_lhs_hint = false} : vector<2048x128xbf16>, vector<128x128xbf16>, vector<2048x128xf32> -> vector<2048x128xf32>
    %add3A_235 = arith.addf %add3A_220, %dot_general3A_234 : vector<2048x128xf32>
    %get3A_236 = arith.constant 16 : index
    %get3A_237 = arith.constant 0 : index
    %get3A_238 = arith.constant 0 : index
    %get3A_239 = vector.load %arg1[%get3A_236, %get3A_237, %get3A_238] : memref<27x1024x128xi32, #tpu.memory_space<vmem>>, vector<1x1024x128xi32>
    %get3A_240 = vector.shape_cast %get3A_239 : vector<1x1024x128xi32> to vector<1024x128xi32>
    %bitcast3A_241 = tpu.bitcast %get3A_240 : vector<1024x128xi32> -> vector<2048x128xbf16>
    %get3A_242 = arith.constant 16 : index
    %get3A_243 = arith.constant 0 : index
    %get3A_244 = arith.constant 0 : index
    %get3A_245 = vector.load %arg2[%get3A_242, %get3A_243, %get3A_244] : memref<27x128x128xf32, #tpu.memory_space<vmem>>, vector<1x128x128xf32>
    %get3A_246 = vector.shape_cast %get3A_245 : vector<1x128x128xf32> to vector<128x128xf32>
    %convert_element_type3A_247 = arith.truncf %get3A_246 : vector<128x128xf32> to vector<128x128xbf16>
    %dot_general3A_248 = arith.constant dense<0.000000e+00> : vector<2048x128xf32>
    %dot_general3A_249 = tpu.matmul %bitcast3A_241, %convert_element_type3A_247, %dot_general3A_248 {dimension_numbers = #tpu.dot_dimension_numbers<[1], [0], [0], [1], [0, 0, 1, 1], [], []>, transpose_lhs_hint = false} : vector<2048x128xbf16>, vector<128x128xbf16>, vector<2048x128xf32> -> vector<2048x128xf32>
    %add3A_250 = arith.addf %add3A_235, %dot_general3A_249 : vector<2048x128xf32>
    %get3A_251 = arith.constant 17 : index
    %get3A_252 = arith.constant 0 : index
    %get3A_253 = arith.constant 0 : index
    %get3A_254 = vector.load %arg1[%get3A_251, %get3A_252, %get3A_253] : memref<27x1024x128xi32, #tpu.memory_space<vmem>>, vector<1x1024x128xi32>
    %get3A_255 = vector.shape_cast %get3A_254 : vector<1x1024x128xi32> to vector<1024x128xi32>
    %bitcast3A_256 = tpu.bitcast %get3A_255 : vector<1024x128xi32> -> vector<2048x128xbf16>
    %get3A_257 = arith.constant 17 : index
    %get3A_258 = arith.constant 0 : index
    %get3A_259 = arith.constant 0 : index
    %get3A_260 = vector.load %arg2[%get3A_257, %get3A_258, %get3A_259] : memref<27x128x128xf32, #tpu.memory_space<vmem>>, vector<1x128x128xf32>
    %get3A_261 = vector.shape_cast %get3A_260 : vector<1x128x128xf32> to vector<128x128xf32>
    %convert_element_type3A_262 = arith.truncf %get3A_261 : vector<128x128xf32> to vector<128x128xbf16>
    %dot_general3A_263 = arith.constant dense<0.000000e+00> : vector<2048x128xf32>
    %dot_general3A_264 = tpu.matmul %bitcast3A_256, %convert_element_type3A_262, %dot_general3A_263 {dimension_numbers = #tpu.dot_dimension_numbers<[1], [0], [0], [1], [0, 0, 1, 1], [], []>, transpose_lhs_hint = false} : vector<2048x128xbf16>, vector<128x128xbf16>, vector<2048x128xf32> -> vector<2048x128xf32>
    %add3A_265 = arith.addf %add3A_250, %dot_general3A_264 : vector<2048x128xf32>
    %get3A_266 = arith.constant 18 : index
    %get3A_267 = arith.constant 0 : index
    %get3A_268 = arith.constant 0 : index
    %get3A_269 = vector.load %arg1[%get3A_266, %get3A_267, %get3A_268] : memref<27x1024x128xi32, #tpu.memory_space<vmem>>, vector<1x1024x128xi32>
    %get3A_270 = vector.shape_cast %get3A_269 : vector<1x1024x128xi32> to vector<1024x128xi32>
    %bitcast3A_271 = tpu.bitcast %get3A_270 : vector<1024x128xi32> -> vector<2048x128xbf16>
    %get3A_272 = arith.constant 18 : index
    %get3A_273 = arith.constant 0 : index
    %get3A_274 = arith.constant 0 : index
    %get3A_275 = vector.load %arg2[%get3A_272, %get3A_273, %get3A_274] : memref<27x128x128xf32, #tpu.memory_space<vmem>>, vector<1x128x128xf32>
    %get3A_276 = vector.shape_cast %get3A_275 : vector<1x128x128xf32> to vector<128x128xf32>
    %convert_element_type3A_277 = arith.truncf %get3A_276 : vector<128x128xf32> to vector<128x128xbf16>
    %dot_general3A_278 = arith.constant dense<0.000000e+00> : vector<2048x128xf32>
    %dot_general3A_279 = tpu.matmul %bitcast3A_271, %convert_element_type3A_277, %dot_general3A_278 {dimension_numbers = #tpu.dot_dimension_numbers<[1], [0], [0], [1], [0, 0, 1, 1], [], []>, transpose_lhs_hint = false} : vector<2048x128xbf16>, vector<128x128xbf16>, vector<2048x128xf32> -> vector<2048x128xf32>
    %add3A_280 = arith.addf %add3A_265, %dot_general3A_279 : vector<2048x128xf32>
    %get3A_281 = arith.constant 19 : index
    %get3A_282 = arith.constant 0 : index
    %get3A_283 = arith.constant 0 : index
    %get3A_284 = vector.load %arg1[%get3A_281, %get3A_282, %get3A_283] : memref<27x1024x128xi32, #tpu.memory_space<vmem>>, vector<1x1024x128xi32>
    %get3A_285 = vector.shape_cast %get3A_284 : vector<1x1024x128xi32> to vector<1024x128xi32>
    %bitcast3A_286 = tpu.bitcast %get3A_285 : vector<1024x128xi32> -> vector<2048x128xbf16>
    %get3A_287 = arith.constant 19 : index
    %get3A_288 = arith.constant 0 : index
    %get3A_289 = arith.constant 0 : index
    %get3A_290 = vector.load %arg2[%get3A_287, %get3A_288, %get3A_289] : memref<27x128x128xf32, #tpu.memory_space<vmem>>, vector<1x128x128xf32>
    %get3A_291 = vector.shape_cast %get3A_290 : vector<1x128x128xf32> to vector<128x128xf32>
    %convert_element_type3A_292 = arith.truncf %get3A_291 : vector<128x128xf32> to vector<128x128xbf16>
    %dot_general3A_293 = arith.constant dense<0.000000e+00> : vector<2048x128xf32>
    %dot_general3A_294 = tpu.matmul %bitcast3A_286, %convert_element_type3A_292, %dot_general3A_293 {dimension_numbers = #tpu.dot_dimension_numbers<[1], [0], [0], [1], [0, 0, 1, 1], [], []>, transpose_lhs_hint = false} : vector<2048x128xbf16>, vector<128x128xbf16>, vector<2048x128xf32> -> vector<2048x128xf32>
    %add3A_295 = arith.addf %add3A_280, %dot_general3A_294 : vector<2048x128xf32>
    %get3A_296 = arith.constant 20 : index
    %get3A_297 = arith.constant 0 : index
    %get3A_298 = arith.constant 0 : index
    %get3A_299 = vector.load %arg1[%get3A_296, %get3A_297, %get3A_298] : memref<27x1024x128xi32, #tpu.memory_space<vmem>>, vector<1x1024x128xi32>
    %get3A_300 = vector.shape_cast %get3A_299 : vector<1x1024x128xi32> to vector<1024x128xi32>
    %bitcast3A_301 = tpu.bitcast %get3A_300 : vector<1024x128xi32> -> vector<2048x128xbf16>
    %get3A_302 = arith.constant 20 : index
    %get3A_303 = arith.constant 0 : index
    %get3A_304 = arith.constant 0 : index
    %get3A_305 = vector.load %arg2[%get3A_302, %get3A_303, %get3A_304] : memref<27x128x128xf32, #tpu.memory_space<vmem>>, vector<1x128x128xf32>
    %get3A_306 = vector.shape_cast %get3A_305 : vector<1x128x128xf32> to vector<128x128xf32>
    %convert_element_type3A_307 = arith.truncf %get3A_306 : vector<128x128xf32> to vector<128x128xbf16>
    %dot_general3A_308 = arith.constant dense<0.000000e+00> : vector<2048x128xf32>
    %dot_general3A_309 = tpu.matmul %bitcast3A_301, %convert_element_type3A_307, %dot_general3A_308 {dimension_numbers = #tpu.dot_dimension_numbers<[1], [0], [0], [1], [0, 0, 1, 1], [], []>, transpose_lhs_hint = false} : vector<2048x128xbf16>, vector<128x128xbf16>, vector<2048x128xf32> -> vector<2048x128xf32>
    %add3A_310 = arith.addf %add3A_295, %dot_general3A_309 : vector<2048x128xf32>
    %get3A_311 = arith.constant 21 : index
    %get3A_312 = arith.constant 0 : index
    %get3A_313 = arith.constant 0 : index
    %get3A_314 = vector.load %arg1[%get3A_311, %get3A_312, %get3A_313] : memref<27x1024x128xi32, #tpu.memory_space<vmem>>, vector<1x1024x128xi32>
    %get3A_315 = vector.shape_cast %get3A_314 : vector<1x1024x128xi32> to vector<1024x128xi32>
    %bitcast3A_316 = tpu.bitcast %get3A_315 : vector<1024x128xi32> -> vector<2048x128xbf16>
    %get3A_317 = arith.constant 21 : index
    %get3A_318 = arith.constant 0 : index
    %get3A_319 = arith.constant 0 : index
    %get3A_320 = vector.load %arg2[%get3A_317, %get3A_318, %get3A_319] : memref<27x128x128xf32, #tpu.memory_space<vmem>>, vector<1x128x128xf32>
    %get3A_321 = vector.shape_cast %get3A_320 : vector<1x128x128xf32> to vector<128x128xf32>
    %convert_element_type3A_322 = arith.truncf %get3A_321 : vector<128x128xf32> to vector<128x128xbf16>
    %dot_general3A_323 = arith.constant dense<0.000000e+00> : vector<2048x128xf32>
    %dot_general3A_324 = tpu.matmul %bitcast3A_316, %convert_element_type3A_322, %dot_general3A_323 {dimension_numbers = #tpu.dot_dimension_numbers<[1], [0], [0], [1], [0, 0, 1, 1], [], []>, transpose_lhs_hint = false} : vector<2048x128xbf16>, vector<128x128xbf16>, vector<2048x128xf32> -> vector<2048x128xf32>
    %add3A_325 = arith.addf %add3A_310, %dot_general3A_324 : vector<2048x128xf32>
    %get3A_326 = arith.constant 22 : index
    %get3A_327 = arith.constant 0 : index
    %get3A_328 = arith.constant 0 : index
    %get3A_329 = vector.load %arg1[%get3A_326, %get3A_327, %get3A_328] : memref<27x1024x128xi32, #tpu.memory_space<vmem>>, vector<1x1024x128xi32>
    %get3A_330 = vector.shape_cast %get3A_329 : vector<1x1024x128xi32> to vector<1024x128xi32>
    %bitcast3A_331 = tpu.bitcast %get3A_330 : vector<1024x128xi32> -> vector<2048x128xbf16>
    %get3A_332 = arith.constant 22 : index
    %get3A_333 = arith.constant 0 : index
    %get3A_334 = arith.constant 0 : index
    %get3A_335 = vector.load %arg2[%get3A_332, %get3A_333, %get3A_334] : memref<27x128x128xf32, #tpu.memory_space<vmem>>, vector<1x128x128xf32>
    %get3A_336 = vector.shape_cast %get3A_335 : vector<1x128x128xf32> to vector<128x128xf32>
    %convert_element_type3A_337 = arith.truncf %get3A_336 : vector<128x128xf32> to vector<128x128xbf16>
    %dot_general3A_338 = arith.constant dense<0.000000e+00> : vector<2048x128xf32>
    %dot_general3A_339 = tpu.matmul %bitcast3A_331, %convert_element_type3A_337, %dot_general3A_338 {dimension_numbers = #tpu.dot_dimension_numbers<[1], [0], [0], [1], [0, 0, 1, 1], [], []>, transpose_lhs_hint = false} : vector<2048x128xbf16>, vector<128x128xbf16>, vector<2048x128xf32> -> vector<2048x128xf32>
    %add3A_340 = arith.addf %add3A_325, %dot_general3A_339 : vector<2048x128xf32>
    %get3A_341 = arith.constant 23 : index
    %get3A_342 = arith.constant 0 : index
    %get3A_343 = arith.constant 0 : index
    %get3A_344 = vector.load %arg1[%get3A_341, %get3A_342, %get3A_343] : memref<27x1024x128xi32, #tpu.memory_space<vmem>>, vector<1x1024x128xi32>
    %get3A_345 = vector.shape_cast %get3A_344 : vector<1x1024x128xi32> to vector<1024x128xi32>
    %bitcast3A_346 = tpu.bitcast %get3A_345 : vector<1024x128xi32> -> vector<2048x128xbf16>
    %get3A_347 = arith.constant 23 : index
    %get3A_348 = arith.constant 0 : index
    %get3A_349 = arith.constant 0 : index
    %get3A_350 = vector.load %arg2[%get3A_347, %get3A_348, %get3A_349] : memref<27x128x128xf32, #tpu.memory_space<vmem>>, vector<1x128x128xf32>
    %get3A_351 = vector.shape_cast %get3A_350 : vector<1x128x128xf32> to vector<128x128xf32>
    %convert_element_type3A_352 = arith.truncf %get3A_351 : vector<128x128xf32> to vector<128x128xbf16>
    %dot_general3A_353 = arith.constant dense<0.000000e+00> : vector<2048x128xf32>
    %dot_general3A_354 = tpu.matmul %bitcast3A_346, %convert_element_type3A_352, %dot_general3A_353 {dimension_numbers = #tpu.dot_dimension_numbers<[1], [0], [0], [1], [0, 0, 1, 1], [], []>, transpose_lhs_hint = false} : vector<2048x128xbf16>, vector<128x128xbf16>, vector<2048x128xf32> -> vector<2048x128xf32>
    %add3A_355 = arith.addf %add3A_340, %dot_general3A_354 : vector<2048x128xf32>
    %get3A_356 = arith.constant 24 : index
    %get3A_357 = arith.constant 0 : index
    %get3A_358 = arith.constant 0 : index
    %get3A_359 = vector.load %arg1[%get3A_356, %get3A_357, %get3A_358] : memref<27x1024x128xi32, #tpu.memory_space<vmem>>, vector<1x1024x128xi32>
    %get3A_360 = vector.shape_cast %get3A_359 : vector<1x1024x128xi32> to vector<1024x128xi32>
    %bitcast3A_361 = tpu.bitcast %get3A_360 : vector<1024x128xi32> -> vector<2048x128xbf16>
    %get3A_362 = arith.constant 24 : index
    %get3A_363 = arith.constant 0 : index
    %get3A_364 = arith.constant 0 : index
    %get3A_365 = vector.load %arg2[%get3A_362, %get3A_363, %get3A_364] : memref<27x128x128xf32, #tpu.memory_space<vmem>>, vector<1x128x128xf32>
    %get3A_366 = vector.shape_cast %get3A_365 : vector<1x128x128xf32> to vector<128x128xf32>
    %convert_element_type3A_367 = arith.truncf %get3A_366 : vector<128x128xf32> to vector<128x128xbf16>
    %dot_general3A_368 = arith.constant dense<0.000000e+00> : vector<2048x128xf32>
    %dot_general3A_369 = tpu.matmul %bitcast3A_361, %convert_element_type3A_367, %dot_general3A_368 {dimension_numbers = #tpu.dot_dimension_numbers<[1], [0], [0], [1], [0, 0, 1, 1], [], []>, transpose_lhs_hint = false} : vector<2048x128xbf16>, vector<128x128xbf16>, vector<2048x128xf32> -> vector<2048x128xf32>
    %add3A_370 = arith.addf %add3A_355, %dot_general3A_369 : vector<2048x128xf32>
    %get3A_371 = arith.constant 25 : index
    %get3A_372 = arith.constant 0 : index
    %get3A_373 = arith.constant 0 : index
    %get3A_374 = vector.load %arg1[%get3A_371, %get3A_372, %get3A_373] : memref<27x1024x128xi32, #tpu.memory_space<vmem>>, vector<1x1024x128xi32>
    %get3A_375 = vector.shape_cast %get3A_374 : vector<1x1024x128xi32> to vector<1024x128xi32>
    %bitcast3A_376 = tpu.bitcast %get3A_375 : vector<1024x128xi32> -> vector<2048x128xbf16>
    %get3A_377 = arith.constant 25 : index
    %get3A_378 = arith.constant 0 : index
    %get3A_379 = arith.constant 0 : index
    %get3A_380 = vector.load %arg2[%get3A_377, %get3A_378, %get3A_379] : memref<27x128x128xf32, #tpu.memory_space<vmem>>, vector<1x128x128xf32>
    %get3A_381 = vector.shape_cast %get3A_380 : vector<1x128x128xf32> to vector<128x128xf32>
    %convert_element_type3A_382 = arith.truncf %get3A_381 : vector<128x128xf32> to vector<128x128xbf16>
    %dot_general3A_383 = arith.constant dense<0.000000e+00> : vector<2048x128xf32>
    %dot_general3A_384 = tpu.matmul %bitcast3A_376, %convert_element_type3A_382, %dot_general3A_383 {dimension_numbers = #tpu.dot_dimension_numbers<[1], [0], [0], [1], [0, 0, 1, 1], [], []>, transpose_lhs_hint = false} : vector<2048x128xbf16>, vector<128x128xbf16>, vector<2048x128xf32> -> vector<2048x128xf32>
    %add3A_385 = arith.addf %add3A_370, %dot_general3A_384 : vector<2048x128xf32>
    %get3A_386 = arith.constant 26 : index
    %get3A_387 = arith.constant 0 : index
    %get3A_388 = arith.constant 0 : index
    %get3A_389 = vector.load %arg1[%get3A_386, %get3A_387, %get3A_388] : memref<27x1024x128xi32, #tpu.memory_space<vmem>>, vector<1x1024x128xi32>
    %get3A_390 = vector.shape_cast %get3A_389 : vector<1x1024x128xi32> to vector<1024x128xi32>
    %bitcast3A_391 = tpu.bitcast %get3A_390 : vector<1024x128xi32> -> vector<2048x128xbf16>
    %get3A_392 = arith.constant 26 : index
    %get3A_393 = arith.constant 0 : index
    %get3A_394 = arith.constant 0 : index
    %get3A_395 = vector.load %arg2[%get3A_392, %get3A_393, %get3A_394] : memref<27x128x128xf32, #tpu.memory_space<vmem>>, vector<1x128x128xf32>
    %get3A_396 = vector.shape_cast %get3A_395 : vector<1x128x128xf32> to vector<128x128xf32>
    %convert_element_type3A_397 = arith.truncf %get3A_396 : vector<128x128xf32> to vector<128x128xbf16>
    %dot_general3A_398 = arith.constant dense<0.000000e+00> : vector<2048x128xf32>
    %dot_general3A_399 = tpu.matmul %bitcast3A_391, %convert_element_type3A_397, %dot_general3A_398 {dimension_numbers = #tpu.dot_dimension_numbers<[1], [0], [0], [1], [0, 0, 1, 1], [], []>, transpose_lhs_hint = false} : vector<2048x128xbf16>, vector<128x128xbf16>, vector<2048x128xf32> -> vector<2048x128xf32>
    %add3A_400 = arith.addf %add3A_385, %dot_general3A_399 : vector<2048x128xf32>
    %swap3A = arith.constant 0 : index
    %swap3A_401 = arith.constant 0 : index
    %swap3A_402 = vector.load %arg3[%swap3A, %swap3A_401] : memref<2048x128xf32, #tpu.memory_space<vmem>>, vector<2048x128xf32>
    tpu.vector_store %arg3[%swap3A, %swap3A_401], %add3A_400 {strides = array<i32>} : memref<2048x128xf32, #tpu.memory_space<vmem>>, vector<2048x128xf32>,
    return
  }
  func.func @transform_0(%arg0: i32) -> (i32, i32, i32) {
    %c0_i32 = arith.constant 0 : i32
    %c0_i32_0 = arith.constant 0 : i32
    %c0_i32_1 = arith.constant 0 : i32
    return %c0_i32, %arg0, %c0_i32_0 : i32, i32, i32
  }
  func.func @transform_1(%arg0: i32) -> (i32, i32, i32) {
    %c0_i32 = arith.constant 0 : i32
    %c0_i32_0 = arith.constant 0 : i32
    %c0_i32_1 = arith.constant 0 : i32
    %c0_i32_2 = arith.constant 0 : i32
    return %c0_i32, %c0_i32_0, %c0_i32_1 : i32, i32, i32
  }
  func.func @transform_2(%arg0: i32) -> (i32, i32) {
    %c0_i32 = arith.constant 0 : i32
    %c0_i32_0 = arith.constant 0 : i32
    return %arg0, %c0_i32 : i32, i32
  }
}

</mosaic_0001>

<sc_bundles>
// kernel: kernel.4.cloned.1.call-start
scs
__scs_entry_jumppad:
0x0: {  	(pc) =	sbr.rel $0x88, $3  }
0x1: {  	(tag) =	ssettag $0x0;
	lr =	simm.s32 $0x1  }
0x2: {  	[smem:$0x3F9E] =	sst lr;
	_ =	strace $0xD0000000  }
0x3: {  	_ = 	snop  }
0x4: {  	_ = 	snop  }
0x5: {  	_ = 	snop  }
0x6: {  	_ = 	snop  }
0x7: {  	_ = 	snop  }
__scs_overlays_trampoline_lowered:
0x8: {  	[smem:$0x3FAD] =	sst s0  }
0x9: {  	[smem:$0x3FAE] =	sst s1  }
0xa: {  	[smem:$0x3FAF] =	sst s2  }
0xb: {  	[smem:$0x3FB0] =	sst s3  }
0xc: {  	[smem:$0x3FB1] =	sst s4  }
0xd: {  	[smem:$0x3FB2] =	sst s5  }
0xe: {  	[smem:$0x3FB3] =	sst s6  }
0xf: {  	[smem:$0x3FB4] =	sst s7  }
0x10: {  	[smem:$0x3FB5] =	sst s8  }
0x11: {  	[smem:$0x3FB6] =	sst s9;
	s0 =	simm.s32 @!p0 $0x0  }
0x12: {  	s1 =	sld [smem:$0x3F9C];
	s0 =	simm.s32 @p0 $0x1  }
0x13: {  	[smem:$0x3FB7] =	sst s0;
	s0 =	simm.s32 @!p1 $0x0  }
0x14: {  	s2 =	sld [smem:$0x3F9B];
	s0 =	simm.s32 @p1 $0x1  }
0x15: {  	[smem:$0x3FB8] =	sst s0;
	s0 =	simm.s32 @!p2 $0x0  }
0x16: {  	s3 =	sld [smem:$0x3FDB];
	s0 =	simm.s32 @p2 $0x1  }
0x17: {  	s4 =	simm.s32 $0x1BF5;
	[smem:$0x3FBA] =	sst s0  }
0x18: {  	s0 =	sld [smem:$0x3F9D];
	_ =	swait.ge [sflag:s4], $0x0  }
0x19: {  	s7 =	sld [smem:$0x3F9E]  }
0x1a: {  	s8 =	sadd.s32 $0xFFFFE003, lr  }
0x1b: {  	s9 =	sadd.s32 $0xFFFFFEF7, lr;
	s5 =	simm.s32 $0xFFFFFFFF;
	p2 =	slt.u32 s8, $0xFFFFF086  }
0x1c: {  	p1 =	slt.u32 s9, $0xF7A;
	s5 =	simm.s32 @!p2 $0x0  }
0x1d: {  	s5 =	simm.s32 @p1 $0x1;
	p0 =	seq.s32 s7, s2  }
0x1e: {  	s7 =	smul.u32 @!p0 $0xF7A, s2;
	p2 =	seq.s32 @!p0 s5, $0x0  }
0x1f: {  	s9 =	smul.u32 $0xF7A, s1;
	s8 =	simm.s32 @!p0 $0x1BF5;
	p2 =	por !p2, p0  }
0x20: {  	[sflag:s8] =	ssyncset.s32 @!p0 $0xFFFFF086;
	s6 =	sadd.s32 @!p0 s3, s7;
	s7 =	simm.s32 @!p0 $0x108  }
0x21: {  	s3 =	sadd.s32 s3, s9;
	s6 =	sadd.s32 @!p0 $0x88, s6;
	s7 =	simm.s32 @p2 $0x1082  }
0x22: {  	[simem:s7], [sflag:s8] =	dma.local @!p0 [hbm:s6], $0xF7A  }
0x23: {  	s9 =	sor.u32 $0xD0000000, s2;
	s6 =	simm.s32 $0x108;
	_ =	swait.ge @!p0 [sflag:s8], $0x0  }
0x24: {  	s3 =	sadd.s32 $0x88, s3;
	s6 =	simm.s32 @!p1 $0x1082;
	[sflag:s4] =	ssyncset.s32 $0xFFFFF086  }
0x25: {  	[simem:s6], [sflag:s4] =	dma.local [hbm:s3], $0xF7A  }
0x26: {  	[smem:$0x3F9E] =	sst s1;
	(tag) =	ssettag s2;
	_ =	strace s9  }
0x27: {  	s1 =	sld [smem:$0x3FAE]  }
0x28: {  	s2 =	sld [smem:$0x3FAF]  }
0x29: {  	s4 =	sld [smem:$0x3FB1]  }
0x2a: {  	p0 =	seq.s32 s5, $0x0;
	s5 =	sld [smem:$0x3FB2]  }
0x2b: {  	s6 =	sld [smem:$0x3FB3]  }
0x2c: {  	s7 =	sld [smem:$0x3FB4]  }
0x2d: {  	s3 =	simm.s32 $0x108;
	s8 =	sld [smem:$0x3FB5]  }
0x2e: {  	s3 =	simm.s32 @!p0 $0x1082;
	s9 =	sld [smem:$0x3FB6]  }
0x2f: {  	lr =	sadd.s32 s0, s3;
	s0 =	sld [smem:$0x3FAD]  }
0x30: {  	s3 =	sld [smem:$0x3FB0]  }
0x31: {  	[smem:$0x3FB9] =	sst s10  }
0x32: {  	s10 =	sld [smem:$0x3FB7];
	_ =	sdelay $0x3  }
0x33: {  	p0 =	seq.s32 s10, $0x1;
	s10 =	sld [smem:$0x3FB9];
	_ =	sdelay $0x3  }
0x34: {  	[smem:$0x3FB9] =	sst s10  }
0x35: {  	s10 =	sld [smem:$0x3FB8];
	_ =	sdelay $0x3  }
0x36: {  	p1 =	seq.s32 s10, $0x1;
	s10 =	sld [smem:$0x3FB9];
	_ =	sdelay $0x3  }
0x37: {  	[smem:$0x3FB9] =	sst s10  }
0x38: {  	s10 =	sld [smem:$0x3FBA]  }
0x39: {  	_ = 	snop;
	(pc) =	sbr.ind lr, $3  }
0x3a: {  	_ = 	snop  }
0x3b: {  	_ = 	snop  }
0x3c: {  	p2 =	seq.s32 s10, $0x1;
	s10 =	sld [smem:$0x3FB9]  }
0x3d: {  	_ =	shalt  }
0x3e: {  	_ =	shalt  }
0x3f: {  	_ =	shalt  }
0x40: {  	_ =	shalt  }
0x41: {  	_ =	shalt  }
0x42: {  	_ =	shalt  }
0x43: {  	_ =	shalt  }
0x44: {  	_ =	shalt  }
0x45: {  	_ =	shalt  }
0x46: {  	_ =	shalt  }
0x47: {  	_ =	shalt  }
0x48: {  	_ =	shalt  }
0x49: {  	_ =	shalt  }
0x4a: {  	_ =	shalt  }
0x4b: {  	_ =	shalt  }
0x4c: {  	_ =	shalt  }
0x4d: {  	_ =	shalt  }
0x4e: {  	_ =	shalt  }
0x4f: {  	_ =	shalt  }
0x50: {  	_ =	shalt  }
0x51: {  	_ =	shalt  }
0x52: {  	_ =	shalt  }
0x53: {  	_ =	shalt  }
0x54: {  	_ =	shalt  }
0x55: {  	_ =	shalt  }
0x56: {  	_ =	shalt  }
0x57: {  	_ =	shalt  }
0x58: {  	_ =	shalt  }
0x59: {  	_ =	shalt  }
0x5a: {  	_ =	shalt  }
0x5b: {  	_ =	shalt  }
0x5c: {  	_ =	shalt  }
0x5d: {  	_ =	shalt  }
0x5e: {  	_ =	shalt  }
0x5f: {  	_ =	shalt  }
0x60: {  	_ =	shalt  }
0x61: {  	_ =	shalt  }
0x62: {  	_ =	shalt  }
0x63: {  	_ =	shalt  }
0x64: {  	_ =	shalt  }
0x65: {  	_ =	shalt  }
0x66: {  	_ =	shalt  }
0x67: {  	_ =	shalt  }
0x68: {  	_ =	shalt  }
0x69: {  	_ =	shalt  }
0x6a: {  	_ =	shalt  }
0x6b: {  	_ =	shalt  }
0x6c: {  	_ =	shalt  }
0x6d: {  	_ =	shalt  }
0x6e: {  	_ =	shalt  }
0x6f: {  	_ =	shalt  }
0x70: {  	_ =	shalt  }
0x71: {  	_ =	shalt  }
0x72: {  	_ =	shalt  }
0x73: {  	_ =	shalt  }
0x74: {  	_ =	shalt  }
0x75: {  	_ =	shalt  }
0x76: {  	_ =	shalt  }
0x77: {  	_ =	shalt  }
0x78: {  	_ =	shalt  }
0x79: {  	_ =	shalt  }
0x7a: {  	_ =	shalt  }
0x7b: {  	_ =	shalt  }
0x7c: {  	_ =	shalt  }
0x7d: {  	_ =	shalt  }
0x7e: {  	_ =	shalt  }
0x7f: {  	_ =	shalt  }
0x80: {  	_ =	shalt  }
0x81: {  	_ =	shalt  }
0x82: {  	_ =	shalt  }
0x83: {  	_ =	shalt  }
0x84: {  	_ =	shalt  }
0x85: {  	_ =	shalt  }
0x86: {  	_ =	shalt  }
0x87: {  	_ =	shalt  }
.Lfunc_end0:
.L_simem_size_0:
called_computation_lowered:
.L_overlay_start_0:
0x88: {  	s2 =	sld [smem:$0x3FD9]  }
0x89: {  	s3 =	sld [smem:$0x3FFE];
	_ =	sdelay $0x1  }
0x8a: {  	s1 =	srdreg.scid  }
0x8b: {  	s0 =	sand.u32 $0x1, s1  }
0x8c: {  	s17 =	sshll.u32 s0, $0xA;
	s2 =	sadd.s32 s3, s2  }
0x8d: {  	s2 =	sadd.s32 s2, s17  }
0x8e: {  	[smem:$0x3FC5] =	sst s2  }
0x8f: {  	_ = 	snop  }
0x90: {  	s2 =	sld [smem:$0x3FC9]  }
0x91: {  	s18 =	sld [smem:$0x3FD0];
	(tm) =	ssettm $0x1  }
0x92: {  	s4 =	sld [smem:$0x3FFB];
	_ =	sdelay $0x3  }
0x93: {  	_ =	strace s4  }
0x94: {  	s4 =	sld [smem:$0x3FFC];
	_ =	sdelay $0x3  }
0x95: {  	_ =	strace s4  }
0x96: {  	s4 =	sld [smem:$0x3FFD];
	_ =	sdelay $0x3  }
0x97: {  	_ =	strace s4  }
0x98: {  	_ =	strace $0x8FFFFFFF  }
0x99: {  	s19 =	sld [smem:$0x3FDB];
	_ =	sdelay $0x1  }
0x9a: {  	s5 =	simm.s32 $_scs_section_size  }
0x9b: {  	s6 =	simm.s32 $_size__tile_overlayer_lowered;
	s7 =	simm.s32 $_tile_overlayer_lowered  }
0x9c: {  	s22 =	simm.s32 $0x1BFF;
	s21 =	sshll.u32 s7, $0x1;
	s4 =	sadd.s32 s5, s19  }
0x9d: {  	s8 =	simm.s32 $0x0;
	s20 =	sshll.u32 s6, $0x1;
	s6 =	sadd.s32 s21, s4  }
0x9e: {  	[timem:s8], [sflag:s22] =	dma.local [hbm:s6], s20  }
0x9f: {  	_ =	swait.ge [sflag:s22], s20  }
0xa0: {  	s5 =	ssub.s32 $0x0, s20;
	[sflag:s22] =	ssyncset.done $0x0  }
0xa1: {  	[sflag:s22] =	ssyncadd.s32 s5;
	_ =	sdelay $0x1  }
0xa2: {  	s23 =	simm.s32 $0x1B8B  }
0xa3: {  	_ =	swait.ge [sflag:s23], $0x1  }
0xa4: {  	[sflag:s23] =	ssyncset.done $0x0  }
0xa5: {  	s25 =	simm.s32 $0x1B8E;
	s24 =	sld [smem:$0x3FFE];
	[sflag:s23] =	ssyncadd.s32 $0xFFFFFFFF  }
0xa6: {  	s26 =	simm.s32 $execute0_lowered;
	[smem:$0x3FD2] =	sst s25  }
0xa7: {  	s6 =	sshll.u32 s26, $0x1;
	_ =	strace $0x80000046;
	[dreg:$0x1] =	wrdreg $0xFFFFFFFF  }
0xa8: {  	s28 =	simm.s32 $_size_execute0_lowered;
	s4 =	sadd.s32 s4, s6;
	[dreg:$0x0] =	wrdreg $0x0  }
0xa9: {  	s6 =	sshll.u32 s28, $0x1;
	[dreg:$0x2] =	wrdreg s4  }
0xaa: {  	[dreg:$0x3] =	wrdreg s6  }
0xab: {  	[dreg:$0x4] =	wrdreg $0xC0  }
0xac: {  	_ =	task [dreg:s8], $0x5FFFF  }
0xad: {  	[dreg:$0x1] =	wrdreg $0xFFFFFFFF  }
0xae: {  	[dreg:$0x0] =	wrdreg $0x60  }
0xaf: {  	[dreg:$0x2] =	wrdreg s2  }
0xb0: {  	[dreg:$0x3] =	wrdreg s18  }
0xb1: {  	[dreg:$0x4] =	wrdreg s24  }
0xb2: {  	[dreg:$0x5] =	wrdreg $0x9  }
0xb3: {  	_ =	task.clear_ibuf [dreg:s8], $0x6FFFF;
	_ =	strace $0x90000046  }
0xb4: {  	s29 =	simm.s32 $0x9;
	_ =	strace $0x80000048  }
0xb5: {  	_ =	swait.ge [sflag:s29], $0x1  }
0xb6: {  	[sflag:s29] =	ssyncadd.s32 $0xFFFFFFFF  }
0xb7: {  	_ =	strace $0x90000048  }
0xb8: {  	_ =	sfence  }
0xb9: {  	s30 =	sld [smem:$0x0];
	_ =	sdelay $0x2  }
0xba: {  	s31 =	sshll.u32 s1, $0xD;
	s1 =	sshrl.u32 s1, $0x2  }
0xbb: {  	s3 =	sand.u32 $0x4000, s31;
	s1 =	sadd.s32 s1, s30  }
0xbc: {  	s0 =	sor.u32 s3, s0;
	s1 =	sshll.u32 s1, $0x11  }
0xbd: {  	s0 =	sor.u32 s1, s0  }
0xbe: {  	s0 =	sadd.s32 $0x8F2B, s0  }
0xbf: {  	[sflag:s0] =	ssyncadd.remote.s32 $0x1  }
0xc0: {  	_ =	sfence.sel $0xFFFF  }
0xc1: {  	[dreg:$0x0] =	wrdreg $0xFFFFFFFF;
	(pc) =	sbr.abs _section_cstart, $3  }
0xc2: {  	[dreg:$0x1] =	wrdreg $0xFFFFFFFF  }
0xc3: {  	_ =	task.clear_ibuf [dreg:s8], $0x2FFFF;
	_ =	strace $0x9FFFFFFF  }
0xc4: {  	(tm) =	ssettm $0x7FFFFFFF  }
0xc5: {  	_ =	shalt  }
tec
execute0_lowered:
.L_overlay_start_1:
0x0: {  	(tag) =	ssettag $0x1  }
0x1: {  	s1 =	rddreg [dreg:$0x0]  }
0x2: {  	s0 =	rddreg [dreg:$0x1]  }
0x3: {  	s2 =	rddreg [dreg:$0x2]  }
0x4: {  	s3 =	srdreg.scid;
	s6 =	stileid.u32;
	s15 =	simm.s32 $0x7  }
0x5: {  	s16 =	simm.s32 $0x80;
	s17 =	simm.s32 $0x2200;
	s18 =	simm.s32 $0x6200  }
0x6: {  	s20 =	simm.s32 $0xA200;
	s29 =	simm.s32 $0x3;
	s5 =	sand.u32 $0x1, s3  }
0x7: {  	s31 =	simm.s32 $0x4;
	s19 =	simm.s32 $0x5;
	s4 =	sshll.u32 s5, $0x4  }
0x8: {  	s21 =	simm.s32 $0x6;
	s3 =	simm.s32 $0x0;
	s6 =	sor.u32 s6, s4  }
0x9: {  	s28 =	simm.s32 $0x0;
	[smem:$0x7FF] =	sst s3;
	s7 =	smul.u32 $0x87000, s6  }
0xa: {  	s22 =	ssub.s32 $0x2, s5;
	_ =	strace $0x80000047;
	s23 =	smul.u32 $0x438, s6  }
0xb: {  	s4 =	sadd.s32 $0x600, s2;
	s8 =	sshrl.u32 s22, $0x1;
	s9 =	smul.u32 $0x10E00, s6  }
0xc: {  	s2 =	ssub.s32 s22, s8;
	s6 =	smul.u32 $0x10E0, s6;
	s22 =	simm.s32 $0xE200  }
0xd: {  	s14 =	smax.u32 s2, $0x1;
	s7 =	sshrl.u32 s7, $0x3;
	s0 =	sadd.s32 s0, s23  }
0xe: {  	s24 =	sadd.s32 s4, s9;
	s8 =	sadd.s32 $0x100, s6;
	s9 =	sadd.s32 $0x180, s6  }
0xf: {  	s23 =	simm.s32 $0x1;
	s7 =	sadd.s32 s4, s7;
	[dreg:$0x4] =	wrdreg s0  }
0x10: {  	[dreg:$0x5] =	wrdreg s24;
	s0 =	simm.s32 $0x16200;
	s25 =	sadd.s32 $0x800, s7  }
0x11: {  	s26 =	sadd.s32 $0xF000, s7;
	s30 =	sadd.s32 $0xF800, s7;
	[dreg:$0x6] =	wrdreg s25  }
0x12: {  	s12 =	sadd.s32 $0x10000, s7;
	s13 =	sadd.s32 $0x10800, s7;
	[dreg:$0x7] =	wrdreg s26  }
0x13: {  	[dreg:$0x8] =	wrdreg s30;
	s25 =	simm.s32 $0x2;
	s26 =	simm.s32 $0x12200  }
.LBB2_1:
0x14: {  	s2 =	rddreg [dreg:$0x4]  }
0x15: {  	[tilespmem:s3], [sflag:$0x7] =	stream.linear.gather [hbm4b:s2+s3], $0x21C0, $0x38;
	[tilespmem:$0x1A200] =	vst v63  }
0x16: {  	_ =	swait.ge [sflag:s15], $0x21C0  }
0x17: {  	[sflag:s15] =	ssyncset.done $0x0  }
0x18: {  	[sflag:s15] =	ssyncadd.s32 $0xFFFFDE40  }
0x19: {  	[tilespmem:s17], [sflag:$0x1] =	stream.indirect.gather [hbm4b:s1+s16], $0x80, s3, s16, $0xb8;
	[tilespmem:$0x1A200] =	vst v63  }
0x1a: {  	_ = 	snop  }
0x1b: {  	[tilespmem:s18], [sflag:$0x2] =	stream.indirect.gather [hbm4b:s1+s16], $0x80, s16, s16, $0xb8;
	[tilespmem:$0x1A200] =	vst v63  }
0x1c: {  	s24 =	simm.s32 $0x100  }
0x1d: {  	[tilespmem:s20], [sflag:$0x3] =	stream.indirect.gather [hbm4b:s1+s16], $0x80, s24, s16, $0xb8;
	[tilespmem:$0x1A200] =	vst v63  }
0x1e: {  	s30 =	simm.s32 $0x180  }
0x1f: {  	[tilespmem:s22], [sflag:$0x4] =	stream.indirect.gather [hbm4b:s1+s16], $0x80, s30, s16, $0xb8;
	[tilespmem:$0x1A200] =	vst v63  }
0x20: {  	_ =	swait.ge [sflag:s23], $0x4000  }
0x21: {  	[sflag:s23] =	ssyncset.done $0x0  }
0x22: {  	s2 =	simm.s32 $0x2280;
	[sflag:s23] =	ssyncadd.s32 $0xFFFFC000  }
0x23: {  	v0 =	vld [tilespmem:s2+$0xFFFFFF80]  }
0x24: {  	v1 =	vld [tilespmem:s2+$0x0];
	_ =	sdelay $0x4  }
0x25: {  	s5 =	simm.s32 $0x0;
	v0 =	vpack.i.f32.bf16 v1, v0  }
0x26: {  	[tilespmem:s5+$0x12200] =	vst v0  }
0x27: {  	v0 =	vld [tilespmem:s2+$0xFFFFFF90]  }
0x28: {  	v58 =	vld [tilespmem:s2+$0x10];
	_ =	sdelay $0x4  }
0x29: {  	v0 =	vpack.i.f32.bf16 v58, v0  }
0x2a: {  	[tilespmem:s5+$0x12210] =	vst v0  }
0x2b: {  	v0 =	vld [tilespmem:s2+$0xFFFFFFA0]  }
0x2c: {  	v59 =	vld [tilespmem:s2+$0x20];
	_ =	sdelay $0x4  }
0x2d: {  	v0 =	vpack.i.f32.bf16 v59, v0  }
0x2e: {  	[tilespmem:s5+$0x12220] =	vst v0  }
0x2f: {  	v0 =	vld [tilespmem:s2+$0xFFFFFFB0]  }
0x30: {  	v60 =	vld [tilespmem:s2+$0x30];
	_ =	sdelay $0x4  }
0x31: {  	v0 =	vpack.i.f32.bf16 v60, v0  }
0x32: {  	[tilespmem:s5+$0x12230] =	vst v0  }
0x33: {  	v0 =	vld [tilespmem:s2+$0xFFFFFFC0]  }
0x34: {  	v61 =	vld [tilespmem:s2+$0x40];
	_ =	sdelay $0x4  }
0x35: {  	v0 =	vpack.i.f32.bf16 v61, v0  }
0x36: {  	[tilespmem:s5+$0x12240] =	vst v0  }
0x37: {  	v0 =	vld [tilespmem:s2+$0xFFFFFFD0]  }
0x38: {  	v62 =	vld [tilespmem:s2+$0x50];
	_ =	sdelay $0x4  }
0x39: {  	v0 =	vpack.i.f32.bf16 v62, v0  }
0x3a: {  	[tilespmem:s5+$0x12250] =	vst v0  }
0x3b: {  	v0 =	vld [tilespmem:s2+$0xFFFFFFE0]  }
0x3c: {  	v63 =	vld [tilespmem:s2+$0x60];
	_ =	sdelay $0x4  }
0x3d: {  	v0 =	vpack.i.f32.bf16 v63, v0  }
0x3e: {  	s6 =	simm.s32 $0x200;
	s7 =	simm.s32 $0x2280;
	[tilespmem:s5+$0x12260] =	vst v0  }
.LBB2_2:
0x3f: {  	p0 =	sne.s32 s6, $0x7E00  }
0x40: {  	v0 =	vld [tilespmem:s2+$0xFFFFFFF0];
	s7 =	sadd.s32 $0x100, s7;
	s10 =	smov.u32 s6;
	s6 =	sadd.s32 $0x200, s6  }
0x41: {  	v1 =	vld [tilespmem:s2+$0x70];
	s2 =	smov.u32 s7;
	_ =	sdelay $0x4  }
0x42: {  	v0 =	vpack.i.f32.bf16 v1, v0  }
0x43: {  	[tilespmem:s5+$0x12270] =	vst v0  }
0x44: {  	v0 =	vld [tilespmem:s7+$0xFFFFFF80]  }
0x45: {  	v1 =	vld [tilespmem:s7+$0x0];
	_ =	sdelay $0x4  }
0x46: {  	s5 =	sshra.s32 s10, $0x2;
	v0 =	vpack.i.f32.bf16 v1, v0  }
0x47: {  	[tilespmem:s5+$0x12200] =	vst v0  }
0x48: {  	v0 =	vld [tilespmem:s7+$0xFFFFFF90]  }
0x49: {  	v1 =	vld [tilespmem:s7+$0x10];
	_ =	sdelay $0x4  }
0x4a: {  	v0 =	vpack.i.f32.bf16 v1, v0  }
0x4b: {  	[tilespmem:s5+$0x12210] =	vst v0  }
0x4c: {  	v0 =	vld [tilespmem:s7+$0xFFFFFFA0]  }
0x4d: {  	v1 =	vld [tilespmem:s7+$0x20];
	_ =	sdelay $0x4  }
0x4e: {  	v0 =	vpack.i.f32.bf16 v1, v0  }
0x4f: {  	[tilespmem:s5+$0x12220] =	vst v0  }
0x50: {  	v0 =	vld [tilespmem:s7+$0xFFFFFFB0]  }
0x51: {  	v1 =	vld [tilespmem:s7+$0x30];
	_ =	sdelay $0x4  }
0x52: {  	v0 =	vpack.i.f32.bf16 v1, v0  }
0x53: {  	[tilespmem:s5+$0x12230] =	vst v0  }
0x54: {  	v0 =	vld [tilespmem:s7+$0xFFFFFFC0]  }
0x55: {  	v1 =	vld [tilespmem:s7+$0x40];
	_ =	sdelay $0x4  }
0x56: {  	v0 =	vpack.i.f32.bf16 v1, v0  }
0x57: {  	[tilespmem:s5+$0x12240] =	vst v0  }
0x58: {  	v0 =	vld [tilespmem:s7+$0xFFFFFFD0]  }
0x59: {  	v1 =	vld [tilespmem:s7+$0x50];
	_ =	sdelay $0x4  }
0x5a: {  	v0 =	vpack.i.f32.bf16 v1, v0  }
0x5b: {  	[tilespmem:s5+$0x12250] =	vst v0  }
0x5c: {  	v0 =	vld [tilespmem:s7+$0xFFFFFFE0]  }
0x5d: {  	v1 =	vld [tilespmem:s7+$0x60];
	_ =	sdelay $0x1  }
.Ltmp0:
0x5e: {  	(pc) =	sbr.rel @p0 .LBB2_2-.Ltmp0, $3  }
0x5f: {  	_ =	sdelay $0x1  }
0x60: {  	v0 =	vpack.i.f32.bf16 v1, v0  }
0x61: {  	[tilespmem:s5+$0x12260] =	vst v0  }
0x62: {  	v0 =	vld [tilespmem:s2+$0xFFFFFFF0]  }
0x63: {  	v1 =	vld [tilespmem:s2+$0x70];
	_ =	sdelay $0x4  }
0x64: {  	v0 =	vpack.i.f32.bf16 v1, v0  }
0x65: {  	s30 =	simm.s32 $0x200;
	[tilespmem:s5+$0x12270] =	vst v0  }
0x66: {  	[tilespmem:s17], [sflag:$0x1] =	stream.indirect.gather [hbm4b:s1+s16], $0x80, s30, s16, $0xb8;
	[tilespmem:$0x1A200] =	vst v63  }
0x67: {  	_ =	swait.ge [sflag:s25], $0x4000  }
0x68: {  	[sflag:s25] =	ssyncset.done $0x0  }
0x69: {  	s5 =	simm.s32 $0x0;
	[sflag:s25] =	ssyncadd.s32 $0xFFFFC000  }
0x6a: {  	v0 =	vld [tilespmem:s5+$0x6200]  }
0x6b: {  	v1 =	vld [tilespmem:s5+$0x6280];
	_ =	sdelay $0x4  }
0x6c: {  	s2 =	simm.s32 $0x14270;
	v0 =	vpack.i.f32.bf16 v1, v0  }
0x6d: {  	[tilespmem:s2+$0xFFFFFF90] =	vst v0  }
0x6e: {  	v0 =	vld [tilespmem:s5+$0x6210]  }
0x6f: {  	v1 =	vld [tilespmem:s5+$0x6290];
	_ =	sdelay $0x4  }
0x70: {  	v0 =	vpack.i.f32.bf16 v1, v0  }
0x71: {  	[tilespmem:s2+$0xFFFFFFA0] =	vst v0  }
0x72: {  	v0 =	vld [tilespmem:s5+$0x6220]  }
0x73: {  	v1 =	vld [tilespmem:s5+$0x62A0];
	_ =	sdelay $0x4  }
0x74: {  	v0 =	vpack.i.f32.bf16 v1, v0  }
0x75: {  	[tilespmem:s2+$0xFFFFFFB0] =	vst v0  }
0x76: {  	v0 =	vld [tilespmem:s5+$0x6230]  }
0x77: {  	v1 =	vld [tilespmem:s5+$0x62B0];
	_ =	sdelay $0x4  }
0x78: {  	v0 =	vpack.i.f32.bf16 v1, v0  }
0x79: {  	[tilespmem:s2+$0xFFFFFFC0] =	vst v0  }
0x7a: {  	v0 =	vld [tilespmem:s5+$0x6240]  }
0x7b: {  	v1 =	vld [tilespmem:s5+$0x62C0];
	_ =	sdelay $0x4  }
0x7c: {  	v0 =	vpack.i.f32.bf16 v1, v0  }
0x7d: {  	[tilespmem:s2+$0xFFFFFFD0] =	vst v0  }
0x7e: {  	v0 =	vld [tilespmem:s5+$0x6250]  }
0x7f: {  	v1 =	vld [tilespmem:s5+$0x62D0];
	_ =	sdelay $0x4  }
0x80: {  	v0 =	vpack.i.f32.bf16 v1, v0  }
0x81: {  	[tilespmem:s2+$0xFFFFFFE0] =	vst v0  }
0x82: {  	v0 =	vld [tilespmem:s5+$0x6260]  }
0x83: {  	v1 =	vld [tilespmem:s5+$0x62E0];
	_ =	sdelay $0x4  }
0x84: {  	s6 =	simm.s32 $0x400;
	s7 =	simm.s32 $0x14270;
	v0 =	vpack.i.f32.bf16 v1, v0  }
.LBB2_4:
0x85: {  	p0 =	sne.s32 s6, $0xFC00  }
0x86: {  	[tilespmem:s2+$0xFFFFFFF0] =	vst v0;
	s7 =	sadd.s32 $0x80, s7;
	s10 =	smov.u32 s6;
	s6 =	sadd.s32 $0x400, s6  }
0x87: {  	v0 =	vld [tilespmem:s5+$0x6270]  }
0x88: {  	v1 =	vld [tilespmem:s5+$0x62F0];
	_ =	sdelay $0x4  }
0x89: {  	v0 =	vpack.i.f32.bf16 v1, v0  }
0x8a: {  	s5 =	sshra.s32 s10, $0x2;
	[tilespmem:s2+$0x0] =	vst v0;
	s2 =	smov.u32 s7  }
0x8b: {  	v0 =	vld [tilespmem:s5+$0x6200]  }
0x8c: {  	v1 =	vld [tilespmem:s5+$0x6280];
	_ =	sdelay $0x4  }
0x8d: {  	v0 =	vpack.i.f32.bf16 v1, v0  }
0x8e: {  	[tilespmem:s7+$0xFFFFFF90] =	vst v0  }
0x8f: {  	v0 =	vld [tilespmem:s5+$0x6210]  }
0x90: {  	v1 =	vld [tilespmem:s5+$0x6290];
	_ =	sdelay $0x4  }
0x91: {  	v0 =	vpack.i.f32.bf16 v1, v0  }
0x92: {  	[tilespmem:s7+$0xFFFFFFA0] =	vst v0  }
0x93: {  	v0 =	vld [tilespmem:s5+$0x6220]  }
0x94: {  	v1 =	vld [tilespmem:s5+$0x62A0];
	_ =	sdelay $0x4  }
0x95: {  	v0 =	vpack.i.f32.bf16 v1, v0  }
0x96: {  	[tilespmem:s7+$0xFFFFFFB0] =	vst v0  }
0x97: {  	v0 =	vld [tilespmem:s5+$0x6230]  }
0x98: {  	v1 =	vld [tilespmem:s5+$0x62B0];
	_ =	sdelay $0x4  }
0x99: {  	v0 =	vpack.i.f32.bf16 v1, v0  }
0x9a: {  	[tilespmem:s7+$0xFFFFFFC0] =	vst v0  }
0x9b: {  	v0 =	vld [tilespmem:s5+$0x6240]  }
0x9c: {  	v1 =	vld [tilespmem:s5+$0x62C0];
	_ =	sdelay $0x4  }
0x9d: {  	v0 =	vpack.i.f32.bf16 v1, v0  }
0x9e: {  	[tilespmem:s7+$0xFFFFFFD0] =	vst v0  }
0x9f: {  	v0 =	vld [tilespmem:s5+$0x6250]  }
0xa0: {  	v1 =	vld [tilespmem:s5+$0x62D0];
	_ =	sdelay $0x4  }
0xa1: {  	v0 =	vpack.i.f32.bf16 v1, v0  }
0xa2: {  	[tilespmem:s7+$0xFFFFFFE0] =	vst v0  }
0xa3: {  	v0 =	vld [tilespmem:s5+$0x6260]  }
0xa4: {  	v1 =	vld [tilespmem:s5+$0x62E0]  }
.Ltmp1:
0xa5: {  	(pc) =	sbr.rel @p0 .LBB2_4-.Ltmp1, $2  }
0xa6: {  	_ =	sdelay $0x2  }
0xa7: {  	v0 =	vpack.i.f32.bf16 v1, v0  }
0xa8: {  	[tilespmem:s2+$0xFFFFFFF0] =	vst v0  }
0xa9: {  	v0 =	vld [tilespmem:s5+$0x6270]  }
0xaa: {  	v1 =	vld [tilespmem:s5+$0x62F0];
	_ =	sdelay $0x4  }
0xab: {  	v0 =	vpack.i.f32.bf16 v1, v0  }
0xac: {  	s11 =	simm.s32 $0x0;
	s24 =	rddreg [dreg:$0x5];
	[tilespmem:s2+$0x0] =	vst v0  }
0xad: {  	[hbm4b:s24+s11] =	stream.linear.scatter [tilespmem:s26], [sflag:$0x5], $0x4000, $0x38;
	[tilespmem:$0x1A200] =	vst v63  }
0xae: {  	s30 =	simm.s32 $0x280  }
0xaf: {  	[tilespmem:s18], [sflag:$0x2] =	stream.indirect.gather [hbm4b:s1+s16], $0x80, s30, s16, $0xb8;
	[tilespmem:$0x1A200] =	vst v63  }
0xb0: {  	_ =	swait.ge [sflag:s29], $0x4000  }
0xb1: {  	[sflag:s29] =	ssyncset.done $0x0  }
0xb2: {  	s5 =	simm.s32 $0x0;
	[sflag:s29] =	ssyncadd.s32 $0xFFFFC000  }
0xb3: {  	v0 =	vld [tilespmem:s5+$0xA200]  }
0xb4: {  	v1 =	vld [tilespmem:s5+$0xA280];
	_ =	sdelay $0x4  }
0xb5: {  	s2 =	simm.s32 $0x16200;
	v0 =	vpack.i.f32.bf16 v1, v0  }
0xb6: {  	[tilespmem:s2+$0x0] =	vst v0  }
0xb7: {  	v0 =	vld [tilespmem:s5+$0xA210]  }
0xb8: {  	v1 =	vld [tilespmem:s5+$0xA290];
	_ =	sdelay $0x4  }
0xb9: {  	v0 =	vpack.i.f32.bf16 v1, v0  }
0xba: {  	[tilespmem:s2+$0x10] =	vst v0  }
0xbb: {  	v0 =	vld [tilespmem:s5+$0xA220]  }
0xbc: {  	v1 =	vld [tilespmem:s5+$0xA2A0];
	_ =	sdelay $0x4  }
0xbd: {  	v0 =	vpack.i.f32.bf16 v1, v0  }
0xbe: {  	[tilespmem:s2+$0x20] =	vst v0  }
0xbf: {  	v0 =	vld [tilespmem:s5+$0xA230]  }
0xc0: {  	v1 =	vld [tilespmem:s5+$0xA2B0];
	_ =	sdelay $0x4  }
0xc1: {  	v0 =	vpack.i.f32.bf16 v1, v0  }
0xc2: {  	[tilespmem:s2+$0x30] =	vst v0  }
0xc3: {  	v0 =	vld [tilespmem:s5+$0xA240]  }
0xc4: {  	v1 =	vld [tilespmem:s5+$0xA2C0];
	_ =	sdelay $0x4  }
0xc5: {  	v0 =	vpack.i.f32.bf16 v1, v0  }
0xc6: {  	[tilespmem:s2+$0x40] =	vst v0  }
0xc7: {  	v0 =	vld [tilespmem:s5+$0xA250]  }
0xc8: {  	v1 =	vld [tilespmem:s5+$0xA2D0];
	_ =	sdelay $0x4  }
0xc9: {  	v0 =	vpack.i.f32.bf16 v1, v0  }
0xca: {  	[tilespmem:s2+$0x50] =	vst v0  }
0xcb: {  	v0 =	vld [tilespmem:s5+$0xA260]  }
0xcc: {  	v1 =	vld [tilespmem:s5+$0xA2E0];
	_ =	sdelay $0x4  }
0xcd: {  	s6 =	simm.s32 $0x400;
	s7 =	simm.s32 $0x16200;
	v0 =	vpack.i.f32.bf16 v1, v0  }
.LBB2_6:
0xce: {  	p0 =	sne.s32 s6, $0xFC00  }
0xcf: {  	[tilespmem:s2+$0x60] =	vst v0;
	s7 =	sadd.s32 $0x80, s7;
	s10 =	smov.u32 s6;
	s6 =	sadd.s32 $0x400, s6  }
0xd0: {  	v0 =	vld [tilespmem:s5+$0xA270]  }
0xd1: {  	v1 =	vld [tilespmem:s5+$0xA2F0];
	_ =	sdelay $0x4  }
0xd2: {  	v0 =	vpack.i.f32.bf16 v1, v0  }
0xd3: {  	s5 =	sshra.s32 s10, $0x2;
	[tilespmem:s2+$0x70] =	vst v0;
	s2 =	smov.u32 s7  }
0xd4: {  	v0 =	vld [tilespmem:s5+$0xA200]  }
0xd5: {  	v1 =	vld [tilespmem:s5+$0xA280];
	_ =	sdelay $0x4  }
0xd6: {  	v0 =	vpack.i.f32.bf16 v1, v0  }
0xd7: {  	[tilespmem:s7+$0x0] =	vst v0  }
0xd8: {  	v0 =	vld [tilespmem:s5+$0xA210]  }
0xd9: {  	v1 =	vld [tilespmem:s5+$0xA290];
	_ =	sdelay $0x4  }
0xda: {  	v0 =	vpack.i.f32.bf16 v1, v0  }
0xdb: {  	[tilespmem:s7+$0x10] =	vst v0  }
0xdc: {  	v0 =	vld [tilespmem:s5+$0xA220]  }
0xdd: {  	v1 =	vld [tilespmem:s5+$0xA2A0];
	_ =	sdelay $0x4  }
0xde: {  	v0 =	vpack.i.f32.bf16 v1, v0  }
0xdf: {  	[tilespmem:s7+$0x20] =	vst v0  }
0xe0: {  	v0 =	vld [tilespmem:s5+$0xA230]  }
0xe1: {  	v1 =	vld [tilespmem:s5+$0xA2B0];
	_ =	sdelay $0x4  }
0xe2: {  	v0 =	vpack.i.f32.bf16 v1, v0  }
0xe3: {  	[tilespmem:s7+$0x30] =	vst v0  }
0xe4: {  	v0 =	vld [tilespmem:s5+$0xA240]  }
0xe5: {  	v1 =	vld [tilespmem:s5+$0xA2C0];
	_ =	sdelay $0x4  }
0xe6: {  	v0 =	vpack.i.f32.bf16 v1, v0  }
0xe7: {  	[tilespmem:s7+$0x40] =	vst v0  }
0xe8: {  	v0 =	vld [tilespmem:s5+$0xA250]  }
0xe9: {  	v1 =	vld [tilespmem:s5+$0xA2D0];
	_ =	sdelay $0x4  }
0xea: {  	v0 =	vpack.i.f32.bf16 v1, v0  }
0xeb: {  	[tilespmem:s7+$0x50] =	vst v0  }
0xec: {  	v0 =	vld [tilespmem:s5+$0xA260]  }
0xed: {  	v1 =	vld [tilespmem:s5+$0xA2E0]  }
.Ltmp2:
0xee: {  	(pc) =	sbr.rel @p0 .LBB2_6-.Ltmp2, $2  }
0xef: {  	_ =	sdelay $0x2  }
0xf0: {  	v0 =	vpack.i.f32.bf16 v1, v0  }
0xf1: {  	[tilespmem:s2+$0x60] =	vst v0  }
0xf2: {  	v0 =	vld [tilespmem:s5+$0xA270]  }
0xf3: {  	v1 =	vld [tilespmem:s5+$0xA2F0];
	_ =	sdelay $0x4  }
0xf4: {  	v0 =	vpack.i.f32.bf16 v1, v0  }
0xf5: {  	s30 =	simm.s32 $0x300;
	[tilespmem:s2+$0x70] =	vst v0  }
0xf6: {  	[tilespmem:s20], [sflag:$0x3] =	stream.indirect.gather [hbm4b:s1+s16], $0x80, s30, s16, $0xb8;
	[tilespmem:$0x1A200] =	vst v63  }
0xf7: {  	_ =	swait.ge [sflag:s31], $0x4000  }
0xf8: {  	[sflag:s31] =	ssyncset.done $0x0  }
0xf9: {  	s5 =	simm.s32 $0x0;
	[sflag:s31] =	ssyncadd.s32 $0xFFFFC000  }
0xfa: {  	v0 =	vld [tilespmem:s5+$0xE200]  }
0xfb: {  	v1 =	vld [tilespmem:s5+$0xE280];
	_ =	sdelay $0x4  }
0xfc: {  	s2 =	simm.s32 $0x18200;
	v0 =	vpack.i.f32.bf16 v1, v0  }
0xfd: {  	[tilespmem:s2+$0x0] =	vst v0  }
0xfe: {  	v0 =	vld [tilespmem:s5+$0xE210]  }
0xff: {  	v1 =	vld [tilespmem:s5+$0xE290];
	_ =	sdelay $0x4  }
0x100: {  	v0 =	vpack.i.f32.bf16 v1, v0  }
0x101: {  	[tilespmem:s2+$0x10] =	vst v0  }
0x102: {  	v0 =	vld [tilespmem:s5+$0xE220]  }
0x103: {  	v1 =	vld [tilespmem:s5+$0xE2A0];
	_ =	sdelay $0x4  }
0x104: {  	v0 =	vpack.i.f32.bf16 v1, v0  }
0x105: {  	[tilespmem:s2+$0x20] =	vst v0  }
0x106: {  	v0 =	vld [tilespmem:s5+$0xE230]  }
0x107: {  	v1 =	vld [tilespmem:s5+$0xE2B0];
	_ =	sdelay $0x4  }
0x108: {  	v0 =	vpack.i.f32.bf16 v1, v0  }
0x109: {  	[tilespmem:s2+$0x30] =	vst v0  }
0x10a: {  	v0 =	vld [tilespmem:s5+$0xE240]  }
0x10b: {  	v1 =	vld [tilespmem:s5+$0xE2C0];
	_ =	sdelay $0x4  }
0x10c: {  	v0 =	vpack.i.f32.bf16 v1, v0  }
0x10d: {  	[tilespmem:s2+$0x40] =	vst v0  }
0x10e: {  	v0 =	vld [tilespmem:s5+$0xE250]  }
0x10f: {  	v1 =	vld [tilespmem:s5+$0xE2D0];
	_ =	sdelay $0x4  }
0x110: {  	v0 =	vpack.i.f32.bf16 v1, v0  }
0x111: {  	[tilespmem:s2+$0x50] =	vst v0  }
0x112: {  	v0 =	vld [tilespmem:s5+$0xE260]  }
0x113: {  	v1 =	vld [tilespmem:s5+$0xE2E0];
	_ =	sdelay $0x4  }
0x114: {  	s6 =	simm.s32 $0x400;
	s7 =	simm.s32 $0x18200;
	v0 =	vpack.i.f32.bf16 v1, v0  }
.LBB2_8:
0x115: {  	p0 =	sne.s32 s6, $0xFC00  }
0x116: {  	[tilespmem:s2+$0x60] =	vst v0;
	s7 =	sadd.s32 $0x80, s7;
	s10 =	smov.u32 s6;
	s6 =	sadd.s32 $0x400, s6  }
0x117: {  	v0 =	vld [tilespmem:s5+$0xE270]  }
0x118: {  	v1 =	vld [tilespmem:s5+$0xE2F0];
	_ =	sdelay $0x4  }
0x119: {  	v0 =	vpack.i.f32.bf16 v1, v0  }
0x11a: {  	s5 =	sshra.s32 s10, $0x2;
	[tilespmem:s2+$0x70] =	vst v0;
	s2 =	smov.u32 s7  }
0x11b: {  	v0 =	vld [tilespmem:s5+$0xE200]  }
0x11c: {  	v1 =	vld [tilespmem:s5+$0xE280];
	_ =	sdelay $0x4  }
0x11d: {  	v0 =	vpack.i.f32.bf16 v1, v0  }
0x11e: {  	[tilespmem:s7+$0x0] =	vst v0  }
0x11f: {  	v0 =	vld [tilespmem:s5+$0xE210]  }
0x120: {  	v1 =	vld [tilespmem:s5+$0xE290];
	_ =	sdelay $0x4  }
0x121: {  	v0 =	vpack.i.f32.bf16 v1, v0  }
0x122: {  	[tilespmem:s7+$0x10] =	vst v0  }
0x123: {  	v0 =	vld [tilespmem:s5+$0xE220]  }
0x124: {  	v1 =	vld [tilespmem:s5+$0xE2A0];
	_ =	sdelay $0x4  }
0x125: {  	v0 =	vpack.i.f32.bf16 v1, v0  }
0x126: {  	[tilespmem:s7+$0x20] =	vst v0  }
0x127: {  	v0 =	vld [tilespmem:s5+$0xE230]  }
0x128: {  	v1 =	vld [tilespmem:s5+$0xE2B0];
	_ =	sdelay $0x4  }
0x129: {  	v0 =	vpack.i.f32.bf16 v1, v0  }
0x12a: {  	[tilespmem:s7+$0x30] =	vst v0  }
0x12b: {  	v0 =	vld [tilespmem:s5+$0xE240]  }
0x12c: {  	v1 =	vld [tilespmem:s5+$0xE2C0];
	_ =	sdelay $0x4  }
0x12d: {  	v0 =	vpack.i.f32.bf16 v1, v0  }
0x12e: {  	[tilespmem:s7+$0x40] =	vst v0  }
0x12f: {  	v0 =	vld [tilespmem:s5+$0xE250]  }
0x130: {  	v1 =	vld [tilespmem:s5+$0xE2D0];
	_ =	sdelay $0x4  }
0x131: {  	v0 =	vpack.i.f32.bf16 v1, v0  }
0x132: {  	[tilespmem:s7+$0x50] =	vst v0  }
0x133: {  	v0 =	vld [tilespmem:s5+$0xE260]  }
0x134: {  	v1 =	vld [tilespmem:s5+$0xE2E0]  }
.Ltmp3:
0x135: {  	(pc) =	sbr.rel @p0 .LBB2_8-.Ltmp3, $2  }
0x136: {  	_ =	sdelay $0x2  }
0x137: {  	v0 =	vpack.i.f32.bf16 v1, v0  }
0x138: {  	[tilespmem:s2+$0x60] =	vst v0  }
0x139: {  	v0 =	vld [tilespmem:s5+$0xE270]  }
0x13a: {  	v1 =	vld [tilespmem:s5+$0xE2F0];
	_ =	sdelay $0x4  }
0x13b: {  	v0 =	vpack.i.f32.bf16 v1, v0  }
0x13c: {  	s30 =	simm.s32 $0x0;
	s11 =	rddreg [dreg:$0x6];
	[tilespmem:s2+$0x70] =	vst v0  }
0x13d: {  	[hbm4b:s11+s30] =	stream.linear.scatter [tilespmem:s0], [sflag:$0x6], $0x4000, $0x38;
	[tilespmem:$0x1A200] =	vst v63  }
0x13e: {  	s24 =	simm.s32 $0x380  }
0x13f: {  	[tilespmem:s22], [sflag:$0x4] =	stream.indirect.gather [hbm4b:s1+s16], $0x80, s24, s16, $0xb8;
	[tilespmem:$0x1A200] =	vst v63  }
.LBB2_10:
0x140: {  	_ =	swait.ge [sflag:s23], $0x4000  }
0x141: {  	[sflag:s23] =	ssyncset.done $0x0  }
0x142: {  	[sflag:s23] =	ssyncadd.s32 $0xFFFFC000  }
0x143: {  	_ =	swait.ge [sflag:s19], $0x4000  }
0x144: {  	[sflag:s19] =	ssyncset.done $0x0  }
0x145: {  	s2 =	simm.s32 $0x2280;
	[sflag:s19] =	ssyncadd.s32 $0xFFFFC000  }
0x146: {  	v0 =	vld [tilespmem:s2+$0xFFFFFF80]  }
0x147: {  	v1 =	vld [tilespmem:s2+$0x0];
	_ =	sdelay $0x4  }
0x148: {  	s5 =	simm.s32 $0x0;
	v0 =	vpack.i.f32.bf16 v1, v0  }
0x149: {  	[tilespmem:s5+$0x12200] =	vst v0  }
0x14a: {  	v0 =	vld [tilespmem:s2+$0xFFFFFF90]  }
0x14b: {  	v58 =	vld [tilespmem:s2+$0x10];
	_ =	sdelay $0x4  }
0x14c: {  	v0 =	vpack.i.f32.bf16 v58, v0  }
0x14d: {  	[tilespmem:s5+$0x12210] =	vst v0  }
0x14e: {  	v0 =	vld [tilespmem:s2+$0xFFFFFFA0]  }
0x14f: {  	v59 =	vld [tilespmem:s2+$0x20];
	_ =	sdelay $0x4  }
0x150: {  	v0 =	vpack.i.f32.bf16 v59, v0  }
0x151: {  	[tilespmem:s5+$0x12220] =	vst v0  }
0x152: {  	v0 =	vld [tilespmem:s2+$0xFFFFFFB0]  }
0x153: {  	v60 =	vld [tilespmem:s2+$0x30];
	_ =	sdelay $0x4  }
0x154: {  	v0 =	vpack.i.f32.bf16 v60, v0  }
0x155: {  	[tilespmem:s5+$0x12230] =	vst v0  }
0x156: {  	v0 =	vld [tilespmem:s2+$0xFFFFFFC0]  }
0x157: {  	v61 =	vld [tilespmem:s2+$0x40];
	_ =	sdelay $0x4  }
0x158: {  	v0 =	vpack.i.f32.bf16 v61, v0  }
0x159: {  	[tilespmem:s5+$0x12240] =	vst v0  }
0x15a: {  	v0 =	vld [tilespmem:s2+$0xFFFFFFD0]  }
0x15b: {  	v62 =	vld [tilespmem:s2+$0x50];
	_ =	sdelay $0x4  }
0x15c: {  	v0 =	vpack.i.f32.bf16 v62, v0  }
0x15d: {  	[tilespmem:s5+$0x12250] =	vst v0  }
0x15e: {  	v0 =	vld [tilespmem:s2+$0xFFFFFFE0]  }
0x15f: {  	v63 =	vld [tilespmem:s2+$0x60];
	_ =	sdelay $0x4  }
0x160: {  	v0 =	vpack.i.f32.bf16 v63, v0  }
0x161: {  	s6 =	simm.s32 $0x200;
	s7 =	simm.s32 $0x2280;
	[tilespmem:s5+$0x12260] =	vst v0  }
.LBB2_11:
0x162: {  	p0 =	sne.s32 s6, $0x7E00  }
0x163: {  	v0 =	vld [tilespmem:s2+$0xFFFFFFF0];
	s7 =	sadd.s32 $0x100, s7;
	s10 =	smov.u32 s6;
	s6 =	sadd.s32 $0x200, s6  }
0x164: {  	v1 =	vld [tilespmem:s2+$0x70];
	s2 =	smov.u32 s7;
	_ =	sdelay $0x4  }
0x165: {  	v0 =	vpack.i.f32.bf16 v1, v0  }
0x166: {  	[tilespmem:s5+$0x12270] =	vst v0  }
0x167: {  	v0 =	vld [tilespmem:s7+$0xFFFFFF80]  }
0x168: {  	v1 =	vld [tilespmem:s7+$0x0];
	_ =	sdelay $0x4  }
0x169: {  	s5 =	sshra.s32 s10, $0x2;
	v0 =	vpack.i.f32.bf16 v1, v0  }
0x16a: {  	[tilespmem:s5+$0x12200] =	vst v0  }
0x16b: {  	v0 =	vld [tilespmem:s7+$0xFFFFFF90]  }
0x16c: {  	v1 =	vld [tilespmem:s7+$0x10];
	_ =	sdelay $0x4  }
0x16d: {  	v0 =	vpack.i.f32.bf16 v1, v0  }
0x16e: {  	[tilespmem:s5+$0x12210] =	vst v0  }
0x16f: {  	v0 =	vld [tilespmem:s7+$0xFFFFFFA0]  }
0x170: {  	v1 =	vld [tilespmem:s7+$0x20];
	_ =	sdelay $0x4  }
0x171: {  	v0 =	vpack.i.f32.bf16 v1, v0  }
0x172: {  	[tilespmem:s5+$0x12220] =	vst v0  }
0x173: {  	v0 =	vld [tilespmem:s7+$0xFFFFFFB0]  }
0x174: {  	v1 =	vld [tilespmem:s7+$0x30];
	_ =	sdelay $0x4  }
0x175: {  	v0 =	vpack.i.f32.bf16 v1, v0  }
0x176: {  	[tilespmem:s5+$0x12230] =	vst v0  }
0x177: {  	v0 =	vld [tilespmem:s7+$0xFFFFFFC0]  }
0x178: {  	v1 =	vld [tilespmem:s7+$0x40];
	_ =	sdelay $0x4  }
0x179: {  	v0 =	vpack.i.f32.bf16 v1, v0  }
0x17a: {  	[tilespmem:s5+$0x12240] =	vst v0  }
0x17b: {  	v0 =	vld [tilespmem:s7+$0xFFFFFFD0]  }
0x17c: {  	v1 =	vld [tilespmem:s7+$0x50];
	_ =	sdelay $0x4  }
0x17d: {  	v0 =	vpack.i.f32.bf16 v1, v0  }
0x17e: {  	[tilespmem:s5+$0x12250] =	vst v0  }
0x17f: {  	v0 =	vld [tilespmem:s7+$0xFFFFFFE0]  }
0x180: {  	v1 =	vld [tilespmem:s7+$0x60];
	_ =	sdelay $0x1  }
.Ltmp4:
0x181: {  	(pc) =	sbr.rel @p0 .LBB2_11-.Ltmp4, $3  }
0x182: {  	_ =	sdelay $0x1  }
0x183: {  	v0 =	vpack.i.f32.bf16 v1, v0  }
0x184: {  	[tilespmem:s5+$0x12260] =	vst v0  }
0x185: {  	v0 =	vld [tilespmem:s2+$0xFFFFFFF0]  }
0x186: {  	v1 =	vld [tilespmem:s2+$0x70];
	_ =	sdelay $0x3  }
0x187: {  	s11 =	sshll.u32 s30, $0x9  }
0x188: {  	s2 =	sand.u32 $0x3FFFFE00, s11;
	v0 =	vpack.i.f32.bf16 v1, v0  }
0x189: {  	s24 =	sadd.s32 $0x400, s2;
	[tilespmem:s5+$0x12270] =	vst v0  }
0x18a: {  	[tilespmem:s17], [sflag:$0x1] =	stream.indirect.gather [hbm4b:s1+s16], $0x80, s24, s16, $0xb8;
	[tilespmem:$0x1A200] =	vst v63  }
0x18b: {  	_ =	swait.ge [sflag:s25], $0x4000  }
0x18c: {  	[sflag:s25] =	ssyncset.done $0x0  }
0x18d: {  	s24 =	simm.s32 $0x0;
	[sflag:s25] =	ssyncadd.s32 $0xFFFFC000  }
0x18e: {  	v0 =	vld [tilespmem:s24+$0x6200]  }
0x18f: {  	v1 =	vld [tilespmem:s24+$0x6280];
	_ =	sdelay $0x4  }
0x190: {  	s5 =	simm.s32 $0x14270;
	v0 =	vpack.i.f32.bf16 v1, v0  }
0x191: {  	[tilespmem:s5+$0xFFFFFF90] =	vst v0  }
0x192: {  	v0 =	vld [tilespmem:s24+$0x6210]  }
0x193: {  	v1 =	vld [tilespmem:s24+$0x6290];
	_ =	sdelay $0x4  }
0x194: {  	v0 =	vpack.i.f32.bf16 v1, v0  }
0x195: {  	[tilespmem:s5+$0xFFFFFFA0] =	vst v0  }
0x196: {  	v0 =	vld [tilespmem:s24+$0x6220]  }
0x197: {  	v1 =	vld [tilespmem:s24+$0x62A0];
	_ =	sdelay $0x4  }
0x198: {  	v0 =	vpack.i.f32.bf16 v1, v0  }
0x199: {  	[tilespmem:s5+$0xFFFFFFB0] =	vst v0  }
0x19a: {  	v0 =	vld [tilespmem:s24+$0x6230]  }
0x19b: {  	v1 =	vld [tilespmem:s24+$0x62B0];
	_ =	sdelay $0x4  }
0x19c: {  	v0 =	vpack.i.f32.bf16 v1, v0  }
0x19d: {  	[tilespmem:s5+$0xFFFFFFC0] =	vst v0  }
0x19e: {  	v0 =	vld [tilespmem:s24+$0x6240]  }
0x19f: {  	v1 =	vld [tilespmem:s24+$0x62C0];
	_ =	sdelay $0x4  }
0x1a0: {  	v0 =	vpack.i.f32.bf16 v1, v0  }
0x1a1: {  	[tilespmem:s5+$0xFFFFFFD0] =	vst v0  }
0x1a2: {  	v0 =	vld [tilespmem:s24+$0x6250]  }
0x1a3: {  	v1 =	vld [tilespmem:s24+$0x62D0];
	_ =	sdelay $0x4  }
0x1a4: {  	v0 =	vpack.i.f32.bf16 v1, v0  }
0x1a5: {  	[tilespmem:s5+$0xFFFFFFE0] =	vst v0  }
0x1a6: {  	v0 =	vld [tilespmem:s24+$0x6260]  }
0x1a7: {  	v1 =	vld [tilespmem:s24+$0x62E0];
	_ =	sdelay $0x4  }
0x1a8: {  	s6 =	simm.s32 $0x400;
	s7 =	simm.s32 $0x14270;
	v0 =	vpack.i.f32.bf16 v1, v0  }
.LBB2_13:
0x1a9: {  	p0 =	sne.s32 s6, $0xFC00  }
0x1aa: {  	[tilespmem:s5+$0xFFFFFFF0] =	vst v0;
	s7 =	sadd.s32 $0x80, s7;
	s10 =	smov.u32 s6;
	s6 =	sadd.s32 $0x400, s6  }
0x1ab: {  	v0 =	vld [tilespmem:s24+$0x6270]  }
0x1ac: {  	v1 =	vld [tilespmem:s24+$0x62F0];
	_ =	sdelay $0x4  }
0x1ad: {  	v0 =	vpack.i.f32.bf16 v1, v0  }
0x1ae: {  	s24 =	sshra.s32 s10, $0x2;
	[tilespmem:s5+$0x0] =	vst v0;
	s5 =	smov.u32 s7  }
0x1af: {  	v0 =	vld [tilespmem:s24+$0x6200]  }
0x1b0: {  	v1 =	vld [tilespmem:s24+$0x6280];
	_ =	sdelay $0x4  }
0x1b1: {  	v0 =	vpack.i.f32.bf16 v1, v0  }
0x1b2: {  	[tilespmem:s7+$0xFFFFFF90] =	vst v0  }
0x1b3: {  	v0 =	vld [tilespmem:s24+$0x6210]  }
0x1b4: {  	v1 =	vld [tilespmem:s24+$0x6290];
	_ =	sdelay $0x4  }
0x1b5: {  	v0 =	vpack.i.f32.bf16 v1, v0  }
0x1b6: {  	[tilespmem:s7+$0xFFFFFFA0] =	vst v0  }
0x1b7: {  	v0 =	vld [tilespmem:s24+$0x6220]  }
0x1b8: {  	v1 =	vld [tilespmem:s24+$0x62A0];
	_ =	sdelay $0x4  }
0x1b9: {  	v0 =	vpack.i.f32.bf16 v1, v0  }
0x1ba: {  	[tilespmem:s7+$0xFFFFFFB0] =	vst v0  }
0x1bb: {  	v0 =	vld [tilespmem:s24+$0x6230]  }
0x1bc: {  	v1 =	vld [tilespmem:s24+$0x62B0];
	_ =	sdelay $0x4  }
0x1bd: {  	v0 =	vpack.i.f32.bf16 v1, v0  }
0x1be: {  	[tilespmem:s7+$0xFFFFFFC0] =	vst v0  }
0x1bf: {  	v0 =	vld [tilespmem:s24+$0x6240]  }
0x1c0: {  	v1 =	vld [tilespmem:s24+$0x62C0];
	_ =	sdelay $0x4  }
0x1c1: {  	v0 =	vpack.i.f32.bf16 v1, v0  }
0x1c2: {  	[tilespmem:s7+$0xFFFFFFD0] =	vst v0  }
0x1c3: {  	v0 =	vld [tilespmem:s24+$0x6250]  }
0x1c4: {  	v1 =	vld [tilespmem:s24+$0x62D0];
	_ =	sdelay $0x4  }
0x1c5: {  	v0 =	vpack.i.f32.bf16 v1, v0  }
0x1c6: {  	[tilespmem:s7+$0xFFFFFFE0] =	vst v0  }
0x1c7: {  	v0 =	vld [tilespmem:s24+$0x6260]  }
0x1c8: {  	v1 =	vld [tilespmem:s24+$0x62E0]  }
.Ltmp5:
0x1c9: {  	(pc) =	sbr.rel @p0 .LBB2_13-.Ltmp5, $2  }
0x1ca: {  	_ =	sdelay $0x2  }
0x1cb: {  	v0 =	vpack.i.f32.bf16 v1, v0  }
0x1cc: {  	[tilespmem:s5+$0xFFFFFFF0] =	vst v0  }
0x1cd: {  	v0 =	vld [tilespmem:s24+$0x6270]  }
0x1ce: {  	v1 =	vld [tilespmem:s24+$0x62F0];
	_ =	sdelay $0x2  }
0x1cf: {  	s24 =	sshll.u32 s30, $0x8  }
0x1d0: {  	s6 =	sadd.s32 s24, s8  }
0x1d1: {  	s6 =	sshll.u32 s6, $0x4;
	v0 =	vpack.i.f32.bf16 v1, v0  }
0x1d2: {  	s10 =	simm.s32 $0x0;
	s7 =	sadd.s32 s4, s6;
	[tilespmem:s5+$0x0] =	vst v0  }
0x1d3: {  	[hbm4b:s7+s10] =	stream.linear.scatter [tilespmem:s26], [sflag:$0x5], $0x4000, $0x38;
	[tilespmem:$0x1A200] =	vst v63  }
0x1d4: {  	s11 =	sadd.s32 $0x480, s2  }
0x1d5: {  	[tilespmem:s18], [sflag:$0x2] =	stream.indirect.gather [hbm4b:s1+s16], $0x80, s11, s16, $0xb8;
	[tilespmem:$0x1A200] =	vst v63  }
0x1d6: {  	_ =	swait.ge [sflag:s29], $0x4000  }
0x1d7: {  	[sflag:s29] =	ssyncset.done $0x0  }
0x1d8: {  	[sflag:s29] =	ssyncadd.s32 $0xFFFFC000  }
0x1d9: {  	_ =	swait.ge [sflag:s21], $0x4000  }
0x1da: {  	[sflag:s21] =	ssyncset.done $0x0  }
0x1db: {  	s6 =	simm.s32 $0x0;
	[sflag:s21] =	ssyncadd.s32 $0xFFFFC000  }
0x1dc: {  	v0 =	vld [tilespmem:s6+$0xA200]  }
0x1dd: {  	v1 =	vld [tilespmem:s6+$0xA280];
	_ =	sdelay $0x4  }
0x1de: {  	s5 =	simm.s32 $0x16200;
	v0 =	vpack.i.f32.bf16 v1, v0  }
0x1df: {  	[tilespmem:s5+$0x0] =	vst v0  }
0x1e0: {  	v0 =	vld [tilespmem:s6+$0xA210]  }
0x1e1: {  	v1 =	vld [tilespmem:s6+$0xA290];
	_ =	sdelay $0x4  }
0x1e2: {  	v0 =	vpack.i.f32.bf16 v1, v0  }
0x1e3: {  	[tilespmem:s5+$0x10] =	vst v0  }
0x1e4: {  	v0 =	vld [tilespmem:s6+$0xA220]  }
0x1e5: {  	v1 =	vld [tilespmem:s6+$0xA2A0];
	_ =	sdelay $0x4  }
0x1e6: {  	v0 =	vpack.i.f32.bf16 v1, v0  }
0x1e7: {  	[tilespmem:s5+$0x20] =	vst v0  }
0x1e8: {  	v0 =	vld [tilespmem:s6+$0xA230]  }
0x1e9: {  	v1 =	vld [tilespmem:s6+$0xA2B0];
	_ =	sdelay $0x4  }
0x1ea: {  	v0 =	vpack.i.f32.bf16 v1, v0  }
0x1eb: {  	[tilespmem:s5+$0x30] =	vst v0  }
0x1ec: {  	v0 =	vld [tilespmem:s6+$0xA240]  }
0x1ed: {  	v1 =	vld [tilespmem:s6+$0xA2C0];
	_ =	sdelay $0x4  }
0x1ee: {  	v0 =	vpack.i.f32.bf16 v1, v0  }
0x1ef: {  	[tilespmem:s5+$0x40] =	vst v0  }
0x1f0: {  	v0 =	vld [tilespmem:s6+$0xA250]  }
0x1f1: {  	v1 =	vld [tilespmem:s6+$0xA2D0];
	_ =	sdelay $0x4  }
0x1f2: {  	v0 =	vpack.i.f32.bf16 v1, v0  }
0x1f3: {  	[tilespmem:s5+$0x50] =	vst v0  }
0x1f4: {  	v0 =	vld [tilespmem:s6+$0xA260]  }
0x1f5: {  	v1 =	vld [tilespmem:s6+$0xA2E0];
	_ =	sdelay $0x4  }
0x1f6: {  	s7 =	simm.s32 $0x400;
	s10 =	simm.s32 $0x16200;
	v0 =	vpack.i.f32.bf16 v1, v0  }
.LBB2_15:
0x1f7: {  	p0 =	sne.s32 s7, $0xFC00  }
0x1f8: {  	[tilespmem:s5+$0x60] =	vst v0;
	s10 =	sadd.s32 $0x80, s10;
	s11 =	smov.u32 s7;
	s7 =	sadd.s32 $0x400, s7  }
0x1f9: {  	v0 =	vld [tilespmem:s6+$0xA270]  }
0x1fa: {  	v1 =	vld [tilespmem:s6+$0xA2F0];
	_ =	sdelay $0x4  }
0x1fb: {  	v0 =	vpack.i.f32.bf16 v1, v0  }
0x1fc: {  	s6 =	sshra.s32 s11, $0x2;
	[tilespmem:s5+$0x70] =	vst v0;
	s5 =	smov.u32 s10  }
0x1fd: {  	v0 =	vld [tilespmem:s6+$0xA200]  }
0x1fe: {  	v1 =	vld [tilespmem:s6+$0xA280];
	_ =	sdelay $0x4  }
0x1ff: {  	v0 =	vpack.i.f32.bf16 v1, v0  }
0x200: {  	[tilespmem:s10+$0x0] =	vst v0  }
0x201: {  	v0 =	vld [tilespmem:s6+$0xA210]  }
0x202: {  	v1 =	vld [tilespmem:s6+$0xA290];
	_ =	sdelay $0x4  }
0x203: {  	v0 =	vpack.i.f32.bf16 v1, v0  }
0x204: {  	[tilespmem:s10+$0x10] =	vst v0  }
0x205: {  	v0 =	vld [tilespmem:s6+$0xA220]  }
0x206: {  	v1 =	vld [tilespmem:s6+$0xA2A0];
	_ =	sdelay $0x4  }
0x207: {  	v0 =	vpack.i.f32.bf16 v1, v0  }
0x208: {  	[tilespmem:s10+$0x20] =	vst v0  }
0x209: {  	v0 =	vld [tilespmem:s6+$0xA230]  }
0x20a: {  	v1 =	vld [tilespmem:s6+$0xA2B0];
	_ =	sdelay $0x4  }
0x20b: {  	v0 =	vpack.i.f32.bf16 v1, v0  }
0x20c: {  	[tilespmem:s10+$0x30] =	vst v0  }
0x20d: {  	v0 =	vld [tilespmem:s6+$0xA240]  }
0x20e: {  	v1 =	vld [tilespmem:s6+$0xA2C0];
	_ =	sdelay $0x4  }
0x20f: {  	v0 =	vpack.i.f32.bf16 v1, v0  }
0x210: {  	[tilespmem:s10+$0x40] =	vst v0  }
0x211: {  	v0 =	vld [tilespmem:s6+$0xA250]  }
0x212: {  	v1 =	vld [tilespmem:s6+$0xA2D0];
	_ =	sdelay $0x4  }
0x213: {  	v0 =	vpack.i.f32.bf16 v1, v0  }
0x214: {  	[tilespmem:s10+$0x50] =	vst v0  }
0x215: {  	v0 =	vld [tilespmem:s6+$0xA260]  }
0x216: {  	v1 =	vld [tilespmem:s6+$0xA2E0]  }
.Ltmp6:
0x217: {  	(pc) =	sbr.rel @p0 .LBB2_15-.Ltmp6, $2  }
0x218: {  	_ =	sdelay $0x2  }
0x219: {  	v0 =	vpack.i.f32.bf16 v1, v0  }
0x21a: {  	[tilespmem:s5+$0x60] =	vst v0  }
0x21b: {  	v0 =	vld [tilespmem:s6+$0xA270]  }
0x21c: {  	v1 =	vld [tilespmem:s6+$0xA2F0];
	_ =	sdelay $0x4  }
0x21d: {  	v0 =	vpack.i.f32.bf16 v1, v0  }
0x21e: {  	s11 =	sadd.s32 $0x500, s2;
	[tilespmem:s5+$0x70] =	vst v0  }
0x21f: {  	[tilespmem:s20], [sflag:$0x3] =	stream.indirect.gather [hbm4b:s1+s16], $0x80, s11, s16, $0xb8;
	[tilespmem:$0x1A200] =	vst v63  }
0x220: {  	_ =	swait.ge [sflag:s31], $0x4000  }
0x221: {  	[sflag:s31] =	ssyncset.done $0x0  }
0x222: {  	s6 =	simm.s32 $0x0;
	[sflag:s31] =	ssyncadd.s32 $0xFFFFC000  }
0x223: {  	v0 =	vld [tilespmem:s6+$0xE200]  }
0x224: {  	v1 =	vld [tilespmem:s6+$0xE280];
	_ =	sdelay $0x4  }
0x225: {  	s5 =	simm.s32 $0x18200;
	v0 =	vpack.i.f32.bf16 v1, v0  }
0x226: {  	[tilespmem:s5+$0x0] =	vst v0  }
0x227: {  	v0 =	vld [tilespmem:s6+$0xE210]  }
0x228: {  	v1 =	vld [tilespmem:s6+$0xE290];
	_ =	sdelay $0x4  }
0x229: {  	v0 =	vpack.i.f32.bf16 v1, v0  }
0x22a: {  	[tilespmem:s5+$0x10] =	vst v0  }
0x22b: {  	v0 =	vld [tilespmem:s6+$0xE220]  }
0x22c: {  	v1 =	vld [tilespmem:s6+$0xE2A0];
	_ =	sdelay $0x4  }
0x22d: {  	v0 =	vpack.i.f32.bf16 v1, v0  }
0x22e: {  	[tilespmem:s5+$0x20] =	vst v0  }
0x22f: {  	v0 =	vld [tilespmem:s6+$0xE230]  }
0x230: {  	v1 =	vld [tilespmem:s6+$0xE2B0];
	_ =	sdelay $0x4  }
0x231: {  	v0 =	vpack.i.f32.bf16 v1, v0  }
0x232: {  	[tilespmem:s5+$0x30] =	vst v0  }
0x233: {  	v0 =	vld [tilespmem:s6+$0xE240]  }
0x234: {  	v1 =	vld [tilespmem:s6+$0xE2C0];
	_ =	sdelay $0x4  }
0x235: {  	v0 =	vpack.i.f32.bf16 v1, v0  }
0x236: {  	[tilespmem:s5+$0x40] =	vst v0  }
0x237: {  	v0 =	vld [tilespmem:s6+$0xE250]  }
0x238: {  	v1 =	vld [tilespmem:s6+$0xE2D0];
	_ =	sdelay $0x4  }
0x239: {  	v0 =	vpack.i.f32.bf16 v1, v0  }
0x23a: {  	[tilespmem:s5+$0x50] =	vst v0  }
0x23b: {  	v0 =	vld [tilespmem:s6+$0xE260]  }
0x23c: {  	v1 =	vld [tilespmem:s6+$0xE2E0];
	_ =	sdelay $0x4  }
0x23d: {  	s7 =	simm.s32 $0x400;
	s10 =	simm.s32 $0x18200;
	v0 =	vpack.i.f32.bf16 v1, v0  }
.LBB2_17:
0x23e: {  	p0 =	sne.s32 s7, $0xFC00  }
0x23f: {  	[tilespmem:s5+$0x60] =	vst v0;
	s10 =	sadd.s32 $0x80, s10;
	s11 =	smov.u32 s7;
	s7 =	sadd.s32 $0x400, s7  }
0x240: {  	v0 =	vld [tilespmem:s6+$0xE270]  }
0x241: {  	v1 =	vld [tilespmem:s6+$0xE2F0];
	_ =	sdelay $0x4  }
0x242: {  	v0 =	vpack.i.f32.bf16 v1, v0  }
0x243: {  	s6 =	sshra.s32 s11, $0x2;
	[tilespmem:s5+$0x70] =	vst v0;
	s5 =	smov.u32 s10  }
0x244: {  	v0 =	vld [tilespmem:s6+$0xE200]  }
0x245: {  	v1 =	vld [tilespmem:s6+$0xE280];
	_ =	sdelay $0x4  }
0x246: {  	v0 =	vpack.i.f32.bf16 v1, v0  }
0x247: {  	[tilespmem:s10+$0x0] =	vst v0  }
0x248: {  	v0 =	vld [tilespmem:s6+$0xE210]  }
0x249: {  	v1 =	vld [tilespmem:s6+$0xE290];
	_ =	sdelay $0x4  }
0x24a: {  	v0 =	vpack.i.f32.bf16 v1, v0  }
0x24b: {  	[tilespmem:s10+$0x10] =	vst v0  }
0x24c: {  	v0 =	vld [tilespmem:s6+$0xE220]  }
0x24d: {  	v1 =	vld [tilespmem:s6+$0xE2A0];
	_ =	sdelay $0x4  }
0x24e: {  	v0 =	vpack.i.f32.bf16 v1, v0  }
0x24f: {  	[tilespmem:s10+$0x20] =	vst v0  }
0x250: {  	v0 =	vld [tilespmem:s6+$0xE230]  }
0x251: {  	v1 =	vld [tilespmem:s6+$0xE2B0];
	_ =	sdelay $0x4  }
0x252: {  	v0 =	vpack.i.f32.bf16 v1, v0  }
0x253: {  	[tilespmem:s10+$0x30] =	vst v0  }
0x254: {  	v0 =	vld [tilespmem:s6+$0xE240]  }
0x255: {  	v1 =	vld [tilespmem:s6+$0xE2C0];
	_ =	sdelay $0x4  }
0x256: {  	v0 =	vpack.i.f32.bf16 v1, v0  }
0x257: {  	[tilespmem:s10+$0x40] =	vst v0  }
0x258: {  	v0 =	vld [tilespmem:s6+$0xE250]  }
0x259: {  	v1 =	vld [tilespmem:s6+$0xE2D0];
	_ =	sdelay $0x4  }
0x25a: {  	v0 =	vpack.i.f32.bf16 v1, v0  }
0x25b: {  	[tilespmem:s10+$0x50] =	vst v0  }
0x25c: {  	v0 =	vld [tilespmem:s6+$0xE260]  }
0x25d: {  	v1 =	vld [tilespmem:s6+$0xE2E0]  }
.Ltmp7:
0x25e: {  	(pc) =	sbr.rel @p0 .LBB2_17-.Ltmp7, $2  }
0x25f: {  	_ =	sdelay $0x2  }
0x260: {  	v0 =	vpack.i.f32.bf16 v1, v0  }
0x261: {  	[tilespmem:s5+$0x60] =	vst v0  }
0x262: {  	v0 =	vld [tilespmem:s6+$0xE270]  }
0x263: {  	v1 =	vld [tilespmem:s6+$0xE2F0];
	_ =	sdelay $0x2  }
0x264: {  	s30 =	sadd.s32 $0x1, s30  }
0x265: {  	s11 =	sadd.s32 s24, s9;
	p0 =	sne.s32 s30, $0xE  }
.Ltmp8:
0x266: {  	s6 =	sshll.u32 s11, $0x4;
	v0 =	vpack.i.f32.bf16 v1, v0;
	(pc) =	sbr.rel @p0 .LBB2_10-.Ltmp8, $4  }
0x267: {  	s24 =	sadd.s32 s4, s6;
	[tilespmem:s5+$0x70] =	vst v0  }
0x268: {  	[hbm4b:s24+s3] =	stream.linear.scatter [tilespmem:s0], [sflag:$0x6], $0x4000, $0x38;
	[tilespmem:$0x1A200] =	vst v63  }
0x269: {  	s2 =	sadd.s32 $0x580, s2  }
0x26a: {  	[tilespmem:s22], [sflag:$0x4] =	stream.indirect.gather [hbm4b:s1+s16], $0x80, s2, s16, $0xb8;
	[tilespmem:$0x1A200] =	vst v63  }
0x26b: {  	_ =	swait.ge [sflag:s23], $0x4000  }
0x26c: {  	[sflag:s23] =	ssyncset.done $0x0  }
0x26d: {  	[sflag:s23] =	ssyncadd.s32 $0xFFFFC000  }
0x26e: {  	_ =	swait.ge [sflag:s19], $0x4000  }
0x26f: {  	[sflag:s19] =	ssyncset.done $0x0  }
0x270: {  	s2 =	simm.s32 $0x2280;
	[sflag:s19] =	ssyncadd.s32 $0xFFFFC000  }
0x271: {  	v0 =	vld [tilespmem:s2+$0xFFFFFF80]  }
0x272: {  	v1 =	vld [tilespmem:s2+$0x0];
	_ =	sdelay $0x4  }
0x273: {  	s5 =	simm.s32 $0x0;
	v0 =	vpack.i.f32.bf16 v1, v0  }
0x274: {  	[tilespmem:s5+$0x12200] =	vst v0  }
0x275: {  	v0 =	vld [tilespmem:s2+$0xFFFFFF90]  }
0x276: {  	v58 =	vld [tilespmem:s2+$0x10];
	_ =	sdelay $0x4  }
0x277: {  	v0 =	vpack.i.f32.bf16 v58, v0  }
0x278: {  	[tilespmem:s5+$0x12210] =	vst v0  }
0x279: {  	v0 =	vld [tilespmem:s2+$0xFFFFFFA0]  }
0x27a: {  	v59 =	vld [tilespmem:s2+$0x20];
	_ =	sdelay $0x4  }
0x27b: {  	v0 =	vpack.i.f32.bf16 v59, v0  }
0x27c: {  	[tilespmem:s5+$0x12220] =	vst v0  }
0x27d: {  	v0 =	vld [tilespmem:s2+$0xFFFFFFB0]  }
0x27e: {  	v60 =	vld [tilespmem:s2+$0x30];
	_ =	sdelay $0x4  }
0x27f: {  	v0 =	vpack.i.f32.bf16 v60, v0  }
0x280: {  	[tilespmem:s5+$0x12230] =	vst v0  }
0x281: {  	v0 =	vld [tilespmem:s2+$0xFFFFFFC0]  }
0x282: {  	v61 =	vld [tilespmem:s2+$0x40];
	_ =	sdelay $0x4  }
0x283: {  	v0 =	vpack.i.f32.bf16 v61, v0  }
0x284: {  	[tilespmem:s5+$0x12240] =	vst v0  }
0x285: {  	v0 =	vld [tilespmem:s2+$0xFFFFFFD0]  }
0x286: {  	v62 =	vld [tilespmem:s2+$0x50];
	_ =	sdelay $0x4  }
0x287: {  	v0 =	vpack.i.f32.bf16 v62, v0  }
0x288: {  	[tilespmem:s5+$0x12250] =	vst v0  }
0x289: {  	v0 =	vld [tilespmem:s2+$0xFFFFFFE0]  }
0x28a: {  	v63 =	vld [tilespmem:s2+$0x60];
	_ =	sdelay $0x4  }
0x28b: {  	v0 =	vpack.i.f32.bf16 v63, v0  }
0x28c: {  	s6 =	simm.s32 $0x200;
	s7 =	simm.s32 $0x2280;
	[tilespmem:s5+$0x12260] =	vst v0  }
.LBB2_20:
0x28d: {  	p0 =	sne.s32 s6, $0x7E00  }
0x28e: {  	v0 =	vld [tilespmem:s2+$0xFFFFFFF0];
	s7 =	sadd.s32 $0x100, s7;
	s10 =	smov.u32 s6;
	s6 =	sadd.s32 $0x200, s6  }
0x28f: {  	v1 =	vld [tilespmem:s2+$0x70];
	s2 =	smov.u32 s7;
	_ =	sdelay $0x4  }
0x290: {  	v0 =	vpack.i.f32.bf16 v1, v0  }
0x291: {  	[tilespmem:s5+$0x12270] =	vst v0  }
0x292: {  	v0 =	vld [tilespmem:s7+$0xFFFFFF80]  }
0x293: {  	v1 =	vld [tilespmem:s7+$0x0];
	_ =	sdelay $0x4  }
0x294: {  	s5 =	sshra.s32 s10, $0x2;
	v0 =	vpack.i.f32.bf16 v1, v0  }
0x295: {  	[tilespmem:s5+$0x12200] =	vst v0  }
0x296: {  	v0 =	vld [tilespmem:s7+$0xFFFFFF90]  }
0x297: {  	v1 =	vld [tilespmem:s7+$0x10];
	_ =	sdelay $0x4  }
0x298: {  	v0 =	vpack.i.f32.bf16 v1, v0  }
0x299: {  	[tilespmem:s5+$0x12210] =	vst v0  }
0x29a: {  	v0 =	vld [tilespmem:s7+$0xFFFFFFA0]  }
0x29b: {  	v1 =	vld [tilespmem:s7+$0x20];
	_ =	sdelay $0x4  }
0x29c: {  	v0 =	vpack.i.f32.bf16 v1, v0  }
0x29d: {  	[tilespmem:s5+$0x12220] =	vst v0  }
0x29e: {  	v0 =	vld [tilespmem:s7+$0xFFFFFFB0]  }
0x29f: {  	v1 =	vld [tilespmem:s7+$0x30];
	_ =	sdelay $0x4  }
0x2a0: {  	v0 =	vpack.i.f32.bf16 v1, v0  }
0x2a1: {  	[tilespmem:s5+$0x12230] =	vst v0  }
0x2a2: {  	v0 =	vld [tilespmem:s7+$0xFFFFFFC0]  }
0x2a3: {  	v1 =	vld [tilespmem:s7+$0x40];
	_ =	sdelay $0x4  }
0x2a4: {  	v0 =	vpack.i.f32.bf16 v1, v0  }
0x2a5: {  	[tilespmem:s5+$0x12240] =	vst v0  }
0x2a6: {  	v0 =	vld [tilespmem:s7+$0xFFFFFFD0]  }
0x2a7: {  	v1 =	vld [tilespmem:s7+$0x50];
	_ =	sdelay $0x4  }
0x2a8: {  	v0 =	vpack.i.f32.bf16 v1, v0  }
0x2a9: {  	[tilespmem:s5+$0x12250] =	vst v0  }
0x2aa: {  	v0 =	vld [tilespmem:s7+$0xFFFFFFE0]  }
0x2ab: {  	v1 =	vld [tilespmem:s7+$0x60];
	_ =	sdelay $0x1  }
.Ltmp9:
0x2ac: {  	(pc) =	sbr.rel @p0 .LBB2_20-.Ltmp9, $3  }
0x2ad: {  	_ =	sdelay $0x1  }
0x2ae: {  	v0 =	vpack.i.f32.bf16 v1, v0  }
0x2af: {  	[tilespmem:s5+$0x12260] =	vst v0  }
0x2b0: {  	v0 =	vld [tilespmem:s2+$0xFFFFFFF0]  }
0x2b1: {  	v1 =	vld [tilespmem:s2+$0x70];
	_ =	sdelay $0x4  }
0x2b2: {  	v0 =	vpack.i.f32.bf16 v1, v0  }
0x2b3: {  	s30 =	simm.s32 $0x2000;
	[tilespmem:s5+$0x12270] =	vst v0  }
0x2b4: {  	[tilespmem:s17], [sflag:$0x1] =	stream.indirect.gather [hbm4b:s1+s16], $0x80, s30, s16, $0xb8;
	[tilespmem:$0x1A200] =	vst v63  }
0x2b5: {  	_ =	swait.ge [sflag:s25], $0x4000  }
0x2b6: {  	[sflag:s25] =	ssyncset.done $0x0  }
0x2b7: {  	s5 =	simm.s32 $0x0;
	[sflag:s25] =	ssyncadd.s32 $0xFFFFC000  }
0x2b8: {  	v0 =	vld [tilespmem:s5+$0x6200]  }
0x2b9: {  	v1 =	vld [tilespmem:s5+$0x6280];
	_ =	sdelay $0x4  }
0x2ba: {  	s2 =	simm.s32 $0x14270;
	v0 =	vpack.i.f32.bf16 v1, v0  }
0x2bb: {  	[tilespmem:s2+$0xFFFFFF90] =	vst v0  }
0x2bc: {  	v0 =	vld [tilespmem:s5+$0x6210]  }
0x2bd: {  	v1 =	vld [tilespmem:s5+$0x6290];
	_ =	sdelay $0x4  }
0x2be: {  	v0 =	vpack.i.f32.bf16 v1, v0  }
0x2bf: {  	[tilespmem:s2+$0xFFFFFFA0] =	vst v0  }
0x2c0: {  	v0 =	vld [tilespmem:s5+$0x6220]  }
0x2c1: {  	v1 =	vld [tilespmem:s5+$0x62A0];
	_ =	sdelay $0x4  }
0x2c2: {  	v0 =	vpack.i.f32.bf16 v1, v0  }
0x2c3: {  	[tilespmem:s2+$0xFFFFFFB0] =	vst v0  }
0x2c4: {  	v0 =	vld [tilespmem:s5+$0x6230]  }
0x2c5: {  	v1 =	vld [tilespmem:s5+$0x62B0];
	_ =	sdelay $0x4  }
0x2c6: {  	v0 =	vpack.i.f32.bf16 v1, v0  }
0x2c7: {  	[tilespmem:s2+$0xFFFFFFC0] =	vst v0  }
0x2c8: {  	v0 =	vld [tilespmem:s5+$0x6240]  }
0x2c9: {  	v1 =	vld [tilespmem:s5+$0x62C0];
	_ =	sdelay $0x4  }
0x2ca: {  	v0 =	vpack.i.f32.bf16 v1, v0  }
0x2cb: {  	[tilespmem:s2+$0xFFFFFFD0] =	vst v0  }
0x2cc: {  	v0 =	vld [tilespmem:s5+$0x6250]  }
0x2cd: {  	v1 =	vld [tilespmem:s5+$0x62D0];
	_ =	sdelay $0x4  }
0x2ce: {  	v0 =	vpack.i.f32.bf16 v1, v0  }
0x2cf: {  	[tilespmem:s2+$0xFFFFFFE0] =	vst v0  }
0x2d0: {  	v0 =	vld [tilespmem:s5+$0x6260]  }
0x2d1: {  	v1 =	vld [tilespmem:s5+$0x62E0];
	_ =	sdelay $0x4  }
0x2d2: {  	s6 =	simm.s32 $0x400;
	s7 =	simm.s32 $0x14270;
	v0 =	vpack.i.f32.bf16 v1, v0  }
.LBB2_22:
0x2d3: {  	p0 =	sne.s32 s6, $0xFC00  }
0x2d4: {  	[tilespmem:s2+$0xFFFFFFF0] =	vst v0;
	s7 =	sadd.s32 $0x80, s7;
	s10 =	smov.u32 s6;
	s6 =	sadd.s32 $0x400, s6  }
0x2d5: {  	v0 =	vld [tilespmem:s5+$0x6270]  }
0x2d6: {  	v1 =	vld [tilespmem:s5+$0x62F0];
	_ =	sdelay $0x4  }
0x2d7: {  	v0 =	vpack.i.f32.bf16 v1, v0  }
0x2d8: {  	s5 =	sshra.s32 s10, $0x2;
	[tilespmem:s2+$0x0] =	vst v0;
	s2 =	smov.u32 s7  }
0x2d9: {  	v0 =	vld [tilespmem:s5+$0x6200]  }
0x2da: {  	v1 =	vld [tilespmem:s5+$0x6280];
	_ =	sdelay $0x4  }
0x2db: {  	v0 =	vpack.i.f32.bf16 v1, v0  }
0x2dc: {  	[tilespmem:s7+$0xFFFFFF90] =	vst v0  }
0x2dd: {  	v0 =	vld [tilespmem:s5+$0x6210]  }
0x2de: {  	v1 =	vld [tilespmem:s5+$0x6290];
	_ =	sdelay $0x4  }
0x2df: {  	v0 =	vpack.i.f32.bf16 v1, v0  }
0x2e0: {  	[tilespmem:s7+$0xFFFFFFA0] =	vst v0  }
0x2e1: {  	v0 =	vld [tilespmem:s5+$0x6220]  }
0x2e2: {  	v1 =	vld [tilespmem:s5+$0x62A0];
	_ =	sdelay $0x4  }
0x2e3: {  	v0 =	vpack.i.f32.bf16 v1, v0  }
0x2e4: {  	[tilespmem:s7+$0xFFFFFFB0] =	vst v0  }
0x2e5: {  	v0 =	vld [tilespmem:s5+$0x6230]  }
0x2e6: {  	v1 =	vld [tilespmem:s5+$0x62B0];
	_ =	sdelay $0x4  }
0x2e7: {  	v0 =	vpack.i.f32.bf16 v1, v0  }
0x2e8: {  	[tilespmem:s7+$0xFFFFFFC0] =	vst v0  }
0x2e9: {  	v0 =	vld [tilespmem:s5+$0x6240]  }
0x2ea: {  	v1 =	vld [tilespmem:s5+$0x62C0];
	_ =	sdelay $0x4  }
0x2eb: {  	v0 =	vpack.i.f32.bf16 v1, v0  }
0x2ec: {  	[tilespmem:s7+$0xFFFFFFD0] =	vst v0  }
0x2ed: {  	v0 =	vld [tilespmem:s5+$0x6250]  }
0x2ee: {  	v1 =	vld [tilespmem:s5+$0x62D0];
	_ =	sdelay $0x4  }
0x2ef: {  	v0 =	vpack.i.f32.bf16 v1, v0  }
0x2f0: {  	[tilespmem:s7+$0xFFFFFFE0] =	vst v0  }
0x2f1: {  	v0 =	vld [tilespmem:s5+$0x6260]  }
0x2f2: {  	v1 =	vld [tilespmem:s5+$0x62E0]  }
.Ltmp10:
0x2f3: {  	(pc) =	sbr.rel @p0 .LBB2_22-.Ltmp10, $2  }
0x2f4: {  	_ =	sdelay $0x2  }
0x2f5: {  	v0 =	vpack.i.f32.bf16 v1, v0  }
0x2f6: {  	[tilespmem:s2+$0xFFFFFFF0] =	vst v0  }
0x2f7: {  	v0 =	vld [tilespmem:s5+$0x6270]  }
0x2f8: {  	v1 =	vld [tilespmem:s5+$0x62F0];
	_ =	sdelay $0x4  }
0x2f9: {  	v0 =	vpack.i.f32.bf16 v1, v0  }
0x2fa: {  	s11 =	simm.s32 $0x0;
	s24 =	rddreg [dreg:$0x7];
	[tilespmem:s2+$0x0] =	vst v0  }
0x2fb: {  	[hbm4b:s24+s11] =	stream.linear.scatter [tilespmem:s26], [sflag:$0x5], $0x4000, $0x38;
	[tilespmem:$0x1A200] =	vst v63  }
0x2fc: {  	s30 =	simm.s32 $0x2080  }
0x2fd: {  	[tilespmem:s18], [sflag:$0x2] =	stream.indirect.gather [hbm4b:s1+s16], $0x80, s30, s16, $0xb8;
	[tilespmem:$0x1A200] =	vst v63  }
0x2fe: {  	_ =	swait.ge [sflag:s29], $0x4000  }
0x2ff: {  	[sflag:s29] =	ssyncset.done $0x0  }
0x300: {  	[sflag:s29] =	ssyncadd.s32 $0xFFFFC000  }
0x301: {  	_ =	swait.ge [sflag:s21], $0x4000  }
0x302: {  	[sflag:s21] =	ssyncset.done $0x0  }
0x303: {  	s5 =	simm.s32 $0x0;
	[sflag:s21] =	ssyncadd.s32 $0xFFFFC000  }
0x304: {  	v0 =	vld [tilespmem:s5+$0xA200]  }
0x305: {  	v1 =	vld [tilespmem:s5+$0xA280];
	_ =	sdelay $0x4  }
0x306: {  	s2 =	simm.s32 $0x16200;
	v0 =	vpack.i.f32.bf16 v1, v0  }
0x307: {  	[tilespmem:s2+$0x0] =	vst v0  }
0x308: {  	v0 =	vld [tilespmem:s5+$0xA210]  }
0x309: {  	v1 =	vld [tilespmem:s5+$0xA290];
	_ =	sdelay $0x4  }
0x30a: {  	v0 =	vpack.i.f32.bf16 v1, v0  }
0x30b: {  	[tilespmem:s2+$0x10] =	vst v0  }
0x30c: {  	v0 =	vld [tilespmem:s5+$0xA220]  }
0x30d: {  	v1 =	vld [tilespmem:s5+$0xA2A0];
	_ =	sdelay $0x4  }
0x30e: {  	v0 =	vpack.i.f32.bf16 v1, v0  }
0x30f: {  	[tilespmem:s2+$0x20] =	vst v0  }
0x310: {  	v0 =	vld [tilespmem:s5+$0xA230]  }
0x311: {  	v1 =	vld [tilespmem:s5+$0xA2B0];
	_ =	sdelay $0x4  }
0x312: {  	v0 =	vpack.i.f32.bf16 v1, v0  }
0x313: {  	[tilespmem:s2+$0x30] =	vst v0  }
0x314: {  	v0 =	vld [tilespmem:s5+$0xA240]  }
0x315: {  	v1 =	vld [tilespmem:s5+$0xA2C0];
	_ =	sdelay $0x4  }
0x316: {  	v0 =	vpack.i.f32.bf16 v1, v0  }
0x317: {  	[tilespmem:s2+$0x40] =	vst v0  }
0x318: {  	v0 =	vld [tilespmem:s5+$0xA250]  }
0x319: {  	v1 =	vld [tilespmem:s5+$0xA2D0];
	_ =	sdelay $0x4  }
0x31a: {  	v0 =	vpack.i.f32.bf16 v1, v0  }
0x31b: {  	[tilespmem:s2+$0x50] =	vst v0  }
0x31c: {  	v0 =	vld [tilespmem:s5+$0xA260]  }
0x31d: {  	v1 =	vld [tilespmem:s5+$0xA2E0];
	_ =	sdelay $0x4  }
0x31e: {  	s6 =	simm.s32 $0x400;
	s7 =	simm.s32 $0x16200;
	v0 =	vpack.i.f32.bf16 v1, v0  }
.LBB2_24:
0x31f: {  	p0 =	sne.s32 s6, $0xFC00  }
0x320: {  	[tilespmem:s2+$0x60] =	vst v0;
	s7 =	sadd.s32 $0x80, s7;
	s10 =	smov.u32 s6;
	s6 =	sadd.s32 $0x400, s6  }
0x321: {  	v0 =	vld [tilespmem:s5+$0xA270]  }
0x322: {  	v1 =	vld [tilespmem:s5+$0xA2F0];
	_ =	sdelay $0x4  }
0x323: {  	v0 =	vpack.i.f32.bf16 v1, v0  }
0x324: {  	s5 =	sshra.s32 s10, $0x2;
	[tilespmem:s2+$0x70] =	vst v0;
	s2 =	smov.u32 s7  }
0x325: {  	v0 =	vld [tilespmem:s5+$0xA200]  }
0x326: {  	v1 =	vld [tilespmem:s5+$0xA280];
	_ =	sdelay $0x4  }
0x327: {  	v0 =	vpack.i.f32.bf16 v1, v0  }
0x328: {  	[tilespmem:s7+$0x0] =	vst v0  }
0x329: {  	v0 =	vld [tilespmem:s5+$0xA210]  }
0x32a: {  	v1 =	vld [tilespmem:s5+$0xA290];
	_ =	sdelay $0x4  }
0x32b: {  	v0 =	vpack.i.f32.bf16 v1, v0  }
0x32c: {  	[tilespmem:s7+$0x10] =	vst v0  }
0x32d: {  	v0 =	vld [tilespmem:s5+$0xA220]  }
0x32e: {  	v1 =	vld [tilespmem:s5+$0xA2A0];
	_ =	sdelay $0x4  }
0x32f: {  	v0 =	vpack.i.f32.bf16 v1, v0  }
0x330: {  	[tilespmem:s7+$0x20] =	vst v0  }
0x331: {  	v0 =	vld [tilespmem:s5+$0xA230]  }
0x332: {  	v1 =	vld [tilespmem:s5+$0xA2B0];
	_ =	sdelay $0x4  }
0x333: {  	v0 =	vpack.i.f32.bf16 v1, v0  }
0x334: {  	[tilespmem:s7+$0x30] =	vst v0  }
0x335: {  	v0 =	vld [tilespmem:s5+$0xA240]  }
0x336: {  	v1 =	vld [tilespmem:s5+$0xA2C0];
	_ =	sdelay $0x4  }
0x337: {  	v0 =	vpack.i.f32.bf16 v1, v0  }
0x338: {  	[tilespmem:s7+$0x40] =	vst v0  }
0x339: {  	v0 =	vld [tilespmem:s5+$0xA250]  }
0x33a: {  	v1 =	vld [tilespmem:s5+$0xA2D0];
	_ =	sdelay $0x4  }
0x33b: {  	v0 =	vpack.i.f32.bf16 v1, v0  }
0x33c: {  	[tilespmem:s7+$0x50] =	vst v0  }
0x33d: {  	v0 =	vld [tilespmem:s5+$0xA260]  }
0x33e: {  	v1 =	vld [tilespmem:s5+$0xA2E0]  }
.Ltmp11:
0x33f: {  	(pc) =	sbr.rel @p0 .LBB2_24-.Ltmp11, $2  }
0x340: {  	_ =	sdelay $0x2  }
0x341: {  	v0 =	vpack.i.f32.bf16 v1, v0  }
0x342: {  	[tilespmem:s2+$0x60] =	vst v0  }
0x343: {  	v0 =	vld [tilespmem:s5+$0xA270]  }
0x344: {  	v1 =	vld [tilespmem:s5+$0xA2F0];
	_ =	sdelay $0x4  }
0x345: {  	v0 =	vpack.i.f32.bf16 v1, v0  }
0x346: {  	s30 =	simm.s32 $0x2100;
	[tilespmem:s2+$0x70] =	vst v0  }
0x347: {  	[tilespmem:s20], [sflag:$0x3] =	stream.indirect.gather [hbm4b:s1+s16], $0x80, s30, s16, $0xb8;
	[tilespmem:$0x1A200] =	vst v63  }
0x348: {  	_ =	swait.ge [sflag:s31], $0x4000  }
0x349: {  	[sflag:s31] =	ssyncset.done $0x0  }
0x34a: {  	s5 =	simm.s32 $0x0;
	[sflag:s31] =	ssyncadd.s32 $0xFFFFC000  }
0x34b: {  	v0 =	vld [tilespmem:s5+$0xE200]  }
0x34c: {  	v1 =	vld [tilespmem:s5+$0xE280];
	_ =	sdelay $0x4  }
0x34d: {  	s2 =	simm.s32 $0x18200;
	v0 =	vpack.i.f32.bf16 v1, v0  }
0x34e: {  	[tilespmem:s2+$0x0] =	vst v0  }
0x34f: {  	v0 =	vld [tilespmem:s5+$0xE210]  }
0x350: {  	v1 =	vld [tilespmem:s5+$0xE290];
	_ =	sdelay $0x4  }
0x351: {  	v0 =	vpack.i.f32.bf16 v1, v0  }
0x352: {  	[tilespmem:s2+$0x10] =	vst v0  }
0x353: {  	v0 =	vld [tilespmem:s5+$0xE220]  }
0x354: {  	v1 =	vld [tilespmem:s5+$0xE2A0];
	_ =	sdelay $0x4  }
0x355: {  	v0 =	vpack.i.f32.bf16 v1, v0  }
0x356: {  	[tilespmem:s2+$0x20] =	vst v0  }
0x357: {  	v0 =	vld [tilespmem:s5+$0xE230]  }
0x358: {  	v1 =	vld [tilespmem:s5+$0xE2B0];
	_ =	sdelay $0x4  }
0x359: {  	v0 =	vpack.i.f32.bf16 v1, v0  }
0x35a: {  	[tilespmem:s2+$0x30] =	vst v0  }
0x35b: {  	v0 =	vld [tilespmem:s5+$0xE240]  }
0x35c: {  	v1 =	vld [tilespmem:s5+$0xE2C0];
	_ =	sdelay $0x4  }
0x35d: {  	v0 =	vpack.i.f32.bf16 v1, v0  }
0x35e: {  	[tilespmem:s2+$0x40] =	vst v0  }
0x35f: {  	v0 =	vld [tilespmem:s5+$0xE250]  }
0x360: {  	v1 =	vld [tilespmem:s5+$0xE2D0];
	_ =	sdelay $0x4  }
0x361: {  	v0 =	vpack.i.f32.bf16 v1, v0  }
0x362: {  	[tilespmem:s2+$0x50] =	vst v0  }
0x363: {  	v0 =	vld [tilespmem:s5+$0xE260]  }
0x364: {  	v1 =	vld [tilespmem:s5+$0xE2E0];
	_ =	sdelay $0x4  }
0x365: {  	s6 =	simm.s32 $0x400;
	s7 =	simm.s32 $0x18200;
	v0 =	vpack.i.f32.bf16 v1, v0  }
.LBB2_26:
0x366: {  	p0 =	sne.s32 s6, $0xFC00  }
0x367: {  	[tilespmem:s2+$0x60] =	vst v0;
	s7 =	sadd.s32 $0x80, s7;
	s10 =	smov.u32 s6;
	s6 =	sadd.s32 $0x400, s6  }
0x368: {  	v0 =	vld [tilespmem:s5+$0xE270]  }
0x369: {  	v1 =	vld [tilespmem:s5+$0xE2F0];
	_ =	sdelay $0x4  }
0x36a: {  	v0 =	vpack.i.f32.bf16 v1, v0  }
0x36b: {  	s5 =	sshra.s32 s10, $0x2;
	[tilespmem:s2+$0x70] =	vst v0;
	s2 =	smov.u32 s7  }
0x36c: {  	v0 =	vld [tilespmem:s5+$0xE200]  }
0x36d: {  	v1 =	vld [tilespmem:s5+$0xE280];
	_ =	sdelay $0x4  }
0x36e: {  	v0 =	vpack.i.f32.bf16 v1, v0  }
0x36f: {  	[tilespmem:s7+$0x0] =	vst v0  }
0x370: {  	v0 =	vld [tilespmem:s5+$0xE210]  }
0x371: {  	v1 =	vld [tilespmem:s5+$0xE290];
	_ =	sdelay $0x4  }
0x372: {  	v0 =	vpack.i.f32.bf16 v1, v0  }
0x373: {  	[tilespmem:s7+$0x10] =	vst v0  }
0x374: {  	v0 =	vld [tilespmem:s5+$0xE220]  }
0x375: {  	v1 =	vld [tilespmem:s5+$0xE2A0];
	_ =	sdelay $0x4  }
0x376: {  	v0 =	vpack.i.f32.bf16 v1, v0  }
0x377: {  	[tilespmem:s7+$0x20] =	vst v0  }
0x378: {  	v0 =	vld [tilespmem:s5+$0xE230]  }
0x379: {  	v1 =	vld [tilespmem:s5+$0xE2B0];
	_ =	sdelay $0x4  }
0x37a: {  	v0 =	vpack.i.f32.bf16 v1, v0  }
0x37b: {  	[tilespmem:s7+$0x30] =	vst v0  }
0x37c: {  	v0 =	vld [tilespmem:s5+$0xE240]  }
0x37d: {  	v1 =	vld [tilespmem:s5+$0xE2C0];
	_ =	sdelay $0x4  }
0x37e: {  	v0 =	vpack.i.f32.bf16 v1, v0  }
0x37f: {  	[tilespmem:s7+$0x40] =	vst v0  }
0x380: {  	v0 =	vld [tilespmem:s5+$0xE250]  }
0x381: {  	v1 =	vld [tilespmem:s5+$0xE2D0];
	_ =	sdelay $0x4  }
0x382: {  	v0 =	vpack.i.f32.bf16 v1, v0  }
0x383: {  	[tilespmem:s7+$0x50] =	vst v0  }
0x384: {  	v0 =	vld [tilespmem:s5+$0xE260]  }
0x385: {  	v1 =	vld [tilespmem:s5+$0xE2E0]  }
.Ltmp12:
0x386: {  	(pc) =	sbr.rel @p0 .LBB2_26-.Ltmp12, $2  }
0x387: {  	_ =	sdelay $0x2  }
0x388: {  	v0 =	vpack.i.f32.bf16 v1, v0  }
0x389: {  	[tilespmem:s2+$0x60] =	vst v0  }
0x38a: {  	v0 =	vld [tilespmem:s5+$0xE270]  }
0x38b: {  	v1 =	vld [tilespmem:s5+$0xE2F0];
	_ =	sdelay $0x4  }
0x38c: {  	v0 =	vpack.i.f32.bf16 v1, v0  }
0x38d: {  	s10 =	simm.s32 $0x0;
	s11 =	rddreg [dreg:$0x8];
	[tilespmem:s2+$0x70] =	vst v0  }
0x38e: {  	[hbm4b:s11+s10] =	stream.linear.scatter [tilespmem:s0], [sflag:$0x6], $0x4000, $0x38;
	[tilespmem:$0x1A200] =	vst v63  }
0x38f: {  	s24 =	simm.s32 $0x40;
	s30 =	simm.s32 $0x2180  }
0x390: {  	[tilespmem:s22], [sflag:$0x4] =	stream.indirect.gather [hbm4b:s1+s24], $0x80, s30, s24, $0xb8;
	[tilespmem:$0x1A200] =	vst v63  }
0x391: {  	_ =	swait.ge [sflag:s23], $0x4000  }
0x392: {  	[sflag:s23] =	ssyncset.done $0x0  }
0x393: {  	[sflag:s23] =	ssyncadd.s32 $0xFFFFC000  }
0x394: {  	_ =	swait.ge [sflag:s19], $0x4000  }
0x395: {  	[sflag:s19] =	ssyncset.done $0x0  }
0x396: {  	s2 =	simm.s32 $0x2280;
	[sflag:s19] =	ssyncadd.s32 $0xFFFFC000  }
0x397: {  	v56 =	vld [tilespmem:s2+$0xFFFFFF80]  }
0x398: {  	v57 =	vld [tilespmem:s2+$0x0];
	_ =	sdelay $0x4  }
0x399: {  	s5 =	simm.s32 $0x0;
	v0 =	vpack.i.f32.bf16 v57, v56  }
0x39a: {  	[tilespmem:s5+$0x12200] =	vst v0  }
0x39b: {  	v0 =	vld [tilespmem:s2+$0xFFFFFF90]  }
0x39c: {  	v58 =	vld [tilespmem:s2+$0x10];
	_ =	sdelay $0x4  }
0x39d: {  	v0 =	vpack.i.f32.bf16 v58, v0  }
0x39e: {  	[tilespmem:s5+$0x12210] =	vst v0  }
0x39f: {  	v0 =	vld [tilespmem:s2+$0xFFFFFFA0]  }
0x3a0: {  	v59 =	vld [tilespmem:s2+$0x20];
	_ =	sdelay $0x4  }
0x3a1: {  	v0 =	vpack.i.f32.bf16 v59, v0  }
0x3a2: {  	[tilespmem:s5+$0x12220] =	vst v0  }
0x3a3: {  	v0 =	vld [tilespmem:s2+$0xFFFFFFB0]  }
0x3a4: {  	v60 =	vld [tilespmem:s2+$0x30];
	_ =	sdelay $0x4  }
0x3a5: {  	v0 =	vpack.i.f32.bf16 v60, v0  }
0x3a6: {  	[tilespmem:s5+$0x12230] =	vst v0  }
0x3a7: {  	v0 =	vld [tilespmem:s2+$0xFFFFFFC0]  }
0x3a8: {  	v61 =	vld [tilespmem:s2+$0x40];
	_ =	sdelay $0x4  }
0x3a9: {  	v0 =	vpack.i.f32.bf16 v61, v0  }
0x3aa: {  	[tilespmem:s5+$0x12240] =	vst v0  }
0x3ab: {  	v0 =	vld [tilespmem:s2+$0xFFFFFFD0]  }
0x3ac: {  	v62 =	vld [tilespmem:s2+$0x50];
	_ =	sdelay $0x4  }
0x3ad: {  	v0 =	vpack.i.f32.bf16 v62, v0  }
0x3ae: {  	[tilespmem:s5+$0x12250] =	vst v0  }
0x3af: {  	v0 =	vld [tilespmem:s2+$0xFFFFFFE0]  }
0x3b0: {  	v63 =	vld [tilespmem:s2+$0x60];
	_ =	sdelay $0x4  }
0x3b1: {  	v0 =	vpack.i.f32.bf16 v63, v0  }
0x3b2: {  	s6 =	simm.s32 $0x200;
	s7 =	simm.s32 $0x2280;
	[tilespmem:s5+$0x12260] =	vst v0  }
.LBB2_28:
0x3b3: {  	p0 =	sne.s32 s6, $0x7E00  }
0x3b4: {  	v0 =	vld [tilespmem:s2+$0xFFFFFFF0];
	s7 =	sadd.s32 $0x100, s7;
	s10 =	smov.u32 s6;
	s6 =	sadd.s32 $0x200, s6  }
0x3b5: {  	v1 =	vld [tilespmem:s2+$0x70];
	s2 =	smov.u32 s7;
	_ =	sdelay $0x4  }
0x3b6: {  	v0 =	vpack.i.f32.bf16 v1, v0  }
0x3b7: {  	[tilespmem:s5+$0x12270] =	vst v0  }
0x3b8: {  	v0 =	vld [tilespmem:s7+$0xFFFFFF80]  }
0x3b9: {  	v1 =	vld [tilespmem:s7+$0x0];
	_ =	sdelay $0x4  }
0x3ba: {  	s5 =	sshra.s32 s10, $0x2;
	v0 =	vpack.i.f32.bf16 v1, v0  }
0x3bb: {  	[tilespmem:s5+$0x12200] =	vst v0  }
0x3bc: {  	v0 =	vld [tilespmem:s7+$0xFFFFFF90]  }
0x3bd: {  	v1 =	vld [tilespmem:s7+$0x10];
	_ =	sdelay $0x4  }
0x3be: {  	v0 =	vpack.i.f32.bf16 v1, v0  }
0x3bf: {  	[tilespmem:s5+$0x12210] =	vst v0  }
0x3c0: {  	v0 =	vld [tilespmem:s7+$0xFFFFFFA0]  }
0x3c1: {  	v1 =	vld [tilespmem:s7+$0x20];
	_ =	sdelay $0x4  }
0x3c2: {  	v0 =	vpack.i.f32.bf16 v1, v0  }
0x3c3: {  	[tilespmem:s5+$0x12220] =	vst v0  }
0x3c4: {  	v0 =	vld [tilespmem:s7+$0xFFFFFFB0]  }
0x3c5: {  	v1 =	vld [tilespmem:s7+$0x30];
	_ =	sdelay $0x4  }
0x3c6: {  	v0 =	vpack.i.f32.bf16 v1, v0  }
0x3c7: {  	[tilespmem:s5+$0x12230] =	vst v0  }
0x3c8: {  	v0 =	vld [tilespmem:s7+$0xFFFFFFC0]  }
0x3c9: {  	v1 =	vld [tilespmem:s7+$0x40];
	_ =	sdelay $0x4  }
0x3ca: {  	v0 =	vpack.i.f32.bf16 v1, v0  }
0x3cb: {  	[tilespmem:s5+$0x12240] =	vst v0  }
0x3cc: {  	v0 =	vld [tilespmem:s7+$0xFFFFFFD0]  }
0x3cd: {  	v1 =	vld [tilespmem:s7+$0x50];
	_ =	sdelay $0x4  }
0x3ce: {  	v0 =	vpack.i.f32.bf16 v1, v0  }
0x3cf: {  	[tilespmem:s5+$0x12250] =	vst v0  }
0x3d0: {  	v0 =	vld [tilespmem:s7+$0xFFFFFFE0]  }
0x3d1: {  	v1 =	vld [tilespmem:s7+$0x60];
	_ =	sdelay $0x1  }
.Ltmp13:
0x3d2: {  	(pc) =	sbr.rel @p0 .LBB2_28-.Ltmp13, $3  }
0x3d3: {  	_ =	sdelay $0x1  }
0x3d4: {  	v0 =	vpack.i.f32.bf16 v1, v0  }
0x3d5: {  	[tilespmem:s5+$0x12260] =	vst v0  }
0x3d6: {  	v0 =	vld [tilespmem:s2+$0xFFFFFFF0]  }
0x3d7: {  	v1 =	vld [tilespmem:s2+$0x70];
	_ =	sdelay $0x4  }
0x3d8: {  	v0 =	vpack.i.f32.bf16 v1, v0  }
0x3d9: {  	[tilespmem:s5+$0x12270] =	vst v0  }
0x3da: {  	_ =	swait.ge [sflag:s25], $0x4000  }
0x3db: {  	[sflag:s25] =	ssyncset.done $0x0  }
0x3dc: {  	s5 =	simm.s32 $0x0;
	[sflag:s25] =	ssyncadd.s32 $0xFFFFC000  }
0x3dd: {  	v0 =	vld [tilespmem:s5+$0x6200]  }
0x3de: {  	v1 =	vld [tilespmem:s5+$0x6280];
	_ =	sdelay $0x4  }
0x3df: {  	s2 =	simm.s32 $0x14270;
	v0 =	vpack.i.f32.bf16 v1, v0  }
0x3e0: {  	[tilespmem:s2+$0xFFFFFF90] =	vst v0  }
0x3e1: {  	v0 =	vld [tilespmem:s5+$0x6210]  }
0x3e2: {  	v1 =	vld [tilespmem:s5+$0x6290];
	_ =	sdelay $0x4  }
0x3e3: {  	v0 =	vpack.i.f32.bf16 v1, v0  }
0x3e4: {  	[tilespmem:s2+$0xFFFFFFA0] =	vst v0  }
0x3e5: {  	v0 =	vld [tilespmem:s5+$0x6220]  }
0x3e6: {  	v1 =	vld [tilespmem:s5+$0x62A0];
	_ =	sdelay $0x4  }
0x3e7: {  	v0 =	vpack.i.f32.bf16 v1, v0  }
0x3e8: {  	[tilespmem:s2+$0xFFFFFFB0] =	vst v0  }
0x3e9: {  	v0 =	vld [tilespmem:s5+$0x6230]  }
0x3ea: {  	v1 =	vld [tilespmem:s5+$0x62B0];
	_ =	sdelay $0x4  }
0x3eb: {  	v0 =	vpack.i.f32.bf16 v1, v0  }
0x3ec: {  	[tilespmem:s2+$0xFFFFFFC0] =	vst v0  }
0x3ed: {  	v0 =	vld [tilespmem:s5+$0x6240]  }
0x3ee: {  	v1 =	vld [tilespmem:s5+$0x62C0];
	_ =	sdelay $0x4  }
0x3ef: {  	v0 =	vpack.i.f32.bf16 v1, v0  }
0x3f0: {  	[tilespmem:s2+$0xFFFFFFD0] =	vst v0  }
0x3f1: {  	v0 =	vld [tilespmem:s5+$0x6250]  }
0x3f2: {  	v1 =	vld [tilespmem:s5+$0x62D0];
	_ =	sdelay $0x4  }
0x3f3: {  	v0 =	vpack.i.f32.bf16 v1, v0  }
0x3f4: {  	[tilespmem:s2+$0xFFFFFFE0] =	vst v0  }
0x3f5: {  	v0 =	vld [tilespmem:s5+$0x6260]  }
0x3f6: {  	v1 =	vld [tilespmem:s5+$0x62E0];
	_ =	sdelay $0x4  }
0x3f7: {  	s6 =	simm.s32 $0x400;
	s7 =	simm.s32 $0x14270;
	v0 =	vpack.i.f32.bf16 v1, v0  }
.LBB2_30:
0x3f8: {  	p0 =	sne.s32 s6, $0xFC00  }
0x3f9: {  	[tilespmem:s2+$0xFFFFFFF0] =	vst v0;
	s7 =	sadd.s32 $0x80, s7;
	s10 =	smov.u32 s6;
	s6 =	sadd.s32 $0x400, s6  }
0x3fa: {  	v0 =	vld [tilespmem:s5+$0x6270]  }
0x3fb: {  	v1 =	vld [tilespmem:s5+$0x62F0];
	_ =	sdelay $0x4  }
0x3fc: {  	v0 =	vpack.i.f32.bf16 v1, v0  }
0x3fd: {  	s5 =	sshra.s32 s10, $0x2;
	[tilespmem:s2+$0x0] =	vst v0;
	s2 =	smov.u32 s7  }
0x3fe: {  	v0 =	vld [tilespmem:s5+$0x6200]  }
0x3ff: {  	v1 =	vld [tilespmem:s5+$0x6280];
	_ =	sdelay $0x4  }
0x400: {  	v0 =	vpack.i.f32.bf16 v1, v0  }
0x401: {  	[tilespmem:s7+$0xFFFFFF90] =	vst v0  }
0x402: {  	v0 =	vld [tilespmem:s5+$0x6210]  }
0x403: {  	v1 =	vld [tilespmem:s5+$0x6290];
	_ =	sdelay $0x4  }
0x404: {  	v0 =	vpack.i.f32.bf16 v1, v0  }
0x405: {  	[tilespmem:s7+$0xFFFFFFA0] =	vst v0  }
0x406: {  	v0 =	vld [tilespmem:s5+$0x6220]  }
0x407: {  	v1 =	vld [tilespmem:s5+$0x62A0];
	_ =	sdelay $0x4  }
0x408: {  	v0 =	vpack.i.f32.bf16 v1, v0  }
0x409: {  	[tilespmem:s7+$0xFFFFFFB0] =	vst v0  }
0x40a: {  	v0 =	vld [tilespmem:s5+$0x6230]  }
0x40b: {  	v1 =	vld [tilespmem:s5+$0x62B0];
	_ =	sdelay $0x4  }
0x40c: {  	v0 =	vpack.i.f32.bf16 v1, v0  }
0x40d: {  	[tilespmem:s7+$0xFFFFFFC0] =	vst v0  }
0x40e: {  	v0 =	vld [tilespmem:s5+$0x6240]  }
0x40f: {  	v1 =	vld [tilespmem:s5+$0x62C0];
	_ =	sdelay $0x4  }
0x410: {  	v0 =	vpack.i.f32.bf16 v1, v0  }
0x411: {  	[tilespmem:s7+$0xFFFFFFD0] =	vst v0  }
0x412: {  	v0 =	vld [tilespmem:s5+$0x6250]  }
0x413: {  	v1 =	vld [tilespmem:s5+$0x62D0];
	_ =	sdelay $0x4  }
0x414: {  	v0 =	vpack.i.f32.bf16 v1, v0  }
0x415: {  	[tilespmem:s7+$0xFFFFFFE0] =	vst v0  }
0x416: {  	v0 =	vld [tilespmem:s5+$0x6260]  }
0x417: {  	v1 =	vld [tilespmem:s5+$0x62E0]  }
.Ltmp14:
0x418: {  	(pc) =	sbr.rel @p0 .LBB2_30-.Ltmp14, $2  }
0x419: {  	_ =	sdelay $0x2  }
0x41a: {  	v0 =	vpack.i.f32.bf16 v1, v0  }
0x41b: {  	[tilespmem:s2+$0xFFFFFFF0] =	vst v0  }
0x41c: {  	v0 =	vld [tilespmem:s5+$0x6270]  }
0x41d: {  	v1 =	vld [tilespmem:s5+$0x62F0];
	_ =	sdelay $0x4  }
0x41e: {  	v0 =	vpack.i.f32.bf16 v1, v0  }
0x41f: {  	s30 =	simm.s32 $0x0;
	[tilespmem:s2+$0x0] =	vst v0  }
0x420: {  	[hbm4b:s12+s30] =	stream.linear.scatter [tilespmem:s26], [sflag:$0x5], $0x4000, $0x38;
	[tilespmem:$0x1A200] =	vst v63  }
0x421: {  	_ =	swait.ge [sflag:s29], $0x4000  }
0x422: {  	[sflag:s29] =	ssyncset.done $0x0  }
0x423: {  	[sflag:s29] =	ssyncadd.s32 $0xFFFFC000  }
0x424: {  	_ =	swait.ge [sflag:s21], $0x4000  }
0x425: {  	[sflag:s21] =	ssyncset.done $0x0  }
0x426: {  	s5 =	simm.s32 $0x0;
	[sflag:s21] =	ssyncadd.s32 $0xFFFFC000  }
0x427: {  	v0 =	vld [tilespmem:s5+$0xA200]  }
0x428: {  	v1 =	vld [tilespmem:s5+$0xA280];
	_ =	sdelay $0x4  }
0x429: {  	s2 =	simm.s32 $0x16200;
	v0 =	vpack.i.f32.bf16 v1, v0  }
0x42a: {  	[tilespmem:s2+$0x0] =	vst v0  }
0x42b: {  	v0 =	vld [tilespmem:s5+$0xA210]  }
0x42c: {  	v1 =	vld [tilespmem:s5+$0xA290];
	_ =	sdelay $0x4  }
0x42d: {  	v0 =	vpack.i.f32.bf16 v1, v0  }
0x42e: {  	[tilespmem:s2+$0x10] =	vst v0  }
0x42f: {  	v0 =	vld [tilespmem:s5+$0xA220]  }
0x430: {  	v1 =	vld [tilespmem:s5+$0xA2A0];
	_ =	sdelay $0x4  }
0x431: {  	v0 =	vpack.i.f32.bf16 v1, v0  }
0x432: {  	[tilespmem:s2+$0x20] =	vst v0  }
0x433: {  	v0 =	vld [tilespmem:s5+$0xA230]  }
0x434: {  	v1 =	vld [tilespmem:s5+$0xA2B0];
	_ =	sdelay $0x4  }
0x435: {  	v0 =	vpack.i.f32.bf16 v1, v0  }
0x436: {  	[tilespmem:s2+$0x30] =	vst v0  }
0x437: {  	v0 =	vld [tilespmem:s5+$0xA240]  }
0x438: {  	v1 =	vld [tilespmem:s5+$0xA2C0];
	_ =	sdelay $0x4  }
0x439: {  	v0 =	vpack.i.f32.bf16 v1, v0  }
0x43a: {  	[tilespmem:s2+$0x40] =	vst v0  }
0x43b: {  	v0 =	vld [tilespmem:s5+$0xA250]  }
0x43c: {  	v1 =	vld [tilespmem:s5+$0xA2D0];
	_ =	sdelay $0x4  }
0x43d: {  	v0 =	vpack.i.f32.bf16 v1, v0  }
0x43e: {  	[tilespmem:s2+$0x50] =	vst v0  }
0x43f: {  	v0 =	vld [tilespmem:s5+$0xA260]  }
0x440: {  	v1 =	vld [tilespmem:s5+$0xA2E0];
	_ =	sdelay $0x4  }
0x441: {  	s6 =	simm.s32 $0x400;
	s7 =	simm.s32 $0x16200;
	v0 =	vpack.i.f32.bf16 v1, v0  }
.LBB2_32:
0x442: {  	p0 =	sne.s32 s6, $0xFC00  }
0x443: {  	[tilespmem:s2+$0x60] =	vst v0;
	s7 =	sadd.s32 $0x80, s7;
	s10 =	smov.u32 s6;
	s6 =	sadd.s32 $0x400, s6  }
0x444: {  	v0 =	vld [tilespmem:s5+$0xA270]  }
0x445: {  	v1 =	vld [tilespmem:s5+$0xA2F0];
	_ =	sdelay $0x4  }
0x446: {  	v0 =	vpack.i.f32.bf16 v1, v0  }
0x447: {  	s5 =	sshra.s32 s10, $0x2;
	[tilespmem:s2+$0x70] =	vst v0;
	s2 =	smov.u32 s7  }
0x448: {  	v0 =	vld [tilespmem:s5+$0xA200]  }
0x449: {  	v1 =	vld [tilespmem:s5+$0xA280];
	_ =	sdelay $0x4  }
0x44a: {  	v0 =	vpack.i.f32.bf16 v1, v0  }
0x44b: {  	[tilespmem:s7+$0x0] =	vst v0  }
0x44c: {  	v0 =	vld [tilespmem:s5+$0xA210]  }
0x44d: {  	v1 =	vld [tilespmem:s5+$0xA290];
	_ =	sdelay $0x4  }
0x44e: {  	v0 =	vpack.i.f32.bf16 v1, v0  }
0x44f: {  	[tilespmem:s7+$0x10] =	vst v0  }
0x450: {  	v0 =	vld [tilespmem:s5+$0xA220]  }
0x451: {  	v1 =	vld [tilespmem:s5+$0xA2A0];
	_ =	sdelay $0x4  }
0x452: {  	v0 =	vpack.i.f32.bf16 v1, v0  }
0x453: {  	[tilespmem:s7+$0x20] =	vst v0  }
0x454: {  	v0 =	vld [tilespmem:s5+$0xA230]  }
0x455: {  	v1 =	vld [tilespmem:s5+$0xA2B0];
	_ =	sdelay $0x4  }
0x456: {  	v0 =	vpack.i.f32.bf16 v1, v0  }
0x457: {  	[tilespmem:s7+$0x30] =	vst v0  }
0x458: {  	v0 =	vld [tilespmem:s5+$0xA240]  }
0x459: {  	v1 =	vld [tilespmem:s5+$0xA2C0];
	_ =	sdelay $0x4  }
0x45a: {  	v0 =	vpack.i.f32.bf16 v1, v0  }
0x45b: {  	[tilespmem:s7+$0x40] =	vst v0  }
0x45c: {  	v0 =	vld [tilespmem:s5+$0xA250]  }
0x45d: {  	v1 =	vld [tilespmem:s5+$0xA2D0];
	_ =	sdelay $0x4  }
0x45e: {  	v0 =	vpack.i.f32.bf16 v1, v0  }
0x45f: {  	[tilespmem:s7+$0x50] =	vst v0  }
0x460: {  	v0 =	vld [tilespmem:s5+$0xA260]  }
0x461: {  	v1 =	vld [tilespmem:s5+$0xA2E0]  }
.Ltmp15:
0x462: {  	(pc) =	sbr.rel @p0 .LBB2_32-.Ltmp15, $2  }
0x463: {  	_ =	sdelay $0x2  }
0x464: {  	v0 =	vpack.i.f32.bf16 v1, v0  }
0x465: {  	[tilespmem:s2+$0x60] =	vst v0  }
0x466: {  	v0 =	vld [tilespmem:s5+$0xA270]  }
0x467: {  	v1 =	vld [tilespmem:s5+$0xA2F0];
	_ =	sdelay $0x4  }
0x468: {  	v0 =	vpack.i.f32.bf16 v1, v0  }
0x469: {  	[tilespmem:s2+$0x70] =	vst v0  }
0x46a: {  	_ =	swait.ge [sflag:s31], $0x2000  }
0x46b: {  	[sflag:s31] =	ssyncset.done $0x0  }
0x46c: {  	s5 =	simm.s32 $0x0;
	[sflag:s31] =	ssyncadd.s32 $0xFFFFE000  }
0x46d: {  	v0 =	vld [tilespmem:s5+$0xE200]  }
0x46e: {  	v1 =	vld [tilespmem:s5+$0xE280];
	_ =	sdelay $0x4  }
0x46f: {  	s2 =	simm.s32 $0x18200;
	v0 =	vpack.i.f32.bf16 v1, v0  }
0x470: {  	[tilespmem:s2+$0x0] =	vst v0  }
0x471: {  	v0 =	vld [tilespmem:s5+$0xE210]  }
0x472: {  	v1 =	vld [tilespmem:s5+$0xE290];
	_ =	sdelay $0x4  }
0x473: {  	v0 =	vpack.i.f32.bf16 v1, v0  }
0x474: {  	[tilespmem:s2+$0x10] =	vst v0  }
0x475: {  	v0 =	vld [tilespmem:s5+$0xE220]  }
0x476: {  	v1 =	vld [tilespmem:s5+$0xE2A0];
	_ =	sdelay $0x4  }
0x477: {  	v0 =	vpack.i.f32.bf16 v1, v0  }
0x478: {  	[tilespmem:s2+$0x20] =	vst v0  }
0x479: {  	v0 =	vld [tilespmem:s5+$0xE230]  }
0x47a: {  	v1 =	vld [tilespmem:s5+$0xE2B0];
	_ =	sdelay $0x4  }
0x47b: {  	v0 =	vpack.i.f32.bf16 v1, v0  }
0x47c: {  	[tilespmem:s2+$0x30] =	vst v0  }
0x47d: {  	v0 =	vld [tilespmem:s5+$0xE240]  }
0x47e: {  	v1 =	vld [tilespmem:s5+$0xE2C0];
	_ =	sdelay $0x4  }
0x47f: {  	v0 =	vpack.i.f32.bf16 v1, v0  }
0x480: {  	[tilespmem:s2+$0x40] =	vst v0  }
0x481: {  	v0 =	vld [tilespmem:s5+$0xE250]  }
0x482: {  	v1 =	vld [tilespmem:s5+$0xE2D0];
	_ =	sdelay $0x4  }
0x483: {  	v0 =	vpack.i.f32.bf16 v1, v0  }
0x484: {  	[tilespmem:s2+$0x50] =	vst v0  }
0x485: {  	v0 =	vld [tilespmem:s5+$0xE260]  }
0x486: {  	v1 =	vld [tilespmem:s5+$0xE2E0];
	_ =	sdelay $0x4  }
0x487: {  	s6 =	simm.s32 $0x400;
	s7 =	simm.s32 $0x18200;
	v0 =	vpack.i.f32.bf16 v1, v0  }
.LBB2_34:
0x488: {  	p0 =	sne.s32 s6, $0x7C00  }
0x489: {  	[tilespmem:s2+$0x60] =	vst v0;
	s7 =	sadd.s32 $0x80, s7;
	s10 =	smov.u32 s6;
	s6 =	sadd.s32 $0x400, s6  }
0x48a: {  	v0 =	vld [tilespmem:s5+$0xE270]  }
0x48b: {  	v1 =	vld [tilespmem:s5+$0xE2F0];
	_ =	sdelay $0x4  }
0x48c: {  	v0 =	vpack.i.f32.bf16 v1, v0  }
0x48d: {  	s5 =	sshra.s32 s10, $0x2;
	[tilespmem:s2+$0x70] =	vst v0;
	s2 =	smov.u32 s7  }
0x48e: {  	v0 =	vld [tilespmem:s5+$0xE200]  }
0x48f: {  	v1 =	vld [tilespmem:s5+$0xE280];
	_ =	sdelay $0x4  }
0x490: {  	v0 =	vpack.i.f32.bf16 v1, v0  }
0x491: {  	[tilespmem:s7+$0x0] =	vst v0  }
0x492: {  	v0 =	vld [tilespmem:s5+$0xE210]  }
0x493: {  	v1 =	vld [tilespmem:s5+$0xE290];
	_ =	sdelay $0x4  }
0x494: {  	v0 =	vpack.i.f32.bf16 v1, v0  }
0x495: {  	[tilespmem:s7+$0x10] =	vst v0  }
0x496: {  	v0 =	vld [tilespmem:s5+$0xE220]  }
0x497: {  	v1 =	vld [tilespmem:s5+$0xE2A0];
	_ =	sdelay $0x4  }
0x498: {  	v0 =	vpack.i.f32.bf16 v1, v0  }
0x499: {  	[tilespmem:s7+$0x20] =	vst v0  }
0x49a: {  	v0 =	vld [tilespmem:s5+$0xE230]  }
0x49b: {  	v1 =	vld [tilespmem:s5+$0xE2B0];
	_ =	sdelay $0x4  }
0x49c: {  	v0 =	vpack.i.f32.bf16 v1, v0  }
0x49d: {  	[tilespmem:s7+$0x30] =	vst v0  }
0x49e: {  	v0 =	vld [tilespmem:s5+$0xE240]  }
0x49f: {  	v1 =	vld [tilespmem:s5+$0xE2C0];
	_ =	sdelay $0x4  }
0x4a0: {  	v0 =	vpack.i.f32.bf16 v1, v0  }
0x4a1: {  	[tilespmem:s7+$0x40] =	vst v0  }
0x4a2: {  	v0 =	vld [tilespmem:s5+$0xE250]  }
0x4a3: {  	v1 =	vld [tilespmem:s5+$0xE2D0];
	_ =	sdelay $0x4  }
0x4a4: {  	v0 =	vpack.i.f32.bf16 v1, v0  }
0x4a5: {  	[tilespmem:s7+$0x50] =	vst v0  }
0x4a6: {  	v0 =	vld [tilespmem:s5+$0xE260]  }
0x4a7: {  	v1 =	vld [tilespmem:s5+$0xE2E0]  }
.Ltmp16:
0x4a8: {  	(pc) =	sbr.rel @p0 .LBB2_34-.Ltmp16, $2  }
0x4a9: {  	_ =	sdelay $0x2  }
0x4aa: {  	v0 =	vpack.i.f32.bf16 v1, v0  }
0x4ab: {  	[tilespmem:s2+$0x60] =	vst v0  }
0x4ac: {  	v0 =	vld [tilespmem:s5+$0xE270]  }
0x4ad: {  	v1 =	vld [tilespmem:s5+$0xE2F0];
	_ =	sdelay $0x4  }
0x4ae: {  	v0 =	vpack.i.f32.bf16 v1, v0  }
0x4af: {  	s28 =	sadd.s32 $0x1, s28;
	[tilespmem:s2+$0x70] =	vst v0  }
0x4b0: {  	[hbm4b:s13+s3] =	stream.linear.scatter [tilespmem:s0], [sflag:$0x6], $0x3000, $0x38;
	[tilespmem:$0x1A200] =	vst v63  }
0x4b1: {  	p0 =	sne.s32 s28, s14;
	_ =	swait.ge [sflag:s19], $0x4000  }
.Ltmp17:
0x4b2: {  	[sflag:s19] =	ssyncset.done $0x0;
	(pc) =	sbr.rel @p0 .LBB2_1-.Ltmp17, $4  }
0x4b3: {  	[sflag:s19] =	ssyncadd.s32 $0xFFFFC000  }
0x4b4: {  	_ =	swait.ge [sflag:s21], $0x3000  }
0x4b5: {  	[sflag:s21] =	ssyncset.done $0x0  }
0x4b6: {  	[sflag:s21] =	ssyncadd.s32 $0xFFFFD000  }
0x4b7: {  	_ =	sfence.sel $0x180000  }
0x4b8: {  	[bflag:$0x0] =	sbarrier.arrive $0xFFFF  }
0x4b9: {  	_ =	strace $0x90000047  }
0x4ba: {  	s0 =	stileid.u32;
	[bflag:$0x2] =	sbarrier.arrive $0xFFFF  }
0x4bb: {  	p0 =	sne.s32 s0, $0x0;
	s0 =	rddreg [dreg:$0x3]  }
0x4bc: {  	s0 =	sadd.s32 @!p0 $0x100000, s0  }
0x4bd: {  	[sflag:s0] =	ssyncadd.tile.s32 @!p0 $0x1;
	_ =	shalt  }
.Lfunc_end2:
_tile_overlayer_lowered:
.L_overlay_start_2:
0x4be: {  	(tag) =	ssettag $0x2  }
0x4bf: {  	s0 =	rddreg [dreg:$0x0];
	s2 =	stileid.u32  }
0x4c0: {  	s1 =	rddreg [dreg:$0x1];
	p0 =	sne.s32 s2, $0x0  }
0x4c1: {  	s3 =	rddreg [dreg:$0x2];
	[bflag:$0x3] =	sbarrier.arrive $0xFFFF;
	s2 =	simm.s32 @!p0 $0x1C08  }
0x4c2: {  	[timem:s3], [sflag:s2] =	dma.local @!p0 [hbm:s0], s1  }
0x4c3: {  	s0 =	simm.s32 @!p0 $0x8  }
0x4c4: {  	_ =	swait.ge @!p0 [sflag:s0], s1  }
0x4c5: {  	s1 =	ssub.s32 @!p0 $0x0, s1;
	[sflag:s0] =	ssyncset.done @!p0 $0x0  }
0x4c6: {  	[sflag:s0] =	ssyncadd.s32 @!p0 s1  }
0x4c7: {  	[bflag:$0x3] =	sbarrier.arrive $0xFFFF  }
0x4c8: {  	_ =	shalt  }

</sc_bundles>
